<compile_context>
chip_gen: v7x
topology: tpu7x:2x2x1
jax: 0.10.2.dev20260603
libtpu: 0.0.44.dev20260713+nightly
codegen_flags: <defaults>
</compile_context>

<pallas_src>
import functools

import jax
import jax.numpy as jnp
from jax import lax
from jax.experimental import pallas as pl
from jax.experimental.pallas import tpu as pltpu
from jax.experimental.pallas import tpu_sc as plsc

H = 128
NMOL = 1024
APM = 48
NA = 1 + NMOL * APM
NBND = 1 + NMOL * APM * 4
MAXNB = 6

NC, NS = 2, 16
NW = NC * NS

_GC = 128

A_PAD = 49664
B_PAD = 197120

_DG = (((1,), (1,)), ((), ()))


def _dot(x, w):
    return lax.dot_general(x, w, _DG, preferred_element_type=jnp.float32)


def _sigmoid(v):
    return 0.5 + 0.5 * jnp.tanh(0.5 * v)


def _sc_gather(table, idx):
    b = idx.shape[0]
    nch = b // _GC
    assert nch % 2 == 0
    n_iter = -(-(nch // 2) // NW)
    mesh = plsc.VectorSubcoreMesh(core_axis_name="c", subcore_axis_name="s")

    def body(tbl, idxh, outh, idxv, rowsv, s0, s1):
        w = lax.axis_index("s") * NC + lax.axis_index("c")

        def step(i, c):
            ch0 = 2 * (w + i * NW)

            @pl.when(ch0 < nch)
            def _():
                off0 = ch0 * _GC
                off1 = off0 + _GC
                pltpu.sync_copy(idxh.at[pl.ds(off0, _GC)], idxv.at[0])
                d0 = pltpu.async_copy(tbl.at[idxv.at[0]], rowsv.at[0], s0)
                pltpu.sync_copy(idxh.at[pl.ds(off1, _GC)], idxv.at[1])
                d1 = pltpu.async_copy(tbl.at[idxv.at[1]], rowsv.at[1], s1)
                d0.wait()
                pltpu.sync_copy(rowsv.at[0], outh.at[pl.ds(off0, _GC)])
                d1.wait()
                pltpu.sync_copy(rowsv.at[1], outh.at[pl.ds(off1, _GC)])

            return c

        lax.fori_loop(0, n_iter, step, 0)

    run = pl.kernel(
        body,
        out_type=jax.ShapeDtypeStruct((b, H), jnp.float32),
        mesh=mesh,
        scratch_types=[
            pltpu.VMEM((2, _GC), jnp.int32),
            pltpu.VMEM((2, _GC, H), jnp.float32),
            pltpu.SemaphoreType.DMA,
            pltpu.SemaphoreType.DMA,
        ],
    )
    return run(table, idx)


def _mm_relu(x, w, blk=512):
    m, _ = x.shape
    n = w.shape[0]

    def kern(x_ref, w_ref, o_ref):
        o_ref[...] = jnp.maximum(_dot(x_ref[...], w_ref[...]), 0.0)

    return pl.pallas_call(
        kern,
        grid=(pl.cdiv(m, blk),),
        in_specs=[
            pl.BlockSpec((blk, x.shape[1]), lambda i: (i, 0)),
            pl.BlockSpec((n, w.shape[1]), lambda i: (0, 0)),
        ],
        out_specs=pl.BlockSpec((blk, n), lambda i: (i, 0)),
        out_shape=jax.ShapeDtypeStruct((m, n), jnp.float32),
    )(x, w)


def _agg_update(nei, m_atom, blk=512):

    def kern(n_ref, m_ref, o_ref):
        n = n_ref[...]
        s = ((((n[0] + n[1]) + n[2]) + n[3]) + n[4]) + n[5]
        o_ref[...] = m_ref[...] + s * jnp.max(n, axis=0)

    return pl.pallas_call(
        kern,
        grid=(pl.cdiv(NA, blk),),
        in_specs=[
            pl.BlockSpec((MAXNB, blk, H), lambda i: (0, i, 0)),
            pl.BlockSpec((blk, H), lambda i: (i, 0)),
        ],
        out_specs=pl.BlockSpec((blk, H), lambda i: (i, 0)),
        out_shape=jax.ShapeDtypeStruct((NA, H), jnp.float32),
    )(nei, m_atom)


def _agg_only(nei, blk=512):

    def kern(n_ref, o_ref):
        n = n_ref[...]
        s = ((((n[0] + n[1]) + n[2]) + n[3]) + n[4]) + n[5]
        o_ref[...] = s * jnp.max(n, axis=0)

    return pl.pallas_call(
        kern,
        grid=(pl.cdiv(NA, blk),),
        in_specs=[pl.BlockSpec((MAXNB, blk, H), lambda i: (0, i, 0))],
        out_specs=pl.BlockSpec((blk, H), lambda i: (i, 0)),
        out_shape=jax.ShapeDtypeStruct((NA, H), jnp.float32),
    )(nei)


def _bond_update(a, r, ib, w_h, blk=512):

    def kern(a_ref, r_ref, ib_ref, w_ref, o_ref):
        x = a_ref[...] - r_ref[...]
        o_ref[...] = jnp.maximum(ib_ref[...] + _dot(x, w_ref[...]), 0.0)

    return pl.pallas_call(
        kern,
        grid=(pl.cdiv(NBND, blk),),
        in_specs=[
            pl.BlockSpec((blk, H), lambda i: (i, 0)),
            pl.BlockSpec((blk, H), lambda i: (i, 0)),
            pl.BlockSpec((blk, H), lambda i: (i, 0)),
            pl.BlockSpec((H, H), lambda i: (0, 0)),
        ],
        out_specs=pl.BlockSpec((blk, H), lambda i: (i, 0)),
        out_shape=jax.ShapeDtypeStruct((NBND, H), jnp.float32),
    )(a, r, ib, w_h)


def _node(agg, m_atom, ia, lr_w, gru_bias, mb=16):
    rows = mb * APM

    def kern(g_ref, m_ref, i_ref, w_ref, b_ref, msgt_ref, h0_ref):
        w = w_ref[...]
        node = (
            _dot(g_ref[...], w[:, 0:H])
            + _dot(m_ref[...], w[:, H : 2 * H])
            + _dot(i_ref[...], w[:, 2 * H : 3 * H])
        )
        node3 = node.reshape(mb, APM, H)
        h0_ref[...] = jnp.max(node3, axis=1)
        msg = jnp.maximum(node3 + b_ref[...].reshape(1, 1, H), 0.0)
        msgt_ref[...] = jnp.swapaxes(msg, 0, 1)

    return pl.pallas_call(
        kern,
        grid=(NMOL // mb,),
        in_specs=[
            pl.BlockSpec((rows, H), lambda i: (i, 0)),
            pl.BlockSpec((rows, H), lambda i: (i, 0)),
            pl.BlockSpec((rows, H), lambda i: (i, 0)),
            pl.BlockSpec((H, 3 * H), lambda i: (0, 0)),
            pl.BlockSpec((1, H), lambda i: (0, 0)),
        ],
        out_specs=[
            pl.BlockSpec((APM, mb, H), lambda i: (0, i, 0)),
            pl.BlockSpec((mb, H), lambda i: (i, 0)),
        ],
        out_shape=[
            jax.ShapeDtypeStruct((APM, NMOL, H), jnp.float32),
            jax.ShapeDtypeStruct((NMOL, H), jnp.float32),
        ],
    )(agg, m_atom, ia, lr_w, gru_bias)


def _gru(msg_t, h0, wif, whf, bif, bhf, wir, whr, bir, bhr):

    def step_dir(x, h, wi, wh, bi, bh):
        gi = _dot(x, wi) + bi
        gh = _dot(h, wh) + bh
        r = _sigmoid(gi[:, :H] + gh[:, :H])
        z = _sigmoid(gi[:, H : 2 * H] + gh[:, H : 2 * H])
        n = jnp.tanh(gi[:, 2 * H :] + r * gh[:, 2 * H :])
        return (1.0 - z) * n + z * h

    def kern(xf_ref, xr_ref, h0_ref, wif_r, whf_r, bif_r, bhf_r,
             wir_r, whr_r, bir_r, bhr_r, of_ref, or_ref, hf_s, hr_s):
        t = pl.program_id(0)

        @pl.when(t == 0)
        def _():
            hf_s[...] = h0_ref[...]
            hr_s[...] = h0_ref[...]

        hf = step_dir(xf_ref[0], hf_s[...], wif_r[...], whf_r[...],
                      bif_r[...], bhf_r[...])
        hf_s[...] = hf
        of_ref[0] = hf
        hr = step_dir(xr_ref[0], hr_s[...], wir_r[...], whr_r[...],
                      bir_r[...], bhr_r[...])
        hr_s[...] = hr
        or_ref[0] = hr

    wspec = pl.BlockSpec((3 * H, H), lambda t: (0, 0))
    bspec = pl.BlockSpec((1, 3 * H), lambda t: (0, 0))
    return pl.pallas_call(
        kern,
        grid=(APM,),
        in_specs=[
            pl.BlockSpec((1, NMOL, H), lambda t: (t, 0, 0)),
            pl.BlockSpec((1, NMOL, H), lambda t: (APM - 1 - t, 0, 0)),
            pl.BlockSpec((NMOL, H), lambda t: (0, 0)),
            wspec, wspec, bspec, bspec, wspec, wspec, bspec, bspec,
        ],
        out_specs=[
            pl.BlockSpec((1, NMOL, H), lambda t: (t, 0, 0)),
            pl.BlockSpec((1, NMOL, H), lambda t: (APM - 1 - t, 0, 0)),
        ],
        out_shape=[
            jax.ShapeDtypeStruct((APM, NMOL, H), jnp.float32),
            jax.ShapeDtypeStruct((APM, NMOL, H), jnp.float32),
        ],
        scratch_shapes=[
            pltpu.VMEM((NMOL, H), jnp.float32),
            pltpu.VMEM((NMOL, H), jnp.float32),
        ],
    )(msg_t, msg_t, h0, wif, whf, bif, bhf, wir, whr, bir, bhr)


def _out_proj(of, orr, w_o, b_o, mb=64):

    def kern(f_ref, r_ref, w_ref, b_ref, o_ref):
        w = w_ref[...]
        f = f_ref[...].reshape(APM * mb, H)
        r = r_ref[...].reshape(APM * mb, H)
        p = _dot(f, w[:, :H]) + _dot(r, w[:, H:]) + b_ref[...]
        p = jnp.maximum(p, 0.0).reshape(APM, mb, H)
        o_ref[...] = jnp.mean(p, axis=0)

    return pl.pallas_call(
        kern,
        grid=(NMOL // mb,),
        in_specs=[
            pl.BlockSpec((APM, mb, H), lambda i: (0, i, 0)),
            pl.BlockSpec((APM, mb, H), lambda i: (0, i, 0)),
            pl.BlockSpec((H, 2 * H), lambda i: (0, 0)),
            pl.BlockSpec((1, H), lambda i: (0, 0)),
        ],
        out_specs=pl.BlockSpec((mb, H), lambda i: (i, 0)),
        out_shape=jax.ShapeDtypeStruct((NMOL, H), jnp.float32),
    )(of, orr, w_o, b_o)


def kernel(f_atoms, f_bonds, a2b, b2a, b2revb, a_scope, W_i_atom, W_i_bond,
           W_h_0, W_h_1, lr_W, W_o_W, W_o_b, gru_bias, W_ih_f, W_hh_f,
           b_ih_f, b_hh_f, W_ih_r, W_hh_r, b_ih_r, b_hh_r):
    del a_scope

    idx_nbr = jnp.pad(
        jnp.asarray(a2b, jnp.int32), ((0, A_PAD - NA), (0, 0))
    ).T.reshape(-1)
    idx_b2a = jnp.pad(jnp.asarray(b2a, jnp.int32), (0, B_PAD - NBND))
    idx_rev = jnp.pad(jnp.asarray(b2revb, jnp.int32), (0, B_PAD - NBND))

    ia = _mm_relu(f_atoms, W_i_atom)
    ib = _mm_relu(f_bonds, W_i_bond)

    m_atom, m_bond = ia, ib
    for w_h in (W_h_0, W_h_1):
        nei = _sc_gather(m_bond, idx_nbr).reshape(MAXNB, A_PAD, H)
        m_atom = _agg_update(nei, m_atom)
        a = _sc_gather(m_atom, idx_b2a)
        r = _sc_gather(m_bond, idx_rev)
        m_bond = _bond_update(a, r, ib, w_h)

    nei = _sc_gather(m_bond, idx_nbr).reshape(MAXNB, A_PAD, H)
    agg = _agg_only(nei)

    b2 = lambda v: v.reshape(1, -1)
    msg_t, h0 = _node(agg[1:], m_atom[1:], ia[1:], lr_W, b2(gru_bias))
    of, orr = _gru(msg_t, h0, W_ih_f, W_hh_f, b2(b_ih_f), b2(b_hh_f),
                   W_ih_r, W_hh_r, b2(b_ih_r), b2(b_hh_r))
    return _out_proj(of, orr, W_o_W, b2(W_o_b))

# --- scband reference (transcript-rebuilt; emitter-appended) ---
"""Pipeline reference for scband-mpnencoder-7043746365472 (READ-ONLY COPY).

The authoritative reference and input builder live on the scoring server;
editing this copy changes nothing except your own understanding.
"""

import jax, jax.numpy as jnp
import numpy as np

ATOM_FDIM = 133
BOND_FDIM = 147
HIDDEN = 128
N_MOL = 1024
ATOMS_PER_MOL = 48
N_ATOMS = 1 + N_MOL * ATOMS_PER_MOL
BONDS_PER_ATOM = 4
N_BONDS = 1 + N_MOL * ATOMS_PER_MOL * BONDS_PER_ATOM
MAX_NB = 6


def setup_inputs(seed: int = 0) -> dict:
    key = jax.random.key(seed)
    ks = jax.random.split(key, 24)
    s = 0.1
    inp = {}
    inp["f_atoms"] = jax.random.normal(ks[0], (N_ATOMS, ATOM_FDIM), jnp.float32)
    inp["f_bonds"] = jax.random.normal(ks[1], (N_BONDS, BOND_FDIM), jnp.float32)
    inp["a2b"] = jax.random.randint(ks[2], (N_ATOMS, MAX_NB), 0, N_BONDS)
    inp["b2a"] = jax.random.randint(ks[3], (N_BONDS,), 0, N_ATOMS)
    inp["b2revb"] = jax.random.randint(ks[4], (N_BONDS,), 0, N_BONDS)
    starts = 1 + ATOMS_PER_MOL * jnp.arange(N_MOL)
    sizes = jnp.full((N_MOL,), ATOMS_PER_MOL)
    inp["a_scope"] = jnp.stack([starts, sizes], axis=1)
    inp["W_i_atom"] = jax.random.normal(ks[5], (HIDDEN, ATOM_FDIM), jnp.float32) * s
    inp["W_i_bond"] = jax.random.normal(ks[6], (HIDDEN, BOND_FDIM), jnp.float32) * s
    inp["W_h_0"] = jax.random.normal(ks[7], (HIDDEN, HIDDEN), jnp.float32) * s
    inp["W_h_1"] = jax.random.normal(ks[8], (HIDDEN, HIDDEN), jnp.float32) * s
    inp["lr_W"] = jax.random.normal(ks[9], (HIDDEN, 3 * HIDDEN), jnp.float32) * s
    inp["W_o_W"] = jax.random.normal(ks[10], (HIDDEN, 2 * HIDDEN), jnp.float32) * s
    inp["W_o_b"] = jax.random.normal(ks[11], (HIDDEN,), jnp.float32) * s
    inp["gru_bias"] = jax.random.normal(ks[12], (HIDDEN,), jnp.float32) * s
    inp["W_ih_f"] = jax.random.normal(ks[13], (3 * HIDDEN, HIDDEN), jnp.float32) * s
    inp["W_hh_f"] = jax.random.normal(ks[14], (3 * HIDDEN, HIDDEN), jnp.float32) * s
    inp["b_ih_f"] = jax.random.normal(ks[15], (3 * HIDDEN,), jnp.float32) * s
    inp["b_hh_f"] = jax.random.normal(ks[16], (3 * HIDDEN,), jnp.float32) * s
    inp["W_ih_r"] = jax.random.normal(ks[17], (3 * HIDDEN, HIDDEN), jnp.float32) * s
    inp["W_hh_r"] = jax.random.normal(ks[18], (3 * HIDDEN, HIDDEN), jnp.float32) * s
    inp["b_ih_r"] = jax.random.normal(ks[19], (3 * HIDDEN,), jnp.float32) * s
    inp["b_hh_r"] = jax.random.normal(ks[20], (3 * HIDDEN,), jnp.float32) * s
    return inp


def _gru_dir(seq, h0, W_ih, W_hh, b_ih, b_hh):
    def step(h, x):
        gi = x @ W_ih.T + b_ih
        gh = h @ W_hh.T + b_hh
        i_r, i_z, i_n = jnp.split(gi, 3, axis=-1)
        h_r, h_z, h_n = jnp.split(gh, 3, axis=-1)
        r = jax.nn.sigmoid(i_r + h_r)
        z = jax.nn.sigmoid(i_z + h_z)
        n = jnp.tanh(i_n + r * h_n)
        h_new = (1.0 - z) * n + z * h
        return h_new, h_new
    _, ys = jax.lax.scan(step, h0, jnp.swapaxes(seq, 0, 1))
    return jnp.swapaxes(ys, 0, 1)


def _forward(f_atoms, f_bonds, a2b, b2a, b2revb, W_i_atom, W_i_bond, W_h_0, W_h_1,
             lr_W, W_o_W, W_o_b, gru_bias, W_ih_f, W_hh_f, b_ih_f, b_hh_f,
             W_ih_r, W_hh_r, b_ih_r, b_hh_r):
    input_atom = jax.nn.relu(f_atoms @ W_i_atom.T)
    input_bond = jax.nn.relu(f_bonds @ W_i_bond.T)
    message_atom = input_atom
    message_bond = input_bond
    for W_h in (W_h_0, W_h_1):
        nei = message_bond[a2b]
        agg = nei.sum(axis=1) * nei.max(axis=1)
        message_atom = message_atom + agg
        rev = message_bond[b2revb]
        message_bond = message_atom[b2a] - rev
        message_bond = jax.nn.relu(input_bond + message_bond @ W_h.T)
    nei = message_bond[a2b]
    agg = nei.sum(axis=1) * nei.max(axis=1)
    agg = jnp.concatenate([agg, message_atom, input_atom], axis=1) @ lr_W.T
    node = agg
    msg = jax.nn.relu(node + gru_bias)
    seq = msg[1:].reshape(N_MOL, ATOMS_PER_MOL, HIDDEN)
    h0 = node[1:].reshape(N_MOL, ATOMS_PER_MOL, HIDDEN).max(axis=1)
    out_f = _gru_dir(seq, h0, W_ih_f, W_hh_f, b_ih_f, b_hh_f)
    out_r = _gru_dir(seq[:, ::-1, :], h0, W_ih_r, W_hh_r, b_ih_r, b_hh_r)[:, ::-1, :]
    gru_out = jnp.concatenate([out_f, out_r], axis=-1)
    cur_unpad = gru_out.reshape(N_MOL * ATOMS_PER_MOL, 2 * HIDDEN)
    first = jnp.concatenate([msg[0:1], msg[0:1]], axis=1)
    message = jnp.concatenate([first, cur_unpad], axis=0)
    atom_hiddens = jax.nn.relu(message @ W_o_W.T + W_o_b)
    mol_vecs = atom_hiddens[1:].reshape(N_MOL, ATOMS_PER_MOL, HIDDEN).mean(axis=1)
    return mol_vecs


def reference(f_atoms, f_bonds, a2b, b2a, b2revb, a_scope, W_i_atom, W_i_bond,
              W_h_0, W_h_1, lr_W, W_o_W, W_o_b, gru_bias, W_ih_f, W_hh_f,
              b_ih_f, b_hh_f, W_ih_r, W_hh_r, b_ih_r, b_hh_r):
    # a_scope encodes (start, size) per molecule; batch is uniform (48 atoms/mol,
    # pad row at index 0), which the reshapes above implement exactly.
    del a_scope
    return _forward(f_atoms, f_bonds, a2b, b2a, b2revb, W_i_atom, W_i_bond,
                    W_h_0, W_h_1, lr_W, W_o_W, W_o_b, gru_bias,
                    W_ih_f, W_hh_f, b_ih_f, b_hh_f, W_ih_r, W_hh_r, b_ih_r, b_hh_r)

if __name__ == "__main__":
    import jax
    _d = setup_inputs()
    print(jax.jit(kernel)(*tuple(_d.values())))

</pallas_src>

<mosaic_0001>
#map = affine_map<(d0, d1) -> (0, 0)>
#map1 = affine_map<(d0, d1) -> (0)>
module attributes {stable_mosaic.version = 14 : i64} {
  func.func @body(%arg0: i32, %arg1: i32, %arg2: memref<196609x128xf32, #tpu.memory_space<hbm>>, %arg3: memref<197120xi32, #tpu.memory_space<hbm>>, %arg4: memref<197120x128xf32, #tpu.memory_space<hbm>>, %arg5: memref<2x128xi32, #tpu.memory_space<vmem>>, %arg6: memref<2x128x128xf32, #tpu.memory_space<vmem>>, %arg7: memref<!tpu.dma_semaphore, #tpu.memory_space<semaphore_mem>>, %arg8: memref<!tpu.dma_semaphore, #tpu.memory_space<semaphore_mem>>) attributes {dimension_semantics = [#tpu.dimension_semantics<core_parallel>, #tpu.dimension_semantics<subcore_parallel>], iteration_bounds = array<i64: 2, 16>, scalar_prefetch = 0 : i64, scratch_operands = 4 : i64, tpu.core_type = #tpu.core_type<sc_vector_subcore>, window_params = [{transform_indices = #map}, {transform_indices = #map1}, {transform_indices = #map}]} {
    %mul3A = arith.constant 2 : i32
    %mul3A_0 = arith.muli %arg1, %mul3A : i32
    %add3A = arith.addi %mul3A_0, %arg0 : i32
    %scan3A = arith.constant 0 : i32
    %scan3A_1 = arith.constant 0 : i32
    %scan3A_2 = arith.constant 25 : i32
    %scan3A_3 = arith.addi %scan3A_1, %scan3A_2 : i32
    %scan3A_4 = arith.constant 1 : i32
    scf.for %scan3A_6 = %scan3A_1 to %scan3A_3 step %scan3A_4  : i32 {
      %mul3A_7 = arith.constant 32 : i32
      %mul3A_8 = arith.muli %scan3A_6, %mul3A_7 : i32
      %add3A_9 = arith.addi %add3A, %mul3A_8 : i32
      %mul3A_10 = arith.constant 2 : i32
      %mul3A_11 = arith.muli %mul3A_10, %add3A_9 : i32
      %lt3A = arith.constant 1540 : i32
      %lt3A_12 = arith.cmpi slt, %mul3A_11, %lt3A : i32
      %convert_element_type3A = arith.extui %lt3A_12 : i1 to i32
      %cond3A = arith.constant 0 : i32
      %cond3A_13 = arith.cmpi ne, %convert_element_type3A, %cond3A : i32
      scf.if %cond3A_13 {
        %mul3A_14 = arith.constant 128 : i32
        %mul3A_15 = arith.muli %mul3A_11, %mul3A_14 : i32
        %add3A_16 = arith.constant 128 : i32
        %add3A_17 = arith.addi %mul3A_15, %add3A_16 : i32
        %run_scoped3A = arith.constant 0 : i32
        "tpu.region"() ({
          %run_scoped3A_67 = tpu.sem_alloc : memref<!tpu.dma_semaphore, #tpu.memory_space<semaphore_mem>>
          %dma_start3A_68 = arith.constant 0 : i32
          %dma_start3A_69 = tpu.memref_slice %arg5[%run_scoped3A, %dma_start3A_68] : memref<2x128xi32, #tpu.memory_space<vmem>> -> memref<1x128xi32, #tpu.memory_space<vmem>>
          %dma_start3A_70 = tpu.memref_squeeze %dma_start3A_69 : memref<1x128xi32, #tpu.memory_space<vmem>> -> memref<128xi32, #tpu.memory_space<vmem>>
          %dma_start3A_71 = tpu.memref_slice %arg3[%mul3A_15] : memref<197120xi32, #tpu.memory_space<hbm>> -> memref<128xi32, #tpu.memory_space<hbm>>
          %dma_start3A_72 = arith.constant 0 : i32
          %dma_start3A_73 = tpu.memref_slice %arg5[%run_scoped3A, %dma_start3A_72] : memref<2x128xi32, #tpu.memory_space<vmem>> -> memref<1x128xi32, #tpu.memory_space<vmem>>
          %dma_start3A_74 = tpu.memref_squeeze %dma_start3A_73 : memref<1x128xi32, #tpu.memory_space<vmem>> -> memref<128xi32, #tpu.memory_space<vmem>>
          %dma_start3A_75 = tpu.memref_slice %arg3[%mul3A_15] : memref<197120xi32, #tpu.memory_space<hbm>> -> memref<128xi32, #tpu.memory_space<hbm>>
          tpu.enqueue_dma source(%dma_start3A_75 : memref<128xi32, #tpu.memory_space<hbm>>) target(%dma_start3A_74 : memref<128xi32, #tpu.memory_space<vmem>>) target_semaphore(%run_scoped3A_67 : memref<!tpu.dma_semaphore, #tpu.memory_space<semaphore_mem>>)
          %dma_wait3A_76 = arith.constant 0 : i32
          %dma_wait3A_77 = tpu.memref_slice %arg5[%run_scoped3A, %dma_wait3A_76] : memref<2x128xi32, #tpu.memory_space<vmem>> -> memref<1x128xi32, #tpu.memory_space<vmem>>
          %dma_wait3A_78 = tpu.memref_squeeze %dma_wait3A_77 : memref<1x128xi32, #tpu.memory_space<vmem>> -> memref<128xi32, #tpu.memory_space<vmem>>
          %dma_wait3A_79 = tpu.memref_slice %arg3[%mul3A_15] : memref<197120xi32, #tpu.memory_space<hbm>> -> memref<128xi32, #tpu.memory_space<hbm>>
          %dma_wait3A_80 = arith.constant 0 : i32
          %dma_wait3A_81 = tpu.memref_slice %arg5[%run_scoped3A, %dma_wait3A_80] : memref<2x128xi32, #tpu.memory_space<vmem>> -> memref<1x128xi32, #tpu.memory_space<vmem>>
          %dma_wait3A_82 = tpu.memref_squeeze %dma_wait3A_81 : memref<1x128xi32, #tpu.memory_space<vmem>> -> memref<128xi32, #tpu.memory_space<vmem>>
          %dma_wait3A_83 = tpu.memref_slice %arg3[%mul3A_15] : memref<197120xi32, #tpu.memory_space<hbm>> -> memref<128xi32, #tpu.memory_space<hbm>>
          tpu.wait_dma2 semaphore(%run_scoped3A_67 : memref<!tpu.dma_semaphore, #tpu.memory_space<semaphore_mem>>) src(%dma_wait3A_83 : memref<128xi32, #tpu.memory_space<hbm>>) dst(%dma_wait3A_82 : memref<128xi32, #tpu.memory_space<vmem>>)
          tpu.yield
        }) : () -> ()
        %dma_start3A = arith.constant 0 : i32
        %dma_start3A_18 = arith.constant 0 : i32
        %dma_start3A_19 = arith.constant 0 : i32
        %dma_start3A_20 = arith.constant 0 : i32
        %dma_start3A_21 = tpu.memref_slice %arg6[%dma_start3A_18, %dma_start3A_19, %dma_start3A_20] : memref<2x128x128xf32, #tpu.memory_space<vmem>> -> memref<1x128x128xf32, #tpu.memory_space<vmem>>
        %dma_start3A_22 = tpu.memref_squeeze %dma_start3A_21 : memref<1x128x128xf32, #tpu.memory_space<vmem>> -> memref<128x128xf32, #tpu.memory_space<vmem>>
        %dma_start3A_23 = arith.constant 0 : i32
        %dma_start3A_24 = tpu.memref_slice %arg5[%dma_start3A, %dma_start3A_23] : memref<2x128xi32, #tpu.memory_space<vmem>> -> memref<1x128xi32, #tpu.memory_space<vmem>>
        %dma_start3A_25 = tpu.memref_squeeze %dma_start3A_24 : memref<1x128xi32, #tpu.memory_space<vmem>> -> memref<128xi32, #tpu.memory_space<vmem>>
        %dma_start3A_26 = arith.constant 0 : i32
        %dma_start3A_27 = arith.constant 0 : i32
        %dma_start3A_28 = tpu.memref_slice %arg2[%dma_start3A_26, %dma_start3A_27] : memref<196609x128xf32, #tpu.memory_space<hbm>> -> memref<196609x128xf32, #tpu.memory_space<hbm>>
        tpu.enqueue_indirect_dma source(%dma_start3A_28 : memref<196609x128xf32, #tpu.memory_space<hbm>>) target(%dma_start3A_22 : memref<128x128xf32, #tpu.memory_space<vmem>>) offsets(%dma_start3A_25 : memref<128xi32, #tpu.memory_space<vmem>>) semaphore(%arg7 : memref<!tpu.dma_semaphore, #tpu.memory_space<semaphore_mem>>)
        %run_scoped3A_29 = arith.constant 1 : i32
        "tpu.region"() ({
          %run_scoped3A_67 = tpu.sem_alloc : memref<!tpu.dma_semaphore, #tpu.memory_space<semaphore_mem>>
          %dma_start3A_68 = arith.constant 0 : i32
          %dma_start3A_69 = tpu.memref_slice %arg5[%run_scoped3A_29, %dma_start3A_68] : memref<2x128xi32, #tpu.memory_space<vmem>> -> memref<1x128xi32, #tpu.memory_space<vmem>>
          %dma_start3A_70 = tpu.memref_squeeze %dma_start3A_69 : memref<1x128xi32, #tpu.memory_space<vmem>> -> memref<128xi32, #tpu.memory_space<vmem>>
          %dma_start3A_71 = tpu.memref_slice %arg3[%add3A_17] : memref<197120xi32, #tpu.memory_space<hbm>> -> memref<128xi32, #tpu.memory_space<hbm>>
          %dma_start3A_72 = arith.constant 0 : i32
          %dma_start3A_73 = tpu.memref_slice %arg5[%run_scoped3A_29, %dma_start3A_72] : memref<2x128xi32, #tpu.memory_space<vmem>> -> memref<1x128xi32, #tpu.memory_space<vmem>>
          %dma_start3A_74 = tpu.memref_squeeze %dma_start3A_73 : memref<1x128xi32, #tpu.memory_space<vmem>> -> memref<128xi32, #tpu.memory_space<vmem>>
          %dma_start3A_75 = tpu.memref_slice %arg3[%add3A_17] : memref<197120xi32, #tpu.memory_space<hbm>> -> memref<128xi32, #tpu.memory_space<hbm>>
          tpu.enqueue_dma source(%dma_start3A_75 : memref<128xi32, #tpu.memory_space<hbm>>) target(%dma_start3A_74 : memref<128xi32, #tpu.memory_space<vmem>>) target_semaphore(%run_scoped3A_67 : memref<!tpu.dma_semaphore, #tpu.memory_space<semaphore_mem>>)
          %dma_wait3A_76 = arith.constant 0 : i32
          %dma_wait3A_77 = tpu.memref_slice %arg5[%run_scoped3A_29, %dma_wait3A_76] : memref<2x128xi32, #tpu.memory_space<vmem>> -> memref<1x128xi32, #tpu.memory_space<vmem>>
          %dma_wait3A_78 = tpu.memref_squeeze %dma_wait3A_77 : memref<1x128xi32, #tpu.memory_space<vmem>> -> memref<128xi32, #tpu.memory_space<vmem>>
          %dma_wait3A_79 = tpu.memref_slice %arg3[%add3A_17] : memref<197120xi32, #tpu.memory_space<hbm>> -> memref<128xi32, #tpu.memory_space<hbm>>
          %dma_wait3A_80 = arith.constant 0 : i32
          %dma_wait3A_81 = tpu.memref_slice %arg5[%run_scoped3A_29, %dma_wait3A_80] : memref<2x128xi32, #tpu.memory_space<vmem>> -> memref<1x128xi32, #tpu.memory_space<vmem>>
          %dma_wait3A_82 = tpu.memref_squeeze %dma_wait3A_81 : memref<1x128xi32, #tpu.memory_space<vmem>> -> memref<128xi32, #tpu.memory_space<vmem>>
          %dma_wait3A_83 = tpu.memref_slice %arg3[%add3A_17] : memref<197120xi32, #tpu.memory_space<hbm>> -> memref<128xi32, #tpu.memory_space<hbm>>
          tpu.wait_dma2 semaphore(%run_scoped3A_67 : memref<!tpu.dma_semaphore, #tpu.memory_space<semaphore_mem>>) src(%dma_wait3A_83 : memref<128xi32, #tpu.memory_space<hbm>>) dst(%dma_wait3A_82 : memref<128xi32, #tpu.memory_space<vmem>>)
          tpu.yield
        }) : () -> ()
        %dma_start3A_30 = arith.constant 1 : i32
        %dma_start3A_31 = arith.constant 1 : i32
        %dma_start3A_32 = arith.constant 0 : i32
        %dma_start3A_33 = arith.constant 0 : i32
        %dma_start3A_34 = tpu.memref_slice %arg6[%dma_start3A_31, %dma_start3A_32, %dma_start3A_33] : memref<2x128x128xf32, #tpu.memory_space<vmem>> -> memref<1x128x128xf32, #tpu.memory_space<vmem>>
        %dma_start3A_35 = tpu.memref_squeeze %dma_start3A_34 : memref<1x128x128xf32, #tpu.memory_space<vmem>> -> memref<128x128xf32, #tpu.memory_space<vmem>>
        %dma_start3A_36 = arith.constant 0 : i32
        %dma_start3A_37 = tpu.memref_slice %arg5[%dma_start3A_30, %dma_start3A_36] : memref<2x128xi32, #tpu.memory_space<vmem>> -> memref<1x128xi32, #tpu.memory_space<vmem>>
        %dma_start3A_38 = tpu.memref_squeeze %dma_start3A_37 : memref<1x128xi32, #tpu.memory_space<vmem>> -> memref<128xi32, #tpu.memory_space<vmem>>
        %dma_start3A_39 = arith.constant 0 : i32
        %dma_start3A_40 = arith.constant 0 : i32
        %dma_start3A_41 = tpu.memref_slice %arg2[%dma_start3A_39, %dma_start3A_40] : memref<196609x128xf32, #tpu.memory_space<hbm>> -> memref<196609x128xf32, #tpu.memory_space<hbm>>
        tpu.enqueue_indirect_dma source(%dma_start3A_41 : memref<196609x128xf32, #tpu.memory_space<hbm>>) target(%dma_start3A_35 : memref<128x128xf32, #tpu.memory_space<vmem>>) offsets(%dma_start3A_38 : memref<128xi32, #tpu.memory_space<vmem>>) semaphore(%arg8 : memref<!tpu.dma_semaphore, #tpu.memory_space<semaphore_mem>>)
        %dma_wait3A = arith.constant 0 : i32
        %dma_wait3A_42 = arith.constant 0 : i32
        %dma_wait3A_43 = arith.constant 0 : i32
        %dma_wait3A_44 = arith.constant 0 : i32
        %dma_wait3A_45 = tpu.memref_slice %arg6[%dma_wait3A_42, %dma_wait3A_43, %dma_wait3A_44] : memref<2x128x128xf32, #tpu.memory_space<vmem>> -> memref<1x128x128xf32, #tpu.memory_space<vmem>>
        %dma_wait3A_46 = tpu.memref_squeeze %dma_wait3A_45 : memref<1x128x128xf32, #tpu.memory_space<vmem>> -> memref<128x128xf32, #tpu.memory_space<vmem>>
        %dma_wait3A_47 = arith.constant 0 : i32
        %dma_wait3A_48 = tpu.memref_slice %arg5[%dma_wait3A, %dma_wait3A_47] : memref<2x128xi32, #tpu.memory_space<vmem>> -> memref<1x128xi32, #tpu.memory_space<vmem>>
        %dma_wait3A_49 = tpu.memref_squeeze %dma_wait3A_48 : memref<1x128xi32, #tpu.memory_space<vmem>> -> memref<128xi32, #tpu.memory_space<vmem>>
        %dma_wait3A_50 = arith.constant 0 : i32
        %dma_wait3A_51 = arith.constant 0 : i32
        %dma_wait3A_52 = tpu.memref_slice %arg2[%dma_wait3A_50, %dma_wait3A_51] : memref<196609x128xf32, #tpu.memory_space<hbm>> -> memref<196609x128xf32, #tpu.memory_space<hbm>>
        tpu.wait_indirect_dma semaphore(%arg7 : memref<!tpu.dma_semaphore, #tpu.memory_space<semaphore_mem>>) src(%dma_wait3A_52 : memref<196609x128xf32, #tpu.memory_space<hbm>>) dst(%dma_wait3A_46 : memref<128x128xf32, #tpu.memory_space<vmem>>)
        %run_scoped3A_53 = arith.constant 0 : i32
        "tpu.region"() ({
          %run_scoped3A_67 = tpu.sem_alloc : memref<!tpu.dma_semaphore, #tpu.memory_space<semaphore_mem>>
          %dma_start3A_68 = arith.constant 0 : i32
          %dma_start3A_69 = arith.constant 0 : i32
          %dma_start3A_70 = tpu.memref_slice %arg6[%run_scoped3A_53, %dma_start3A_68, %dma_start3A_69] : memref<2x128x128xf32, #tpu.memory_space<vmem>> -> memref<1x128x128xf32, #tpu.memory_space<vmem>>
          %dma_start3A_71 = tpu.memref_squeeze %dma_start3A_70 : memref<1x128x128xf32, #tpu.memory_space<vmem>> -> memref<128x128xf32, #tpu.memory_space<vmem>>
          %dma_start3A_72 = arith.constant 0 : i32
          %dma_start3A_73 = tpu.memref_slice %arg4[%mul3A_15, %dma_start3A_72] : memref<197120x128xf32, #tpu.memory_space<hbm>> -> memref<128x128xf32, #tpu.memory_space<hbm>>
          %dma_start3A_74 = arith.constant 0 : i32
          %dma_start3A_75 = tpu.memref_slice %arg4[%mul3A_15, %dma_start3A_74] : memref<197120x128xf32, #tpu.memory_space<hbm>> -> memref<128x128xf32, #tpu.memory_space<hbm>>
          %dma_start3A_76 = arith.constant 0 : i32
          %dma_start3A_77 = arith.constant 0 : i32
          %dma_start3A_78 = tpu.memref_slice %arg6[%run_scoped3A_53, %dma_start3A_76, %dma_start3A_77] : memref<2x128x128xf32, #tpu.memory_space<vmem>> -> memref<1x128x128xf32, #tpu.memory_space<vmem>>
          %dma_start3A_79 = tpu.memref_squeeze %dma_start3A_78 : memref<1x128x128xf32, #tpu.memory_space<vmem>> -> memref<128x128xf32, #tpu.memory_space<vmem>>
          tpu.enqueue_dma source(%dma_start3A_79 : memref<128x128xf32, #tpu.memory_space<vmem>>) target(%dma_start3A_75 : memref<128x128xf32, #tpu.memory_space<hbm>>) target_semaphore(%run_scoped3A_67 : memref<!tpu.dma_semaphore, #tpu.memory_space<semaphore_mem>>)
          %dma_wait3A_80 = arith.constant 0 : i32
          %dma_wait3A_81 = arith.constant 0 : i32
          %dma_wait3A_82 = tpu.memref_slice %arg6[%run_scoped3A_53, %dma_wait3A_80, %dma_wait3A_81] : memref<2x128x128xf32, #tpu.memory_space<vmem>> -> memref<1x128x128xf32, #tpu.memory_space<vmem>>
          %dma_wait3A_83 = tpu.memref_squeeze %dma_wait3A_82 : memref<1x128x128xf32, #tpu.memory_space<vmem>> -> memref<128x128xf32, #tpu.memory_space<vmem>>
          %dma_wait3A_84 = arith.constant 0 : i32
          %dma_wait3A_85 = tpu.memref_slice %arg4[%mul3A_15, %dma_wait3A_84] : memref<197120x128xf32, #tpu.memory_space<hbm>> -> memref<128x128xf32, #tpu.memory_space<hbm>>
          %dma_wait3A_86 = arith.constant 0 : i32
          %dma_wait3A_87 = tpu.memref_slice %arg4[%mul3A_15, %dma_wait3A_86] : memref<197120x128xf32, #tpu.memory_space<hbm>> -> memref<128x128xf32, #tpu.memory_space<hbm>>
          %dma_wait3A_88 = arith.constant 0 : i32
          %dma_wait3A_89 = arith.constant 0 : i32
          %dma_wait3A_90 = tpu.memref_slice %arg6[%run_scoped3A_53, %dma_wait3A_88, %dma_wait3A_89] : memref<2x128x128xf32, #tpu.memory_space<vmem>> -> memref<1x128x128xf32, #tpu.memory_space<vmem>>
          %dma_wait3A_91 = tpu.memref_squeeze %dma_wait3A_90 : memref<1x128x128xf32, #tpu.memory_space<vmem>> -> memref<128x128xf32, #tpu.memory_space<vmem>>
          tpu.wait_dma2 semaphore(%run_scoped3A_67 : memref<!tpu.dma_semaphore, #tpu.memory_space<semaphore_mem>>) src(%dma_wait3A_91 : memref<128x128xf32, #tpu.memory_space<vmem>>) dst(%dma_wait3A_87 : memref<128x128xf32, #tpu.memory_space<hbm>>)
          tpu.yield
        }) : () -> ()
        %dma_wait3A_54 = arith.constant 1 : i32
        %dma_wait3A_55 = arith.constant 1 : i32
        %dma_wait3A_56 = arith.constant 0 : i32
        %dma_wait3A_57 = arith.constant 0 : i32
        %dma_wait3A_58 = tpu.memref_slice %arg6[%dma_wait3A_55, %dma_wait3A_56, %dma_wait3A_57] : memref<2x128x128xf32, #tpu.memory_space<vmem>> -> memref<1x128x128xf32, #tpu.memory_space<vmem>>
        %dma_wait3A_59 = tpu.memref_squeeze %dma_wait3A_58 : memref<1x128x128xf32, #tpu.memory_space<vmem>> -> memref<128x128xf32, #tpu.memory_space<vmem>>
        %dma_wait3A_60 = arith.constant 0 : i32
        %dma_wait3A_61 = tpu.memref_slice %arg5[%dma_wait3A_54, %dma_wait3A_60] : memref<2x128xi32, #tpu.memory_space<vmem>> -> memref<1x128xi32, #tpu.memory_space<vmem>>
        %dma_wait3A_62 = tpu.memref_squeeze %dma_wait3A_61 : memref<1x128xi32, #tpu.memory_space<vmem>> -> memref<128xi32, #tpu.memory_space<vmem>>
        %dma_wait3A_63 = arith.constant 0 : i32
        %dma_wait3A_64 = arith.constant 0 : i32
        %dma_wait3A_65 = tpu.memref_slice %arg2[%dma_wait3A_63, %dma_wait3A_64] : memref<196609x128xf32, #tpu.memory_space<hbm>> -> memref<196609x128xf32, #tpu.memory_space<hbm>>
        tpu.wait_indirect_dma semaphore(%arg8 : memref<!tpu.dma_semaphore, #tpu.memory_space<semaphore_mem>>) src(%dma_wait3A_65 : memref<196609x128xf32, #tpu.memory_space<hbm>>) dst(%dma_wait3A_59 : memref<128x128xf32, #tpu.memory_space<vmem>>)
        %run_scoped3A_66 = arith.constant 1 : i32
        "tpu.region"() ({
          %run_scoped3A_67 = tpu.sem_alloc : memref<!tpu.dma_semaphore, #tpu.memory_space<semaphore_mem>>
          %dma_start3A_68 = arith.constant 0 : i32
          %dma_start3A_69 = arith.constant 0 : i32
          %dma_start3A_70 = tpu.memref_slice %arg6[%run_scoped3A_66, %dma_start3A_68, %dma_start3A_69] : memref<2x128x128xf32, #tpu.memory_space<vmem>> -> memref<1x128x128xf32, #tpu.memory_space<vmem>>
          %dma_start3A_71 = tpu.memref_squeeze %dma_start3A_70 : memref<1x128x128xf32, #tpu.memory_space<vmem>> -> memref<128x128xf32, #tpu.memory_space<vmem>>
          %dma_start3A_72 = arith.constant 0 : i32
          %dma_start3A_73 = tpu.memref_slice %arg4[%add3A_17, %dma_start3A_72] : memref<197120x128xf32, #tpu.memory_space<hbm>> -> memref<128x128xf32, #tpu.memory_space<hbm>>
          %dma_start3A_74 = arith.constant 0 : i32
          %dma_start3A_75 = tpu.memref_slice %arg4[%add3A_17, %dma_start3A_74] : memref<197120x128xf32, #tpu.memory_space<hbm>> -> memref<128x128xf32, #tpu.memory_space<hbm>>
          %dma_start3A_76 = arith.constant 0 : i32
          %dma_start3A_77 = arith.constant 0 : i32
          %dma_start3A_78 = tpu.memref_slice %arg6[%run_scoped3A_66, %dma_start3A_76, %dma_start3A_77] : memref<2x128x128xf32, #tpu.memory_space<vmem>> -> memref<1x128x128xf32, #tpu.memory_space<vmem>>
          %dma_start3A_79 = tpu.memref_squeeze %dma_start3A_78 : memref<1x128x128xf32, #tpu.memory_space<vmem>> -> memref<128x128xf32, #tpu.memory_space<vmem>>
          tpu.enqueue_dma source(%dma_start3A_79 : memref<128x128xf32, #tpu.memory_space<vmem>>) target(%dma_start3A_75 : memref<128x128xf32, #tpu.memory_space<hbm>>) target_semaphore(%run_scoped3A_67 : memref<!tpu.dma_semaphore, #tpu.memory_space<semaphore_mem>>)
          %dma_wait3A_80 = arith.constant 0 : i32
          %dma_wait3A_81 = arith.constant 0 : i32
          %dma_wait3A_82 = tpu.memref_slice %arg6[%run_scoped3A_66, %dma_wait3A_80, %dma_wait3A_81] : memref<2x128x128xf32, #tpu.memory_space<vmem>> -> memref<1x128x128xf32, #tpu.memory_space<vmem>>
          %dma_wait3A_83 = tpu.memref_squeeze %dma_wait3A_82 : memref<1x128x128xf32, #tpu.memory_space<vmem>> -> memref<128x128xf32, #tpu.memory_space<vmem>>
          %dma_wait3A_84 = arith.constant 0 : i32
          %dma_wait3A_85 = tpu.memref_slice %arg4[%add3A_17, %dma_wait3A_84] : memref<197120x128xf32, #tpu.memory_space<hbm>> -> memref<128x128xf32, #tpu.memory_space<hbm>>
          %dma_wait3A_86 = arith.constant 0 : i32
          %dma_wait3A_87 = tpu.memref_slice %arg4[%add3A_17, %dma_wait3A_86] : memref<197120x128xf32, #tpu.memory_space<hbm>> -> memref<128x128xf32, #tpu.memory_space<hbm>>
          %dma_wait3A_88 = arith.constant 0 : i32
          %dma_wait3A_89 = arith.constant 0 : i32
          %dma_wait3A_90 = tpu.memref_slice %arg6[%run_scoped3A_66, %dma_wait3A_88, %dma_wait3A_89] : memref<2x128x128xf32, #tpu.memory_space<vmem>> -> memref<1x128x128xf32, #tpu.memory_space<vmem>>
          %dma_wait3A_91 = tpu.memref_squeeze %dma_wait3A_90 : memref<1x128x128xf32, #tpu.memory_space<vmem>> -> memref<128x128xf32, #tpu.memory_space<vmem>>
          tpu.wait_dma2 semaphore(%run_scoped3A_67 : memref<!tpu.dma_semaphore, #tpu.memory_space<semaphore_mem>>) src(%dma_wait3A_91 : memref<128x128xf32, #tpu.memory_space<vmem>>) dst(%dma_wait3A_87 : memref<128x128xf32, #tpu.memory_space<hbm>>)
          tpu.yield
        }) : () -> ()
      } else {
      }
    }
    %scan3A_5 = arith.constant 25 : i32
    return
  }
}

#map = affine_map<(d0, d1) -> (0, 0)>
#map1 = affine_map<(d0, d1) -> (0)>
module attributes {stable_mosaic.version = 14 : i64} {
  func.func @body(%arg0: i32, %arg1: i32, %arg2: memref<49153x128xf32, #tpu.memory_space<hbm>>, %arg3: memref<197120xi32, #tpu.memory_space<hbm>>, %arg4: memref<197120x128xf32, #tpu.memory_space<hbm>>, %arg5: memref<2x128xi32, #tpu.memory_space<vmem>>, %arg6: memref<2x128x128xf32, #tpu.memory_space<vmem>>, %arg7: memref<!tpu.dma_semaphore, #tpu.memory_space<semaphore_mem>>, %arg8: memref<!tpu.dma_semaphore, #tpu.memory_space<semaphore_mem>>) attributes {dimension_semantics = [#tpu.dimension_semantics<core_parallel>, #tpu.dimension_semantics<subcore_parallel>], iteration_bounds = array<i64: 2, 16>, scalar_prefetch = 0 : i64, scratch_operands = 4 : i64, tpu.core_type = #tpu.core_type<sc_vector_subcore>, window_params = [{transform_indices = #map}, {transform_indices = #map1}, {transform_indices = #map}]} {
    %mul3A = arith.constant 2 : i32
    %mul3A_0 = arith.muli %arg1, %mul3A : i32
    %add3A = arith.addi %mul3A_0, %arg0 : i32
    %scan3A = arith.constant 0 : i32
    %scan3A_1 = arith.constant 0 : i32
    %scan3A_2 = arith.constant 25 : i32
    %scan3A_3 = arith.addi %scan3A_1, %scan3A_2 : i32
    %scan3A_4 = arith.constant 1 : i32
    scf.for %scan3A_6 = %scan3A_1 to %scan3A_3 step %scan3A_4  : i32 {
      %mul3A_7 = arith.constant 32 : i32
      %mul3A_8 = arith.muli %scan3A_6, %mul3A_7 : i32
      %add3A_9 = arith.addi %add3A, %mul3A_8 : i32
      %mul3A_10 = arith.constant 2 : i32
      %mul3A_11 = arith.muli %mul3A_10, %add3A_9 : i32
      %lt3A = arith.constant 1540 : i32
      %lt3A_12 = arith.cmpi slt, %mul3A_11, %lt3A : i32
      %convert_element_type3A = arith.extui %lt3A_12 : i1 to i32
      %cond3A = arith.constant 0 : i32
      %cond3A_13 = arith.cmpi ne, %convert_element_type3A, %cond3A : i32
      scf.if %cond3A_13 {
        %mul3A_14 = arith.constant 128 : i32
        %mul3A_15 = arith.muli %mul3A_11, %mul3A_14 : i32
        %add3A_16 = arith.constant 128 : i32
        %add3A_17 = arith.addi %mul3A_15, %add3A_16 : i32
        %run_scoped3A = arith.constant 0 : i32
        "tpu.region"() ({
          %run_scoped3A_67 = tpu.sem_alloc : memref<!tpu.dma_semaphore, #tpu.memory_space<semaphore_mem>>
          %dma_start3A_68 = arith.constant 0 : i32
          %dma_start3A_69 = tpu.memref_slice %arg5[%run_scoped3A, %dma_start3A_68] : memref<2x128xi32, #tpu.memory_space<vmem>> -> memref<1x128xi32, #tpu.memory_space<vmem>>
          %dma_start3A_70 = tpu.memref_squeeze %dma_start3A_69 : memref<1x128xi32, #tpu.memory_space<vmem>> -> memref<128xi32, #tpu.memory_space<vmem>>
          %dma_start3A_71 = tpu.memref_slice %arg3[%mul3A_15] : memref<197120xi32, #tpu.memory_space<hbm>> -> memref<128xi32, #tpu.memory_space<hbm>>
          %dma_start3A_72 = arith.constant 0 : i32
          %dma_start3A_73 = tpu.memref_slice %arg5[%run_scoped3A, %dma_start3A_72] : memref<2x128xi32, #tpu.memory_space<vmem>> -> memref<1x128xi32, #tpu.memory_space<vmem>>
          %dma_start3A_74 = tpu.memref_squeeze %dma_start3A_73 : memref<1x128xi32, #tpu.memory_space<vmem>> -> memref<128xi32, #tpu.memory_space<vmem>>
          %dma_start3A_75 = tpu.memref_slice %arg3[%mul3A_15] : memref<197120xi32, #tpu.memory_space<hbm>> -> memref<128xi32, #tpu.memory_space<hbm>>
          tpu.enqueue_dma source(%dma_start3A_75 : memref<128xi32, #tpu.memory_space<hbm>>) target(%dma_start3A_74 : memref<128xi32, #tpu.memory_space<vmem>>) target_semaphore(%run_scoped3A_67 : memref<!tpu.dma_semaphore, #tpu.memory_space<semaphore_mem>>)
          %dma_wait3A_76 = arith.constant 0 : i32
          %dma_wait3A_77 = tpu.memref_slice %arg5[%run_scoped3A, %dma_wait3A_76] : memref<2x128xi32, #tpu.memory_space<vmem>> -> memref<1x128xi32, #tpu.memory_space<vmem>>
          %dma_wait3A_78 = tpu.memref_squeeze %dma_wait3A_77 : memref<1x128xi32, #tpu.memory_space<vmem>> -> memref<128xi32, #tpu.memory_space<vmem>>
          %dma_wait3A_79 = tpu.memref_slice %arg3[%mul3A_15] : memref<197120xi32, #tpu.memory_space<hbm>> -> memref<128xi32, #tpu.memory_space<hbm>>
          %dma_wait3A_80 = arith.constant 0 : i32
          %dma_wait3A_81 = tpu.memref_slice %arg5[%run_scoped3A, %dma_wait3A_80] : memref<2x128xi32, #tpu.memory_space<vmem>> -> memref<1x128xi32, #tpu.memory_space<vmem>>
          %dma_wait3A_82 = tpu.memref_squeeze %dma_wait3A_81 : memref<1x128xi32, #tpu.memory_space<vmem>> -> memref<128xi32, #tpu.memory_space<vmem>>
          %dma_wait3A_83 = tpu.memref_slice %arg3[%mul3A_15] : memref<197120xi32, #tpu.memory_space<hbm>> -> memref<128xi32, #tpu.memory_space<hbm>>
          tpu.wait_dma2 semaphore(%run_scoped3A_67 : memref<!tpu.dma_semaphore, #tpu.memory_space<semaphore_mem>>) src(%dma_wait3A_83 : memref<128xi32, #tpu.memory_space<hbm>>) dst(%dma_wait3A_82 : memref<128xi32, #tpu.memory_space<vmem>>)
          tpu.yield
        }) : () -> ()
        %dma_start3A = arith.constant 0 : i32
        %dma_start3A_18 = arith.constant 0 : i32
        %dma_start3A_19 = arith.constant 0 : i32
        %dma_start3A_20 = arith.constant 0 : i32
        %dma_start3A_21 = tpu.memref_slice %arg6[%dma_start3A_18, %dma_start3A_19, %dma_start3A_20] : memref<2x128x128xf32, #tpu.memory_space<vmem>> -> memref<1x128x128xf32, #tpu.memory_space<vmem>>
        %dma_start3A_22 = tpu.memref_squeeze %dma_start3A_21 : memref<1x128x128xf32, #tpu.memory_space<vmem>> -> memref<128x128xf32, #tpu.memory_space<vmem>>
        %dma_start3A_23 = arith.constant 0 : i32
        %dma_start3A_24 = tpu.memref_slice %arg5[%dma_start3A, %dma_start3A_23] : memref<2x128xi32, #tpu.memory_space<vmem>> -> memref<1x128xi32, #tpu.memory_space<vmem>>
        %dma_start3A_25 = tpu.memref_squeeze %dma_start3A_24 : memref<1x128xi32, #tpu.memory_space<vmem>> -> memref<128xi32, #tpu.memory_space<vmem>>
        %dma_start3A_26 = arith.constant 0 : i32
        %dma_start3A_27 = arith.constant 0 : i32
        %dma_start3A_28 = tpu.memref_slice %arg2[%dma_start3A_26, %dma_start3A_27] : memref<49153x128xf32, #tpu.memory_space<hbm>> -> memref<49153x128xf32, #tpu.memory_space<hbm>>
        tpu.enqueue_indirect_dma source(%dma_start3A_28 : memref<49153x128xf32, #tpu.memory_space<hbm>>) target(%dma_start3A_22 : memref<128x128xf32, #tpu.memory_space<vmem>>) offsets(%dma_start3A_25 : memref<128xi32, #tpu.memory_space<vmem>>) semaphore(%arg7 : memref<!tpu.dma_semaphore, #tpu.memory_space<semaphore_mem>>)
        %run_scoped3A_29 = arith.constant 1 : i32
        "tpu.region"() ({
          %run_scoped3A_67 = tpu.sem_alloc : memref<!tpu.dma_semaphore, #tpu.memory_space<semaphore_mem>>
          %dma_start3A_68 = arith.constant 0 : i32
          %dma_start3A_69 = tpu.memref_slice %arg5[%run_scoped3A_29, %dma_start3A_68] : memref<2x128xi32, #tpu.memory_space<vmem>> -> memref<1x128xi32, #tpu.memory_space<vmem>>
          %dma_start3A_70 = tpu.memref_squeeze %dma_start3A_69 : memref<1x128xi32, #tpu.memory_space<vmem>> -> memref<128xi32, #tpu.memory_space<vmem>>
          %dma_start3A_71 = tpu.memref_slice %arg3[%add3A_17] : memref<197120xi32, #tpu.memory_space<hbm>> -> memref<128xi32, #tpu.memory_space<hbm>>
          %dma_start3A_72 = arith.constant 0 : i32
          %dma_start3A_73 = tpu.memref_slice %arg5[%run_scoped3A_29, %dma_start3A_72] : memref<2x128xi32, #tpu.memory_space<vmem>> -> memref<1x128xi32, #tpu.memory_space<vmem>>
          %dma_start3A_74 = tpu.memref_squeeze %dma_start3A_73 : memref<1x128xi32, #tpu.memory_space<vmem>> -> memref<128xi32, #tpu.memory_space<vmem>>
          %dma_start3A_75 = tpu.memref_slice %arg3[%add3A_17] : memref<197120xi32, #tpu.memory_space<hbm>> -> memref<128xi32, #tpu.memory_space<hbm>>
          tpu.enqueue_dma source(%dma_start3A_75 : memref<128xi32, #tpu.memory_space<hbm>>) target(%dma_start3A_74 : memref<128xi32, #tpu.memory_space<vmem>>) target_semaphore(%run_scoped3A_67 : memref<!tpu.dma_semaphore, #tpu.memory_space<semaphore_mem>>)
          %dma_wait3A_76 = arith.constant 0 : i32
          %dma_wait3A_77 = tpu.memref_slice %arg5[%run_scoped3A_29, %dma_wait3A_76] : memref<2x128xi32, #tpu.memory_space<vmem>> -> memref<1x128xi32, #tpu.memory_space<vmem>>
          %dma_wait3A_78 = tpu.memref_squeeze %dma_wait3A_77 : memref<1x128xi32, #tpu.memory_space<vmem>> -> memref<128xi32, #tpu.memory_space<vmem>>
          %dma_wait3A_79 = tpu.memref_slice %arg3[%add3A_17] : memref<197120xi32, #tpu.memory_space<hbm>> -> memref<128xi32, #tpu.memory_space<hbm>>
          %dma_wait3A_80 = arith.constant 0 : i32
          %dma_wait3A_81 = tpu.memref_slice %arg5[%run_scoped3A_29, %dma_wait3A_80] : memref<2x128xi32, #tpu.memory_space<vmem>> -> memref<1x128xi32, #tpu.memory_space<vmem>>
          %dma_wait3A_82 = tpu.memref_squeeze %dma_wait3A_81 : memref<1x128xi32, #tpu.memory_space<vmem>> -> memref<128xi32, #tpu.memory_space<vmem>>
          %dma_wait3A_83 = tpu.memref_slice %arg3[%add3A_17] : memref<197120xi32, #tpu.memory_space<hbm>> -> memref<128xi32, #tpu.memory_space<hbm>>
          tpu.wait_dma2 semaphore(%run_scoped3A_67 : memref<!tpu.dma_semaphore, #tpu.memory_space<semaphore_mem>>) src(%dma_wait3A_83 : memref<128xi32, #tpu.memory_space<hbm>>) dst(%dma_wait3A_82 : memref<128xi32, #tpu.memory_space<vmem>>)
          tpu.yield
        }) : () -> ()
        %dma_start3A_30 = arith.constant 1 : i32
        %dma_start3A_31 = arith.constant 1 : i32
        %dma_start3A_32 = arith.constant 0 : i32
        %dma_start3A_33 = arith.constant 0 : i32
        %dma_start3A_34 = tpu.memref_slice %arg6[%dma_start3A_31, %dma_start3A_32, %dma_start3A_33] : memref<2x128x128xf32, #tpu.memory_space<vmem>> -> memref<1x128x128xf32, #tpu.memory_space<vmem>>
        %dma_start3A_35 = tpu.memref_squeeze %dma_start3A_34 : memref<1x128x128xf32, #tpu.memory_space<vmem>> -> memref<128x128xf32, #tpu.memory_space<vmem>>
        %dma_start3A_36 = arith.constant 0 : i32
        %dma_start3A_37 = tpu.memref_slice %arg5[%dma_start3A_30, %dma_start3A_36] : memref<2x128xi32, #tpu.memory_space<vmem>> -> memref<1x128xi32, #tpu.memory_space<vmem>>
        %dma_start3A_38 = tpu.memref_squeeze %dma_start3A_37 : memref<1x128xi32, #tpu.memory_space<vmem>> -> memref<128xi32, #tpu.memory_space<vmem>>
        %dma_start3A_39 = arith.constant 0 : i32
        %dma_start3A_40 = arith.constant 0 : i32
        %dma_start3A_41 = tpu.memref_slice %arg2[%dma_start3A_39, %dma_start3A_40] : memref<49153x128xf32, #tpu.memory_space<hbm>> -> memref<49153x128xf32, #tpu.memory_space<hbm>>
        tpu.enqueue_indirect_dma source(%dma_start3A_41 : memref<49153x128xf32, #tpu.memory_space<hbm>>) target(%dma_start3A_35 : memref<128x128xf32, #tpu.memory_space<vmem>>) offsets(%dma_start3A_38 : memref<128xi32, #tpu.memory_space<vmem>>) semaphore(%arg8 : memref<!tpu.dma_semaphore, #tpu.memory_space<semaphore_mem>>)
        %dma_wait3A = arith.constant 0 : i32
        %dma_wait3A_42 = arith.constant 0 : i32
        %dma_wait3A_43 = arith.constant 0 : i32
        %dma_wait3A_44 = arith.constant 0 : i32
        %dma_wait3A_45 = tpu.memref_slice %arg6[%dma_wait3A_42, %dma_wait3A_43, %dma_wait3A_44] : memref<2x128x128xf32, #tpu.memory_space<vmem>> -> memref<1x128x128xf32, #tpu.memory_space<vmem>>
        %dma_wait3A_46 = tpu.memref_squeeze %dma_wait3A_45 : memref<1x128x128xf32, #tpu.memory_space<vmem>> -> memref<128x128xf32, #tpu.memory_space<vmem>>
        %dma_wait3A_47 = arith.constant 0 : i32
        %dma_wait3A_48 = tpu.memref_slice %arg5[%dma_wait3A, %dma_wait3A_47] : memref<2x128xi32, #tpu.memory_space<vmem>> -> memref<1x128xi32, #tpu.memory_space<vmem>>
        %dma_wait3A_49 = tpu.memref_squeeze %dma_wait3A_48 : memref<1x128xi32, #tpu.memory_space<vmem>> -> memref<128xi32, #tpu.memory_space<vmem>>
        %dma_wait3A_50 = arith.constant 0 : i32
        %dma_wait3A_51 = arith.constant 0 : i32
        %dma_wait3A_52 = tpu.memref_slice %arg2[%dma_wait3A_50, %dma_wait3A_51] : memref<49153x128xf32, #tpu.memory_space<hbm>> -> memref<49153x128xf32, #tpu.memory_space<hbm>>
        tpu.wait_indirect_dma semaphore(%arg7 : memref<!tpu.dma_semaphore, #tpu.memory_space<semaphore_mem>>) src(%dma_wait3A_52 : memref<49153x128xf32, #tpu.memory_space<hbm>>) dst(%dma_wait3A_46 : memref<128x128xf32, #tpu.memory_space<vmem>>)
        %run_scoped3A_53 = arith.constant 0 : i32
        "tpu.region"() ({
          %run_scoped3A_67 = tpu.sem_alloc : memref<!tpu.dma_semaphore, #tpu.memory_space<semaphore_mem>>
          %dma_start3A_68 = arith.constant 0 : i32
          %dma_start3A_69 = arith.constant 0 : i32
          %dma_start3A_70 = tpu.memref_slice %arg6[%run_scoped3A_53, %dma_start3A_68, %dma_start3A_69] : memref<2x128x128xf32, #tpu.memory_space<vmem>> -> memref<1x128x128xf32, #tpu.memory_space<vmem>>
          %dma_start3A_71 = tpu.memref_squeeze %dma_start3A_70 : memref<1x128x128xf32, #tpu.memory_space<vmem>> -> memref<128x128xf32, #tpu.memory_space<vmem>>
          %dma_start3A_72 = arith.constant 0 : i32
          %dma_start3A_73 = tpu.memref_slice %arg4[%mul3A_15, %dma_start3A_72] : memref<197120x128xf32, #tpu.memory_space<hbm>> -> memref<128x128xf32, #tpu.memory_space<hbm>>
          %dma_start3A_74 = arith.constant 0 : i32
          %dma_start3A_75 = tpu.memref_slice %arg4[%mul3A_15, %dma_start3A_74] : memref<197120x128xf32, #tpu.memory_space<hbm>> -> memref<128x128xf32, #tpu.memory_space<hbm>>
          %dma_start3A_76 = arith.constant 0 : i32
          %dma_start3A_77 = arith.constant 0 : i32
          %dma_start3A_78 = tpu.memref_slice %arg6[%run_scoped3A_53, %dma_start3A_76, %dma_start3A_77] : memref<2x128x128xf32, #tpu.memory_space<vmem>> -> memref<1x128x128xf32, #tpu.memory_space<vmem>>
          %dma_start3A_79 = tpu.memref_squeeze %dma_start3A_78 : memref<1x128x128xf32, #tpu.memory_space<vmem>> -> memref<128x128xf32, #tpu.memory_space<vmem>>
          tpu.enqueue_dma source(%dma_start3A_79 : memref<128x128xf32, #tpu.memory_space<vmem>>) target(%dma_start3A_75 : memref<128x128xf32, #tpu.memory_space<hbm>>) target_semaphore(%run_scoped3A_67 : memref<!tpu.dma_semaphore, #tpu.memory_space<semaphore_mem>>)
          %dma_wait3A_80 = arith.constant 0 : i32
          %dma_wait3A_81 = arith.constant 0 : i32
          %dma_wait3A_82 = tpu.memref_slice %arg6[%run_scoped3A_53, %dma_wait3A_80, %dma_wait3A_81] : memref<2x128x128xf32, #tpu.memory_space<vmem>> -> memref<1x128x128xf32, #tpu.memory_space<vmem>>
          %dma_wait3A_83 = tpu.memref_squeeze %dma_wait3A_82 : memref<1x128x128xf32, #tpu.memory_space<vmem>> -> memref<128x128xf32, #tpu.memory_space<vmem>>
          %dma_wait3A_84 = arith.constant 0 : i32
          %dma_wait3A_85 = tpu.memref_slice %arg4[%mul3A_15, %dma_wait3A_84] : memref<197120x128xf32, #tpu.memory_space<hbm>> -> memref<128x128xf32, #tpu.memory_space<hbm>>
          %dma_wait3A_86 = arith.constant 0 : i32
          %dma_wait3A_87 = tpu.memref_slice %arg4[%mul3A_15, %dma_wait3A_86] : memref<197120x128xf32, #tpu.memory_space<hbm>> -> memref<128x128xf32, #tpu.memory_space<hbm>>
          %dma_wait3A_88 = arith.constant 0 : i32
          %dma_wait3A_89 = arith.constant 0 : i32
          %dma_wait3A_90 = tpu.memref_slice %arg6[%run_scoped3A_53, %dma_wait3A_88, %dma_wait3A_89] : memref<2x128x128xf32, #tpu.memory_space<vmem>> -> memref<1x128x128xf32, #tpu.memory_space<vmem>>
          %dma_wait3A_91 = tpu.memref_squeeze %dma_wait3A_90 : memref<1x128x128xf32, #tpu.memory_space<vmem>> -> memref<128x128xf32, #tpu.memory_space<vmem>>
          tpu.wait_dma2 semaphore(%run_scoped3A_67 : memref<!tpu.dma_semaphore, #tpu.memory_space<semaphore_mem>>) src(%dma_wait3A_91 : memref<128x128xf32, #tpu.memory_space<vmem>>) dst(%dma_wait3A_87 : memref<128x128xf32, #tpu.memory_space<hbm>>)
          tpu.yield
        }) : () -> ()
        %dma_wait3A_54 = arith.constant 1 : i32
        %dma_wait3A_55 = arith.constant 1 : i32
        %dma_wait3A_56 = arith.constant 0 : i32
        %dma_wait3A_57 = arith.constant 0 : i32
        %dma_wait3A_58 = tpu.memref_slice %arg6[%dma_wait3A_55, %dma_wait3A_56, %dma_wait3A_57] : memref<2x128x128xf32, #tpu.memory_space<vmem>> -> memref<1x128x128xf32, #tpu.memory_space<vmem>>
        %dma_wait3A_59 = tpu.memref_squeeze %dma_wait3A_58 : memref<1x128x128xf32, #tpu.memory_space<vmem>> -> memref<128x128xf32, #tpu.memory_space<vmem>>
        %dma_wait3A_60 = arith.constant 0 : i32
        %dma_wait3A_61 = tpu.memref_slice %arg5[%dma_wait3A_54, %dma_wait3A_60] : memref<2x128xi32, #tpu.memory_space<vmem>> -> memref<1x128xi32, #tpu.memory_space<vmem>>
        %dma_wait3A_62 = tpu.memref_squeeze %dma_wait3A_61 : memref<1x128xi32, #tpu.memory_space<vmem>> -> memref<128xi32, #tpu.memory_space<vmem>>
        %dma_wait3A_63 = arith.constant 0 : i32
        %dma_wait3A_64 = arith.constant 0 : i32
        %dma_wait3A_65 = tpu.memref_slice %arg2[%dma_wait3A_63, %dma_wait3A_64] : memref<49153x128xf32, #tpu.memory_space<hbm>> -> memref<49153x128xf32, #tpu.memory_space<hbm>>
        tpu.wait_indirect_dma semaphore(%arg8 : memref<!tpu.dma_semaphore, #tpu.memory_space<semaphore_mem>>) src(%dma_wait3A_65 : memref<49153x128xf32, #tpu.memory_space<hbm>>) dst(%dma_wait3A_59 : memref<128x128xf32, #tpu.memory_space<vmem>>)
        %run_scoped3A_66 = arith.constant 1 : i32
        "tpu.region"() ({
          %run_scoped3A_67 = tpu.sem_alloc : memref<!tpu.dma_semaphore, #tpu.memory_space<semaphore_mem>>
          %dma_start3A_68 = arith.constant 0 : i32
          %dma_start3A_69 = arith.constant 0 : i32
          %dma_start3A_70 = tpu.memref_slice %arg6[%run_scoped3A_66, %dma_start3A_68, %dma_start3A_69] : memref<2x128x128xf32, #tpu.memory_space<vmem>> -> memref<1x128x128xf32, #tpu.memory_space<vmem>>
          %dma_start3A_71 = tpu.memref_squeeze %dma_start3A_70 : memref<1x128x128xf32, #tpu.memory_space<vmem>> -> memref<128x128xf32, #tpu.memory_space<vmem>>
          %dma_start3A_72 = arith.constant 0 : i32
          %dma_start3A_73 = tpu.memref_slice %arg4[%add3A_17, %dma_start3A_72] : memref<197120x128xf32, #tpu.memory_space<hbm>> -> memref<128x128xf32, #tpu.memory_space<hbm>>
          %dma_start3A_74 = arith.constant 0 : i32
          %dma_start3A_75 = tpu.memref_slice %arg4[%add3A_17, %dma_start3A_74] : memref<197120x128xf32, #tpu.memory_space<hbm>> -> memref<128x128xf32, #tpu.memory_space<hbm>>
          %dma_start3A_76 = arith.constant 0 : i32
          %dma_start3A_77 = arith.constant 0 : i32
          %dma_start3A_78 = tpu.memref_slice %arg6[%run_scoped3A_66, %dma_start3A_76, %dma_start3A_77] : memref<2x128x128xf32, #tpu.memory_space<vmem>> -> memref<1x128x128xf32, #tpu.memory_space<vmem>>
          %dma_start3A_79 = tpu.memref_squeeze %dma_start3A_78 : memref<1x128x128xf32, #tpu.memory_space<vmem>> -> memref<128x128xf32, #tpu.memory_space<vmem>>
          tpu.enqueue_dma source(%dma_start3A_79 : memref<128x128xf32, #tpu.memory_space<vmem>>) target(%dma_start3A_75 : memref<128x128xf32, #tpu.memory_space<hbm>>) target_semaphore(%run_scoped3A_67 : memref<!tpu.dma_semaphore, #tpu.memory_space<semaphore_mem>>)
          %dma_wait3A_80 = arith.constant 0 : i32
          %dma_wait3A_81 = arith.constant 0 : i32
          %dma_wait3A_82 = tpu.memref_slice %arg6[%run_scoped3A_66, %dma_wait3A_80, %dma_wait3A_81] : memref<2x128x128xf32, #tpu.memory_space<vmem>> -> memref<1x128x128xf32, #tpu.memory_space<vmem>>
          %dma_wait3A_83 = tpu.memref_squeeze %dma_wait3A_82 : memref<1x128x128xf32, #tpu.memory_space<vmem>> -> memref<128x128xf32, #tpu.memory_space<vmem>>
          %dma_wait3A_84 = arith.constant 0 : i32
          %dma_wait3A_85 = tpu.memref_slice %arg4[%add3A_17, %dma_wait3A_84] : memref<197120x128xf32, #tpu.memory_space<hbm>> -> memref<128x128xf32, #tpu.memory_space<hbm>>
          %dma_wait3A_86 = arith.constant 0 : i32
          %dma_wait3A_87 = tpu.memref_slice %arg4[%add3A_17, %dma_wait3A_86] : memref<197120x128xf32, #tpu.memory_space<hbm>> -> memref<128x128xf32, #tpu.memory_space<hbm>>
          %dma_wait3A_88 = arith.constant 0 : i32
          %dma_wait3A_89 = arith.constant 0 : i32
          %dma_wait3A_90 = tpu.memref_slice %arg6[%run_scoped3A_66, %dma_wait3A_88, %dma_wait3A_89] : memref<2x128x128xf32, #tpu.memory_space<vmem>> -> memref<1x128x128xf32, #tpu.memory_space<vmem>>
          %dma_wait3A_91 = tpu.memref_squeeze %dma_wait3A_90 : memref<1x128x128xf32, #tpu.memory_space<vmem>> -> memref<128x128xf32, #tpu.memory_space<vmem>>
          tpu.wait_dma2 semaphore(%run_scoped3A_67 : memref<!tpu.dma_semaphore, #tpu.memory_space<semaphore_mem>>) src(%dma_wait3A_91 : memref<128x128xf32, #tpu.memory_space<vmem>>) dst(%dma_wait3A_87 : memref<128x128xf32, #tpu.memory_space<hbm>>)
          tpu.yield
        }) : () -> ()
      } else {
      }
    }
    %scan3A_5 = arith.constant 25 : i32
    return
  }
}

#map = affine_map<(d0, d1) -> (0, 0)>
#map1 = affine_map<(d0, d1) -> (0)>
module attributes {stable_mosaic.version = 14 : i64} {
  func.func @body(%arg0: i32, %arg1: i32, %arg2: memref<196609x128xf32, #tpu.memory_space<hbm>>, %arg3: memref<297984xi32, #tpu.memory_space<hbm>>, %arg4: memref<297984x128xf32, #tpu.memory_space<hbm>>, %arg5: memref<2x128xi32, #tpu.memory_space<vmem>>, %arg6: memref<2x128x128xf32, #tpu.memory_space<vmem>>, %arg7: memref<!tpu.dma_semaphore, #tpu.memory_space<semaphore_mem>>, %arg8: memref<!tpu.dma_semaphore, #tpu.memory_space<semaphore_mem>>) attributes {dimension_semantics = [#tpu.dimension_semantics<core_parallel>, #tpu.dimension_semantics<subcore_parallel>], iteration_bounds = array<i64: 2, 16>, scalar_prefetch = 0 : i64, scratch_operands = 4 : i64, tpu.core_type = #tpu.core_type<sc_vector_subcore>, window_params = [{transform_indices = #map}, {transform_indices = #map1}, {transform_indices = #map}]} {
    %mul3A = arith.constant 2 : i32
    %mul3A_0 = arith.muli %arg1, %mul3A : i32
    %add3A = arith.addi %mul3A_0, %arg0 : i32
    %scan3A = arith.constant 0 : i32
    %scan3A_1 = arith.constant 0 : i32
    %scan3A_2 = arith.constant 37 : i32
    %scan3A_3 = arith.addi %scan3A_1, %scan3A_2 : i32
    %scan3A_4 = arith.constant 1 : i32
    scf.for %scan3A_6 = %scan3A_1 to %scan3A_3 step %scan3A_4  : i32 {
      %mul3A_7 = arith.constant 32 : i32
      %mul3A_8 = arith.muli %scan3A_6, %mul3A_7 : i32
      %add3A_9 = arith.addi %add3A, %mul3A_8 : i32
      %mul3A_10 = arith.constant 2 : i32
      %mul3A_11 = arith.muli %mul3A_10, %add3A_9 : i32
      %lt3A = arith.constant 2328 : i32
      %lt3A_12 = arith.cmpi slt, %mul3A_11, %lt3A : i32
      %convert_element_type3A = arith.extui %lt3A_12 : i1 to i32
      %cond3A = arith.constant 0 : i32
      %cond3A_13 = arith.cmpi ne, %convert_element_type3A, %cond3A : i32
      scf.if %cond3A_13 {
        %mul3A_14 = arith.constant 128 : i32
        %mul3A_15 = arith.muli %mul3A_11, %mul3A_14 : i32
        %add3A_16 = arith.constant 128 : i32
        %add3A_17 = arith.addi %mul3A_15, %add3A_16 : i32
        %run_scoped3A = arith.constant 0 : i32
        "tpu.region"() ({
          %run_scoped3A_67 = tpu.sem_alloc : memref<!tpu.dma_semaphore, #tpu.memory_space<semaphore_mem>>
          %dma_start3A_68 = arith.constant 0 : i32
          %dma_start3A_69 = tpu.memref_slice %arg5[%run_scoped3A, %dma_start3A_68] : memref<2x128xi32, #tpu.memory_space<vmem>> -> memref<1x128xi32, #tpu.memory_space<vmem>>
          %dma_start3A_70 = tpu.memref_squeeze %dma_start3A_69 : memref<1x128xi32, #tpu.memory_space<vmem>> -> memref<128xi32, #tpu.memory_space<vmem>>
          %dma_start3A_71 = tpu.memref_slice %arg3[%mul3A_15] : memref<297984xi32, #tpu.memory_space<hbm>> -> memref<128xi32, #tpu.memory_space<hbm>>
          %dma_start3A_72 = arith.constant 0 : i32
          %dma_start3A_73 = tpu.memref_slice %arg5[%run_scoped3A, %dma_start3A_72] : memref<2x128xi32, #tpu.memory_space<vmem>> -> memref<1x128xi32, #tpu.memory_space<vmem>>
          %dma_start3A_74 = tpu.memref_squeeze %dma_start3A_73 : memref<1x128xi32, #tpu.memory_space<vmem>> -> memref<128xi32, #tpu.memory_space<vmem>>
          %dma_start3A_75 = tpu.memref_slice %arg3[%mul3A_15] : memref<297984xi32, #tpu.memory_space<hbm>> -> memref<128xi32, #tpu.memory_space<hbm>>
          tpu.enqueue_dma source(%dma_start3A_75 : memref<128xi32, #tpu.memory_space<hbm>>) target(%dma_start3A_74 : memref<128xi32, #tpu.memory_space<vmem>>) target_semaphore(%run_scoped3A_67 : memref<!tpu.dma_semaphore, #tpu.memory_space<semaphore_mem>>)
          %dma_wait3A_76 = arith.constant 0 : i32
          %dma_wait3A_77 = tpu.memref_slice %arg5[%run_scoped3A, %dma_wait3A_76] : memref<2x128xi32, #tpu.memory_space<vmem>> -> memref<1x128xi32, #tpu.memory_space<vmem>>
          %dma_wait3A_78 = tpu.memref_squeeze %dma_wait3A_77 : memref<1x128xi32, #tpu.memory_space<vmem>> -> memref<128xi32, #tpu.memory_space<vmem>>
          %dma_wait3A_79 = tpu.memref_slice %arg3[%mul3A_15] : memref<297984xi32, #tpu.memory_space<hbm>> -> memref<128xi32, #tpu.memory_space<hbm>>
          %dma_wait3A_80 = arith.constant 0 : i32
          %dma_wait3A_81 = tpu.memref_slice %arg5[%run_scoped3A, %dma_wait3A_80] : memref<2x128xi32, #tpu.memory_space<vmem>> -> memref<1x128xi32, #tpu.memory_space<vmem>>
          %dma_wait3A_82 = tpu.memref_squeeze %dma_wait3A_81 : memref<1x128xi32, #tpu.memory_space<vmem>> -> memref<128xi32, #tpu.memory_space<vmem>>
          %dma_wait3A_83 = tpu.memref_slice %arg3[%mul3A_15] : memref<297984xi32, #tpu.memory_space<hbm>> -> memref<128xi32, #tpu.memory_space<hbm>>
          tpu.wait_dma2 semaphore(%run_scoped3A_67 : memref<!tpu.dma_semaphore, #tpu.memory_space<semaphore_mem>>) src(%dma_wait3A_83 : memref<128xi32, #tpu.memory_space<hbm>>) dst(%dma_wait3A_82 : memref<128xi32, #tpu.memory_space<vmem>>)
          tpu.yield
        }) : () -> ()
        %dma_start3A = arith.constant 0 : i32
        %dma_start3A_18 = arith.constant 0 : i32
        %dma_start3A_19 = arith.constant 0 : i32
        %dma_start3A_20 = arith.constant 0 : i32
        %dma_start3A_21 = tpu.memref_slice %arg6[%dma_start3A_18, %dma_start3A_19, %dma_start3A_20] : memref<2x128x128xf32, #tpu.memory_space<vmem>> -> memref<1x128x128xf32, #tpu.memory_space<vmem>>
        %dma_start3A_22 = tpu.memref_squeeze %dma_start3A_21 : memref<1x128x128xf32, #tpu.memory_space<vmem>> -> memref<128x128xf32, #tpu.memory_space<vmem>>
        %dma_start3A_23 = arith.constant 0 : i32
        %dma_start3A_24 = tpu.memref_slice %arg5[%dma_start3A, %dma_start3A_23] : memref<2x128xi32, #tpu.memory_space<vmem>> -> memref<1x128xi32, #tpu.memory_space<vmem>>
        %dma_start3A_25 = tpu.memref_squeeze %dma_start3A_24 : memref<1x128xi32, #tpu.memory_space<vmem>> -> memref<128xi32, #tpu.memory_space<vmem>>
        %dma_start3A_26 = arith.constant 0 : i32
        %dma_start3A_27 = arith.constant 0 : i32
        %dma_start3A_28 = tpu.memref_slice %arg2[%dma_start3A_26, %dma_start3A_27] : memref<196609x128xf32, #tpu.memory_space<hbm>> -> memref<196609x128xf32, #tpu.memory_space<hbm>>
        tpu.enqueue_indirect_dma source(%dma_start3A_28 : memref<196609x128xf32, #tpu.memory_space<hbm>>) target(%dma_start3A_22 : memref<128x128xf32, #tpu.memory_space<vmem>>) offsets(%dma_start3A_25 : memref<128xi32, #tpu.memory_space<vmem>>) semaphore(%arg7 : memref<!tpu.dma_semaphore, #tpu.memory_space<semaphore_mem>>)
        %run_scoped3A_29 = arith.constant 1 : i32
        "tpu.region"() ({
          %run_scoped3A_67 = tpu.sem_alloc : memref<!tpu.dma_semaphore, #tpu.memory_space<semaphore_mem>>
          %dma_start3A_68 = arith.constant 0 : i32
          %dma_start3A_69 = tpu.memref_slice %arg5[%run_scoped3A_29, %dma_start3A_68] : memref<2x128xi32, #tpu.memory_space<vmem>> -> memref<1x128xi32, #tpu.memory_space<vmem>>
          %dma_start3A_70 = tpu.memref_squeeze %dma_start3A_69 : memref<1x128xi32, #tpu.memory_space<vmem>> -> memref<128xi32, #tpu.memory_space<vmem>>
          %dma_start3A_71 = tpu.memref_slice %arg3[%add3A_17] : memref<297984xi32, #tpu.memory_space<hbm>> -> memref<128xi32, #tpu.memory_space<hbm>>
          %dma_start3A_72 = arith.constant 0 : i32
          %dma_start3A_73 = tpu.memref_slice %arg5[%run_scoped3A_29, %dma_start3A_72] : memref<2x128xi32, #tpu.memory_space<vmem>> -> memref<1x128xi32, #tpu.memory_space<vmem>>
          %dma_start3A_74 = tpu.memref_squeeze %dma_start3A_73 : memref<1x128xi32, #tpu.memory_space<vmem>> -> memref<128xi32, #tpu.memory_space<vmem>>
          %dma_start3A_75 = tpu.memref_slice %arg3[%add3A_17] : memref<297984xi32, #tpu.memory_space<hbm>> -> memref<128xi32, #tpu.memory_space<hbm>>
          tpu.enqueue_dma source(%dma_start3A_75 : memref<128xi32, #tpu.memory_space<hbm>>) target(%dma_start3A_74 : memref<128xi32, #tpu.memory_space<vmem>>) target_semaphore(%run_scoped3A_67 : memref<!tpu.dma_semaphore, #tpu.memory_space<semaphore_mem>>)
          %dma_wait3A_76 = arith.constant 0 : i32
          %dma_wait3A_77 = tpu.memref_slice %arg5[%run_scoped3A_29, %dma_wait3A_76] : memref<2x128xi32, #tpu.memory_space<vmem>> -> memref<1x128xi32, #tpu.memory_space<vmem>>
          %dma_wait3A_78 = tpu.memref_squeeze %dma_wait3A_77 : memref<1x128xi32, #tpu.memory_space<vmem>> -> memref<128xi32, #tpu.memory_space<vmem>>
          %dma_wait3A_79 = tpu.memref_slice %arg3[%add3A_17] : memref<297984xi32, #tpu.memory_space<hbm>> -> memref<128xi32, #tpu.memory_space<hbm>>
          %dma_wait3A_80 = arith.constant 0 : i32
          %dma_wait3A_81 = tpu.memref_slice %arg5[%run_scoped3A_29, %dma_wait3A_80] : memref<2x128xi32, #tpu.memory_space<vmem>> -> memref<1x128xi32, #tpu.memory_space<vmem>>
          %dma_wait3A_82 = tpu.memref_squeeze %dma_wait3A_81 : memref<1x128xi32, #tpu.memory_space<vmem>> -> memref<128xi32, #tpu.memory_space<vmem>>
          %dma_wait3A_83 = tpu.memref_slice %arg3[%add3A_17] : memref<297984xi32, #tpu.memory_space<hbm>> -> memref<128xi32, #tpu.memory_space<hbm>>
          tpu.wait_dma2 semaphore(%run_scoped3A_67 : memref<!tpu.dma_semaphore, #tpu.memory_space<semaphore_mem>>) src(%dma_wait3A_83 : memref<128xi32, #tpu.memory_space<hbm>>) dst(%dma_wait3A_82 : memref<128xi32, #tpu.memory_space<vmem>>)
          tpu.yield
        }) : () -> ()
        %dma_start3A_30 = arith.constant 1 : i32
        %dma_start3A_31 = arith.constant 1 : i32
        %dma_start3A_32 = arith.constant 0 : i32
        %dma_start3A_33 = arith.constant 0 : i32
        %dma_start3A_34 = tpu.memref_slice %arg6[%dma_start3A_31, %dma_start3A_32, %dma_start3A_33] : memref<2x128x128xf32, #tpu.memory_space<vmem>> -> memref<1x128x128xf32, #tpu.memory_space<vmem>>
        %dma_start3A_35 = tpu.memref_squeeze %dma_start3A_34 : memref<1x128x128xf32, #tpu.memory_space<vmem>> -> memref<128x128xf32, #tpu.memory_space<vmem>>
        %dma_start3A_36 = arith.constant 0 : i32
        %dma_start3A_37 = tpu.memref_slice %arg5[%dma_start3A_30, %dma_start3A_36] : memref<2x128xi32, #tpu.memory_space<vmem>> -> memref<1x128xi32, #tpu.memory_space<vmem>>
        %dma_start3A_38 = tpu.memref_squeeze %dma_start3A_37 : memref<1x128xi32, #tpu.memory_space<vmem>> -> memref<128xi32, #tpu.memory_space<vmem>>
        %dma_start3A_39 = arith.constant 0 : i32
        %dma_start3A_40 = arith.constant 0 : i32
        %dma_start3A_41 = tpu.memref_slice %arg2[%dma_start3A_39, %dma_start3A_40] : memref<196609x128xf32, #tpu.memory_space<hbm>> -> memref<196609x128xf32, #tpu.memory_space<hbm>>
        tpu.enqueue_indirect_dma source(%dma_start3A_41 : memref<196609x128xf32, #tpu.memory_space<hbm>>) target(%dma_start3A_35 : memref<128x128xf32, #tpu.memory_space<vmem>>) offsets(%dma_start3A_38 : memref<128xi32, #tpu.memory_space<vmem>>) semaphore(%arg8 : memref<!tpu.dma_semaphore, #tpu.memory_space<semaphore_mem>>)
        %dma_wait3A = arith.constant 0 : i32
        %dma_wait3A_42 = arith.constant 0 : i32
        %dma_wait3A_43 = arith.constant 0 : i32
        %dma_wait3A_44 = arith.constant 0 : i32
        %dma_wait3A_45 = tpu.memref_slice %arg6[%dma_wait3A_42, %dma_wait3A_43, %dma_wait3A_44] : memref<2x128x128xf32, #tpu.memory_space<vmem>> -> memref<1x128x128xf32, #tpu.memory_space<vmem>>
        %dma_wait3A_46 = tpu.memref_squeeze %dma_wait3A_45 : memref<1x128x128xf32, #tpu.memory_space<vmem>> -> memref<128x128xf32, #tpu.memory_space<vmem>>
        %dma_wait3A_47 = arith.constant 0 : i32
        %dma_wait3A_48 = tpu.memref_slice %arg5[%dma_wait3A, %dma_wait3A_47] : memref<2x128xi32, #tpu.memory_space<vmem>> -> memref<1x128xi32, #tpu.memory_space<vmem>>
        %dma_wait3A_49 = tpu.memref_squeeze %dma_wait3A_48 : memref<1x128xi32, #tpu.memory_space<vmem>> -> memref<128xi32, #tpu.memory_space<vmem>>
        %dma_wait3A_50 = arith.constant 0 : i32
        %dma_wait3A_51 = arith.constant 0 : i32
        %dma_wait3A_52 = tpu.memref_slice %arg2[%dma_wait3A_50, %dma_wait3A_51] : memref<196609x128xf32, #tpu.memory_space<hbm>> -> memref<196609x128xf32, #tpu.memory_space<hbm>>
        tpu.wait_indirect_dma semaphore(%arg7 : memref<!tpu.dma_semaphore, #tpu.memory_space<semaphore_mem>>) src(%dma_wait3A_52 : memref<196609x128xf32, #tpu.memory_space<hbm>>) dst(%dma_wait3A_46 : memref<128x128xf32, #tpu.memory_space<vmem>>)
        %run_scoped3A_53 = arith.constant 0 : i32
        "tpu.region"() ({
          %run_scoped3A_67 = tpu.sem_alloc : memref<!tpu.dma_semaphore, #tpu.memory_space<semaphore_mem>>
          %dma_start3A_68 = arith.constant 0 : i32
          %dma_start3A_69 = arith.constant 0 : i32
          %dma_start3A_70 = tpu.memref_slice %arg6[%run_scoped3A_53, %dma_start3A_68, %dma_start3A_69] : memref<2x128x128xf32, #tpu.memory_space<vmem>> -> memref<1x128x128xf32, #tpu.memory_space<vmem>>
          %dma_start3A_71 = tpu.memref_squeeze %dma_start3A_70 : memref<1x128x128xf32, #tpu.memory_space<vmem>> -> memref<128x128xf32, #tpu.memory_space<vmem>>
          %dma_start3A_72 = arith.constant 0 : i32
          %dma_start3A_73 = tpu.memref_slice %arg4[%mul3A_15, %dma_start3A_72] : memref<297984x128xf32, #tpu.memory_space<hbm>> -> memref<128x128xf32, #tpu.memory_space<hbm>>
          %dma_start3A_74 = arith.constant 0 : i32
          %dma_start3A_75 = tpu.memref_slice %arg4[%mul3A_15, %dma_start3A_74] : memref<297984x128xf32, #tpu.memory_space<hbm>> -> memref<128x128xf32, #tpu.memory_space<hbm>>
          %dma_start3A_76 = arith.constant 0 : i32
          %dma_start3A_77 = arith.constant 0 : i32
          %dma_start3A_78 = tpu.memref_slice %arg6[%run_scoped3A_53, %dma_start3A_76, %dma_start3A_77] : memref<2x128x128xf32, #tpu.memory_space<vmem>> -> memref<1x128x128xf32, #tpu.memory_space<vmem>>
          %dma_start3A_79 = tpu.memref_squeeze %dma_start3A_78 : memref<1x128x128xf32, #tpu.memory_space<vmem>> -> memref<128x128xf32, #tpu.memory_space<vmem>>
          tpu.enqueue_dma source(%dma_start3A_79 : memref<128x128xf32, #tpu.memory_space<vmem>>) target(%dma_start3A_75 : memref<128x128xf32, #tpu.memory_space<hbm>>) target_semaphore(%run_scoped3A_67 : memref<!tpu.dma_semaphore, #tpu.memory_space<semaphore_mem>>)
          %dma_wait3A_80 = arith.constant 0 : i32
          %dma_wait3A_81 = arith.constant 0 : i32
          %dma_wait3A_82 = tpu.memref_slice %arg6[%run_scoped3A_53, %dma_wait3A_80, %dma_wait3A_81] : memref<2x128x128xf32, #tpu.memory_space<vmem>> -> memref<1x128x128xf32, #tpu.memory_space<vmem>>
          %dma_wait3A_83 = tpu.memref_squeeze %dma_wait3A_82 : memref<1x128x128xf32, #tpu.memory_space<vmem>> -> memref<128x128xf32, #tpu.memory_space<vmem>>
          %dma_wait3A_84 = arith.constant 0 : i32
          %dma_wait3A_85 = tpu.memref_slice %arg4[%mul3A_15, %dma_wait3A_84] : memref<297984x128xf32, #tpu.memory_space<hbm>> -> memref<128x128xf32, #tpu.memory_space<hbm>>
          %dma_wait3A_86 = arith.constant 0 : i32
          %dma_wait3A_87 = tpu.memref_slice %arg4[%mul3A_15, %dma_wait3A_86] : memref<297984x128xf32, #tpu.memory_space<hbm>> -> memref<128x128xf32, #tpu.memory_space<hbm>>
          %dma_wait3A_88 = arith.constant 0 : i32
          %dma_wait3A_89 = arith.constant 0 : i32
          %dma_wait3A_90 = tpu.memref_slice %arg6[%run_scoped3A_53, %dma_wait3A_88, %dma_wait3A_89] : memref<2x128x128xf32, #tpu.memory_space<vmem>> -> memref<1x128x128xf32, #tpu.memory_space<vmem>>
          %dma_wait3A_91 = tpu.memref_squeeze %dma_wait3A_90 : memref<1x128x128xf32, #tpu.memory_space<vmem>> -> memref<128x128xf32, #tpu.memory_space<vmem>>
          tpu.wait_dma2 semaphore(%run_scoped3A_67 : memref<!tpu.dma_semaphore, #tpu.memory_space<semaphore_mem>>) src(%dma_wait3A_91 : memref<128x128xf32, #tpu.memory_space<vmem>>) dst(%dma_wait3A_87 : memref<128x128xf32, #tpu.memory_space<hbm>>)
          tpu.yield
        }) : () -> ()
        %dma_wait3A_54 = arith.constant 1 : i32
        %dma_wait3A_55 = arith.constant 1 : i32
        %dma_wait3A_56 = arith.constant 0 : i32
        %dma_wait3A_57 = arith.constant 0 : i32
        %dma_wait3A_58 = tpu.memref_slice %arg6[%dma_wait3A_55, %dma_wait3A_56, %dma_wait3A_57] : memref<2x128x128xf32, #tpu.memory_space<vmem>> -> memref<1x128x128xf32, #tpu.memory_space<vmem>>
        %dma_wait3A_59 = tpu.memref_squeeze %dma_wait3A_58 : memref<1x128x128xf32, #tpu.memory_space<vmem>> -> memref<128x128xf32, #tpu.memory_space<vmem>>
        %dma_wait3A_60 = arith.constant 0 : i32
        %dma_wait3A_61 = tpu.memref_slice %arg5[%dma_wait3A_54, %dma_wait3A_60] : memref<2x128xi32, #tpu.memory_space<vmem>> -> memref<1x128xi32, #tpu.memory_space<vmem>>
        %dma_wait3A_62 = tpu.memref_squeeze %dma_wait3A_61 : memref<1x128xi32, #tpu.memory_space<vmem>> -> memref<128xi32, #tpu.memory_space<vmem>>
        %dma_wait3A_63 = arith.constant 0 : i32
        %dma_wait3A_64 = arith.constant 0 : i32
        %dma_wait3A_65 = tpu.memref_slice %arg2[%dma_wait3A_63, %dma_wait3A_64] : memref<196609x128xf32, #tpu.memory_space<hbm>> -> memref<196609x128xf32, #tpu.memory_space<hbm>>
        tpu.wait_indirect_dma semaphore(%arg8 : memref<!tpu.dma_semaphore, #tpu.memory_space<semaphore_mem>>) src(%dma_wait3A_65 : memref<196609x128xf32, #tpu.memory_space<hbm>>) dst(%dma_wait3A_59 : memref<128x128xf32, #tpu.memory_space<vmem>>)
        %run_scoped3A_66 = arith.constant 1 : i32
        "tpu.region"() ({
          %run_scoped3A_67 = tpu.sem_alloc : memref<!tpu.dma_semaphore, #tpu.memory_space<semaphore_mem>>
          %dma_start3A_68 = arith.constant 0 : i32
          %dma_start3A_69 = arith.constant 0 : i32
          %dma_start3A_70 = tpu.memref_slice %arg6[%run_scoped3A_66, %dma_start3A_68, %dma_start3A_69] : memref<2x128x128xf32, #tpu.memory_space<vmem>> -> memref<1x128x128xf32, #tpu.memory_space<vmem>>
          %dma_start3A_71 = tpu.memref_squeeze %dma_start3A_70 : memref<1x128x128xf32, #tpu.memory_space<vmem>> -> memref<128x128xf32, #tpu.memory_space<vmem>>
          %dma_start3A_72 = arith.constant 0 : i32
          %dma_start3A_73 = tpu.memref_slice %arg4[%add3A_17, %dma_start3A_72] : memref<297984x128xf32, #tpu.memory_space<hbm>> -> memref<128x128xf32, #tpu.memory_space<hbm>>
          %dma_start3A_74 = arith.constant 0 : i32
          %dma_start3A_75 = tpu.memref_slice %arg4[%add3A_17, %dma_start3A_74] : memref<297984x128xf32, #tpu.memory_space<hbm>> -> memref<128x128xf32, #tpu.memory_space<hbm>>
          %dma_start3A_76 = arith.constant 0 : i32
          %dma_start3A_77 = arith.constant 0 : i32
          %dma_start3A_78 = tpu.memref_slice %arg6[%run_scoped3A_66, %dma_start3A_76, %dma_start3A_77] : memref<2x128x128xf32, #tpu.memory_space<vmem>> -> memref<1x128x128xf32, #tpu.memory_space<vmem>>
          %dma_start3A_79 = tpu.memref_squeeze %dma_start3A_78 : memref<1x128x128xf32, #tpu.memory_space<vmem>> -> memref<128x128xf32, #tpu.memory_space<vmem>>
          tpu.enqueue_dma source(%dma_start3A_79 : memref<128x128xf32, #tpu.memory_space<vmem>>) target(%dma_start3A_75 : memref<128x128xf32, #tpu.memory_space<hbm>>) target_semaphore(%run_scoped3A_67 : memref<!tpu.dma_semaphore, #tpu.memory_space<semaphore_mem>>)
          %dma_wait3A_80 = arith.constant 0 : i32
          %dma_wait3A_81 = arith.constant 0 : i32
          %dma_wait3A_82 = tpu.memref_slice %arg6[%run_scoped3A_66, %dma_wait3A_80, %dma_wait3A_81] : memref<2x128x128xf32, #tpu.memory_space<vmem>> -> memref<1x128x128xf32, #tpu.memory_space<vmem>>
          %dma_wait3A_83 = tpu.memref_squeeze %dma_wait3A_82 : memref<1x128x128xf32, #tpu.memory_space<vmem>> -> memref<128x128xf32, #tpu.memory_space<vmem>>
          %dma_wait3A_84 = arith.constant 0 : i32
          %dma_wait3A_85 = tpu.memref_slice %arg4[%add3A_17, %dma_wait3A_84] : memref<297984x128xf32, #tpu.memory_space<hbm>> -> memref<128x128xf32, #tpu.memory_space<hbm>>
          %dma_wait3A_86 = arith.constant 0 : i32
          %dma_wait3A_87 = tpu.memref_slice %arg4[%add3A_17, %dma_wait3A_86] : memref<297984x128xf32, #tpu.memory_space<hbm>> -> memref<128x128xf32, #tpu.memory_space<hbm>>
          %dma_wait3A_88 = arith.constant 0 : i32
          %dma_wait3A_89 = arith.constant 0 : i32
          %dma_wait3A_90 = tpu.memref_slice %arg6[%run_scoped3A_66, %dma_wait3A_88, %dma_wait3A_89] : memref<2x128x128xf32, #tpu.memory_space<vmem>> -> memref<1x128x128xf32, #tpu.memory_space<vmem>>
          %dma_wait3A_91 = tpu.memref_squeeze %dma_wait3A_90 : memref<1x128x128xf32, #tpu.memory_space<vmem>> -> memref<128x128xf32, #tpu.memory_space<vmem>>
          tpu.wait_dma2 semaphore(%run_scoped3A_67 : memref<!tpu.dma_semaphore, #tpu.memory_space<semaphore_mem>>) src(%dma_wait3A_91 : memref<128x128xf32, #tpu.memory_space<vmem>>) dst(%dma_wait3A_87 : memref<128x128xf32, #tpu.memory_space<hbm>>)
          tpu.yield
        }) : () -> ()
      } else {
      }
    }
    %scan3A_5 = arith.constant 37 : i32
    return
  }
}

#map = affine_map<(d0, d1) -> (0, 0)>
#map1 = affine_map<(d0, d1) -> (0)>
module attributes {stable_mosaic.version = 14 : i64} {
  func.func @body(%arg0: i32, %arg1: i32, %arg2: memref<196609x128xf32, #tpu.memory_space<hbm>>, %arg3: memref<297984xi32, #tpu.memory_space<hbm>>, %arg4: memref<297984x128xf32, #tpu.memory_space<hbm>>, %arg5: memref<2x128xi32, #tpu.memory_space<vmem>>, %arg6: memref<2x128x128xf32, #tpu.memory_space<vmem>>, %arg7: memref<!tpu.dma_semaphore, #tpu.memory_space<semaphore_mem>>, %arg8: memref<!tpu.dma_semaphore, #tpu.memory_space<semaphore_mem>>) attributes {dimension_semantics = [#tpu.dimension_semantics<core_parallel>, #tpu.dimension_semantics<subcore_parallel>], iteration_bounds = array<i64: 2, 16>, scalar_prefetch = 0 : i64, scratch_operands = 4 : i64, tpu.core_type = #tpu.core_type<sc_vector_subcore>, window_params = [{transform_indices = #map}, {transform_indices = #map1}, {transform_indices = #map}]} {
    %mul3A = arith.constant 2 : i32
    %mul3A_0 = arith.muli %arg1, %mul3A : i32
    %add3A = arith.addi %mul3A_0, %arg0 : i32
    %scan3A = arith.constant 0 : i32
    %scan3A_1 = arith.constant 0 : i32
    %scan3A_2 = arith.constant 37 : i32
    %scan3A_3 = arith.addi %scan3A_1, %scan3A_2 : i32
    %scan3A_4 = arith.constant 1 : i32
    scf.for %scan3A_6 = %scan3A_1 to %scan3A_3 step %scan3A_4  : i32 {
      %mul3A_7 = arith.constant 32 : i32
      %mul3A_8 = arith.muli %scan3A_6, %mul3A_7 : i32
      %add3A_9 = arith.addi %add3A, %mul3A_8 : i32
      %mul3A_10 = arith.constant 2 : i32
      %mul3A_11 = arith.muli %mul3A_10, %add3A_9 : i32
      %lt3A = arith.constant 2328 : i32
      %lt3A_12 = arith.cmpi slt, %mul3A_11, %lt3A : i32
      %convert_element_type3A = arith.extui %lt3A_12 : i1 to i32
      %cond3A = arith.constant 0 : i32
      %cond3A_13 = arith.cmpi ne, %convert_element_type3A, %cond3A : i32
      scf.if %cond3A_13 {
        %mul3A_14 = arith.constant 128 : i32
        %mul3A_15 = arith.muli %mul3A_11, %mul3A_14 : i32
        %add3A_16 = arith.constant 128 : i32
        %add3A_17 = arith.addi %mul3A_15, %add3A_16 : i32
        %run_scoped3A = arith.constant 0 : i32
        "tpu.region"() ({
          %run_scoped3A_67 = tpu.sem_alloc : memref<!tpu.dma_semaphore, #tpu.memory_space<semaphore_mem>>
          %dma_start3A_68 = arith.constant 0 : i32
          %dma_start3A_69 = tpu.memref_slice %arg5[%run_scoped3A, %dma_start3A_68] : memref<2x128xi32, #tpu.memory_space<vmem>> -> memref<1x128xi32, #tpu.memory_space<vmem>>
          %dma_start3A_70 = tpu.memref_squeeze %dma_start3A_69 : memref<1x128xi32, #tpu.memory_space<vmem>> -> memref<128xi32, #tpu.memory_space<vmem>>
          %dma_start3A_71 = tpu.memref_slice %arg3[%mul3A_15] : memref<297984xi32, #tpu.memory_space<hbm>> -> memref<128xi32, #tpu.memory_space<hbm>>
          %dma_start3A_72 = arith.constant 0 : i32
          %dma_start3A_73 = tpu.memref_slice %arg5[%run_scoped3A, %dma_start3A_72] : memref<2x128xi32, #tpu.memory_space<vmem>> -> memref<1x128xi32, #tpu.memory_space<vmem>>
          %dma_start3A_74 = tpu.memref_squeeze %dma_start3A_73 : memref<1x128xi32, #tpu.memory_space<vmem>> -> memref<128xi32, #tpu.memory_space<vmem>>
          %dma_start3A_75 = tpu.memref_slice %arg3[%mul3A_15] : memref<297984xi32, #tpu.memory_space<hbm>> -> memref<128xi32, #tpu.memory_space<hbm>>
          tpu.enqueue_dma source(%dma_start3A_75 : memref<128xi32, #tpu.memory_space<hbm>>) target(%dma_start3A_74 : memref<128xi32, #tpu.memory_space<vmem>>) target_semaphore(%run_scoped3A_67 : memref<!tpu.dma_semaphore, #tpu.memory_space<semaphore_mem>>)
          %dma_wait3A_76 = arith.constant 0 : i32
          %dma_wait3A_77 = tpu.memref_slice %arg5[%run_scoped3A, %dma_wait3A_76] : memref<2x128xi32, #tpu.memory_space<vmem>> -> memref<1x128xi32, #tpu.memory_space<vmem>>
          %dma_wait3A_78 = tpu.memref_squeeze %dma_wait3A_77 : memref<1x128xi32, #tpu.memory_space<vmem>> -> memref<128xi32, #tpu.memory_space<vmem>>
          %dma_wait3A_79 = tpu.memref_slice %arg3[%mul3A_15] : memref<297984xi32, #tpu.memory_space<hbm>> -> memref<128xi32, #tpu.memory_space<hbm>>
          %dma_wait3A_80 = arith.constant 0 : i32
          %dma_wait3A_81 = tpu.memref_slice %arg5[%run_scoped3A, %dma_wait3A_80] : memref<2x128xi32, #tpu.memory_space<vmem>> -> memref<1x128xi32, #tpu.memory_space<vmem>>
          %dma_wait3A_82 = tpu.memref_squeeze %dma_wait3A_81 : memref<1x128xi32, #tpu.memory_space<vmem>> -> memref<128xi32, #tpu.memory_space<vmem>>
          %dma_wait3A_83 = tpu.memref_slice %arg3[%mul3A_15] : memref<297984xi32, #tpu.memory_space<hbm>> -> memref<128xi32, #tpu.memory_space<hbm>>
          tpu.wait_dma2 semaphore(%run_scoped3A_67 : memref<!tpu.dma_semaphore, #tpu.memory_space<semaphore_mem>>) src(%dma_wait3A_83 : memref<128xi32, #tpu.memory_space<hbm>>) dst(%dma_wait3A_82 : memref<128xi32, #tpu.memory_space<vmem>>)
          tpu.yield
        }) : () -> ()
        %dma_start3A = arith.constant 0 : i32
        %dma_start3A_18 = arith.constant 0 : i32
        %dma_start3A_19 = arith.constant 0 : i32
        %dma_start3A_20 = arith.constant 0 : i32
        %dma_start3A_21 = tpu.memref_slice %arg6[%dma_start3A_18, %dma_start3A_19, %dma_start3A_20] : memref<2x128x128xf32, #tpu.memory_space<vmem>> -> memref<1x128x128xf32, #tpu.memory_space<vmem>>
        %dma_start3A_22 = tpu.memref_squeeze %dma_start3A_21 : memref<1x128x128xf32, #tpu.memory_space<vmem>> -> memref<128x128xf32, #tpu.memory_space<vmem>>
        %dma_start3A_23 = arith.constant 0 : i32
        %dma_start3A_24 = tpu.memref_slice %arg5[%dma_start3A, %dma_start3A_23] : memref<2x128xi32, #tpu.memory_space<vmem>> -> memref<1x128xi32, #tpu.memory_space<vmem>>
        %dma_start3A_25 = tpu.memref_squeeze %dma_start3A_24 : memref<1x128xi32, #tpu.memory_space<vmem>> -> memref<128xi32, #tpu.memory_space<vmem>>
        %dma_start3A_26 = arith.constant 0 : i32
        %dma_start3A_27 = arith.constant 0 : i32
        %dma_start3A_28 = tpu.memref_slice %arg2[%dma_start3A_26, %dma_start3A_27] : memref<196609x128xf32, #tpu.memory_space<hbm>> -> memref<196609x128xf32, #tpu.memory_space<hbm>>
        tpu.enqueue_indirect_dma source(%dma_start3A_28 : memref<196609x128xf32, #tpu.memory_space<hbm>>) target(%dma_start3A_22 : memref<128x128xf32, #tpu.memory_space<vmem>>) offsets(%dma_start3A_25 : memref<128xi32, #tpu.memory_space<vmem>>) semaphore(%arg7 : memref<!tpu.dma_semaphore, #tpu.memory_space<semaphore_mem>>)
        %run_scoped3A_29 = arith.constant 1 : i32
        "tpu.region"() ({
          %run_scoped3A_67 = tpu.sem_alloc : memref<!tpu.dma_semaphore, #tpu.memory_space<semaphore_mem>>
          %dma_start3A_68 = arith.constant 0 : i32
          %dma_start3A_69 = tpu.memref_slice %arg5[%run_scoped3A_29, %dma_start3A_68] : memref<2x128xi32, #tpu.memory_space<vmem>> -> memref<1x128xi32, #tpu.memory_space<vmem>>
          %dma_start3A_70 = tpu.memref_squeeze %dma_start3A_69 : memref<1x128xi32, #tpu.memory_space<vmem>> -> memref<128xi32, #tpu.memory_space<vmem>>
          %dma_start3A_71 = tpu.memref_slice %arg3[%add3A_17] : memref<297984xi32, #tpu.memory_space<hbm>> -> memref<128xi32, #tpu.memory_space<hbm>>
          %dma_start3A_72 = arith.constant 0 : i32
          %dma_start3A_73 = tpu.memref_slice %arg5[%run_scoped3A_29, %dma_start3A_72] : memref<2x128xi32, #tpu.memory_space<vmem>> -> memref<1x128xi32, #tpu.memory_space<vmem>>
          %dma_start3A_74 = tpu.memref_squeeze %dma_start3A_73 : memref<1x128xi32, #tpu.memory_space<vmem>> -> memref<128xi32, #tpu.memory_space<vmem>>
          %dma_start3A_75 = tpu.memref_slice %arg3[%add3A_17] : memref<297984xi32, #tpu.memory_space<hbm>> -> memref<128xi32, #tpu.memory_space<hbm>>
          tpu.enqueue_dma source(%dma_start3A_75 : memref<128xi32, #tpu.memory_space<hbm>>) target(%dma_start3A_74 : memref<128xi32, #tpu.memory_space<vmem>>) target_semaphore(%run_scoped3A_67 : memref<!tpu.dma_semaphore, #tpu.memory_space<semaphore_mem>>)
          %dma_wait3A_76 = arith.constant 0 : i32
          %dma_wait3A_77 = tpu.memref_slice %arg5[%run_scoped3A_29, %dma_wait3A_76] : memref<2x128xi32, #tpu.memory_space<vmem>> -> memref<1x128xi32, #tpu.memory_space<vmem>>
          %dma_wait3A_78 = tpu.memref_squeeze %dma_wait3A_77 : memref<1x128xi32, #tpu.memory_space<vmem>> -> memref<128xi32, #tpu.memory_space<vmem>>
          %dma_wait3A_79 = tpu.memref_slice %arg3[%add3A_17] : memref<297984xi32, #tpu.memory_space<hbm>> -> memref<128xi32, #tpu.memory_space<hbm>>
          %dma_wait3A_80 = arith.constant 0 : i32
          %dma_wait3A_81 = tpu.memref_slice %arg5[%run_scoped3A_29, %dma_wait3A_80] : memref<2x128xi32, #tpu.memory_space<vmem>> -> memref<1x128xi32, #tpu.memory_space<vmem>>
          %dma_wait3A_82 = tpu.memref_squeeze %dma_wait3A_81 : memref<1x128xi32, #tpu.memory_space<vmem>> -> memref<128xi32, #tpu.memory_space<vmem>>
          %dma_wait3A_83 = tpu.memref_slice %arg3[%add3A_17] : memref<297984xi32, #tpu.memory_space<hbm>> -> memref<128xi32, #tpu.memory_space<hbm>>
          tpu.wait_dma2 semaphore(%run_scoped3A_67 : memref<!tpu.dma_semaphore, #tpu.memory_space<semaphore_mem>>) src(%dma_wait3A_83 : memref<128xi32, #tpu.memory_space<hbm>>) dst(%dma_wait3A_82 : memref<128xi32, #tpu.memory_space<vmem>>)
          tpu.yield
        }) : () -> ()
        %dma_start3A_30 = arith.constant 1 : i32
        %dma_start3A_31 = arith.constant 1 : i32
        %dma_start3A_32 = arith.constant 0 : i32
        %dma_start3A_33 = arith.constant 0 : i32
        %dma_start3A_34 = tpu.memref_slice %arg6[%dma_start3A_31, %dma_start3A_32, %dma_start3A_33] : memref<2x128x128xf32, #tpu.memory_space<vmem>> -> memref<1x128x128xf32, #tpu.memory_space<vmem>>
        %dma_start3A_35 = tpu.memref_squeeze %dma_start3A_34 : memref<1x128x128xf32, #tpu.memory_space<vmem>> -> memref<128x128xf32, #tpu.memory_space<vmem>>
        %dma_start3A_36 = arith.constant 0 : i32
        %dma_start3A_37 = tpu.memref_slice %arg5[%dma_start3A_30, %dma_start3A_36] : memref<2x128xi32, #tpu.memory_space<vmem>> -> memref<1x128xi32, #tpu.memory_space<vmem>>
        %dma_start3A_38 = tpu.memref_squeeze %dma_start3A_37 : memref<1x128xi32, #tpu.memory_space<vmem>> -> memref<128xi32, #tpu.memory_space<vmem>>
        %dma_start3A_39 = arith.constant 0 : i32
        %dma_start3A_40 = arith.constant 0 : i32
        %dma_start3A_41 = tpu.memref_slice %arg2[%dma_start3A_39, %dma_start3A_40] : memref<196609x128xf32, #tpu.memory_space<hbm>> -> memref<196609x128xf32, #tpu.memory_space<hbm>>
        tpu.enqueue_indirect_dma source(%dma_start3A_41 : memref<196609x128xf32, #tpu.memory_space<hbm>>) target(%dma_start3A_35 : memref<128x128xf32, #tpu.memory_space<vmem>>) offsets(%dma_start3A_38 : memref<128xi32, #tpu.memory_space<vmem>>) semaphore(%arg8 : memref<!tpu.dma_semaphore, #tpu.memory_space<semaphore_mem>>)
        %dma_wait3A = arith.constant 0 : i32
        %dma_wait3A_42 = arith.constant 0 : i32
        %dma_wait3A_43 = arith.constant 0 : i32
        %dma_wait3A_44 = arith.constant 0 : i32
        %dma_wait3A_45 = tpu.memref_slice %arg6[%dma_wait3A_42, %dma_wait3A_43, %dma_wait3A_44] : memref<2x128x128xf32, #tpu.memory_space<vmem>> -> memref<1x128x128xf32, #tpu.memory_space<vmem>>
        %dma_wait3A_46 = tpu.memref_squeeze %dma_wait3A_45 : memref<1x128x128xf32, #tpu.memory_space<vmem>> -> memref<128x128xf32, #tpu.memory_space<vmem>>
        %dma_wait3A_47 = arith.constant 0 : i32
        %dma_wait3A_48 = tpu.memref_slice %arg5[%dma_wait3A, %dma_wait3A_47] : memref<2x128xi32, #tpu.memory_space<vmem>> -> memref<1x128xi32, #tpu.memory_space<vmem>>
        %dma_wait3A_49 = tpu.memref_squeeze %dma_wait3A_48 : memref<1x128xi32, #tpu.memory_space<vmem>> -> memref<128xi32, #tpu.memory_space<vmem>>
        %dma_wait3A_50 = arith.constant 0 : i32
        %dma_wait3A_51 = arith.constant 0 : i32
        %dma_wait3A_52 = tpu.memref_slice %arg2[%dma_wait3A_50, %dma_wait3A_51] : memref<196609x128xf32, #tpu.memory_space<hbm>> -> memref<196609x128xf32, #tpu.memory_space<hbm>>
        tpu.wait_indirect_dma semaphore(%arg7 : memref<!tpu.dma_semaphore, #tpu.memory_space<semaphore_mem>>) src(%dma_wait3A_52 : memref<196609x128xf32, #tpu.memory_space<hbm>>) dst(%dma_wait3A_46 : memref<128x128xf32, #tpu.memory_space<vmem>>)
        %run_scoped3A_53 = arith.constant 0 : i32
        "tpu.region"() ({
          %run_scoped3A_67 = tpu.sem_alloc : memref<!tpu.dma_semaphore, #tpu.memory_space<semaphore_mem>>
          %dma_start3A_68 = arith.constant 0 : i32
          %dma_start3A_69 = arith.constant 0 : i32
          %dma_start3A_70 = tpu.memref_slice %arg6[%run_scoped3A_53, %dma_start3A_68, %dma_start3A_69] : memref<2x128x128xf32, #tpu.memory_space<vmem>> -> memref<1x128x128xf32, #tpu.memory_space<vmem>>
          %dma_start3A_71 = tpu.memref_squeeze %dma_start3A_70 : memref<1x128x128xf32, #tpu.memory_space<vmem>> -> memref<128x128xf32, #tpu.memory_space<vmem>>
          %dma_start3A_72 = arith.constant 0 : i32
          %dma_start3A_73 = tpu.memref_slice %arg4[%mul3A_15, %dma_start3A_72] : memref<297984x128xf32, #tpu.memory_space<hbm>> -> memref<128x128xf32, #tpu.memory_space<hbm>>
          %dma_start3A_74 = arith.constant 0 : i32
          %dma_start3A_75 = tpu.memref_slice %arg4[%mul3A_15, %dma_start3A_74] : memref<297984x128xf32, #tpu.memory_space<hbm>> -> memref<128x128xf32, #tpu.memory_space<hbm>>
          %dma_start3A_76 = arith.constant 0 : i32
          %dma_start3A_77 = arith.constant 0 : i32
          %dma_start3A_78 = tpu.memref_slice %arg6[%run_scoped3A_53, %dma_start3A_76, %dma_start3A_77] : memref<2x128x128xf32, #tpu.memory_space<vmem>> -> memref<1x128x128xf32, #tpu.memory_space<vmem>>
          %dma_start3A_79 = tpu.memref_squeeze %dma_start3A_78 : memref<1x128x128xf32, #tpu.memory_space<vmem>> -> memref<128x128xf32, #tpu.memory_space<vmem>>
          tpu.enqueue_dma source(%dma_start3A_79 : memref<128x128xf32, #tpu.memory_space<vmem>>) target(%dma_start3A_75 : memref<128x128xf32, #tpu.memory_space<hbm>>) target_semaphore(%run_scoped3A_67 : memref<!tpu.dma_semaphore, #tpu.memory_space<semaphore_mem>>)
          %dma_wait3A_80 = arith.constant 0 : i32
          %dma_wait3A_81 = arith.constant 0 : i32
          %dma_wait3A_82 = tpu.memref_slice %arg6[%run_scoped3A_53, %dma_wait3A_80, %dma_wait3A_81] : memref<2x128x128xf32, #tpu.memory_space<vmem>> -> memref<1x128x128xf32, #tpu.memory_space<vmem>>
          %dma_wait3A_83 = tpu.memref_squeeze %dma_wait3A_82 : memref<1x128x128xf32, #tpu.memory_space<vmem>> -> memref<128x128xf32, #tpu.memory_space<vmem>>
          %dma_wait3A_84 = arith.constant 0 : i32
          %dma_wait3A_85 = tpu.memref_slice %arg4[%mul3A_15, %dma_wait3A_84] : memref<297984x128xf32, #tpu.memory_space<hbm>> -> memref<128x128xf32, #tpu.memory_space<hbm>>
          %dma_wait3A_86 = arith.constant 0 : i32
          %dma_wait3A_87 = tpu.memref_slice %arg4[%mul3A_15, %dma_wait3A_86] : memref<297984x128xf32, #tpu.memory_space<hbm>> -> memref<128x128xf32, #tpu.memory_space<hbm>>
          %dma_wait3A_88 = arith.constant 0 : i32
          %dma_wait3A_89 = arith.constant 0 : i32
          %dma_wait3A_90 = tpu.memref_slice %arg6[%run_scoped3A_53, %dma_wait3A_88, %dma_wait3A_89] : memref<2x128x128xf32, #tpu.memory_space<vmem>> -> memref<1x128x128xf32, #tpu.memory_space<vmem>>
          %dma_wait3A_91 = tpu.memref_squeeze %dma_wait3A_90 : memref<1x128x128xf32, #tpu.memory_space<vmem>> -> memref<128x128xf32, #tpu.memory_space<vmem>>
          tpu.wait_dma2 semaphore(%run_scoped3A_67 : memref<!tpu.dma_semaphore, #tpu.memory_space<semaphore_mem>>) src(%dma_wait3A_91 : memref<128x128xf32, #tpu.memory_space<vmem>>) dst(%dma_wait3A_87 : memref<128x128xf32, #tpu.memory_space<hbm>>)
          tpu.yield
        }) : () -> ()
        %dma_wait3A_54 = arith.constant 1 : i32
        %dma_wait3A_55 = arith.constant 1 : i32
        %dma_wait3A_56 = arith.constant 0 : i32
        %dma_wait3A_57 = arith.constant 0 : i32
        %dma_wait3A_58 = tpu.memref_slice %arg6[%dma_wait3A_55, %dma_wait3A_56, %dma_wait3A_57] : memref<2x128x128xf32, #tpu.memory_space<vmem>> -> memref<1x128x128xf32, #tpu.memory_space<vmem>>
        %dma_wait3A_59 = tpu.memref_squeeze %dma_wait3A_58 : memref<1x128x128xf32, #tpu.memory_space<vmem>> -> memref<128x128xf32, #tpu.memory_space<vmem>>
        %dma_wait3A_60 = arith.constant 0 : i32
        %dma_wait3A_61 = tpu.memref_slice %arg5[%dma_wait3A_54, %dma_wait3A_60] : memref<2x128xi32, #tpu.memory_space<vmem>> -> memref<1x128xi32, #tpu.memory_space<vmem>>
        %dma_wait3A_62 = tpu.memref_squeeze %dma_wait3A_61 : memref<1x128xi32, #tpu.memory_space<vmem>> -> memref<128xi32, #tpu.memory_space<vmem>>
        %dma_wait3A_63 = arith.constant 0 : i32
        %dma_wait3A_64 = arith.constant 0 : i32
        %dma_wait3A_65 = tpu.memref_slice %arg2[%dma_wait3A_63, %dma_wait3A_64] : memref<196609x128xf32, #tpu.memory_space<hbm>> -> memref<196609x128xf32, #tpu.memory_space<hbm>>
        tpu.wait_indirect_dma semaphore(%arg8 : memref<!tpu.dma_semaphore, #tpu.memory_space<semaphore_mem>>) src(%dma_wait3A_65 : memref<196609x128xf32, #tpu.memory_space<hbm>>) dst(%dma_wait3A_59 : memref<128x128xf32, #tpu.memory_space<vmem>>)
        %run_scoped3A_66 = arith.constant 1 : i32
        "tpu.region"() ({
          %run_scoped3A_67 = tpu.sem_alloc : memref<!tpu.dma_semaphore, #tpu.memory_space<semaphore_mem>>
          %dma_start3A_68 = arith.constant 0 : i32
          %dma_start3A_69 = arith.constant 0 : i32
          %dma_start3A_70 = tpu.memref_slice %arg6[%run_scoped3A_66, %dma_start3A_68, %dma_start3A_69] : memref<2x128x128xf32, #tpu.memory_space<vmem>> -> memref<1x128x128xf32, #tpu.memory_space<vmem>>
          %dma_start3A_71 = tpu.memref_squeeze %dma_start3A_70 : memref<1x128x128xf32, #tpu.memory_space<vmem>> -> memref<128x128xf32, #tpu.memory_space<vmem>>
          %dma_start3A_72 = arith.constant 0 : i32
          %dma_start3A_73 = tpu.memref_slice %arg4[%add3A_17, %dma_start3A_72] : memref<297984x128xf32, #tpu.memory_space<hbm>> -> memref<128x128xf32, #tpu.memory_space<hbm>>
          %dma_start3A_74 = arith.constant 0 : i32
          %dma_start3A_75 = tpu.memref_slice %arg4[%add3A_17, %dma_start3A_74] : memref<297984x128xf32, #tpu.memory_space<hbm>> -> memref<128x128xf32, #tpu.memory_space<hbm>>
          %dma_start3A_76 = arith.constant 0 : i32
          %dma_start3A_77 = arith.constant 0 : i32
          %dma_start3A_78 = tpu.memref_slice %arg6[%run_scoped3A_66, %dma_start3A_76, %dma_start3A_77] : memref<2x128x128xf32, #tpu.memory_space<vmem>> -> memref<1x128x128xf32, #tpu.memory_space<vmem>>
          %dma_start3A_79 = tpu.memref_squeeze %dma_start3A_78 : memref<1x128x128xf32, #tpu.memory_space<vmem>> -> memref<128x128xf32, #tpu.memory_space<vmem>>
          tpu.enqueue_dma source(%dma_start3A_79 : memref<128x128xf32, #tpu.memory_space<vmem>>) target(%dma_start3A_75 : memref<128x128xf32, #tpu.memory_space<hbm>>) target_semaphore(%run_scoped3A_67 : memref<!tpu.dma_semaphore, #tpu.memory_space<semaphore_mem>>)
          %dma_wait3A_80 = arith.constant 0 : i32
          %dma_wait3A_81 = arith.constant 0 : i32
          %dma_wait3A_82 = tpu.memref_slice %arg6[%run_scoped3A_66, %dma_wait3A_80, %dma_wait3A_81] : memref<2x128x128xf32, #tpu.memory_space<vmem>> -> memref<1x128x128xf32, #tpu.memory_space<vmem>>
          %dma_wait3A_83 = tpu.memref_squeeze %dma_wait3A_82 : memref<1x128x128xf32, #tpu.memory_space<vmem>> -> memref<128x128xf32, #tpu.memory_space<vmem>>
          %dma_wait3A_84 = arith.constant 0 : i32
          %dma_wait3A_85 = tpu.memref_slice %arg4[%add3A_17, %dma_wait3A_84] : memref<297984x128xf32, #tpu.memory_space<hbm>> -> memref<128x128xf32, #tpu.memory_space<hbm>>
          %dma_wait3A_86 = arith.constant 0 : i32
          %dma_wait3A_87 = tpu.memref_slice %arg4[%add3A_17, %dma_wait3A_86] : memref<297984x128xf32, #tpu.memory_space<hbm>> -> memref<128x128xf32, #tpu.memory_space<hbm>>
          %dma_wait3A_88 = arith.constant 0 : i32
          %dma_wait3A_89 = arith.constant 0 : i32
          %dma_wait3A_90 = tpu.memref_slice %arg6[%run_scoped3A_66, %dma_wait3A_88, %dma_wait3A_89] : memref<2x128x128xf32, #tpu.memory_space<vmem>> -> memref<1x128x128xf32, #tpu.memory_space<vmem>>
          %dma_wait3A_91 = tpu.memref_squeeze %dma_wait3A_90 : memref<1x128x128xf32, #tpu.memory_space<vmem>> -> memref<128x128xf32, #tpu.memory_space<vmem>>
          tpu.wait_dma2 semaphore(%run_scoped3A_67 : memref<!tpu.dma_semaphore, #tpu.memory_space<semaphore_mem>>) src(%dma_wait3A_91 : memref<128x128xf32, #tpu.memory_space<vmem>>) dst(%dma_wait3A_87 : memref<128x128xf32, #tpu.memory_space<hbm>>)
          tpu.yield
        }) : () -> ()
      } else {
      }
    }
    %scan3A_5 = arith.constant 37 : i32
    return
  }
}

#map = affine_map<(d0, d1) -> (0, 0)>
#map1 = affine_map<(d0, d1) -> (0)>
module attributes {stable_mosaic.version = 14 : i64} {
  func.func @body(%arg0: i32, %arg1: i32, %arg2: memref<196609x128xf32, #tpu.memory_space<hbm>>, %arg3: memref<197120xi32, #tpu.memory_space<hbm>>, %arg4: memref<197120x128xf32, #tpu.memory_space<hbm>>, %arg5: memref<2x128xi32, #tpu.memory_space<vmem>>, %arg6: memref<2x128x128xf32, #tpu.memory_space<vmem>>, %arg7: memref<!tpu.dma_semaphore, #tpu.memory_space<semaphore_mem>>, %arg8: memref<!tpu.dma_semaphore, #tpu.memory_space<semaphore_mem>>) attributes {dimension_semantics = [#tpu.dimension_semantics<core_parallel>, #tpu.dimension_semantics<subcore_parallel>], iteration_bounds = array<i64: 2, 16>, scalar_prefetch = 0 : i64, scratch_operands = 4 : i64, tpu.core_type = #tpu.core_type<sc_vector_subcore>, window_params = [{transform_indices = #map}, {transform_indices = #map1}, {transform_indices = #map}]} {
    %mul3A = arith.constant 2 : i32
    %mul3A_0 = arith.muli %arg1, %mul3A : i32
    %add3A = arith.addi %mul3A_0, %arg0 : i32
    %scan3A = arith.constant 0 : i32
    %scan3A_1 = arith.constant 0 : i32
    %scan3A_2 = arith.constant 25 : i32
    %scan3A_3 = arith.addi %scan3A_1, %scan3A_2 : i32
    %scan3A_4 = arith.constant 1 : i32
    scf.for %scan3A_6 = %scan3A_1 to %scan3A_3 step %scan3A_4  : i32 {
      %mul3A_7 = arith.constant 32 : i32
      %mul3A_8 = arith.muli %scan3A_6, %mul3A_7 : i32
      %add3A_9 = arith.addi %add3A, %mul3A_8 : i32
      %mul3A_10 = arith.constant 2 : i32
      %mul3A_11 = arith.muli %mul3A_10, %add3A_9 : i32
      %lt3A = arith.constant 1540 : i32
      %lt3A_12 = arith.cmpi slt, %mul3A_11, %lt3A : i32
      %convert_element_type3A = arith.extui %lt3A_12 : i1 to i32
      %cond3A = arith.constant 0 : i32
      %cond3A_13 = arith.cmpi ne, %convert_element_type3A, %cond3A : i32
      scf.if %cond3A_13 {
        %mul3A_14 = arith.constant 128 : i32
        %mul3A_15 = arith.muli %mul3A_11, %mul3A_14 : i32
        %add3A_16 = arith.constant 128 : i32
        %add3A_17 = arith.addi %mul3A_15, %add3A_16 : i32
        %run_scoped3A = arith.constant 0 : i32
        "tpu.region"() ({
          %run_scoped3A_67 = tpu.sem_alloc : memref<!tpu.dma_semaphore, #tpu.memory_space<semaphore_mem>>
          %dma_start3A_68 = arith.constant 0 : i32
          %dma_start3A_69 = tpu.memref_slice %arg5[%run_scoped3A, %dma_start3A_68] : memref<2x128xi32, #tpu.memory_space<vmem>> -> memref<1x128xi32, #tpu.memory_space<vmem>>
          %dma_start3A_70 = tpu.memref_squeeze %dma_start3A_69 : memref<1x128xi32, #tpu.memory_space<vmem>> -> memref<128xi32, #tpu.memory_space<vmem>>
          %dma_start3A_71 = tpu.memref_slice %arg3[%mul3A_15] : memref<197120xi32, #tpu.memory_space<hbm>> -> memref<128xi32, #tpu.memory_space<hbm>>
          %dma_start3A_72 = arith.constant 0 : i32
          %dma_start3A_73 = tpu.memref_slice %arg5[%run_scoped3A, %dma_start3A_72] : memref<2x128xi32, #tpu.memory_space<vmem>> -> memref<1x128xi32, #tpu.memory_space<vmem>>
          %dma_start3A_74 = tpu.memref_squeeze %dma_start3A_73 : memref<1x128xi32, #tpu.memory_space<vmem>> -> memref<128xi32, #tpu.memory_space<vmem>>
          %dma_start3A_75 = tpu.memref_slice %arg3[%mul3A_15] : memref<197120xi32, #tpu.memory_space<hbm>> -> memref<128xi32, #tpu.memory_space<hbm>>
          tpu.enqueue_dma source(%dma_start3A_75 : memref<128xi32, #tpu.memory_space<hbm>>) target(%dma_start3A_74 : memref<128xi32, #tpu.memory_space<vmem>>) target_semaphore(%run_scoped3A_67 : memref<!tpu.dma_semaphore, #tpu.memory_space<semaphore_mem>>)
          %dma_wait3A_76 = arith.constant 0 : i32
          %dma_wait3A_77 = tpu.memref_slice %arg5[%run_scoped3A, %dma_wait3A_76] : memref<2x128xi32, #tpu.memory_space<vmem>> -> memref<1x128xi32, #tpu.memory_space<vmem>>
          %dma_wait3A_78 = tpu.memref_squeeze %dma_wait3A_77 : memref<1x128xi32, #tpu.memory_space<vmem>> -> memref<128xi32, #tpu.memory_space<vmem>>
          %dma_wait3A_79 = tpu.memref_slice %arg3[%mul3A_15] : memref<197120xi32, #tpu.memory_space<hbm>> -> memref<128xi32, #tpu.memory_space<hbm>>
          %dma_wait3A_80 = arith.constant 0 : i32
          %dma_wait3A_81 = tpu.memref_slice %arg5[%run_scoped3A, %dma_wait3A_80] : memref<2x128xi32, #tpu.memory_space<vmem>> -> memref<1x128xi32, #tpu.memory_space<vmem>>
          %dma_wait3A_82 = tpu.memref_squeeze %dma_wait3A_81 : memref<1x128xi32, #tpu.memory_space<vmem>> -> memref<128xi32, #tpu.memory_space<vmem>>
          %dma_wait3A_83 = tpu.memref_slice %arg3[%mul3A_15] : memref<197120xi32, #tpu.memory_space<hbm>> -> memref<128xi32, #tpu.memory_space<hbm>>
          tpu.wait_dma2 semaphore(%run_scoped3A_67 : memref<!tpu.dma_semaphore, #tpu.memory_space<semaphore_mem>>) src(%dma_wait3A_83 : memref<128xi32, #tpu.memory_space<hbm>>) dst(%dma_wait3A_82 : memref<128xi32, #tpu.memory_space<vmem>>)
          tpu.yield
        }) : () -> ()
        %dma_start3A = arith.constant 0 : i32
        %dma_start3A_18 = arith.constant 0 : i32
        %dma_start3A_19 = arith.constant 0 : i32
        %dma_start3A_20 = arith.constant 0 : i32
        %dma_start3A_21 = tpu.memref_slice %arg6[%dma_start3A_18, %dma_start3A_19, %dma_start3A_20] : memref<2x128x128xf32, #tpu.memory_space<vmem>> -> memref<1x128x128xf32, #tpu.memory_space<vmem>>
        %dma_start3A_22 = tpu.memref_squeeze %dma_start3A_21 : memref<1x128x128xf32, #tpu.memory_space<vmem>> -> memref<128x128xf32, #tpu.memory_space<vmem>>
        %dma_start3A_23 = arith.constant 0 : i32
        %dma_start3A_24 = tpu.memref_slice %arg5[%dma_start3A, %dma_start3A_23] : memref<2x128xi32, #tpu.memory_space<vmem>> -> memref<1x128xi32, #tpu.memory_space<vmem>>
        %dma_start3A_25 = tpu.memref_squeeze %dma_start3A_24 : memref<1x128xi32, #tpu.memory_space<vmem>> -> memref<128xi32, #tpu.memory_space<vmem>>
        %dma_start3A_26 = arith.constant 0 : i32
        %dma_start3A_27 = arith.constant 0 : i32
        %dma_start3A_28 = tpu.memref_slice %arg2[%dma_start3A_26, %dma_start3A_27] : memref<196609x128xf32, #tpu.memory_space<hbm>> -> memref<196609x128xf32, #tpu.memory_space<hbm>>
        tpu.enqueue_indirect_dma source(%dma_start3A_28 : memref<196609x128xf32, #tpu.memory_space<hbm>>) target(%dma_start3A_22 : memref<128x128xf32, #tpu.memory_space<vmem>>) offsets(%dma_start3A_25 : memref<128xi32, #tpu.memory_space<vmem>>) semaphore(%arg7 : memref<!tpu.dma_semaphore, #tpu.memory_space<semaphore_mem>>)
        %run_scoped3A_29 = arith.constant 1 : i32
        "tpu.region"() ({
          %run_scoped3A_67 = tpu.sem_alloc : memref<!tpu.dma_semaphore, #tpu.memory_space<semaphore_mem>>
          %dma_start3A_68 = arith.constant 0 : i32
          %dma_start3A_69 = tpu.memref_slice %arg5[%run_scoped3A_29, %dma_start3A_68] : memref<2x128xi32, #tpu.memory_space<vmem>> -> memref<1x128xi32, #tpu.memory_space<vmem>>
          %dma_start3A_70 = tpu.memref_squeeze %dma_start3A_69 : memref<1x128xi32, #tpu.memory_space<vmem>> -> memref<128xi32, #tpu.memory_space<vmem>>
          %dma_start3A_71 = tpu.memref_slice %arg3[%add3A_17] : memref<197120xi32, #tpu.memory_space<hbm>> -> memref<128xi32, #tpu.memory_space<hbm>>
          %dma_start3A_72 = arith.constant 0 : i32
          %dma_start3A_73 = tpu.memref_slice %arg5[%run_scoped3A_29, %dma_start3A_72] : memref<2x128xi32, #tpu.memory_space<vmem>> -> memref<1x128xi32, #tpu.memory_space<vmem>>
          %dma_start3A_74 = tpu.memref_squeeze %dma_start3A_73 : memref<1x128xi32, #tpu.memory_space<vmem>> -> memref<128xi32, #tpu.memory_space<vmem>>
          %dma_start3A_75 = tpu.memref_slice %arg3[%add3A_17] : memref<197120xi32, #tpu.memory_space<hbm>> -> memref<128xi32, #tpu.memory_space<hbm>>
          tpu.enqueue_dma source(%dma_start3A_75 : memref<128xi32, #tpu.memory_space<hbm>>) target(%dma_start3A_74 : memref<128xi32, #tpu.memory_space<vmem>>) target_semaphore(%run_scoped3A_67 : memref<!tpu.dma_semaphore, #tpu.memory_space<semaphore_mem>>)
          %dma_wait3A_76 = arith.constant 0 : i32
          %dma_wait3A_77 = tpu.memref_slice %arg5[%run_scoped3A_29, %dma_wait3A_76] : memref<2x128xi32, #tpu.memory_space<vmem>> -> memref<1x128xi32, #tpu.memory_space<vmem>>
          %dma_wait3A_78 = tpu.memref_squeeze %dma_wait3A_77 : memref<1x128xi32, #tpu.memory_space<vmem>> -> memref<128xi32, #tpu.memory_space<vmem>>
          %dma_wait3A_79 = tpu.memref_slice %arg3[%add3A_17] : memref<197120xi32, #tpu.memory_space<hbm>> -> memref<128xi32, #tpu.memory_space<hbm>>
          %dma_wait3A_80 = arith.constant 0 : i32
          %dma_wait3A_81 = tpu.memref_slice %arg5[%run_scoped3A_29, %dma_wait3A_80] : memref<2x128xi32, #tpu.memory_space<vmem>> -> memref<1x128xi32, #tpu.memory_space<vmem>>
          %dma_wait3A_82 = tpu.memref_squeeze %dma_wait3A_81 : memref<1x128xi32, #tpu.memory_space<vmem>> -> memref<128xi32, #tpu.memory_space<vmem>>
          %dma_wait3A_83 = tpu.memref_slice %arg3[%add3A_17] : memref<197120xi32, #tpu.memory_space<hbm>> -> memref<128xi32, #tpu.memory_space<hbm>>
          tpu.wait_dma2 semaphore(%run_scoped3A_67 : memref<!tpu.dma_semaphore, #tpu.memory_space<semaphore_mem>>) src(%dma_wait3A_83 : memref<128xi32, #tpu.memory_space<hbm>>) dst(%dma_wait3A_82 : memref<128xi32, #tpu.memory_space<vmem>>)
          tpu.yield
        }) : () -> ()
        %dma_start3A_30 = arith.constant 1 : i32
        %dma_start3A_31 = arith.constant 1 : i32
        %dma_start3A_32 = arith.constant 0 : i32
        %dma_start3A_33 = arith.constant 0 : i32
        %dma_start3A_34 = tpu.memref_slice %arg6[%dma_start3A_31, %dma_start3A_32, %dma_start3A_33] : memref<2x128x128xf32, #tpu.memory_space<vmem>> -> memref<1x128x128xf32, #tpu.memory_space<vmem>>
        %dma_start3A_35 = tpu.memref_squeeze %dma_start3A_34 : memref<1x128x128xf32, #tpu.memory_space<vmem>> -> memref<128x128xf32, #tpu.memory_space<vmem>>
        %dma_start3A_36 = arith.constant 0 : i32
        %dma_start3A_37 = tpu.memref_slice %arg5[%dma_start3A_30, %dma_start3A_36] : memref<2x128xi32, #tpu.memory_space<vmem>> -> memref<1x128xi32, #tpu.memory_space<vmem>>
        %dma_start3A_38 = tpu.memref_squeeze %dma_start3A_37 : memref<1x128xi32, #tpu.memory_space<vmem>> -> memref<128xi32, #tpu.memory_space<vmem>>
        %dma_start3A_39 = arith.constant 0 : i32
        %dma_start3A_40 = arith.constant 0 : i32
        %dma_start3A_41 = tpu.memref_slice %arg2[%dma_start3A_39, %dma_start3A_40] : memref<196609x128xf32, #tpu.memory_space<hbm>> -> memref<196609x128xf32, #tpu.memory_space<hbm>>
        tpu.enqueue_indirect_dma source(%dma_start3A_41 : memref<196609x128xf32, #tpu.memory_space<hbm>>) target(%dma_start3A_35 : memref<128x128xf32, #tpu.memory_space<vmem>>) offsets(%dma_start3A_38 : memref<128xi32, #tpu.memory_space<vmem>>) semaphore(%arg8 : memref<!tpu.dma_semaphore, #tpu.memory_space<semaphore_mem>>)
        %dma_wait3A = arith.constant 0 : i32
        %dma_wait3A_42 = arith.constant 0 : i32
        %dma_wait3A_43 = arith.constant 0 : i32
        %dma_wait3A_44 = arith.constant 0 : i32
        %dma_wait3A_45 = tpu.memref_slice %arg6[%dma_wait3A_42, %dma_wait3A_43, %dma_wait3A_44] : memref<2x128x128xf32, #tpu.memory_space<vmem>> -> memref<1x128x128xf32, #tpu.memory_space<vmem>>
        %dma_wait3A_46 = tpu.memref_squeeze %dma_wait3A_45 : memref<1x128x128xf32, #tpu.memory_space<vmem>> -> memref<128x128xf32, #tpu.memory_space<vmem>>
        %dma_wait3A_47 = arith.constant 0 : i32
        %dma_wait3A_48 = tpu.memref_slice %arg5[%dma_wait3A, %dma_wait3A_47] : memref<2x128xi32, #tpu.memory_space<vmem>> -> memref<1x128xi32, #tpu.memory_space<vmem>>
        %dma_wait3A_49 = tpu.memref_squeeze %dma_wait3A_48 : memref<1x128xi32, #tpu.memory_space<vmem>> -> memref<128xi32, #tpu.memory_space<vmem>>
        %dma_wait3A_50 = arith.constant 0 : i32
        %dma_wait3A_51 = arith.constant 0 : i32
        %dma_wait3A_52 = tpu.memref_slice %arg2[%dma_wait3A_50, %dma_wait3A_51] : memref<196609x128xf32, #tpu.memory_space<hbm>> -> memref<196609x128xf32, #tpu.memory_space<hbm>>
        tpu.wait_indirect_dma semaphore(%arg7 : memref<!tpu.dma_semaphore, #tpu.memory_space<semaphore_mem>>) src(%dma_wait3A_52 : memref<196609x128xf32, #tpu.memory_space<hbm>>) dst(%dma_wait3A_46 : memref<128x128xf32, #tpu.memory_space<vmem>>)
        %run_scoped3A_53 = arith.constant 0 : i32
        "tpu.region"() ({
          %run_scoped3A_67 = tpu.sem_alloc : memref<!tpu.dma_semaphore, #tpu.memory_space<semaphore_mem>>
          %dma_start3A_68 = arith.constant 0 : i32
          %dma_start3A_69 = arith.constant 0 : i32
          %dma_start3A_70 = tpu.memref_slice %arg6[%run_scoped3A_53, %dma_start3A_68, %dma_start3A_69] : memref<2x128x128xf32, #tpu.memory_space<vmem>> -> memref<1x128x128xf32, #tpu.memory_space<vmem>>
          %dma_start3A_71 = tpu.memref_squeeze %dma_start3A_70 : memref<1x128x128xf32, #tpu.memory_space<vmem>> -> memref<128x128xf32, #tpu.memory_space<vmem>>
          %dma_start3A_72 = arith.constant 0 : i32
          %dma_start3A_73 = tpu.memref_slice %arg4[%mul3A_15, %dma_start3A_72] : memref<197120x128xf32, #tpu.memory_space<hbm>> -> memref<128x128xf32, #tpu.memory_space<hbm>>
          %dma_start3A_74 = arith.constant 0 : i32
          %dma_start3A_75 = tpu.memref_slice %arg4[%mul3A_15, %dma_start3A_74] : memref<197120x128xf32, #tpu.memory_space<hbm>> -> memref<128x128xf32, #tpu.memory_space<hbm>>
          %dma_start3A_76 = arith.constant 0 : i32
          %dma_start3A_77 = arith.constant 0 : i32
          %dma_start3A_78 = tpu.memref_slice %arg6[%run_scoped3A_53, %dma_start3A_76, %dma_start3A_77] : memref<2x128x128xf32, #tpu.memory_space<vmem>> -> memref<1x128x128xf32, #tpu.memory_space<vmem>>
          %dma_start3A_79 = tpu.memref_squeeze %dma_start3A_78 : memref<1x128x128xf32, #tpu.memory_space<vmem>> -> memref<128x128xf32, #tpu.memory_space<vmem>>
          tpu.enqueue_dma source(%dma_start3A_79 : memref<128x128xf32, #tpu.memory_space<vmem>>) target(%dma_start3A_75 : memref<128x128xf32, #tpu.memory_space<hbm>>) target_semaphore(%run_scoped3A_67 : memref<!tpu.dma_semaphore, #tpu.memory_space<semaphore_mem>>)
          %dma_wait3A_80 = arith.constant 0 : i32
          %dma_wait3A_81 = arith.constant 0 : i32
          %dma_wait3A_82 = tpu.memref_slice %arg6[%run_scoped3A_53, %dma_wait3A_80, %dma_wait3A_81] : memref<2x128x128xf32, #tpu.memory_space<vmem>> -> memref<1x128x128xf32, #tpu.memory_space<vmem>>
          %dma_wait3A_83 = tpu.memref_squeeze %dma_wait3A_82 : memref<1x128x128xf32, #tpu.memory_space<vmem>> -> memref<128x128xf32, #tpu.memory_space<vmem>>
          %dma_wait3A_84 = arith.constant 0 : i32
          %dma_wait3A_85 = tpu.memref_slice %arg4[%mul3A_15, %dma_wait3A_84] : memref<197120x128xf32, #tpu.memory_space<hbm>> -> memref<128x128xf32, #tpu.memory_space<hbm>>
          %dma_wait3A_86 = arith.constant 0 : i32
          %dma_wait3A_87 = tpu.memref_slice %arg4[%mul3A_15, %dma_wait3A_86] : memref<197120x128xf32, #tpu.memory_space<hbm>> -> memref<128x128xf32, #tpu.memory_space<hbm>>
          %dma_wait3A_88 = arith.constant 0 : i32
          %dma_wait3A_89 = arith.constant 0 : i32
          %dma_wait3A_90 = tpu.memref_slice %arg6[%run_scoped3A_53, %dma_wait3A_88, %dma_wait3A_89] : memref<2x128x128xf32, #tpu.memory_space<vmem>> -> memref<1x128x128xf32, #tpu.memory_space<vmem>>
          %dma_wait3A_91 = tpu.memref_squeeze %dma_wait3A_90 : memref<1x128x128xf32, #tpu.memory_space<vmem>> -> memref<128x128xf32, #tpu.memory_space<vmem>>
          tpu.wait_dma2 semaphore(%run_scoped3A_67 : memref<!tpu.dma_semaphore, #tpu.memory_space<semaphore_mem>>) src(%dma_wait3A_91 : memref<128x128xf32, #tpu.memory_space<vmem>>) dst(%dma_wait3A_87 : memref<128x128xf32, #tpu.memory_space<hbm>>)
          tpu.yield
        }) : () -> ()
        %dma_wait3A_54 = arith.constant 1 : i32
        %dma_wait3A_55 = arith.constant 1 : i32
        %dma_wait3A_56 = arith.constant 0 : i32
        %dma_wait3A_57 = arith.constant 0 : i32
        %dma_wait3A_58 = tpu.memref_slice %arg6[%dma_wait3A_55, %dma_wait3A_56, %dma_wait3A_57] : memref<2x128x128xf32, #tpu.memory_space<vmem>> -> memref<1x128x128xf32, #tpu.memory_space<vmem>>
        %dma_wait3A_59 = tpu.memref_squeeze %dma_wait3A_58 : memref<1x128x128xf32, #tpu.memory_space<vmem>> -> memref<128x128xf32, #tpu.memory_space<vmem>>
        %dma_wait3A_60 = arith.constant 0 : i32
        %dma_wait3A_61 = tpu.memref_slice %arg5[%dma_wait3A_54, %dma_wait3A_60] : memref<2x128xi32, #tpu.memory_space<vmem>> -> memref<1x128xi32, #tpu.memory_space<vmem>>
        %dma_wait3A_62 = tpu.memref_squeeze %dma_wait3A_61 : memref<1x128xi32, #tpu.memory_space<vmem>> -> memref<128xi32, #tpu.memory_space<vmem>>
        %dma_wait3A_63 = arith.constant 0 : i32
        %dma_wait3A_64 = arith.constant 0 : i32
        %dma_wait3A_65 = tpu.memref_slice %arg2[%dma_wait3A_63, %dma_wait3A_64] : memref<196609x128xf32, #tpu.memory_space<hbm>> -> memref<196609x128xf32, #tpu.memory_space<hbm>>
        tpu.wait_indirect_dma semaphore(%arg8 : memref<!tpu.dma_semaphore, #tpu.memory_space<semaphore_mem>>) src(%dma_wait3A_65 : memref<196609x128xf32, #tpu.memory_space<hbm>>) dst(%dma_wait3A_59 : memref<128x128xf32, #tpu.memory_space<vmem>>)
        %run_scoped3A_66 = arith.constant 1 : i32
        "tpu.region"() ({
          %run_scoped3A_67 = tpu.sem_alloc : memref<!tpu.dma_semaphore, #tpu.memory_space<semaphore_mem>>
          %dma_start3A_68 = arith.constant 0 : i32
          %dma_start3A_69 = arith.constant 0 : i32
          %dma_start3A_70 = tpu.memref_slice %arg6[%run_scoped3A_66, %dma_start3A_68, %dma_start3A_69] : memref<2x128x128xf32, #tpu.memory_space<vmem>> -> memref<1x128x128xf32, #tpu.memory_space<vmem>>
          %dma_start3A_71 = tpu.memref_squeeze %dma_start3A_70 : memref<1x128x128xf32, #tpu.memory_space<vmem>> -> memref<128x128xf32, #tpu.memory_space<vmem>>
          %dma_start3A_72 = arith.constant 0 : i32
          %dma_start3A_73 = tpu.memref_slice %arg4[%add3A_17, %dma_start3A_72] : memref<197120x128xf32, #tpu.memory_space<hbm>> -> memref<128x128xf32, #tpu.memory_space<hbm>>
          %dma_start3A_74 = arith.constant 0 : i32
          %dma_start3A_75 = tpu.memref_slice %arg4[%add3A_17, %dma_start3A_74] : memref<197120x128xf32, #tpu.memory_space<hbm>> -> memref<128x128xf32, #tpu.memory_space<hbm>>
          %dma_start3A_76 = arith.constant 0 : i32
          %dma_start3A_77 = arith.constant 0 : i32
          %dma_start3A_78 = tpu.memref_slice %arg6[%run_scoped3A_66, %dma_start3A_76, %dma_start3A_77] : memref<2x128x128xf32, #tpu.memory_space<vmem>> -> memref<1x128x128xf32, #tpu.memory_space<vmem>>
          %dma_start3A_79 = tpu.memref_squeeze %dma_start3A_78 : memref<1x128x128xf32, #tpu.memory_space<vmem>> -> memref<128x128xf32, #tpu.memory_space<vmem>>
          tpu.enqueue_dma source(%dma_start3A_79 : memref<128x128xf32, #tpu.memory_space<vmem>>) target(%dma_start3A_75 : memref<128x128xf32, #tpu.memory_space<hbm>>) target_semaphore(%run_scoped3A_67 : memref<!tpu.dma_semaphore, #tpu.memory_space<semaphore_mem>>)
          %dma_wait3A_80 = arith.constant 0 : i32
          %dma_wait3A_81 = arith.constant 0 : i32
          %dma_wait3A_82 = tpu.memref_slice %arg6[%run_scoped3A_66, %dma_wait3A_80, %dma_wait3A_81] : memref<2x128x128xf32, #tpu.memory_space<vmem>> -> memref<1x128x128xf32, #tpu.memory_space<vmem>>
          %dma_wait3A_83 = tpu.memref_squeeze %dma_wait3A_82 : memref<1x128x128xf32, #tpu.memory_space<vmem>> -> memref<128x128xf32, #tpu.memory_space<vmem>>
          %dma_wait3A_84 = arith.constant 0 : i32
          %dma_wait3A_85 = tpu.memref_slice %arg4[%add3A_17, %dma_wait3A_84] : memref<197120x128xf32, #tpu.memory_space<hbm>> -> memref<128x128xf32, #tpu.memory_space<hbm>>
          %dma_wait3A_86 = arith.constant 0 : i32
          %dma_wait3A_87 = tpu.memref_slice %arg4[%add3A_17, %dma_wait3A_86] : memref<197120x128xf32, #tpu.memory_space<hbm>> -> memref<128x128xf32, #tpu.memory_space<hbm>>
          %dma_wait3A_88 = arith.constant 0 : i32
          %dma_wait3A_89 = arith.constant 0 : i32
          %dma_wait3A_90 = tpu.memref_slice %arg6[%run_scoped3A_66, %dma_wait3A_88, %dma_wait3A_89] : memref<2x128x128xf32, #tpu.memory_space<vmem>> -> memref<1x128x128xf32, #tpu.memory_space<vmem>>
          %dma_wait3A_91 = tpu.memref_squeeze %dma_wait3A_90 : memref<1x128x128xf32, #tpu.memory_space<vmem>> -> memref<128x128xf32, #tpu.memory_space<vmem>>
          tpu.wait_dma2 semaphore(%run_scoped3A_67 : memref<!tpu.dma_semaphore, #tpu.memory_space<semaphore_mem>>) src(%dma_wait3A_91 : memref<128x128xf32, #tpu.memory_space<vmem>>) dst(%dma_wait3A_87 : memref<128x128xf32, #tpu.memory_space<hbm>>)
          tpu.yield
        }) : () -> ()
      } else {
      }
    }
    %scan3A_5 = arith.constant 25 : i32
    return
  }
}

#map = affine_map<(d0, d1) -> (0, 0)>
#map1 = affine_map<(d0, d1) -> (0)>
module attributes {stable_mosaic.version = 14 : i64} {
  func.func @body(%arg0: i32, %arg1: i32, %arg2: memref<49153x128xf32, #tpu.memory_space<hbm>>, %arg3: memref<197120xi32, #tpu.memory_space<hbm>>, %arg4: memref<197120x128xf32, #tpu.memory_space<hbm>>, %arg5: memref<2x128xi32, #tpu.memory_space<vmem>>, %arg6: memref<2x128x128xf32, #tpu.memory_space<vmem>>, %arg7: memref<!tpu.dma_semaphore, #tpu.memory_space<semaphore_mem>>, %arg8: memref<!tpu.dma_semaphore, #tpu.memory_space<semaphore_mem>>) attributes {dimension_semantics = [#tpu.dimension_semantics<core_parallel>, #tpu.dimension_semantics<subcore_parallel>], iteration_bounds = array<i64: 2, 16>, scalar_prefetch = 0 : i64, scratch_operands = 4 : i64, tpu.core_type = #tpu.core_type<sc_vector_subcore>, window_params = [{transform_indices = #map}, {transform_indices = #map1}, {transform_indices = #map}]} {
    %mul3A = arith.constant 2 : i32
    %mul3A_0 = arith.muli %arg1, %mul3A : i32
    %add3A = arith.addi %mul3A_0, %arg0 : i32
    %scan3A = arith.constant 0 : i32
    %scan3A_1 = arith.constant 0 : i32
    %scan3A_2 = arith.constant 25 : i32
    %scan3A_3 = arith.addi %scan3A_1, %scan3A_2 : i32
    %scan3A_4 = arith.constant 1 : i32
    scf.for %scan3A_6 = %scan3A_1 to %scan3A_3 step %scan3A_4  : i32 {
      %mul3A_7 = arith.constant 32 : i32
      %mul3A_8 = arith.muli %scan3A_6, %mul3A_7 : i32
      %add3A_9 = arith.addi %add3A, %mul3A_8 : i32
      %mul3A_10 = arith.constant 2 : i32
      %mul3A_11 = arith.muli %mul3A_10, %add3A_9 : i32
      %lt3A = arith.constant 1540 : i32
      %lt3A_12 = arith.cmpi slt, %mul3A_11, %lt3A : i32
      %convert_element_type3A = arith.extui %lt3A_12 : i1 to i32
      %cond3A = arith.constant 0 : i32
      %cond3A_13 = arith.cmpi ne, %convert_element_type3A, %cond3A : i32
      scf.if %cond3A_13 {
        %mul3A_14 = arith.constant 128 : i32
        %mul3A_15 = arith.muli %mul3A_11, %mul3A_14 : i32
        %add3A_16 = arith.constant 128 : i32
        %add3A_17 = arith.addi %mul3A_15, %add3A_16 : i32
        %run_scoped3A = arith.constant 0 : i32
        "tpu.region"() ({
          %run_scoped3A_67 = tpu.sem_alloc : memref<!tpu.dma_semaphore, #tpu.memory_space<semaphore_mem>>
          %dma_start3A_68 = arith.constant 0 : i32
          %dma_start3A_69 = tpu.memref_slice %arg5[%run_scoped3A, %dma_start3A_68] : memref<2x128xi32, #tpu.memory_space<vmem>> -> memref<1x128xi32, #tpu.memory_space<vmem>>
          %dma_start3A_70 = tpu.memref_squeeze %dma_start3A_69 : memref<1x128xi32, #tpu.memory_space<vmem>> -> memref<128xi32, #tpu.memory_space<vmem>>
          %dma_start3A_71 = tpu.memref_slice %arg3[%mul3A_15] : memref<197120xi32, #tpu.memory_space<hbm>> -> memref<128xi32, #tpu.memory_space<hbm>>
          %dma_start3A_72 = arith.constant 0 : i32
          %dma_start3A_73 = tpu.memref_slice %arg5[%run_scoped3A, %dma_start3A_72] : memref<2x128xi32, #tpu.memory_space<vmem>> -> memref<1x128xi32, #tpu.memory_space<vmem>>
          %dma_start3A_74 = tpu.memref_squeeze %dma_start3A_73 : memref<1x128xi32, #tpu.memory_space<vmem>> -> memref<128xi32, #tpu.memory_space<vmem>>
          %dma_start3A_75 = tpu.memref_slice %arg3[%mul3A_15] : memref<197120xi32, #tpu.memory_space<hbm>> -> memref<128xi32, #tpu.memory_space<hbm>>
          tpu.enqueue_dma source(%dma_start3A_75 : memref<128xi32, #tpu.memory_space<hbm>>) target(%dma_start3A_74 : memref<128xi32, #tpu.memory_space<vmem>>) target_semaphore(%run_scoped3A_67 : memref<!tpu.dma_semaphore, #tpu.memory_space<semaphore_mem>>)
          %dma_wait3A_76 = arith.constant 0 : i32
          %dma_wait3A_77 = tpu.memref_slice %arg5[%run_scoped3A, %dma_wait3A_76] : memref<2x128xi32, #tpu.memory_space<vmem>> -> memref<1x128xi32, #tpu.memory_space<vmem>>
          %dma_wait3A_78 = tpu.memref_squeeze %dma_wait3A_77 : memref<1x128xi32, #tpu.memory_space<vmem>> -> memref<128xi32, #tpu.memory_space<vmem>>
          %dma_wait3A_79 = tpu.memref_slice %arg3[%mul3A_15] : memref<197120xi32, #tpu.memory_space<hbm>> -> memref<128xi32, #tpu.memory_space<hbm>>
          %dma_wait3A_80 = arith.constant 0 : i32
          %dma_wait3A_81 = tpu.memref_slice %arg5[%run_scoped3A, %dma_wait3A_80] : memref<2x128xi32, #tpu.memory_space<vmem>> -> memref<1x128xi32, #tpu.memory_space<vmem>>
          %dma_wait3A_82 = tpu.memref_squeeze %dma_wait3A_81 : memref<1x128xi32, #tpu.memory_space<vmem>> -> memref<128xi32, #tpu.memory_space<vmem>>
          %dma_wait3A_83 = tpu.memref_slice %arg3[%mul3A_15] : memref<197120xi32, #tpu.memory_space<hbm>> -> memref<128xi32, #tpu.memory_space<hbm>>
          tpu.wait_dma2 semaphore(%run_scoped3A_67 : memref<!tpu.dma_semaphore, #tpu.memory_space<semaphore_mem>>) src(%dma_wait3A_83 : memref<128xi32, #tpu.memory_space<hbm>>) dst(%dma_wait3A_82 : memref<128xi32, #tpu.memory_space<vmem>>)
          tpu.yield
        }) : () -> ()
        %dma_start3A = arith.constant 0 : i32
        %dma_start3A_18 = arith.constant 0 : i32
        %dma_start3A_19 = arith.constant 0 : i32
        %dma_start3A_20 = arith.constant 0 : i32
        %dma_start3A_21 = tpu.memref_slice %arg6[%dma_start3A_18, %dma_start3A_19, %dma_start3A_20] : memref<2x128x128xf32, #tpu.memory_space<vmem>> -> memref<1x128x128xf32, #tpu.memory_space<vmem>>
        %dma_start3A_22 = tpu.memref_squeeze %dma_start3A_21 : memref<1x128x128xf32, #tpu.memory_space<vmem>> -> memref<128x128xf32, #tpu.memory_space<vmem>>
        %dma_start3A_23 = arith.constant 0 : i32
        %dma_start3A_24 = tpu.memref_slice %arg5[%dma_start3A, %dma_start3A_23] : memref<2x128xi32, #tpu.memory_space<vmem>> -> memref<1x128xi32, #tpu.memory_space<vmem>>
        %dma_start3A_25 = tpu.memref_squeeze %dma_start3A_24 : memref<1x128xi32, #tpu.memory_space<vmem>> -> memref<128xi32, #tpu.memory_space<vmem>>
        %dma_start3A_26 = arith.constant 0 : i32
        %dma_start3A_27 = arith.constant 0 : i32
        %dma_start3A_28 = tpu.memref_slice %arg2[%dma_start3A_26, %dma_start3A_27] : memref<49153x128xf32, #tpu.memory_space<hbm>> -> memref<49153x128xf32, #tpu.memory_space<hbm>>
        tpu.enqueue_indirect_dma source(%dma_start3A_28 : memref<49153x128xf32, #tpu.memory_space<hbm>>) target(%dma_start3A_22 : memref<128x128xf32, #tpu.memory_space<vmem>>) offsets(%dma_start3A_25 : memref<128xi32, #tpu.memory_space<vmem>>) semaphore(%arg7 : memref<!tpu.dma_semaphore, #tpu.memory_space<semaphore_mem>>)
        %run_scoped3A_29 = arith.constant 1 : i32
        "tpu.region"() ({
          %run_scoped3A_67 = tpu.sem_alloc : memref<!tpu.dma_semaphore, #tpu.memory_space<semaphore_mem>>
          %dma_start3A_68 = arith.constant 0 : i32
          %dma_start3A_69 = tpu.memref_slice %arg5[%run_scoped3A_29, %dma_start3A_68] : memref<2x128xi32, #tpu.memory_space<vmem>> -> memref<1x128xi32, #tpu.memory_space<vmem>>
          %dma_start3A_70 = tpu.memref_squeeze %dma_start3A_69 : memref<1x128xi32, #tpu.memory_space<vmem>> -> memref<128xi32, #tpu.memory_space<vmem>>
          %dma_start3A_71 = tpu.memref_slice %arg3[%add3A_17] : memref<197120xi32, #tpu.memory_space<hbm>> -> memref<128xi32, #tpu.memory_space<hbm>>
          %dma_start3A_72 = arith.constant 0 : i32
          %dma_start3A_73 = tpu.memref_slice %arg5[%run_scoped3A_29, %dma_start3A_72] : memref<2x128xi32, #tpu.memory_space<vmem>> -> memref<1x128xi32, #tpu.memory_space<vmem>>
          %dma_start3A_74 = tpu.memref_squeeze %dma_start3A_73 : memref<1x128xi32, #tpu.memory_space<vmem>> -> memref<128xi32, #tpu.memory_space<vmem>>
          %dma_start3A_75 = tpu.memref_slice %arg3[%add3A_17] : memref<197120xi32, #tpu.memory_space<hbm>> -> memref<128xi32, #tpu.memory_space<hbm>>
          tpu.enqueue_dma source(%dma_start3A_75 : memref<128xi32, #tpu.memory_space<hbm>>) target(%dma_start3A_74 : memref<128xi32, #tpu.memory_space<vmem>>) target_semaphore(%run_scoped3A_67 : memref<!tpu.dma_semaphore, #tpu.memory_space<semaphore_mem>>)
          %dma_wait3A_76 = arith.constant 0 : i32
          %dma_wait3A_77 = tpu.memref_slice %arg5[%run_scoped3A_29, %dma_wait3A_76] : memref<2x128xi32, #tpu.memory_space<vmem>> -> memref<1x128xi32, #tpu.memory_space<vmem>>
          %dma_wait3A_78 = tpu.memref_squeeze %dma_wait3A_77 : memref<1x128xi32, #tpu.memory_space<vmem>> -> memref<128xi32, #tpu.memory_space<vmem>>
          %dma_wait3A_79 = tpu.memref_slice %arg3[%add3A_17] : memref<197120xi32, #tpu.memory_space<hbm>> -> memref<128xi32, #tpu.memory_space<hbm>>
          %dma_wait3A_80 = arith.constant 0 : i32
          %dma_wait3A_81 = tpu.memref_slice %arg5[%run_scoped3A_29, %dma_wait3A_80] : memref<2x128xi32, #tpu.memory_space<vmem>> -> memref<1x128xi32, #tpu.memory_space<vmem>>
          %dma_wait3A_82 = tpu.memref_squeeze %dma_wait3A_81 : memref<1x128xi32, #tpu.memory_space<vmem>> -> memref<128xi32, #tpu.memory_space<vmem>>
          %dma_wait3A_83 = tpu.memref_slice %arg3[%add3A_17] : memref<197120xi32, #tpu.memory_space<hbm>> -> memref<128xi32, #tpu.memory_space<hbm>>
          tpu.wait_dma2 semaphore(%run_scoped3A_67 : memref<!tpu.dma_semaphore, #tpu.memory_space<semaphore_mem>>) src(%dma_wait3A_83 : memref<128xi32, #tpu.memory_space<hbm>>) dst(%dma_wait3A_82 : memref<128xi32, #tpu.memory_space<vmem>>)
          tpu.yield
        }) : () -> ()
        %dma_start3A_30 = arith.constant 1 : i32
        %dma_start3A_31 = arith.constant 1 : i32
        %dma_start3A_32 = arith.constant 0 : i32
        %dma_start3A_33 = arith.constant 0 : i32
        %dma_start3A_34 = tpu.memref_slice %arg6[%dma_start3A_31, %dma_start3A_32, %dma_start3A_33] : memref<2x128x128xf32, #tpu.memory_space<vmem>> -> memref<1x128x128xf32, #tpu.memory_space<vmem>>
        %dma_start3A_35 = tpu.memref_squeeze %dma_start3A_34 : memref<1x128x128xf32, #tpu.memory_space<vmem>> -> memref<128x128xf32, #tpu.memory_space<vmem>>
        %dma_start3A_36 = arith.constant 0 : i32
        %dma_start3A_37 = tpu.memref_slice %arg5[%dma_start3A_30, %dma_start3A_36] : memref<2x128xi32, #tpu.memory_space<vmem>> -> memref<1x128xi32, #tpu.memory_space<vmem>>
        %dma_start3A_38 = tpu.memref_squeeze %dma_start3A_37 : memref<1x128xi32, #tpu.memory_space<vmem>> -> memref<128xi32, #tpu.memory_space<vmem>>
        %dma_start3A_39 = arith.constant 0 : i32
        %dma_start3A_40 = arith.constant 0 : i32
        %dma_start3A_41 = tpu.memref_slice %arg2[%dma_start3A_39, %dma_start3A_40] : memref<49153x128xf32, #tpu.memory_space<hbm>> -> memref<49153x128xf32, #tpu.memory_space<hbm>>
        tpu.enqueue_indirect_dma source(%dma_start3A_41 : memref<49153x128xf32, #tpu.memory_space<hbm>>) target(%dma_start3A_35 : memref<128x128xf32, #tpu.memory_space<vmem>>) offsets(%dma_start3A_38 : memref<128xi32, #tpu.memory_space<vmem>>) semaphore(%arg8 : memref<!tpu.dma_semaphore, #tpu.memory_space<semaphore_mem>>)
        %dma_wait3A = arith.constant 0 : i32
        %dma_wait3A_42 = arith.constant 0 : i32
        %dma_wait3A_43 = arith.constant 0 : i32
        %dma_wait3A_44 = arith.constant 0 : i32
        %dma_wait3A_45 = tpu.memref_slice %arg6[%dma_wait3A_42, %dma_wait3A_43, %dma_wait3A_44] : memref<2x128x128xf32, #tpu.memory_space<vmem>> -> memref<1x128x128xf32, #tpu.memory_space<vmem>>
        %dma_wait3A_46 = tpu.memref_squeeze %dma_wait3A_45 : memref<1x128x128xf32, #tpu.memory_space<vmem>> -> memref<128x128xf32, #tpu.memory_space<vmem>>
        %dma_wait3A_47 = arith.constant 0 : i32
        %dma_wait3A_48 = tpu.memref_slice %arg5[%dma_wait3A, %dma_wait3A_47] : memref<2x128xi32, #tpu.memory_space<vmem>> -> memref<1x128xi32, #tpu.memory_space<vmem>>
        %dma_wait3A_49 = tpu.memref_squeeze %dma_wait3A_48 : memref<1x128xi32, #tpu.memory_space<vmem>> -> memref<128xi32, #tpu.memory_space<vmem>>
        %dma_wait3A_50 = arith.constant 0 : i32
        %dma_wait3A_51 = arith.constant 0 : i32
        %dma_wait3A_52 = tpu.memref_slice %arg2[%dma_wait3A_50, %dma_wait3A_51] : memref<49153x128xf32, #tpu.memory_space<hbm>> -> memref<49153x128xf32, #tpu.memory_space<hbm>>
        tpu.wait_indirect_dma semaphore(%arg7 : memref<!tpu.dma_semaphore, #tpu.memory_space<semaphore_mem>>) src(%dma_wait3A_52 : memref<49153x128xf32, #tpu.memory_space<hbm>>) dst(%dma_wait3A_46 : memref<128x128xf32, #tpu.memory_space<vmem>>)
        %run_scoped3A_53 = arith.constant 0 : i32
        "tpu.region"() ({
          %run_scoped3A_67 = tpu.sem_alloc : memref<!tpu.dma_semaphore, #tpu.memory_space<semaphore_mem>>
          %dma_start3A_68 = arith.constant 0 : i32
          %dma_start3A_69 = arith.constant 0 : i32
          %dma_start3A_70 = tpu.memref_slice %arg6[%run_scoped3A_53, %dma_start3A_68, %dma_start3A_69] : memref<2x128x128xf32, #tpu.memory_space<vmem>> -> memref<1x128x128xf32, #tpu.memory_space<vmem>>
          %dma_start3A_71 = tpu.memref_squeeze %dma_start3A_70 : memref<1x128x128xf32, #tpu.memory_space<vmem>> -> memref<128x128xf32, #tpu.memory_space<vmem>>
          %dma_start3A_72 = arith.constant 0 : i32
          %dma_start3A_73 = tpu.memref_slice %arg4[%mul3A_15, %dma_start3A_72] : memref<197120x128xf32, #tpu.memory_space<hbm>> -> memref<128x128xf32, #tpu.memory_space<hbm>>
          %dma_start3A_74 = arith.constant 0 : i32
          %dma_start3A_75 = tpu.memref_slice %arg4[%mul3A_15, %dma_start3A_74] : memref<197120x128xf32, #tpu.memory_space<hbm>> -> memref<128x128xf32, #tpu.memory_space<hbm>>
          %dma_start3A_76 = arith.constant 0 : i32
          %dma_start3A_77 = arith.constant 0 : i32
          %dma_start3A_78 = tpu.memref_slice %arg6[%run_scoped3A_53, %dma_start3A_76, %dma_start3A_77] : memref<2x128x128xf32, #tpu.memory_space<vmem>> -> memref<1x128x128xf32, #tpu.memory_space<vmem>>
          %dma_start3A_79 = tpu.memref_squeeze %dma_start3A_78 : memref<1x128x128xf32, #tpu.memory_space<vmem>> -> memref<128x128xf32, #tpu.memory_space<vmem>>
          tpu.enqueue_dma source(%dma_start3A_79 : memref<128x128xf32, #tpu.memory_space<vmem>>) target(%dma_start3A_75 : memref<128x128xf32, #tpu.memory_space<hbm>>) target_semaphore(%run_scoped3A_67 : memref<!tpu.dma_semaphore, #tpu.memory_space<semaphore_mem>>)
          %dma_wait3A_80 = arith.constant 0 : i32
          %dma_wait3A_81 = arith.constant 0 : i32
          %dma_wait3A_82 = tpu.memref_slice %arg6[%run_scoped3A_53, %dma_wait3A_80, %dma_wait3A_81] : memref<2x128x128xf32, #tpu.memory_space<vmem>> -> memref<1x128x128xf32, #tpu.memory_space<vmem>>
          %dma_wait3A_83 = tpu.memref_squeeze %dma_wait3A_82 : memref<1x128x128xf32, #tpu.memory_space<vmem>> -> memref<128x128xf32, #tpu.memory_space<vmem>>
          %dma_wait3A_84 = arith.constant 0 : i32
          %dma_wait3A_85 = tpu.memref_slice %arg4[%mul3A_15, %dma_wait3A_84] : memref<197120x128xf32, #tpu.memory_space<hbm>> -> memref<128x128xf32, #tpu.memory_space<hbm>>
          %dma_wait3A_86 = arith.constant 0 : i32
          %dma_wait3A_87 = tpu.memref_slice %arg4[%mul3A_15, %dma_wait3A_86] : memref<197120x128xf32, #tpu.memory_space<hbm>> -> memref<128x128xf32, #tpu.memory_space<hbm>>
          %dma_wait3A_88 = arith.constant 0 : i32
          %dma_wait3A_89 = arith.constant 0 : i32
          %dma_wait3A_90 = tpu.memref_slice %arg6[%run_scoped3A_53, %dma_wait3A_88, %dma_wait3A_89] : memref<2x128x128xf32, #tpu.memory_space<vmem>> -> memref<1x128x128xf32, #tpu.memory_space<vmem>>
          %dma_wait3A_91 = tpu.memref_squeeze %dma_wait3A_90 : memref<1x128x128xf32, #tpu.memory_space<vmem>> -> memref<128x128xf32, #tpu.memory_space<vmem>>
          tpu.wait_dma2 semaphore(%run_scoped3A_67 : memref<!tpu.dma_semaphore, #tpu.memory_space<semaphore_mem>>) src(%dma_wait3A_91 : memref<128x128xf32, #tpu.memory_space<vmem>>) dst(%dma_wait3A_87 : memref<128x128xf32, #tpu.memory_space<hbm>>)
          tpu.yield
        }) : () -> ()
        %dma_wait3A_54 = arith.constant 1 : i32
        %dma_wait3A_55 = arith.constant 1 : i32
        %dma_wait3A_56 = arith.constant 0 : i32
        %dma_wait3A_57 = arith.constant 0 : i32
        %dma_wait3A_58 = tpu.memref_slice %arg6[%dma_wait3A_55, %dma_wait3A_56, %dma_wait3A_57] : memref<2x128x128xf32, #tpu.memory_space<vmem>> -> memref<1x128x128xf32, #tpu.memory_space<vmem>>
        %dma_wait3A_59 = tpu.memref_squeeze %dma_wait3A_58 : memref<1x128x128xf32, #tpu.memory_space<vmem>> -> memref<128x128xf32, #tpu.memory_space<vmem>>
        %dma_wait3A_60 = arith.constant 0 : i32
        %dma_wait3A_61 = tpu.memref_slice %arg5[%dma_wait3A_54, %dma_wait3A_60] : memref<2x128xi32, #tpu.memory_space<vmem>> -> memref<1x128xi32, #tpu.memory_space<vmem>>
        %dma_wait3A_62 = tpu.memref_squeeze %dma_wait3A_61 : memref<1x128xi32, #tpu.memory_space<vmem>> -> memref<128xi32, #tpu.memory_space<vmem>>
        %dma_wait3A_63 = arith.constant 0 : i32
        %dma_wait3A_64 = arith.constant 0 : i32
        %dma_wait3A_65 = tpu.memref_slice %arg2[%dma_wait3A_63, %dma_wait3A_64] : memref<49153x128xf32, #tpu.memory_space<hbm>> -> memref<49153x128xf32, #tpu.memory_space<hbm>>
        tpu.wait_indirect_dma semaphore(%arg8 : memref<!tpu.dma_semaphore, #tpu.memory_space<semaphore_mem>>) src(%dma_wait3A_65 : memref<49153x128xf32, #tpu.memory_space<hbm>>) dst(%dma_wait3A_59 : memref<128x128xf32, #tpu.memory_space<vmem>>)
        %run_scoped3A_66 = arith.constant 1 : i32
        "tpu.region"() ({
          %run_scoped3A_67 = tpu.sem_alloc : memref<!tpu.dma_semaphore, #tpu.memory_space<semaphore_mem>>
          %dma_start3A_68 = arith.constant 0 : i32
          %dma_start3A_69 = arith.constant 0 : i32
          %dma_start3A_70 = tpu.memref_slice %arg6[%run_scoped3A_66, %dma_start3A_68, %dma_start3A_69] : memref<2x128x128xf32, #tpu.memory_space<vmem>> -> memref<1x128x128xf32, #tpu.memory_space<vmem>>
          %dma_start3A_71 = tpu.memref_squeeze %dma_start3A_70 : memref<1x128x128xf32, #tpu.memory_space<vmem>> -> memref<128x128xf32, #tpu.memory_space<vmem>>
          %dma_start3A_72 = arith.constant 0 : i32
          %dma_start3A_73 = tpu.memref_slice %arg4[%add3A_17, %dma_start3A_72] : memref<197120x128xf32, #tpu.memory_space<hbm>> -> memref<128x128xf32, #tpu.memory_space<hbm>>
          %dma_start3A_74 = arith.constant 0 : i32
          %dma_start3A_75 = tpu.memref_slice %arg4[%add3A_17, %dma_start3A_74] : memref<197120x128xf32, #tpu.memory_space<hbm>> -> memref<128x128xf32, #tpu.memory_space<hbm>>
          %dma_start3A_76 = arith.constant 0 : i32
          %dma_start3A_77 = arith.constant 0 : i32
          %dma_start3A_78 = tpu.memref_slice %arg6[%run_scoped3A_66, %dma_start3A_76, %dma_start3A_77] : memref<2x128x128xf32, #tpu.memory_space<vmem>> -> memref<1x128x128xf32, #tpu.memory_space<vmem>>
          %dma_start3A_79 = tpu.memref_squeeze %dma_start3A_78 : memref<1x128x128xf32, #tpu.memory_space<vmem>> -> memref<128x128xf32, #tpu.memory_space<vmem>>
          tpu.enqueue_dma source(%dma_start3A_79 : memref<128x128xf32, #tpu.memory_space<vmem>>) target(%dma_start3A_75 : memref<128x128xf32, #tpu.memory_space<hbm>>) target_semaphore(%run_scoped3A_67 : memref<!tpu.dma_semaphore, #tpu.memory_space<semaphore_mem>>)
          %dma_wait3A_80 = arith.constant 0 : i32
          %dma_wait3A_81 = arith.constant 0 : i32
          %dma_wait3A_82 = tpu.memref_slice %arg6[%run_scoped3A_66, %dma_wait3A_80, %dma_wait3A_81] : memref<2x128x128xf32, #tpu.memory_space<vmem>> -> memref<1x128x128xf32, #tpu.memory_space<vmem>>
          %dma_wait3A_83 = tpu.memref_squeeze %dma_wait3A_82 : memref<1x128x128xf32, #tpu.memory_space<vmem>> -> memref<128x128xf32, #tpu.memory_space<vmem>>
          %dma_wait3A_84 = arith.constant 0 : i32
          %dma_wait3A_85 = tpu.memref_slice %arg4[%add3A_17, %dma_wait3A_84] : memref<197120x128xf32, #tpu.memory_space<hbm>> -> memref<128x128xf32, #tpu.memory_space<hbm>>
          %dma_wait3A_86 = arith.constant 0 : i32
          %dma_wait3A_87 = tpu.memref_slice %arg4[%add3A_17, %dma_wait3A_86] : memref<197120x128xf32, #tpu.memory_space<hbm>> -> memref<128x128xf32, #tpu.memory_space<hbm>>
          %dma_wait3A_88 = arith.constant 0 : i32
          %dma_wait3A_89 = arith.constant 0 : i32
          %dma_wait3A_90 = tpu.memref_slice %arg6[%run_scoped3A_66, %dma_wait3A_88, %dma_wait3A_89] : memref<2x128x128xf32, #tpu.memory_space<vmem>> -> memref<1x128x128xf32, #tpu.memory_space<vmem>>
          %dma_wait3A_91 = tpu.memref_squeeze %dma_wait3A_90 : memref<1x128x128xf32, #tpu.memory_space<vmem>> -> memref<128x128xf32, #tpu.memory_space<vmem>>
          tpu.wait_dma2 semaphore(%run_scoped3A_67 : memref<!tpu.dma_semaphore, #tpu.memory_space<semaphore_mem>>) src(%dma_wait3A_91 : memref<128x128xf32, #tpu.memory_space<vmem>>) dst(%dma_wait3A_87 : memref<128x128xf32, #tpu.memory_space<hbm>>)
          tpu.yield
        }) : () -> ()
      } else {
      }
    }
    %scan3A_5 = arith.constant 25 : i32
    return
  }
}

#map = affine_map<(d0, d1) -> (0, 0)>
#map1 = affine_map<(d0, d1) -> (0)>
module attributes {stable_mosaic.version = 14 : i64} {
  func.func @body(%arg0: i32, %arg1: i32, %arg2: memref<196609x128xf32, #tpu.memory_space<hbm>>, %arg3: memref<297984xi32, #tpu.memory_space<hbm>>, %arg4: memref<297984x128xf32, #tpu.memory_space<hbm>>, %arg5: memref<2x128xi32, #tpu.memory_space<vmem>>, %arg6: memref<2x128x128xf32, #tpu.memory_space<vmem>>, %arg7: memref<!tpu.dma_semaphore, #tpu.memory_space<semaphore_mem>>, %arg8: memref<!tpu.dma_semaphore, #tpu.memory_space<semaphore_mem>>) attributes {dimension_semantics = [#tpu.dimension_semantics<core_parallel>, #tpu.dimension_semantics<subcore_parallel>], iteration_bounds = array<i64: 2, 16>, scalar_prefetch = 0 : i64, scratch_operands = 4 : i64, tpu.core_type = #tpu.core_type<sc_vector_subcore>, window_params = [{transform_indices = #map}, {transform_indices = #map1}, {transform_indices = #map}]} {
    %mul3A = arith.constant 2 : i32
    %mul3A_0 = arith.muli %arg1, %mul3A : i32
    %add3A = arith.addi %mul3A_0, %arg0 : i32
    %scan3A = arith.constant 0 : i32
    %scan3A_1 = arith.constant 0 : i32
    %scan3A_2 = arith.constant 37 : i32
    %scan3A_3 = arith.addi %scan3A_1, %scan3A_2 : i32
    %scan3A_4 = arith.constant 1 : i32
    scf.for %scan3A_6 = %scan3A_1 to %scan3A_3 step %scan3A_4  : i32 {
      %mul3A_7 = arith.constant 32 : i32
      %mul3A_8 = arith.muli %scan3A_6, %mul3A_7 : i32
      %add3A_9 = arith.addi %add3A, %mul3A_8 : i32
      %mul3A_10 = arith.constant 2 : i32
      %mul3A_11 = arith.muli %mul3A_10, %add3A_9 : i32
      %lt3A = arith.constant 2328 : i32
      %lt3A_12 = arith.cmpi slt, %mul3A_11, %lt3A : i32
      %convert_element_type3A = arith.extui %lt3A_12 : i1 to i32
      %cond3A = arith.constant 0 : i32
      %cond3A_13 = arith.cmpi ne, %convert_element_type3A, %cond3A : i32
      scf.if %cond3A_13 {
        %mul3A_14 = arith.constant 128 : i32
        %mul3A_15 = arith.muli %mul3A_11, %mul3A_14 : i32
        %add3A_16 = arith.constant 128 : i32
        %add3A_17 = arith.addi %mul3A_15, %add3A_16 : i32
        %run_scoped3A = arith.constant 0 : i32
        "tpu.region"() ({
          %run_scoped3A_67 = tpu.sem_alloc : memref<!tpu.dma_semaphore, #tpu.memory_space<semaphore_mem>>
          %dma_start3A_68 = arith.constant 0 : i32
          %dma_start3A_69 = tpu.memref_slice %arg5[%run_scoped3A, %dma_start3A_68] : memref<2x128xi32, #tpu.memory_space<vmem>> -> memref<1x128xi32, #tpu.memory_space<vmem>>
          %dma_start3A_70 = tpu.memref_squeeze %dma_start3A_69 : memref<1x128xi32, #tpu.memory_space<vmem>> -> memref<128xi32, #tpu.memory_space<vmem>>
          %dma_start3A_71 = tpu.memref_slice %arg3[%mul3A_15] : memref<297984xi32, #tpu.memory_space<hbm>> -> memref<128xi32, #tpu.memory_space<hbm>>
          %dma_start3A_72 = arith.constant 0 : i32
          %dma_start3A_73 = tpu.memref_slice %arg5[%run_scoped3A, %dma_start3A_72] : memref<2x128xi32, #tpu.memory_space<vmem>> -> memref<1x128xi32, #tpu.memory_space<vmem>>
          %dma_start3A_74 = tpu.memref_squeeze %dma_start3A_73 : memref<1x128xi32, #tpu.memory_space<vmem>> -> memref<128xi32, #tpu.memory_space<vmem>>
          %dma_start3A_75 = tpu.memref_slice %arg3[%mul3A_15] : memref<297984xi32, #tpu.memory_space<hbm>> -> memref<128xi32, #tpu.memory_space<hbm>>
          tpu.enqueue_dma source(%dma_start3A_75 : memref<128xi32, #tpu.memory_space<hbm>>) target(%dma_start3A_74 : memref<128xi32, #tpu.memory_space<vmem>>) target_semaphore(%run_scoped3A_67 : memref<!tpu.dma_semaphore, #tpu.memory_space<semaphore_mem>>)
          %dma_wait3A_76 = arith.constant 0 : i32
          %dma_wait3A_77 = tpu.memref_slice %arg5[%run_scoped3A, %dma_wait3A_76] : memref<2x128xi32, #tpu.memory_space<vmem>> -> memref<1x128xi32, #tpu.memory_space<vmem>>
          %dma_wait3A_78 = tpu.memref_squeeze %dma_wait3A_77 : memref<1x128xi32, #tpu.memory_space<vmem>> -> memref<128xi32, #tpu.memory_space<vmem>>
          %dma_wait3A_79 = tpu.memref_slice %arg3[%mul3A_15] : memref<297984xi32, #tpu.memory_space<hbm>> -> memref<128xi32, #tpu.memory_space<hbm>>
          %dma_wait3A_80 = arith.constant 0 : i32
          %dma_wait3A_81 = tpu.memref_slice %arg5[%run_scoped3A, %dma_wait3A_80] : memref<2x128xi32, #tpu.memory_space<vmem>> -> memref<1x128xi32, #tpu.memory_space<vmem>>
          %dma_wait3A_82 = tpu.memref_squeeze %dma_wait3A_81 : memref<1x128xi32, #tpu.memory_space<vmem>> -> memref<128xi32, #tpu.memory_space<vmem>>
          %dma_wait3A_83 = tpu.memref_slice %arg3[%mul3A_15] : memref<297984xi32, #tpu.memory_space<hbm>> -> memref<128xi32, #tpu.memory_space<hbm>>
          tpu.wait_dma2 semaphore(%run_scoped3A_67 : memref<!tpu.dma_semaphore, #tpu.memory_space<semaphore_mem>>) src(%dma_wait3A_83 : memref<128xi32, #tpu.memory_space<hbm>>) dst(%dma_wait3A_82 : memref<128xi32, #tpu.memory_space<vmem>>)
          tpu.yield
        }) : () -> ()
        %dma_start3A = arith.constant 0 : i32
        %dma_start3A_18 = arith.constant 0 : i32
        %dma_start3A_19 = arith.constant 0 : i32
        %dma_start3A_20 = arith.constant 0 : i32
        %dma_start3A_21 = tpu.memref_slice %arg6[%dma_start3A_18, %dma_start3A_19, %dma_start3A_20] : memref<2x128x128xf32, #tpu.memory_space<vmem>> -> memref<1x128x128xf32, #tpu.memory_space<vmem>>
        %dma_start3A_22 = tpu.memref_squeeze %dma_start3A_21 : memref<1x128x128xf32, #tpu.memory_space<vmem>> -> memref<128x128xf32, #tpu.memory_space<vmem>>
        %dma_start3A_23 = arith.constant 0 : i32
        %dma_start3A_24 = tpu.memref_slice %arg5[%dma_start3A, %dma_start3A_23] : memref<2x128xi32, #tpu.memory_space<vmem>> -> memref<1x128xi32, #tpu.memory_space<vmem>>
        %dma_start3A_25 = tpu.memref_squeeze %dma_start3A_24 : memref<1x128xi32, #tpu.memory_space<vmem>> -> memref<128xi32, #tpu.memory_space<vmem>>
        %dma_start3A_26 = arith.constant 0 : i32
        %dma_start3A_27 = arith.constant 0 : i32
        %dma_start3A_28 = tpu.memref_slice %arg2[%dma_start3A_26, %dma_start3A_27] : memref<196609x128xf32, #tpu.memory_space<hbm>> -> memref<196609x128xf32, #tpu.memory_space<hbm>>
        tpu.enqueue_indirect_dma source(%dma_start3A_28 : memref<196609x128xf32, #tpu.memory_space<hbm>>) target(%dma_start3A_22 : memref<128x128xf32, #tpu.memory_space<vmem>>) offsets(%dma_start3A_25 : memref<128xi32, #tpu.memory_space<vmem>>) semaphore(%arg7 : memref<!tpu.dma_semaphore, #tpu.memory_space<semaphore_mem>>)
        %run_scoped3A_29 = arith.constant 1 : i32
        "tpu.region"() ({
          %run_scoped3A_67 = tpu.sem_alloc : memref<!tpu.dma_semaphore, #tpu.memory_space<semaphore_mem>>
          %dma_start3A_68 = arith.constant 0 : i32
          %dma_start3A_69 = tpu.memref_slice %arg5[%run_scoped3A_29, %dma_start3A_68] : memref<2x128xi32, #tpu.memory_space<vmem>> -> memref<1x128xi32, #tpu.memory_space<vmem>>
          %dma_start3A_70 = tpu.memref_squeeze %dma_start3A_69 : memref<1x128xi32, #tpu.memory_space<vmem>> -> memref<128xi32, #tpu.memory_space<vmem>>
          %dma_start3A_71 = tpu.memref_slice %arg3[%add3A_17] : memref<297984xi32, #tpu.memory_space<hbm>> -> memref<128xi32, #tpu.memory_space<hbm>>
          %dma_start3A_72 = arith.constant 0 : i32
          %dma_start3A_73 = tpu.memref_slice %arg5[%run_scoped3A_29, %dma_start3A_72] : memref<2x128xi32, #tpu.memory_space<vmem>> -> memref<1x128xi32, #tpu.memory_space<vmem>>
          %dma_start3A_74 = tpu.memref_squeeze %dma_start3A_73 : memref<1x128xi32, #tpu.memory_space<vmem>> -> memref<128xi32, #tpu.memory_space<vmem>>
          %dma_start3A_75 = tpu.memref_slice %arg3[%add3A_17] : memref<297984xi32, #tpu.memory_space<hbm>> -> memref<128xi32, #tpu.memory_space<hbm>>
          tpu.enqueue_dma source(%dma_start3A_75 : memref<128xi32, #tpu.memory_space<hbm>>) target(%dma_start3A_74 : memref<128xi32, #tpu.memory_space<vmem>>) target_semaphore(%run_scoped3A_67 : memref<!tpu.dma_semaphore, #tpu.memory_space<semaphore_mem>>)
          %dma_wait3A_76 = arith.constant 0 : i32
          %dma_wait3A_77 = tpu.memref_slice %arg5[%run_scoped3A_29, %dma_wait3A_76] : memref<2x128xi32, #tpu.memory_space<vmem>> -> memref<1x128xi32, #tpu.memory_space<vmem>>
          %dma_wait3A_78 = tpu.memref_squeeze %dma_wait3A_77 : memref<1x128xi32, #tpu.memory_space<vmem>> -> memref<128xi32, #tpu.memory_space<vmem>>
          %dma_wait3A_79 = tpu.memref_slice %arg3[%add3A_17] : memref<297984xi32, #tpu.memory_space<hbm>> -> memref<128xi32, #tpu.memory_space<hbm>>
          %dma_wait3A_80 = arith.constant 0 : i32
          %dma_wait3A_81 = tpu.memref_slice %arg5[%run_scoped3A_29, %dma_wait3A_80] : memref<2x128xi32, #tpu.memory_space<vmem>> -> memref<1x128xi32, #tpu.memory_space<vmem>>
          %dma_wait3A_82 = tpu.memref_squeeze %dma_wait3A_81 : memref<1x128xi32, #tpu.memory_space<vmem>> -> memref<128xi32, #tpu.memory_space<vmem>>
          %dma_wait3A_83 = tpu.memref_slice %arg3[%add3A_17] : memref<297984xi32, #tpu.memory_space<hbm>> -> memref<128xi32, #tpu.memory_space<hbm>>
          tpu.wait_dma2 semaphore(%run_scoped3A_67 : memref<!tpu.dma_semaphore, #tpu.memory_space<semaphore_mem>>) src(%dma_wait3A_83 : memref<128xi32, #tpu.memory_space<hbm>>) dst(%dma_wait3A_82 : memref<128xi32, #tpu.memory_space<vmem>>)
          tpu.yield
        }) : () -> ()
        %dma_start3A_30 = arith.constant 1 : i32
        %dma_start3A_31 = arith.constant 1 : i32
        %dma_start3A_32 = arith.constant 0 : i32
        %dma_start3A_33 = arith.constant 0 : i32
        %dma_start3A_34 = tpu.memref_slice %arg6[%dma_start3A_31, %dma_start3A_32, %dma_start3A_33] : memref<2x128x128xf32, #tpu.memory_space<vmem>> -> memref<1x128x128xf32, #tpu.memory_space<vmem>>
        %dma_start3A_35 = tpu.memref_squeeze %dma_start3A_34 : memref<1x128x128xf32, #tpu.memory_space<vmem>> -> memref<128x128xf32, #tpu.memory_space<vmem>>
        %dma_start3A_36 = arith.constant 0 : i32
        %dma_start3A_37 = tpu.memref_slice %arg5[%dma_start3A_30, %dma_start3A_36] : memref<2x128xi32, #tpu.memory_space<vmem>> -> memref<1x128xi32, #tpu.memory_space<vmem>>
        %dma_start3A_38 = tpu.memref_squeeze %dma_start3A_37 : memref<1x128xi32, #tpu.memory_space<vmem>> -> memref<128xi32, #tpu.memory_space<vmem>>
        %dma_start3A_39 = arith.constant 0 : i32
        %dma_start3A_40 = arith.constant 0 : i32
        %dma_start3A_41 = tpu.memref_slice %arg2[%dma_start3A_39, %dma_start3A_40] : memref<196609x128xf32, #tpu.memory_space<hbm>> -> memref<196609x128xf32, #tpu.memory_space<hbm>>
        tpu.enqueue_indirect_dma source(%dma_start3A_41 : memref<196609x128xf32, #tpu.memory_space<hbm>>) target(%dma_start3A_35 : memref<128x128xf32, #tpu.memory_space<vmem>>) offsets(%dma_start3A_38 : memref<128xi32, #tpu.memory_space<vmem>>) semaphore(%arg8 : memref<!tpu.dma_semaphore, #tpu.memory_space<semaphore_mem>>)
        %dma_wait3A = arith.constant 0 : i32
        %dma_wait3A_42 = arith.constant 0 : i32
        %dma_wait3A_43 = arith.constant 0 : i32
        %dma_wait3A_44 = arith.constant 0 : i32
        %dma_wait3A_45 = tpu.memref_slice %arg6[%dma_wait3A_42, %dma_wait3A_43, %dma_wait3A_44] : memref<2x128x128xf32, #tpu.memory_space<vmem>> -> memref<1x128x128xf32, #tpu.memory_space<vmem>>
        %dma_wait3A_46 = tpu.memref_squeeze %dma_wait3A_45 : memref<1x128x128xf32, #tpu.memory_space<vmem>> -> memref<128x128xf32, #tpu.memory_space<vmem>>
        %dma_wait3A_47 = arith.constant 0 : i32
        %dma_wait3A_48 = tpu.memref_slice %arg5[%dma_wait3A, %dma_wait3A_47] : memref<2x128xi32, #tpu.memory_space<vmem>> -> memref<1x128xi32, #tpu.memory_space<vmem>>
        %dma_wait3A_49 = tpu.memref_squeeze %dma_wait3A_48 : memref<1x128xi32, #tpu.memory_space<vmem>> -> memref<128xi32, #tpu.memory_space<vmem>>
        %dma_wait3A_50 = arith.constant 0 : i32
        %dma_wait3A_51 = arith.constant 0 : i32
        %dma_wait3A_52 = tpu.memref_slice %arg2[%dma_wait3A_50, %dma_wait3A_51] : memref<196609x128xf32, #tpu.memory_space<hbm>> -> memref<196609x128xf32, #tpu.memory_space<hbm>>
        tpu.wait_indirect_dma semaphore(%arg7 : memref<!tpu.dma_semaphore, #tpu.memory_space<semaphore_mem>>) src(%dma_wait3A_52 : memref<196609x128xf32, #tpu.memory_space<hbm>>) dst(%dma_wait3A_46 : memref<128x128xf32, #tpu.memory_space<vmem>>)
        %run_scoped3A_53 = arith.constant 0 : i32
        "tpu.region"() ({
          %run_scoped3A_67 = tpu.sem_alloc : memref<!tpu.dma_semaphore, #tpu.memory_space<semaphore_mem>>
          %dma_start3A_68 = arith.constant 0 : i32
          %dma_start3A_69 = arith.constant 0 : i32
          %dma_start3A_70 = tpu.memref_slice %arg6[%run_scoped3A_53, %dma_start3A_68, %dma_start3A_69] : memref<2x128x128xf32, #tpu.memory_space<vmem>> -> memref<1x128x128xf32, #tpu.memory_space<vmem>>
          %dma_start3A_71 = tpu.memref_squeeze %dma_start3A_70 : memref<1x128x128xf32, #tpu.memory_space<vmem>> -> memref<128x128xf32, #tpu.memory_space<vmem>>
          %dma_start3A_72 = arith.constant 0 : i32
          %dma_start3A_73 = tpu.memref_slice %arg4[%mul3A_15, %dma_start3A_72] : memref<297984x128xf32, #tpu.memory_space<hbm>> -> memref<128x128xf32, #tpu.memory_space<hbm>>
          %dma_start3A_74 = arith.constant 0 : i32
          %dma_start3A_75 = tpu.memref_slice %arg4[%mul3A_15, %dma_start3A_74] : memref<297984x128xf32, #tpu.memory_space<hbm>> -> memref<128x128xf32, #tpu.memory_space<hbm>>
          %dma_start3A_76 = arith.constant 0 : i32
          %dma_start3A_77 = arith.constant 0 : i32
          %dma_start3A_78 = tpu.memref_slice %arg6[%run_scoped3A_53, %dma_start3A_76, %dma_start3A_77] : memref<2x128x128xf32, #tpu.memory_space<vmem>> -> memref<1x128x128xf32, #tpu.memory_space<vmem>>
          %dma_start3A_79 = tpu.memref_squeeze %dma_start3A_78 : memref<1x128x128xf32, #tpu.memory_space<vmem>> -> memref<128x128xf32, #tpu.memory_space<vmem>>
          tpu.enqueue_dma source(%dma_start3A_79 : memref<128x128xf32, #tpu.memory_space<vmem>>) target(%dma_start3A_75 : memref<128x128xf32, #tpu.memory_space<hbm>>) target_semaphore(%run_scoped3A_67 : memref<!tpu.dma_semaphore, #tpu.memory_space<semaphore_mem>>)
          %dma_wait3A_80 = arith.constant 0 : i32
          %dma_wait3A_81 = arith.constant 0 : i32
          %dma_wait3A_82 = tpu.memref_slice %arg6[%run_scoped3A_53, %dma_wait3A_80, %dma_wait3A_81] : memref<2x128x128xf32, #tpu.memory_space<vmem>> -> memref<1x128x128xf32, #tpu.memory_space<vmem>>
          %dma_wait3A_83 = tpu.memref_squeeze %dma_wait3A_82 : memref<1x128x128xf32, #tpu.memory_space<vmem>> -> memref<128x128xf32, #tpu.memory_space<vmem>>
          %dma_wait3A_84 = arith.constant 0 : i32
          %dma_wait3A_85 = tpu.memref_slice %arg4[%mul3A_15, %dma_wait3A_84] : memref<297984x128xf32, #tpu.memory_space<hbm>> -> memref<128x128xf32, #tpu.memory_space<hbm>>
          %dma_wait3A_86 = arith.constant 0 : i32
          %dma_wait3A_87 = tpu.memref_slice %arg4[%mul3A_15, %dma_wait3A_86] : memref<297984x128xf32, #tpu.memory_space<hbm>> -> memref<128x128xf32, #tpu.memory_space<hbm>>
          %dma_wait3A_88 = arith.constant 0 : i32
          %dma_wait3A_89 = arith.constant 0 : i32
          %dma_wait3A_90 = tpu.memref_slice %arg6[%run_scoped3A_53, %dma_wait3A_88, %dma_wait3A_89] : memref<2x128x128xf32, #tpu.memory_space<vmem>> -> memref<1x128x128xf32, #tpu.memory_space<vmem>>
          %dma_wait3A_91 = tpu.memref_squeeze %dma_wait3A_90 : memref<1x128x128xf32, #tpu.memory_space<vmem>> -> memref<128x128xf32, #tpu.memory_space<vmem>>
          tpu.wait_dma2 semaphore(%run_scoped3A_67 : memref<!tpu.dma_semaphore, #tpu.memory_space<semaphore_mem>>) src(%dma_wait3A_91 : memref<128x128xf32, #tpu.memory_space<vmem>>) dst(%dma_wait3A_87 : memref<128x128xf32, #tpu.memory_space<hbm>>)
          tpu.yield
        }) : () -> ()
        %dma_wait3A_54 = arith.constant 1 : i32
        %dma_wait3A_55 = arith.constant 1 : i32
        %dma_wait3A_56 = arith.constant 0 : i32
        %dma_wait3A_57 = arith.constant 0 : i32
        %dma_wait3A_58 = tpu.memref_slice %arg6[%dma_wait3A_55, %dma_wait3A_56, %dma_wait3A_57] : memref<2x128x128xf32, #tpu.memory_space<vmem>> -> memref<1x128x128xf32, #tpu.memory_space<vmem>>
        %dma_wait3A_59 = tpu.memref_squeeze %dma_wait3A_58 : memref<1x128x128xf32, #tpu.memory_space<vmem>> -> memref<128x128xf32, #tpu.memory_space<vmem>>
        %dma_wait3A_60 = arith.constant 0 : i32
        %dma_wait3A_61 = tpu.memref_slice %arg5[%dma_wait3A_54, %dma_wait3A_60] : memref<2x128xi32, #tpu.memory_space<vmem>> -> memref<1x128xi32, #tpu.memory_space<vmem>>
        %dma_wait3A_62 = tpu.memref_squeeze %dma_wait3A_61 : memref<1x128xi32, #tpu.memory_space<vmem>> -> memref<128xi32, #tpu.memory_space<vmem>>
        %dma_wait3A_63 = arith.constant 0 : i32
        %dma_wait3A_64 = arith.constant 0 : i32
        %dma_wait3A_65 = tpu.memref_slice %arg2[%dma_wait3A_63, %dma_wait3A_64] : memref<196609x128xf32, #tpu.memory_space<hbm>> -> memref<196609x128xf32, #tpu.memory_space<hbm>>
        tpu.wait_indirect_dma semaphore(%arg8 : memref<!tpu.dma_semaphore, #tpu.memory_space<semaphore_mem>>) src(%dma_wait3A_65 : memref<196609x128xf32, #tpu.memory_space<hbm>>) dst(%dma_wait3A_59 : memref<128x128xf32, #tpu.memory_space<vmem>>)
        %run_scoped3A_66 = arith.constant 1 : i32
        "tpu.region"() ({
          %run_scoped3A_67 = tpu.sem_alloc : memref<!tpu.dma_semaphore, #tpu.memory_space<semaphore_mem>>
          %dma_start3A_68 = arith.constant 0 : i32
          %dma_start3A_69 = arith.constant 0 : i32
          %dma_start3A_70 = tpu.memref_slice %arg6[%run_scoped3A_66, %dma_start3A_68, %dma_start3A_69] : memref<2x128x128xf32, #tpu.memory_space<vmem>> -> memref<1x128x128xf32, #tpu.memory_space<vmem>>
          %dma_start3A_71 = tpu.memref_squeeze %dma_start3A_70 : memref<1x128x128xf32, #tpu.memory_space<vmem>> -> memref<128x128xf32, #tpu.memory_space<vmem>>
          %dma_start3A_72 = arith.constant 0 : i32
          %dma_start3A_73 = tpu.memref_slice %arg4[%add3A_17, %dma_start3A_72] : memref<297984x128xf32, #tpu.memory_space<hbm>> -> memref<128x128xf32, #tpu.memory_space<hbm>>
          %dma_start3A_74 = arith.constant 0 : i32
          %dma_start3A_75 = tpu.memref_slice %arg4[%add3A_17, %dma_start3A_74] : memref<297984x128xf32, #tpu.memory_space<hbm>> -> memref<128x128xf32, #tpu.memory_space<hbm>>
          %dma_start3A_76 = arith.constant 0 : i32
          %dma_start3A_77 = arith.constant 0 : i32
          %dma_start3A_78 = tpu.memref_slice %arg6[%run_scoped3A_66, %dma_start3A_76, %dma_start3A_77] : memref<2x128x128xf32, #tpu.memory_space<vmem>> -> memref<1x128x128xf32, #tpu.memory_space<vmem>>
          %dma_start3A_79 = tpu.memref_squeeze %dma_start3A_78 : memref<1x128x128xf32, #tpu.memory_space<vmem>> -> memref<128x128xf32, #tpu.memory_space<vmem>>
          tpu.enqueue_dma source(%dma_start3A_79 : memref<128x128xf32, #tpu.memory_space<vmem>>) target(%dma_start3A_75 : memref<128x128xf32, #tpu.memory_space<hbm>>) target_semaphore(%run_scoped3A_67 : memref<!tpu.dma_semaphore, #tpu.memory_space<semaphore_mem>>)
          %dma_wait3A_80 = arith.constant 0 : i32
          %dma_wait3A_81 = arith.constant 0 : i32
          %dma_wait3A_82 = tpu.memref_slice %arg6[%run_scoped3A_66, %dma_wait3A_80, %dma_wait3A_81] : memref<2x128x128xf32, #tpu.memory_space<vmem>> -> memref<1x128x128xf32, #tpu.memory_space<vmem>>
          %dma_wait3A_83 = tpu.memref_squeeze %dma_wait3A_82 : memref<1x128x128xf32, #tpu.memory_space<vmem>> -> memref<128x128xf32, #tpu.memory_space<vmem>>
          %dma_wait3A_84 = arith.constant 0 : i32
          %dma_wait3A_85 = tpu.memref_slice %arg4[%add3A_17, %dma_wait3A_84] : memref<297984x128xf32, #tpu.memory_space<hbm>> -> memref<128x128xf32, #tpu.memory_space<hbm>>
          %dma_wait3A_86 = arith.constant 0 : i32
          %dma_wait3A_87 = tpu.memref_slice %arg4[%add3A_17, %dma_wait3A_86] : memref<297984x128xf32, #tpu.memory_space<hbm>> -> memref<128x128xf32, #tpu.memory_space<hbm>>
          %dma_wait3A_88 = arith.constant 0 : i32
          %dma_wait3A_89 = arith.constant 0 : i32
          %dma_wait3A_90 = tpu.memref_slice %arg6[%run_scoped3A_66, %dma_wait3A_88, %dma_wait3A_89] : memref<2x128x128xf32, #tpu.memory_space<vmem>> -> memref<1x128x128xf32, #tpu.memory_space<vmem>>
          %dma_wait3A_91 = tpu.memref_squeeze %dma_wait3A_90 : memref<1x128x128xf32, #tpu.memory_space<vmem>> -> memref<128x128xf32, #tpu.memory_space<vmem>>
          tpu.wait_dma2 semaphore(%run_scoped3A_67 : memref<!tpu.dma_semaphore, #tpu.memory_space<semaphore_mem>>) src(%dma_wait3A_91 : memref<128x128xf32, #tpu.memory_space<vmem>>) dst(%dma_wait3A_87 : memref<128x128xf32, #tpu.memory_space<hbm>>)
          tpu.yield
        }) : () -> ()
      } else {
      }
    }
    %scan3A_5 = arith.constant 37 : i32
    return
  }
}

module attributes {stable_mosaic.version = 14 : i64} {
  func.func @kern(%arg0: i32, %arg1: memref<512x147xf32, #tpu.memory_space<vmem>>, %arg2: memref<128x147xf32, #tpu.memory_space<vmem>>, %arg3: memref<512x128xf32, #tpu.memory_space<vmem>>) attributes {dimension_semantics = [#tpu.dimension_semantics<arbitrary>], iteration_bounds = array<i64: 385>, scalar_prefetch = 0 : i64, scratch_operands = 0 : i64, tpu.core_type = #tpu.core_type<tc>, window_params = [{transform_indices = @transform_0, window_bounds = array<i64: 512, 147>}, {pipeline_mode = #tpu.pipeline_mode<synchronous>, transform_indices = @transform_1, window_bounds = array<i64: 128, 147>}, {transform_indices = @transform_2, window_bounds = array<i64: 512, 128>}]} {
    %get3A = arith.constant 0 : index
    %get3A_0 = arith.constant 0 : index
    %get3A_1 = vector.load %arg1[%get3A, %get3A_0] : memref<512x147xf32, #tpu.memory_space<vmem>>, vector<512x147xf32>
    %get3A_2 = arith.constant 0 : index
    %get3A_3 = arith.constant 0 : index
    %get3A_4 = vector.load %arg2[%get3A_2, %get3A_3] : memref<128x147xf32, #tpu.memory_space<vmem>>, vector<128x147xf32>
    %dot_general3A = arith.constant dense<0.000000e+00> : vector<512x128xf32>
    %dot_general3A_5 = tpu.matmul %get3A_1, %get3A_4, %dot_general3A {dimension_numbers = #tpu.dot_dimension_numbers<[1], [1], [0], [0], [0, 0, 1, 0], [], []>, transpose_lhs_hint = false} : vector<512x147xf32>, vector<128x147xf32>, vector<512x128xf32> -> vector<512x128xf32>
    %max3A = arith.constant 0.000000e+00 : f32
    %max3A_6 = vector.broadcast %max3A : f32 to vector<512x128xf32>
    %max3A_7 = arith.maximumf %dot_general3A_5, %max3A_6 : vector<512x128xf32>
    %swap3A = arith.constant 0 : index
    %swap3A_8 = arith.constant 0 : index
    %swap3A_9 = vector.load %arg3[%swap3A, %swap3A_8] : memref<512x128xf32, #tpu.memory_space<vmem>>, vector<512x128xf32>
    tpu.vector_store %arg3[%swap3A, %swap3A_8], %max3A_7 {strides = array<i32>} : memref<512x128xf32, #tpu.memory_space<vmem>>, vector<512x128xf32>,
    return
  }
  func.func @transform_0(%arg0: i32) -> (i32, i32) {
    %c0_i32 = arith.constant 0 : i32
    %c0_i32_0 = arith.constant 0 : i32
    return %arg0, %c0_i32 : i32, i32
  }
  func.func @transform_1(%arg0: i32) -> (i32, i32) {
    %c0_i32 = arith.constant 0 : i32
    %c0_i32_0 = arith.constant 0 : i32
    %c0_i32_1 = arith.constant 0 : i32
    return %c0_i32, %c0_i32_0 : i32, i32
  }
  func.func @transform_2(%arg0: i32) -> (i32, i32) {
    %c0_i32 = arith.constant 0 : i32
    %c0_i32_0 = arith.constant 0 : i32
    return %arg0, %c0_i32 : i32, i32
  }
}

module attributes {stable_mosaic.version = 14 : i64} {
  func.func @kern(%arg0: i32, %arg1: memref<512x133xf32, #tpu.memory_space<vmem>>, %arg2: memref<128x133xf32, #tpu.memory_space<vmem>>, %arg3: memref<512x128xf32, #tpu.memory_space<vmem>>) attributes {dimension_semantics = [#tpu.dimension_semantics<arbitrary>], iteration_bounds = array<i64: 97>, scalar_prefetch = 0 : i64, scratch_operands = 0 : i64, tpu.core_type = #tpu.core_type<tc>, window_params = [{transform_indices = @transform_0, window_bounds = array<i64: 512, 133>}, {pipeline_mode = #tpu.pipeline_mode<synchronous>, transform_indices = @transform_1, window_bounds = array<i64: 128, 133>}, {transform_indices = @transform_2, window_bounds = array<i64: 512, 128>}]} {
    %get3A = arith.constant 0 : index
    %get3A_0 = arith.constant 0 : index
    %get3A_1 = vector.load %arg1[%get3A, %get3A_0] : memref<512x133xf32, #tpu.memory_space<vmem>>, vector<512x133xf32>
    %get3A_2 = arith.constant 0 : index
    %get3A_3 = arith.constant 0 : index
    %get3A_4 = vector.load %arg2[%get3A_2, %get3A_3] : memref<128x133xf32, #tpu.memory_space<vmem>>, vector<128x133xf32>
    %dot_general3A = arith.constant dense<0.000000e+00> : vector<512x128xf32>
    %dot_general3A_5 = tpu.matmul %get3A_1, %get3A_4, %dot_general3A {dimension_numbers = #tpu.dot_dimension_numbers<[1], [1], [0], [0], [0, 0, 1, 0], [], []>, transpose_lhs_hint = false} : vector<512x133xf32>, vector<128x133xf32>, vector<512x128xf32> -> vector<512x128xf32>
    %max3A = arith.constant 0.000000e+00 : f32
    %max3A_6 = vector.broadcast %max3A : f32 to vector<512x128xf32>
    %max3A_7 = arith.maximumf %dot_general3A_5, %max3A_6 : vector<512x128xf32>
    %swap3A = arith.constant 0 : index
    %swap3A_8 = arith.constant 0 : index
    %swap3A_9 = vector.load %arg3[%swap3A, %swap3A_8] : memref<512x128xf32, #tpu.memory_space<vmem>>, vector<512x128xf32>
    tpu.vector_store %arg3[%swap3A, %swap3A_8], %max3A_7 {strides = array<i32>} : memref<512x128xf32, #tpu.memory_space<vmem>>, vector<512x128xf32>,
    return
  }
  func.func @transform_0(%arg0: i32) -> (i32, i32) {
    %c0_i32 = arith.constant 0 : i32
    %c0_i32_0 = arith.constant 0 : i32
    return %arg0, %c0_i32 : i32, i32
  }
  func.func @transform_1(%arg0: i32) -> (i32, i32) {
    %c0_i32 = arith.constant 0 : i32
    %c0_i32_0 = arith.constant 0 : i32
    %c0_i32_1 = arith.constant 0 : i32
    return %c0_i32, %c0_i32_0 : i32, i32
  }
  func.func @transform_2(%arg0: i32) -> (i32, i32) {
    %c0_i32 = arith.constant 0 : i32
    %c0_i32_0 = arith.constant 0 : i32
    return %arg0, %c0_i32 : i32, i32
  }
}

module attributes {stable_mosaic.version = 14 : i64} {
  func.func @kern(%arg0: i32, %arg1: memref<6x512x128xf32, #tpu.memory_space<vmem>>, %arg2: memref<512x128xf32, #tpu.memory_space<vmem>>, %arg3: memref<512x128xf32, #tpu.memory_space<vmem>>) attributes {dimension_semantics = [#tpu.dimension_semantics<arbitrary>], iteration_bounds = array<i64: 97>, scalar_prefetch = 0 : i64, scratch_operands = 0 : i64, tpu.core_type = #tpu.core_type<tc>, window_params = [{transform_indices = @transform_0, window_bounds = array<i64: 6, 512, 128>}, {transform_indices = @transform_1, window_bounds = array<i64: 512, 128>}, {transform_indices = @transform_2, window_bounds = array<i64: 512, 128>}]} {
    %get3A = arith.constant 0 : index
    %get3A_0 = arith.constant 0 : index
    %get3A_1 = arith.constant 0 : index
    %get3A_2 = vector.load %arg1[%get3A, %get3A_0, %get3A_1] : memref<6x512x128xf32, #tpu.memory_space<vmem>>, vector<6x512x128xf32>
    %slice3A = vector.extract_strided_slice %get3A_2 {offsets = [0, 0, 0], sizes = [1, 512, 128], strides = [1, 1, 1]} : vector<6x512x128xf32> to vector<1x512x128xf32>
    %squeeze3A = vector.shape_cast %slice3A : vector<1x512x128xf32> to vector<512x128xf32>
    %slice3A_3 = vector.extract_strided_slice %get3A_2 {offsets = [1, 0, 0], sizes = [1, 512, 128], strides = [1, 1, 1]} : vector<6x512x128xf32> to vector<1x512x128xf32>
    %squeeze3A_4 = vector.shape_cast %slice3A_3 : vector<1x512x128xf32> to vector<512x128xf32>
    %add3A = arith.addf %squeeze3A, %squeeze3A_4 : vector<512x128xf32>
    %slice3A_5 = vector.extract_strided_slice %get3A_2 {offsets = [2, 0, 0], sizes = [1, 512, 128], strides = [1, 1, 1]} : vector<6x512x128xf32> to vector<1x512x128xf32>
    %squeeze3A_6 = vector.shape_cast %slice3A_5 : vector<1x512x128xf32> to vector<512x128xf32>
    %add3A_7 = arith.addf %add3A, %squeeze3A_6 : vector<512x128xf32>
    %slice3A_8 = vector.extract_strided_slice %get3A_2 {offsets = [3, 0, 0], sizes = [1, 512, 128], strides = [1, 1, 1]} : vector<6x512x128xf32> to vector<1x512x128xf32>
    %squeeze3A_9 = vector.shape_cast %slice3A_8 : vector<1x512x128xf32> to vector<512x128xf32>
    %add3A_10 = arith.addf %add3A_7, %squeeze3A_9 : vector<512x128xf32>
    %slice3A_11 = vector.extract_strided_slice %get3A_2 {offsets = [4, 0, 0], sizes = [1, 512, 128], strides = [1, 1, 1]} : vector<6x512x128xf32> to vector<1x512x128xf32>
    %squeeze3A_12 = vector.shape_cast %slice3A_11 : vector<1x512x128xf32> to vector<512x128xf32>
    %add3A_13 = arith.addf %add3A_10, %squeeze3A_12 : vector<512x128xf32>
    %slice3A_14 = vector.extract_strided_slice %get3A_2 {offsets = [5, 0, 0], sizes = [1, 512, 128], strides = [1, 1, 1]} : vector<6x512x128xf32> to vector<1x512x128xf32>
    %squeeze3A_15 = vector.shape_cast %slice3A_14 : vector<1x512x128xf32> to vector<512x128xf32>
    %add3A_16 = arith.addf %add3A_13, %squeeze3A_15 : vector<512x128xf32>
    %get3A_17 = arith.constant 0 : index
    %get3A_18 = arith.constant 0 : index
    %get3A_19 = vector.load %arg2[%get3A_17, %get3A_18] : memref<512x128xf32, #tpu.memory_space<vmem>>, vector<512x128xf32>
    %reduce_max3A = arith.constant dense<0xFF800000> : vector<512x128xf32>
    %reduce_max3A_20 = vector.multi_reduction <maximumf>, %get3A_2, %reduce_max3A [0] : vector<6x512x128xf32> to vector<512x128xf32>
    %mul3A = arith.mulf %add3A_16, %reduce_max3A_20 : vector<512x128xf32>
    %add3A_21 = arith.addf %get3A_19, %mul3A : vector<512x128xf32>
    %swap3A = arith.constant 0 : index
    %swap3A_22 = arith.constant 0 : index
    %swap3A_23 = vector.load %arg3[%swap3A, %swap3A_22] : memref<512x128xf32, #tpu.memory_space<vmem>>, vector<512x128xf32>
    tpu.vector_store %arg3[%swap3A, %swap3A_22], %add3A_21 {strides = array<i32>} : memref<512x128xf32, #tpu.memory_space<vmem>>, vector<512x128xf32>,
    return
  }
  func.func @transform_0(%arg0: i32) -> (i32, i32, i32) {
    %c0_i32 = arith.constant 0 : i32
    %c0_i32_0 = arith.constant 0 : i32
    %c0_i32_1 = arith.constant 0 : i32
    return %c0_i32, %arg0, %c0_i32_0 : i32, i32, i32
  }
  func.func @transform_1(%arg0: i32) -> (i32, i32) {
    %c0_i32 = arith.constant 0 : i32
    %c0_i32_0 = arith.constant 0 : i32
    return %arg0, %c0_i32 : i32, i32
  }
  func.func @transform_2(%arg0: i32) -> (i32, i32) {
    %c0_i32 = arith.constant 0 : i32
    %c0_i32_0 = arith.constant 0 : i32
    return %arg0, %c0_i32 : i32, i32
  }
}

module attributes {stable_mosaic.version = 14 : i64} {
  func.func @kern(%arg0: i32, %arg1: memref<512x128xf32, #tpu.memory_space<vmem>>, %arg2: memref<512x128xf32, #tpu.memory_space<vmem>>, %arg3: memref<512x128xf32, #tpu.memory_space<vmem>>, %arg4: memref<128x128xf32, #tpu.memory_space<vmem>>, %arg5: memref<512x128xf32, #tpu.memory_space<vmem>>) attributes {dimension_semantics = [#tpu.dimension_semantics<arbitrary>], iteration_bounds = array<i64: 385>, scalar_prefetch = 0 : i64, scratch_operands = 0 : i64, tpu.core_type = #tpu.core_type<tc>, window_params = [{transform_indices = @transform_0, window_bounds = array<i64: 512, 128>}, {transform_indices = @transform_1, window_bounds = array<i64: 512, 128>}, {transform_indices = @transform_2, window_bounds = array<i64: 512, 128>}, {pipeline_mode = #tpu.pipeline_mode<synchronous>, transform_indices = @transform_3, window_bounds = array<i64: 128, 128>}, {transform_indices = @transform_4, window_bounds = array<i64: 512, 128>}]} {
    %get3A = arith.constant 0 : index
    %get3A_0 = arith.constant 0 : index
    %get3A_1 = vector.load %arg1[%get3A, %get3A_0] : memref<512x128xf32, #tpu.memory_space<vmem>>, vector<512x128xf32>
    %get3A_2 = arith.constant 0 : index
    %get3A_3 = arith.constant 0 : index
    %get3A_4 = vector.load %arg2[%get3A_2, %get3A_3] : memref<512x128xf32, #tpu.memory_space<vmem>>, vector<512x128xf32>
    %sub3A = arith.subf %get3A_1, %get3A_4 : vector<512x128xf32>
    %get3A_5 = arith.constant 0 : index
    %get3A_6 = arith.constant 0 : index
    %get3A_7 = vector.load %arg3[%get3A_5, %get3A_6] : memref<512x128xf32, #tpu.memory_space<vmem>>, vector<512x128xf32>
    %get3A_8 = arith.constant 0 : index
    %get3A_9 = arith.constant 0 : index
    %get3A_10 = vector.load %arg4[%get3A_8, %get3A_9] : memref<128x128xf32, #tpu.memory_space<vmem>>, vector<128x128xf32>
    %dot_general3A = arith.constant dense<0.000000e+00> : vector<512x128xf32>
    %dot_general3A_11 = tpu.matmul %sub3A, %get3A_10, %dot_general3A {dimension_numbers = #tpu.dot_dimension_numbers<[1], [1], [0], [0], [0, 0, 1, 0], [], []>, transpose_lhs_hint = false} : vector<512x128xf32>, vector<128x128xf32>, vector<512x128xf32> -> vector<512x128xf32>
    %add3A = arith.addf %get3A_7, %dot_general3A_11 : vector<512x128xf32>
    %max3A = arith.constant 0.000000e+00 : f32
    %max3A_12 = vector.broadcast %max3A : f32 to vector<512x128xf32>
    %max3A_13 = arith.maximumf %add3A, %max3A_12 : vector<512x128xf32>
    %swap3A = arith.constant 0 : index
    %swap3A_14 = arith.constant 0 : index
    %swap3A_15 = vector.load %arg5[%swap3A, %swap3A_14] : memref<512x128xf32, #tpu.memory_space<vmem>>, vector<512x128xf32>
    tpu.vector_store %arg5[%swap3A, %swap3A_14], %max3A_13 {strides = array<i32>} : memref<512x128xf32, #tpu.memory_space<vmem>>, vector<512x128xf32>,
    return
  }
  func.func @transform_0(%arg0: i32) -> (i32, i32) {
    %c0_i32 = arith.constant 0 : i32
    %c0_i32_0 = arith.constant 0 : i32
    return %arg0, %c0_i32 : i32, i32
  }
  func.func @transform_1(%arg0: i32) -> (i32, i32) {
    %c0_i32 = arith.constant 0 : i32
    %c0_i32_0 = arith.constant 0 : i32
    return %arg0, %c0_i32 : i32, i32
  }
  func.func @transform_2(%arg0: i32) -> (i32, i32) {
    %c0_i32 = arith.constant 0 : i32
    %c0_i32_0 = arith.constant 0 : i32
    return %arg0, %c0_i32 : i32, i32
  }
  func.func @transform_3(%arg0: i32) -> (i32, i32) {
    %c0_i32 = arith.constant 0 : i32
    %c0_i32_0 = arith.constant 0 : i32
    %c0_i32_1 = arith.constant 0 : i32
    return %c0_i32, %c0_i32_0 : i32, i32
  }
  func.func @transform_4(%arg0: i32) -> (i32, i32) {
    %c0_i32 = arith.constant 0 : i32
    %c0_i32_0 = arith.constant 0 : i32
    return %arg0, %c0_i32 : i32, i32
  }
}

module attributes {stable_mosaic.version = 14 : i64} {
  func.func @kern(%arg0: i32, %arg1: memref<6x512x128xf32, #tpu.memory_space<vmem>>, %arg2: memref<512x128xf32, #tpu.memory_space<vmem>>) attributes {dimension_semantics = [#tpu.dimension_semantics<arbitrary>], iteration_bounds = array<i64: 97>, scalar_prefetch = 0 : i64, scratch_operands = 0 : i64, tpu.core_type = #tpu.core_type<tc>, window_params = [{transform_indices = @transform_0, window_bounds = array<i64: 6, 512, 128>}, {transform_indices = @transform_1, window_bounds = array<i64: 512, 128>}]} {
    %get3A = arith.constant 0 : index
    %get3A_0 = arith.constant 0 : index
    %get3A_1 = arith.constant 0 : index
    %get3A_2 = vector.load %arg1[%get3A, %get3A_0, %get3A_1] : memref<6x512x128xf32, #tpu.memory_space<vmem>>, vector<6x512x128xf32>
    %slice3A = vector.extract_strided_slice %get3A_2 {offsets = [0, 0, 0], sizes = [1, 512, 128], strides = [1, 1, 1]} : vector<6x512x128xf32> to vector<1x512x128xf32>
    %squeeze3A = vector.shape_cast %slice3A : vector<1x512x128xf32> to vector<512x128xf32>
    %slice3A_3 = vector.extract_strided_slice %get3A_2 {offsets = [1, 0, 0], sizes = [1, 512, 128], strides = [1, 1, 1]} : vector<6x512x128xf32> to vector<1x512x128xf32>
    %squeeze3A_4 = vector.shape_cast %slice3A_3 : vector<1x512x128xf32> to vector<512x128xf32>
    %add3A = arith.addf %squeeze3A, %squeeze3A_4 : vector<512x128xf32>
    %slice3A_5 = vector.extract_strided_slice %get3A_2 {offsets = [2, 0, 0], sizes = [1, 512, 128], strides = [1, 1, 1]} : vector<6x512x128xf32> to vector<1x512x128xf32>
    %squeeze3A_6 = vector.shape_cast %slice3A_5 : vector<1x512x128xf32> to vector<512x128xf32>
    %add3A_7 = arith.addf %add3A, %squeeze3A_6 : vector<512x128xf32>
    %slice3A_8 = vector.extract_strided_slice %get3A_2 {offsets = [3, 0, 0], sizes = [1, 512, 128], strides = [1, 1, 1]} : vector<6x512x128xf32> to vector<1x512x128xf32>
    %squeeze3A_9 = vector.shape_cast %slice3A_8 : vector<1x512x128xf32> to vector<512x128xf32>
    %add3A_10 = arith.addf %add3A_7, %squeeze3A_9 : vector<512x128xf32>
    %slice3A_11 = vector.extract_strided_slice %get3A_2 {offsets = [4, 0, 0], sizes = [1, 512, 128], strides = [1, 1, 1]} : vector<6x512x128xf32> to vector<1x512x128xf32>
    %squeeze3A_12 = vector.shape_cast %slice3A_11 : vector<1x512x128xf32> to vector<512x128xf32>
    %add3A_13 = arith.addf %add3A_10, %squeeze3A_12 : vector<512x128xf32>
    %slice3A_14 = vector.extract_strided_slice %get3A_2 {offsets = [5, 0, 0], sizes = [1, 512, 128], strides = [1, 1, 1]} : vector<6x512x128xf32> to vector<1x512x128xf32>
    %squeeze3A_15 = vector.shape_cast %slice3A_14 : vector<1x512x128xf32> to vector<512x128xf32>
    %add3A_16 = arith.addf %add3A_13, %squeeze3A_15 : vector<512x128xf32>
    %reduce_max3A = arith.constant dense<0xFF800000> : vector<512x128xf32>
    %reduce_max3A_17 = vector.multi_reduction <maximumf>, %get3A_2, %reduce_max3A [0] : vector<6x512x128xf32> to vector<512x128xf32>
    %mul3A = arith.mulf %add3A_16, %reduce_max3A_17 : vector<512x128xf32>
    %swap3A = arith.constant 0 : index
    %swap3A_18 = arith.constant 0 : index
    %swap3A_19 = vector.load %arg2[%swap3A, %swap3A_18] : memref<512x128xf32, #tpu.memory_space<vmem>>, vector<512x128xf32>
    tpu.vector_store %arg2[%swap3A, %swap3A_18], %mul3A {strides = array<i32>} : memref<512x128xf32, #tpu.memory_space<vmem>>, vector<512x128xf32>,
    return
  }
  func.func @transform_0(%arg0: i32) -> (i32, i32, i32) {
    %c0_i32 = arith.constant 0 : i32
    %c0_i32_0 = arith.constant 0 : i32
    %c0_i32_1 = arith.constant 0 : i32
    return %c0_i32, %arg0, %c0_i32_0 : i32, i32, i32
  }
  func.func @transform_1(%arg0: i32) -> (i32, i32) {
    %c0_i32 = arith.constant 0 : i32
    %c0_i32_0 = arith.constant 0 : i32
    return %arg0, %c0_i32 : i32, i32
  }
}

module attributes {stable_mosaic.version = 14 : i64} {
  func.func @kern(%arg0: i32, %arg1: memref<768x128xf32, #tpu.memory_space<vmem>>, %arg2: memref<768x128xf32, #tpu.memory_space<vmem>>, %arg3: memref<768x128xf32, #tpu.memory_space<vmem>>, %arg4: memref<128x384xf32, #tpu.memory_space<vmem>>, %arg5: memref<1x128xf32, #tpu.memory_space<vmem>>, %arg6: memref<48x16x128xf32, #tpu.memory_space<vmem>>, %arg7: memref<16x128xf32, #tpu.memory_space<vmem>>) attributes {dimension_semantics = [#tpu.dimension_semantics<arbitrary>], iteration_bounds = array<i64: 64>, scalar_prefetch = 0 : i64, scratch_operands = 0 : i64, tpu.core_type = #tpu.core_type<tc>, window_params = [{transform_indices = @transform_0, window_bounds = array<i64: 768, 128>}, {transform_indices = @transform_1, window_bounds = array<i64: 768, 128>}, {transform_indices = @transform_2, window_bounds = array<i64: 768, 128>}, {pipeline_mode = #tpu.pipeline_mode<synchronous>, transform_indices = @transform_3, window_bounds = array<i64: 128, 384>}, {pipeline_mode = #tpu.pipeline_mode<synchronous>, transform_indices = @transform_4, window_bounds = array<i64: 1, 128>}, {transform_indices = @transform_5, window_bounds = array<i64: 48, 16, 128>}, {transform_indices = @transform_6, window_bounds = array<i64: 16, 128>}]} {
    %get3A = arith.constant 0 : index
    %get3A_0 = arith.constant 0 : index
    %get3A_1 = vector.load %arg4[%get3A, %get3A_0] : memref<128x384xf32, #tpu.memory_space<vmem>>, vector<128x384xf32>
    %get3A_2 = arith.constant 0 : index
    %get3A_3 = arith.constant 0 : index
    %get3A_4 = vector.load %arg1[%get3A_2, %get3A_3] : memref<768x128xf32, #tpu.memory_space<vmem>>, vector<768x128xf32>
    %slice3A = vector.extract_strided_slice %get3A_1 {offsets = [0, 0], sizes = [128, 128], strides = [1, 1]} : vector<128x384xf32> to vector<128x128xf32>
    %dot_general3A = arith.constant dense<0.000000e+00> : vector<768x128xf32>
    %dot_general3A_5 = tpu.matmul %get3A_4, %slice3A, %dot_general3A {dimension_numbers = #tpu.dot_dimension_numbers<[1], [1], [0], [0], [0, 0, 1, 0], [], []>, transpose_lhs_hint = false} : vector<768x128xf32>, vector<128x128xf32>, vector<768x128xf32> -> vector<768x128xf32>
    %get3A_6 = arith.constant 0 : index
    %get3A_7 = arith.constant 0 : index
    %get3A_8 = vector.load %arg2[%get3A_6, %get3A_7] : memref<768x128xf32, #tpu.memory_space<vmem>>, vector<768x128xf32>
    %slice3A_9 = vector.extract_strided_slice %get3A_1 {offsets = [0, 128], sizes = [128, 128], strides = [1, 1]} : vector<128x384xf32> to vector<128x128xf32>
    %dot_general3A_10 = arith.constant dense<0.000000e+00> : vector<768x128xf32>
    %dot_general3A_11 = tpu.matmul %get3A_8, %slice3A_9, %dot_general3A_10 {dimension_numbers = #tpu.dot_dimension_numbers<[1], [1], [0], [0], [0, 0, 1, 0], [], []>, transpose_lhs_hint = false} : vector<768x128xf32>, vector<128x128xf32>, vector<768x128xf32> -> vector<768x128xf32>
    %add3A = arith.addf %dot_general3A_5, %dot_general3A_11 : vector<768x128xf32>
    %get3A_12 = arith.constant 0 : index
    %get3A_13 = arith.constant 0 : index
    %get3A_14 = vector.load %arg3[%get3A_12, %get3A_13] : memref<768x128xf32, #tpu.memory_space<vmem>>, vector<768x128xf32>
    %slice3A_15 = vector.extract_strided_slice %get3A_1 {offsets = [0, 256], sizes = [128, 128], strides = [1, 1]} : vector<128x384xf32> to vector<128x128xf32>
    %dot_general3A_16 = arith.constant dense<0.000000e+00> : vector<768x128xf32>
    %dot_general3A_17 = tpu.matmul %get3A_14, %slice3A_15, %dot_general3A_16 {dimension_numbers = #tpu.dot_dimension_numbers<[1], [1], [0], [0], [0, 0, 1, 0], [], []>, transpose_lhs_hint = false} : vector<768x128xf32>, vector<128x128xf32>, vector<768x128xf32> -> vector<768x128xf32>
    %add3A_18 = arith.addf %add3A, %dot_general3A_17 : vector<768x128xf32>
    %reshape3A = vector.shape_cast %add3A_18 : vector<768x128xf32> to vector<16x48x128xf32>
    %reduce_max3A = arith.constant dense<0xFF800000> : vector<16x128xf32>
    %reduce_max3A_19 = vector.multi_reduction <maximumf>, %reshape3A, %reduce_max3A [1] : vector<16x48x128xf32> to vector<16x128xf32>
    %swap3A = arith.constant 0 : index
    %swap3A_20 = arith.constant 0 : index
    %swap3A_21 = vector.load %arg7[%swap3A, %swap3A_20] : memref<16x128xf32, #tpu.memory_space<vmem>>, vector<16x128xf32>
    tpu.vector_store %arg7[%swap3A, %swap3A_20], %reduce_max3A_19 {strides = array<i32>} : memref<16x128xf32, #tpu.memory_space<vmem>>, vector<16x128xf32>,
    %get3A_22 = arith.constant 0 : index
    %get3A_23 = arith.constant 0 : index
    %get3A_24 = vector.load %arg5[%get3A_22, %get3A_23] : memref<1x128xf32, #tpu.memory_space<vmem>>, vector<1x128xf32>
    %reshape3A_25 = vector.shape_cast %get3A_24 : vector<1x128xf32> to vector<1x1x128xf32>
    %add3A_26 = vector.broadcast %reshape3A_25 : vector<1x1x128xf32> to vector<16x48x128xf32>
    %add3A_27 = arith.addf %reshape3A, %add3A_26 : vector<16x48x128xf32>
    %max3A = arith.constant 0.000000e+00 : f32
    %max3A_28 = vector.broadcast %max3A : f32 to vector<16x48x128xf32>
    %max3A_29 = arith.maximumf %add3A_27, %max3A_28 : vector<16x48x128xf32>
    %transpose3A = tpu.transpose %max3A_29, [1, 0, 2] : vector<16x48x128xf32> -> vector<48x16x128xf32>
    %swap3A_30 = arith.constant 0 : index
    %swap3A_31 = arith.constant 0 : index
    %swap3A_32 = arith.constant 0 : index
    %swap3A_33 = vector.load %arg6[%swap3A_30, %swap3A_31, %swap3A_32] : memref<48x16x128xf32, #tpu.memory_space<vmem>>, vector<48x16x128xf32>
    tpu.vector_store %arg6[%swap3A_30, %swap3A_31, %swap3A_32], %transpose3A {strides = array<i32>} : memref<48x16x128xf32, #tpu.memory_space<vmem>>, vector<48x16x128xf32>,
    return
  }
  func.func @transform_0(%arg0: i32) -> (i32, i32) {
    %c0_i32 = arith.constant 0 : i32
    %c0_i32_0 = arith.constant 0 : i32
    return %arg0, %c0_i32 : i32, i32
  }
  func.func @transform_1(%arg0: i32) -> (i32, i32) {
    %c0_i32 = arith.constant 0 : i32
    %c0_i32_0 = arith.constant 0 : i32
    return %arg0, %c0_i32 : i32, i32
  }
  func.func @transform_2(%arg0: i32) -> (i32, i32) {
    %c0_i32 = arith.constant 0 : i32
    %c0_i32_0 = arith.constant 0 : i32
    return %arg0, %c0_i32 : i32, i32
  }
  func.func @transform_3(%arg0: i32) -> (i32, i32) {
    %c0_i32 = arith.constant 0 : i32
    %c0_i32_0 = arith.constant 0 : i32
    %c0_i32_1 = arith.constant 0 : i32
    return %c0_i32, %c0_i32_0 : i32, i32
  }
  func.func @transform_4(%arg0: i32) -> (i32, i32) {
    %c0_i32 = arith.constant 0 : i32
    %c0_i32_0 = arith.constant 0 : i32
    %c0_i32_1 = arith.constant 0 : i32
    return %c0_i32, %c0_i32_0 : i32, i32
  }
  func.func @transform_5(%arg0: i32) -> (i32, i32, i32) {
    %c0_i32 = arith.constant 0 : i32
    %c0_i32_0 = arith.constant 0 : i32
    %c0_i32_1 = arith.constant 0 : i32
    return %c0_i32, %arg0, %c0_i32_0 : i32, i32, i32
  }
  func.func @transform_6(%arg0: i32) -> (i32, i32) {
    %c0_i32 = arith.constant 0 : i32
    %c0_i32_0 = arith.constant 0 : i32
    return %arg0, %c0_i32 : i32, i32
  }
}

module attributes {stable_mosaic.version = 14 : i64} {
  func.func @kern(%arg0: i32, %arg1: memref<1x1024x128xf32, #tpu.memory_space<vmem>>, %arg2: memref<1x1024x128xf32, #tpu.memory_space<vmem>>, %arg3: memref<1024x128xf32, #tpu.memory_space<vmem>>, %arg4: memref<384x128xf32, #tpu.memory_space<vmem>>, %arg5: memref<384x128xf32, #tpu.memory_space<vmem>>, %arg6: memref<1x384xf32, #tpu.memory_space<vmem>>, %arg7: memref<1x384xf32, #tpu.memory_space<vmem>>, %arg8: memref<384x128xf32, #tpu.memory_space<vmem>>, %arg9: memref<384x128xf32, #tpu.memory_space<vmem>>, %arg10: memref<1x384xf32, #tpu.memory_space<vmem>>, %arg11: memref<1x384xf32, #tpu.memory_space<vmem>>, %arg12: memref<1x1024x128xf32, #tpu.memory_space<vmem>>, %arg13: memref<1x1024x128xf32, #tpu.memory_space<vmem>>, %arg14: memref<1024x128xf32, #tpu.memory_space<vmem>>, %arg15: memref<1024x128xf32, #tpu.memory_space<vmem>>) attributes {dimension_semantics = [#tpu.dimension_semantics<arbitrary>], iteration_bounds = array<i64: 48>, scalar_prefetch = 0 : i64, scratch_operands = 2 : i64, tpu.core_type = #tpu.core_type<tc>, window_params = [{transform_indices = @transform_0, window_bounds = array<i64: 1, 1024, 128>}, {transform_indices = @transform_1, window_bounds = array<i64: 1, 1024, 128>}, {pipeline_mode = #tpu.pipeline_mode<synchronous>, transform_indices = @transform_2, window_bounds = array<i64: 1024, 128>}, {pipeline_mode = #tpu.pipeline_mode<synchronous>, transform_indices = @transform_3, window_bounds = array<i64: 384, 128>}, {pipeline_mode = #tpu.pipeline_mode<synchronous>, transform_indices = @transform_4, window_bounds = array<i64: 384, 128>}, {pipeline_mode = #tpu.pipeline_mode<synchronous>, transform_indices = @transform_5, window_bounds = array<i64: 1, 384>}, {pipeline_mode = #tpu.pipeline_mode<synchronous>, transform_indices = @transform_6, window_bounds = array<i64: 1, 384>}, {pipeline_mode = #tpu.pipeline_mode<synchronous>, transform_indices = @transform_7, window_bounds = array<i64: 384, 128>}, {pipeline_mode = #tpu.pipeline_mode<synchronous>, transform_indices = @transform_8, window_bounds = array<i64: 384, 128>}, {pipeline_mode = #tpu.pipeline_mode<synchronous>, transform_indices = @transform_9, window_bounds = array<i64: 1, 384>}, {pipeline_mode = #tpu.pipeline_mode<synchronous>, transform_indices = @transform_10, window_bounds = array<i64: 1, 384>}, {transform_indices = @transform_11, window_bounds = array<i64: 1, 1024, 128>}, {transform_indices = @transform_12, window_bounds = array<i64: 1, 1024, 128>}]} {
    %eq3A = arith.constant 0 : i32
    %eq3A_0 = arith.cmpi eq, %arg0, %eq3A : i32
    %convert_element_type3A = arith.extui %eq3A_0 : i1 to i32
    %cond3A = arith.constant 0 : i32
    %cond3A_1 = arith.cmpi ne, %convert_element_type3A, %cond3A : i32
    scf.if %cond3A_1 {
      %get3A_142 = arith.constant 0 : index
      %get3A_143 = arith.constant 0 : index
      %get3A_144 = vector.load %arg3[%get3A_142, %get3A_143] : memref<1024x128xf32, #tpu.memory_space<vmem>>, vector<1024x128xf32>
      %swap3A_145 = arith.constant 0 : index
      %swap3A_146 = arith.constant 0 : index
      %swap3A_147 = vector.load %arg14[%swap3A_145, %swap3A_146] : memref<1024x128xf32, #tpu.memory_space<vmem>>, vector<1024x128xf32>
      tpu.vector_store %arg14[%swap3A_145, %swap3A_146], %get3A_144 {strides = array<i32>} : memref<1024x128xf32, #tpu.memory_space<vmem>>, vector<1024x128xf32>,
      %get3A_148 = arith.constant 0 : index
      %get3A_149 = arith.constant 0 : index
      %get3A_150 = vector.load %arg3[%get3A_148, %get3A_149] : memref<1024x128xf32, #tpu.memory_space<vmem>>, vector<1024x128xf32>
      %swap3A_151 = arith.constant 0 : index
      %swap3A_152 = arith.constant 0 : index
      %swap3A_153 = vector.load %arg15[%swap3A_151, %swap3A_152] : memref<1024x128xf32, #tpu.memory_space<vmem>>, vector<1024x128xf32>
      tpu.vector_store %arg15[%swap3A_151, %swap3A_152], %get3A_150 {strides = array<i32>} : memref<1024x128xf32, #tpu.memory_space<vmem>>, vector<1024x128xf32>,
    } else {
    }
    %get3A = arith.constant 0 : index
    %get3A_2 = arith.constant 0 : index
    %get3A_3 = arith.constant 0 : index
    %get3A_4 = vector.load %arg1[%get3A, %get3A_2, %get3A_3] : memref<1x1024x128xf32, #tpu.memory_space<vmem>>, vector<1x1024x128xf32>
    %get3A_5 = vector.shape_cast %get3A_4 : vector<1x1024x128xf32> to vector<1024x128xf32>
    %get3A_6 = arith.constant 0 : index
    %get3A_7 = arith.constant 0 : index
    %get3A_8 = vector.load %arg14[%get3A_6, %get3A_7] : memref<1024x128xf32, #tpu.memory_space<vmem>>, vector<1024x128xf32>
    %get3A_9 = arith.constant 0 : index
    %get3A_10 = arith.constant 0 : index
    %get3A_11 = vector.load %arg4[%get3A_9, %get3A_10] : memref<384x128xf32, #tpu.memory_space<vmem>>, vector<384x128xf32>
    %get3A_12 = arith.constant 0 : index
    %get3A_13 = arith.constant 0 : index
    %get3A_14 = vector.load %arg5[%get3A_12, %get3A_13] : memref<384x128xf32, #tpu.memory_space<vmem>>, vector<384x128xf32>
    %get3A_15 = arith.constant 0 : index
    %get3A_16 = arith.constant 0 : index
    %get3A_17 = vector.load %arg6[%get3A_15, %get3A_16] : memref<1x384xf32, #tpu.memory_space<vmem>>, vector<1x384xf32>
    %get3A_18 = arith.constant 0 : index
    %get3A_19 = arith.constant 0 : index
    %get3A_20 = vector.load %arg7[%get3A_18, %get3A_19] : memref<1x384xf32, #tpu.memory_space<vmem>>, vector<1x384xf32>
    %dot_general3A = arith.constant dense<0.000000e+00> : vector<1024x384xf32>
    %dot_general3A_21 = tpu.matmul %get3A_5, %get3A_11, %dot_general3A {dimension_numbers = #tpu.dot_dimension_numbers<[1], [1], [0], [0], [0, 0, 1, 0], [], []>, transpose_lhs_hint = false} : vector<1024x128xf32>, vector<384x128xf32>, vector<1024x384xf32> -> vector<1024x384xf32>
    %add3A = vector.broadcast %get3A_17 : vector<1x384xf32> to vector<1024x384xf32>
    %add3A_22 = arith.addf %dot_general3A_21, %add3A : vector<1024x384xf32>
    %dot_general3A_23 = arith.constant dense<0.000000e+00> : vector<1024x384xf32>
    %dot_general3A_24 = tpu.matmul %get3A_8, %get3A_14, %dot_general3A_23 {dimension_numbers = #tpu.dot_dimension_numbers<[1], [1], [0], [0], [0, 0, 1, 0], [], []>, transpose_lhs_hint = false} : vector<1024x128xf32>, vector<384x128xf32>, vector<1024x384xf32> -> vector<1024x384xf32>
    %add3A_25 = vector.broadcast %get3A_20 : vector<1x384xf32> to vector<1024x384xf32>
    %add3A_26 = arith.addf %dot_general3A_24, %add3A_25 : vector<1024x384xf32>
    %slice3A = vector.extract_strided_slice %add3A_22 {offsets = [0, 0], sizes = [1024, 128], strides = [1, 1]} : vector<1024x384xf32> to vector<1024x128xf32>
    %slice3A_27 = vector.extract_strided_slice %add3A_26 {offsets = [0, 0], sizes = [1024, 128], strides = [1, 1]} : vector<1024x384xf32> to vector<1024x128xf32>
    %add3A_28 = arith.addf %slice3A, %slice3A_27 : vector<1024x128xf32>
    %mul3A = arith.constant 5.000000e-01 : f32
    %mul3A_29 = vector.broadcast %mul3A : f32 to vector<1024x128xf32>
    %mul3A_30 = arith.mulf %mul3A_29, %add3A_28 : vector<1024x128xf32>
    %tanh3A = math.tanh %mul3A_30 : vector<1024x128xf32>
    %mul3A_31 = arith.constant 5.000000e-01 : f32
    %mul3A_32 = vector.broadcast %mul3A_31 : f32 to vector<1024x128xf32>
    %mul3A_33 = arith.mulf %mul3A_32, %tanh3A : vector<1024x128xf32>
    %add3A_34 = arith.constant 5.000000e-01 : f32
    %add3A_35 = vector.broadcast %add3A_34 : f32 to vector<1024x128xf32>
    %add3A_36 = arith.addf %add3A_35, %mul3A_33 : vector<1024x128xf32>
    %slice3A_37 = vector.extract_strided_slice %add3A_22 {offsets = [0, 128], sizes = [1024, 128], strides = [1, 1]} : vector<1024x384xf32> to vector<1024x128xf32>
    %slice3A_38 = vector.extract_strided_slice %add3A_26 {offsets = [0, 128], sizes = [1024, 128], strides = [1, 1]} : vector<1024x384xf32> to vector<1024x128xf32>
    %add3A_39 = arith.addf %slice3A_37, %slice3A_38 : vector<1024x128xf32>
    %mul3A_40 = arith.constant 5.000000e-01 : f32
    %mul3A_41 = vector.broadcast %mul3A_40 : f32 to vector<1024x128xf32>
    %mul3A_42 = arith.mulf %mul3A_41, %add3A_39 : vector<1024x128xf32>
    %tanh3A_43 = math.tanh %mul3A_42 : vector<1024x128xf32>
    %mul3A_44 = arith.constant 5.000000e-01 : f32
    %mul3A_45 = vector.broadcast %mul3A_44 : f32 to vector<1024x128xf32>
    %mul3A_46 = arith.mulf %mul3A_45, %tanh3A_43 : vector<1024x128xf32>
    %add3A_47 = arith.constant 5.000000e-01 : f32
    %add3A_48 = vector.broadcast %add3A_47 : f32 to vector<1024x128xf32>
    %add3A_49 = arith.addf %add3A_48, %mul3A_46 : vector<1024x128xf32>
    %slice3A_50 = vector.extract_strided_slice %add3A_22 {offsets = [0, 256], sizes = [1024, 128], strides = [1, 1]} : vector<1024x384xf32> to vector<1024x128xf32>
    %slice3A_51 = vector.extract_strided_slice %add3A_26 {offsets = [0, 256], sizes = [1024, 128], strides = [1, 1]} : vector<1024x384xf32> to vector<1024x128xf32>
    %mul3A_52 = arith.mulf %add3A_36, %slice3A_51 : vector<1024x128xf32>
    %add3A_53 = arith.addf %slice3A_50, %mul3A_52 : vector<1024x128xf32>
    %tanh3A_54 = math.tanh %add3A_53 : vector<1024x128xf32>
    %sub3A = arith.constant 1.000000e+00 : f32
    %sub3A_55 = vector.broadcast %sub3A : f32 to vector<1024x128xf32>
    %sub3A_56 = arith.subf %sub3A_55, %add3A_49 : vector<1024x128xf32>
    %mul3A_57 = arith.mulf %sub3A_56, %tanh3A_54 : vector<1024x128xf32>
    %mul3A_58 = arith.mulf %add3A_49, %get3A_8 : vector<1024x128xf32>
    %add3A_59 = arith.addf %mul3A_57, %mul3A_58 : vector<1024x128xf32>
    %swap3A = arith.constant 0 : index
    %swap3A_60 = arith.constant 0 : index
    %swap3A_61 = vector.load %arg14[%swap3A, %swap3A_60] : memref<1024x128xf32, #tpu.memory_space<vmem>>, vector<1024x128xf32>
    tpu.vector_store %arg14[%swap3A, %swap3A_60], %add3A_59 {strides = array<i32>} : memref<1024x128xf32, #tpu.memory_space<vmem>>, vector<1024x128xf32>,
    %swap3A_62 = arith.constant 0 : index
    %swap3A_63 = arith.constant 0 : index
    %swap3A_64 = arith.constant 0 : index
    %swap3A_65 = vector.load %arg12[%swap3A_62, %swap3A_63, %swap3A_64] : memref<1x1024x128xf32, #tpu.memory_space<vmem>>, vector<1x1024x128xf32>
    %swap3A_66 = vector.shape_cast %swap3A_65 : vector<1x1024x128xf32> to vector<1024x128xf32>
    %swap3A_67 = vector.shape_cast %add3A_59 : vector<1024x128xf32> to vector<1x1024x128xf32>
    tpu.vector_store %arg12[%swap3A_62, %swap3A_63, %swap3A_64], %swap3A_67 {strides = array<i32>} : memref<1x1024x128xf32, #tpu.memory_space<vmem>>, vector<1x1024x128xf32>,
    %get3A_68 = arith.constant 0 : index
    %get3A_69 = arith.constant 0 : index
    %get3A_70 = arith.constant 0 : index
    %get3A_71 = vector.load %arg2[%get3A_68, %get3A_69, %get3A_70] : memref<1x1024x128xf32, #tpu.memory_space<vmem>>, vector<1x1024x128xf32>
    %get3A_72 = vector.shape_cast %get3A_71 : vector<1x1024x128xf32> to vector<1024x128xf32>
    %get3A_73 = arith.constant 0 : index
    %get3A_74 = arith.constant 0 : index
    %get3A_75 = vector.load %arg15[%get3A_73, %get3A_74] : memref<1024x128xf32, #tpu.memory_space<vmem>>, vector<1024x128xf32>
    %get3A_76 = arith.constant 0 : index
    %get3A_77 = arith.constant 0 : index
    %get3A_78 = vector.load %arg8[%get3A_76, %get3A_77] : memref<384x128xf32, #tpu.memory_space<vmem>>, vector<384x128xf32>
    %get3A_79 = arith.constant 0 : index
    %get3A_80 = arith.constant 0 : index
    %get3A_81 = vector.load %arg9[%get3A_79, %get3A_80] : memref<384x128xf32, #tpu.memory_space<vmem>>, vector<384x128xf32>
    %get3A_82 = arith.constant 0 : index
    %get3A_83 = arith.constant 0 : index
    %get3A_84 = vector.load %arg10[%get3A_82, %get3A_83] : memref<1x384xf32, #tpu.memory_space<vmem>>, vector<1x384xf32>
    %get3A_85 = arith.constant 0 : index
    %get3A_86 = arith.constant 0 : index
    %get3A_87 = vector.load %arg11[%get3A_85, %get3A_86] : memref<1x384xf32, #tpu.memory_space<vmem>>, vector<1x384xf32>
    %dot_general3A_88 = arith.constant dense<0.000000e+00> : vector<1024x384xf32>
    %dot_general3A_89 = tpu.matmul %get3A_72, %get3A_78, %dot_general3A_88 {dimension_numbers = #tpu.dot_dimension_numbers<[1], [1], [0], [0], [0, 0, 1, 0], [], []>, transpose_lhs_hint = false} : vector<1024x128xf32>, vector<384x128xf32>, vector<1024x384xf32> -> vector<1024x384xf32>
    %add3A_90 = vector.broadcast %get3A_84 : vector<1x384xf32> to vector<1024x384xf32>
    %add3A_91 = arith.addf %dot_general3A_89, %add3A_90 : vector<1024x384xf32>
    %dot_general3A_92 = arith.constant dense<0.000000e+00> : vector<1024x384xf32>
    %dot_general3A_93 = tpu.matmul %get3A_75, %get3A_81, %dot_general3A_92 {dimension_numbers = #tpu.dot_dimension_numbers<[1], [1], [0], [0], [0, 0, 1, 0], [], []>, transpose_lhs_hint = false} : vector<1024x128xf32>, vector<384x128xf32>, vector<1024x384xf32> -> vector<1024x384xf32>
    %add3A_94 = vector.broadcast %get3A_87 : vector<1x384xf32> to vector<1024x384xf32>
    %add3A_95 = arith.addf %dot_general3A_93, %add3A_94 : vector<1024x384xf32>
    %slice3A_96 = vector.extract_strided_slice %add3A_91 {offsets = [0, 0], sizes = [1024, 128], strides = [1, 1]} : vector<1024x384xf32> to vector<1024x128xf32>
    %slice3A_97 = vector.extract_strided_slice %add3A_95 {offsets = [0, 0], sizes = [1024, 128], strides = [1, 1]} : vector<1024x384xf32> to vector<1024x128xf32>
    %add3A_98 = arith.addf %slice3A_96, %slice3A_97 : vector<1024x128xf32>
    %mul3A_99 = arith.constant 5.000000e-01 : f32
    %mul3A_100 = vector.broadcast %mul3A_99 : f32 to vector<1024x128xf32>
    %mul3A_101 = arith.mulf %mul3A_100, %add3A_98 : vector<1024x128xf32>
    %tanh3A_102 = math.tanh %mul3A_101 : vector<1024x128xf32>
    %mul3A_103 = arith.constant 5.000000e-01 : f32
    %mul3A_104 = vector.broadcast %mul3A_103 : f32 to vector<1024x128xf32>
    %mul3A_105 = arith.mulf %mul3A_104, %tanh3A_102 : vector<1024x128xf32>
    %add3A_106 = arith.constant 5.000000e-01 : f32
    %add3A_107 = vector.broadcast %add3A_106 : f32 to vector<1024x128xf32>
    %add3A_108 = arith.addf %add3A_107, %mul3A_105 : vector<1024x128xf32>
    %slice3A_109 = vector.extract_strided_slice %add3A_91 {offsets = [0, 128], sizes = [1024, 128], strides = [1, 1]} : vector<1024x384xf32> to vector<1024x128xf32>
    %slice3A_110 = vector.extract_strided_slice %add3A_95 {offsets = [0, 128], sizes = [1024, 128], strides = [1, 1]} : vector<1024x384xf32> to vector<1024x128xf32>
    %add3A_111 = arith.addf %slice3A_109, %slice3A_110 : vector<1024x128xf32>
    %mul3A_112 = arith.constant 5.000000e-01 : f32
    %mul3A_113 = vector.broadcast %mul3A_112 : f32 to vector<1024x128xf32>
    %mul3A_114 = arith.mulf %mul3A_113, %add3A_111 : vector<1024x128xf32>
    %tanh3A_115 = math.tanh %mul3A_114 : vector<1024x128xf32>
    %mul3A_116 = arith.constant 5.000000e-01 : f32
    %mul3A_117 = vector.broadcast %mul3A_116 : f32 to vector<1024x128xf32>
    %mul3A_118 = arith.mulf %mul3A_117, %tanh3A_115 : vector<1024x128xf32>
    %add3A_119 = arith.constant 5.000000e-01 : f32
    %add3A_120 = vector.broadcast %add3A_119 : f32 to vector<1024x128xf32>
    %add3A_121 = arith.addf %add3A_120, %mul3A_118 : vector<1024x128xf32>
    %slice3A_122 = vector.extract_strided_slice %add3A_91 {offsets = [0, 256], sizes = [1024, 128], strides = [1, 1]} : vector<1024x384xf32> to vector<1024x128xf32>
    %slice3A_123 = vector.extract_strided_slice %add3A_95 {offsets = [0, 256], sizes = [1024, 128], strides = [1, 1]} : vector<1024x384xf32> to vector<1024x128xf32>
    %mul3A_124 = arith.mulf %add3A_108, %slice3A_123 : vector<1024x128xf32>
    %add3A_125 = arith.addf %slice3A_122, %mul3A_124 : vector<1024x128xf32>
    %tanh3A_126 = math.tanh %add3A_125 : vector<1024x128xf32>
    %sub3A_127 = arith.constant 1.000000e+00 : f32
    %sub3A_128 = vector.broadcast %sub3A_127 : f32 to vector<1024x128xf32>
    %sub3A_129 = arith.subf %sub3A_128, %add3A_121 : vector<1024x128xf32>
    %mul3A_130 = arith.mulf %sub3A_129, %tanh3A_126 : vector<1024x128xf32>
    %mul3A_131 = arith.mulf %add3A_121, %get3A_75 : vector<1024x128xf32>
    %add3A_132 = arith.addf %mul3A_130, %mul3A_131 : vector<1024x128xf32>
    %swap3A_133 = arith.constant 0 : index
    %swap3A_134 = arith.constant 0 : index
    %swap3A_135 = vector.load %arg15[%swap3A_133, %swap3A_134] : memref<1024x128xf32, #tpu.memory_space<vmem>>, vector<1024x128xf32>
    tpu.vector_store %arg15[%swap3A_133, %swap3A_134], %add3A_132 {strides = array<i32>} : memref<1024x128xf32, #tpu.memory_space<vmem>>, vector<1024x128xf32>,
    %swap3A_136 = arith.constant 0 : index
    %swap3A_137 = arith.constant 0 : index
    %swap3A_138 = arith.constant 0 : index
    %swap3A_139 = vector.load %arg13[%swap3A_136, %swap3A_137, %swap3A_138] : memref<1x1024x128xf32, #tpu.memory_space<vmem>>, vector<1x1024x128xf32>
    %swap3A_140 = vector.shape_cast %swap3A_139 : vector<1x1024x128xf32> to vector<1024x128xf32>
    %swap3A_141 = vector.shape_cast %add3A_132 : vector<1024x128xf32> to vector<1x1024x128xf32>
    tpu.vector_store %arg13[%swap3A_136, %swap3A_137, %swap3A_138], %swap3A_141 {strides = array<i32>} : memref<1x1024x128xf32, #tpu.memory_space<vmem>>, vector<1x1024x128xf32>,
    return
  }
  func.func @transform_0(%arg0: i32) -> (i32, i32, i32) {
    %c0_i32 = arith.constant 0 : i32
    %c0_i32_0 = arith.constant 0 : i32
    %c0_i32_1 = arith.constant 0 : i32
    return %arg0, %c0_i32, %c0_i32_0 : i32, i32, i32
  }
  func.func @transform_1(%arg0: i32) -> (i32, i32, i32) {
    %sub3A = arith.constant 47 : i32
    %sub3A_0 = arith.subi %sub3A, %arg0 : i32
    %c0_i32 = arith.constant 0 : i32
    %c0_i32_1 = arith.constant 0 : i32
    %c0_i32_2 = arith.constant 0 : i32
    return %sub3A_0, %c0_i32, %c0_i32_1 : i32, i32, i32
  }
  func.func @transform_2(%arg0: i32) -> (i32, i32) {
    %c0_i32 = arith.constant 0 : i32
    %c0_i32_0 = arith.constant 0 : i32
    %c0_i32_1 = arith.constant 0 : i32
    return %c0_i32, %c0_i32_0 : i32, i32
  }
  func.func @transform_3(%arg0: i32) -> (i32, i32) {
    %c0_i32 = arith.constant 0 : i32
    %c0_i32_0 = arith.constant 0 : i32
    %c0_i32_1 = arith.constant 0 : i32
    return %c0_i32, %c0_i32_0 : i32, i32
  }
  func.func @transform_4(%arg0: i32) -> (i32, i32) {
    %c0_i32 = arith.constant 0 : i32
    %c0_i32_0 = arith.constant 0 : i32
    %c0_i32_1 = arith.constant 0 : i32
    return %c0_i32, %c0_i32_0 : i32, i32
  }
  func.func @transform_5(%arg0: i32) -> (i32, i32) {
    %c0_i32 = arith.constant 0 : i32
    %c0_i32_0 = arith.constant 0 : i32
    %c0_i32_1 = arith.constant 0 : i32
    return %c0_i32, %c0_i32_0 : i32, i32
  }
  func.func @transform_6(%arg0: i32) -> (i32, i32) {
    %c0_i32 = arith.constant 0 : i32
    %c0_i32_0 = arith.constant 0 : i32
    %c0_i32_1 = arith.constant 0 : i32
    return %c0_i32, %c0_i32_0 : i32, i32
  }
  func.func @transform_7(%arg0: i32) -> (i32, i32) {
    %c0_i32 = arith.constant 0 : i32
    %c0_i32_0 = arith.constant 0 : i32
    %c0_i32_1 = arith.constant 0 : i32
    return %c0_i32, %c0_i32_0 : i32, i32
  }
  func.func @transform_8(%arg0: i32) -> (i32, i32) {
    %c0_i32 = arith.constant 0 : i32
    %c0_i32_0 = arith.constant 0 : i32
    %c0_i32_1 = arith.constant 0 : i32
    return %c0_i32, %c0_i32_0 : i32, i32
  }
  func.func @transform_9(%arg0: i32) -> (i32, i32) {
    %c0_i32 = arith.constant 0 : i32
    %c0_i32_0 = arith.constant 0 : i32
    %c0_i32_1 = arith.constant 0 : i32
    return %c0_i32, %c0_i32_0 : i32, i32
  }
  func.func @transform_10(%arg0: i32) -> (i32, i32) {
    %c0_i32 = arith.constant 0 : i32
    %c0_i32_0 = arith.constant 0 : i32
    %c0_i32_1 = arith.constant 0 : i32
    return %c0_i32, %c0_i32_0 : i32, i32
  }
  func.func @transform_11(%arg0: i32) -> (i32, i32, i32) {
    %c0_i32 = arith.constant 0 : i32
    %c0_i32_0 = arith.constant 0 : i32
    %c0_i32_1 = arith.constant 0 : i32
    return %arg0, %c0_i32, %c0_i32_0 : i32, i32, i32
  }
  func.func @transform_12(%arg0: i32) -> (i32, i32, i32) {
    %sub3A = arith.constant 47 : i32
    %sub3A_0 = arith.subi %sub3A, %arg0 : i32
    %c0_i32 = arith.constant 0 : i32
    %c0_i32_1 = arith.constant 0 : i32
    %c0_i32_2 = arith.constant 0 : i32
    return %sub3A_0, %c0_i32, %c0_i32_1 : i32, i32, i32
  }
}

module attributes {stable_mosaic.version = 14 : i64} {
  func.func @kern(%arg0: i32, %arg1: memref<48x64x128xf32, #tpu.memory_space<vmem>>, %arg2: memref<48x64x128xf32, #tpu.memory_space<vmem>>, %arg3: memref<128x256xf32, #tpu.memory_space<vmem>>, %arg4: memref<1x128xf32, #tpu.memory_space<vmem>>, %arg5: memref<64x128xf32, #tpu.memory_space<vmem>>) attributes {dimension_semantics = [#tpu.dimension_semantics<arbitrary>], iteration_bounds = array<i64: 16>, scalar_prefetch = 0 : i64, scratch_operands = 0 : i64, tpu.core_type = #tpu.core_type<tc>, window_params = [{transform_indices = @transform_0, window_bounds = array<i64: 48, 64, 128>}, {transform_indices = @transform_1, window_bounds = array<i64: 48, 64, 128>}, {pipeline_mode = #tpu.pipeline_mode<synchronous>, transform_indices = @transform_2, window_bounds = array<i64: 128, 256>}, {pipeline_mode = #tpu.pipeline_mode<synchronous>, transform_indices = @transform_3, window_bounds = array<i64: 1, 128>}, {transform_indices = @transform_4, window_bounds = array<i64: 64, 128>}]} {
    %get3A = arith.constant 0 : index
    %get3A_0 = arith.constant 0 : index
    %get3A_1 = vector.load %arg3[%get3A, %get3A_0] : memref<128x256xf32, #tpu.memory_space<vmem>>, vector<128x256xf32>
    %get3A_2 = arith.constant 0 : index
    %get3A_3 = arith.constant 0 : index
    %get3A_4 = arith.constant 0 : index
    %get3A_5 = vector.load %arg1[%get3A_2, %get3A_3, %get3A_4] : memref<48x64x128xf32, #tpu.memory_space<vmem>>, vector<48x64x128xf32>
    %reshape3A = vector.shape_cast %get3A_5 : vector<48x64x128xf32> to vector<3072x128xf32>
    %get3A_6 = arith.constant 0 : index
    %get3A_7 = arith.constant 0 : index
    %get3A_8 = arith.constant 0 : index
    %get3A_9 = vector.load %arg2[%get3A_6, %get3A_7, %get3A_8] : memref<48x64x128xf32, #tpu.memory_space<vmem>>, vector<48x64x128xf32>
    %reshape3A_10 = vector.shape_cast %get3A_9 : vector<48x64x128xf32> to vector<3072x128xf32>
    %slice3A = vector.extract_strided_slice %get3A_1 {offsets = [0, 0], sizes = [128, 128], strides = [1, 1]} : vector<128x256xf32> to vector<128x128xf32>
    %dot_general3A = arith.constant dense<0.000000e+00> : vector<3072x128xf32>
    %dot_general3A_11 = tpu.matmul %reshape3A, %slice3A, %dot_general3A {dimension_numbers = #tpu.dot_dimension_numbers<[1], [1], [0], [0], [0, 0, 1, 0], [], []>, transpose_lhs_hint = false} : vector<3072x128xf32>, vector<128x128xf32>, vector<3072x128xf32> -> vector<3072x128xf32>
    %slice3A_12 = vector.extract_strided_slice %get3A_1 {offsets = [0, 128], sizes = [128, 128], strides = [1, 1]} : vector<128x256xf32> to vector<128x128xf32>
    %dot_general3A_13 = arith.constant dense<0.000000e+00> : vector<3072x128xf32>
    %dot_general3A_14 = tpu.matmul %reshape3A_10, %slice3A_12, %dot_general3A_13 {dimension_numbers = #tpu.dot_dimension_numbers<[1], [1], [0], [0], [0, 0, 1, 0], [], []>, transpose_lhs_hint = false} : vector<3072x128xf32>, vector<128x128xf32>, vector<3072x128xf32> -> vector<3072x128xf32>
    %add3A = arith.addf %dot_general3A_11, %dot_general3A_14 : vector<3072x128xf32>
    %get3A_15 = arith.constant 0 : index
    %get3A_16 = arith.constant 0 : index
    %get3A_17 = vector.load %arg4[%get3A_15, %get3A_16] : memref<1x128xf32, #tpu.memory_space<vmem>>, vector<1x128xf32>
    %add3A_18 = vector.broadcast %get3A_17 : vector<1x128xf32> to vector<3072x128xf32>
    %add3A_19 = arith.addf %add3A, %add3A_18 : vector<3072x128xf32>
    %max3A = arith.constant 0.000000e+00 : f32
    %max3A_20 = vector.broadcast %max3A : f32 to vector<3072x128xf32>
    %max3A_21 = arith.maximumf %add3A_19, %max3A_20 : vector<3072x128xf32>
    %reshape3A_22 = vector.shape_cast %max3A_21 : vector<3072x128xf32> to vector<48x64x128xf32>
    %reduce_sum3A = arith.constant dense<0.000000e+00> : vector<64x128xf32>
    %reduce_sum3A_23 = vector.multi_reduction <add>, %reshape3A_22, %reduce_sum3A [0] : vector<48x64x128xf32> to vector<64x128xf32>
    %div3A = arith.constant 4.800000e+01 : f32
    %div3A_24 = vector.broadcast %div3A : f32 to vector<64x128xf32>
    %div3A_25 = arith.divf %reduce_sum3A_23, %div3A_24 : vector<64x128xf32>
    %swap3A = arith.constant 0 : index
    %swap3A_26 = arith.constant 0 : index
    %swap3A_27 = vector.load %arg5[%swap3A, %swap3A_26] : memref<64x128xf32, #tpu.memory_space<vmem>>, vector<64x128xf32>
    tpu.vector_store %arg5[%swap3A, %swap3A_26], %div3A_25 {strides = array<i32>} : memref<64x128xf32, #tpu.memory_space<vmem>>, vector<64x128xf32>,
    return
  }
  func.func @transform_0(%arg0: i32) -> (i32, i32, i32) {
    %c0_i32 = arith.constant 0 : i32
    %c0_i32_0 = arith.constant 0 : i32
    %c0_i32_1 = arith.constant 0 : i32
    return %c0_i32, %arg0, %c0_i32_0 : i32, i32, i32
  }
  func.func @transform_1(%arg0: i32) -> (i32, i32, i32) {
    %c0_i32 = arith.constant 0 : i32
    %c0_i32_0 = arith.constant 0 : i32
    %c0_i32_1 = arith.constant 0 : i32
    return %c0_i32, %arg0, %c0_i32_0 : i32, i32, i32
  }
  func.func @transform_2(%arg0: i32) -> (i32, i32) {
    %c0_i32 = arith.constant 0 : i32
    %c0_i32_0 = arith.constant 0 : i32
    %c0_i32_1 = arith.constant 0 : i32
    return %c0_i32, %c0_i32_0 : i32, i32
  }
  func.func @transform_3(%arg0: i32) -> (i32, i32) {
    %c0_i32 = arith.constant 0 : i32
    %c0_i32_0 = arith.constant 0 : i32
    %c0_i32_1 = arith.constant 0 : i32
    return %c0_i32, %c0_i32_0 : i32, i32
  }
  func.func @transform_4(%arg0: i32) -> (i32, i32) {
    %c0_i32 = arith.constant 0 : i32
    %c0_i32_0 = arith.constant 0 : i32
    return %arg0, %c0_i32 : i32, i32
  }
}

</mosaic_0001>

<sc_bundles>
// kernel: kernel.19.cloned.1.call-start
scs
__scs_entry_jumppad:
0x0: {  	(pc) =	sbr.rel $0x88, $3  }
0x1: {  	(tag) =	ssettag $0x0;
	lr =	simm.s32 $0x1  }
0x2: {  	[smem:$0x3F8C] =	sst lr;
	_ =	strace $0xD0000000  }
0x3: {  	_ = 	snop  }
0x4: {  	_ = 	snop  }
0x5: {  	_ = 	snop  }
0x6: {  	_ = 	snop  }
0x7: {  	_ = 	snop  }
__scs_overlays_trampoline_lowered:
0x8: {  	[smem:$0x3F9B] =	sst s0  }
0x9: {  	[smem:$0x3F9C] =	sst s1  }
0xa: {  	[smem:$0x3F9D] =	sst s2  }
0xb: {  	[smem:$0x3F9E] =	sst s3  }
0xc: {  	[smem:$0x3F9F] =	sst s4  }
0xd: {  	[smem:$0x3FA0] =	sst s5  }
0xe: {  	[smem:$0x3FA1] =	sst s6  }
0xf: {  	[smem:$0x3FA2] =	sst s7  }
0x10: {  	[smem:$0x3FA3] =	sst s8  }
0x11: {  	[smem:$0x3FA4] =	sst s9;
	s0 =	simm.s32 @!p0 $0x0  }
0x12: {  	s1 =	sld [smem:$0x3F8A];
	s0 =	simm.s32 @p0 $0x1  }
0x13: {  	[smem:$0x3FA5] =	sst s0;
	s0 =	simm.s32 @!p1 $0x0  }
0x14: {  	s2 =	sld [smem:$0x3F89];
	s0 =	simm.s32 @p1 $0x1  }
0x15: {  	[smem:$0x3FA6] =	sst s0;
	s0 =	simm.s32 @!p2 $0x0  }
0x16: {  	s3 =	sld [smem:$0x3FDB];
	s0 =	simm.s32 @p2 $0x1  }
0x17: {  	s4 =	simm.s32 $0x1BF5;
	[smem:$0x3FA8] =	sst s0  }
0x18: {  	s0 =	sld [smem:$0x3F8B];
	_ =	swait.ge [sflag:s4], $0x0  }
0x19: {  	s7 =	sld [smem:$0x3F8C]  }
0x1a: {  	s8 =	sadd.s32 $0xFFFFE003, lr  }
0x1b: {  	s9 =	sadd.s32 $0xFFFFFEF7, lr;
	s5 =	simm.s32 $0xFFFFFFFF;
	p2 =	slt.u32 s8, $0xFFFFF086  }
0x1c: {  	p1 =	slt.u32 s9, $0xF7A;
	s5 =	simm.s32 @!p2 $0x0  }
0x1d: {  	s5 =	simm.s32 @p1 $0x1;
	p0 =	seq.s32 s7, s2  }
0x1e: {  	s7 =	smul.u32 @!p0 $0xF7A, s2;
	p2 =	seq.s32 @!p0 s5, $0x0  }
0x1f: {  	s9 =	smul.u32 $0xF7A, s1;
	s8 =	simm.s32 @!p0 $0x1BF5;
	p2 =	por !p2, p0  }
0x20: {  	[sflag:s8] =	ssyncset.s32 @!p0 $0xFFFFF086;
	s6 =	sadd.s32 @!p0 s3, s7;
	s7 =	simm.s32 @!p0 $0x108  }
0x21: {  	s3 =	sadd.s32 s3, s9;
	s6 =	sadd.s32 @!p0 $0x88, s6;
	s7 =	simm.s32 @p2 $0x1082  }
0x22: {  	[simem:s7], [sflag:s8] =	dma.local @!p0 [hbm:s6], $0xF7A  }
0x23: {  	s9 =	sor.u32 $0xD0000000, s2;
	s6 =	simm.s32 $0x108;
	_ =	swait.ge @!p0 [sflag:s8], $0x0  }
0x24: {  	s3 =	sadd.s32 $0x88, s3;
	s6 =	simm.s32 @!p1 $0x1082;
	[sflag:s4] =	ssyncset.s32 $0xFFFFF086  }
0x25: {  	[simem:s6], [sflag:s4] =	dma.local [hbm:s3], $0xF7A  }
0x26: {  	[smem:$0x3F8C] =	sst s1;
	(tag) =	ssettag s2;
	_ =	strace s9  }
0x27: {  	s1 =	sld [smem:$0x3F9C]  }
0x28: {  	s2 =	sld [smem:$0x3F9D]  }
0x29: {  	s4 =	sld [smem:$0x3F9F]  }
0x2a: {  	p0 =	seq.s32 s5, $0x0;
	s5 =	sld [smem:$0x3FA0]  }
0x2b: {  	s6 =	sld [smem:$0x3FA1]  }
0x2c: {  	s7 =	sld [smem:$0x3FA2]  }
0x2d: {  	s3 =	simm.s32 $0x108;
	s8 =	sld [smem:$0x3FA3]  }
0x2e: {  	s3 =	simm.s32 @!p0 $0x1082;
	s9 =	sld [smem:$0x3FA4]  }
0x2f: {  	lr =	sadd.s32 s0, s3;
	s0 =	sld [smem:$0x3F9B]  }
0x30: {  	s3 =	sld [smem:$0x3F9E]  }
0x31: {  	[smem:$0x3FA7] =	sst s10  }
0x32: {  	s10 =	sld [smem:$0x3FA5];
	_ =	sdelay $0x3  }
0x33: {  	p0 =	seq.s32 s10, $0x1;
	s10 =	sld [smem:$0x3FA7];
	_ =	sdelay $0x3  }
0x34: {  	[smem:$0x3FA7] =	sst s10  }
0x35: {  	s10 =	sld [smem:$0x3FA6];
	_ =	sdelay $0x3  }
0x36: {  	p1 =	seq.s32 s10, $0x1;
	s10 =	sld [smem:$0x3FA7];
	_ =	sdelay $0x3  }
0x37: {  	[smem:$0x3FA7] =	sst s10  }
0x38: {  	s10 =	sld [smem:$0x3FA8]  }
0x39: {  	_ = 	snop;
	(pc) =	sbr.ind lr, $3  }
0x3a: {  	_ = 	snop  }
0x3b: {  	_ = 	snop  }
0x3c: {  	p2 =	seq.s32 s10, $0x1;
	s10 =	sld [smem:$0x3FA7]  }
0x3d: {  	_ =	shalt  }
0x3e: {  	_ =	shalt  }
0x3f: {  	_ =	shalt  }
0x40: {  	_ =	shalt  }
0x41: {  	_ =	shalt  }
0x42: {  	_ =	shalt  }
0x43: {  	_ =	shalt  }
0x44: {  	_ =	shalt  }
0x45: {  	_ =	shalt  }
0x46: {  	_ =	shalt  }
0x47: {  	_ =	shalt  }
0x48: {  	_ =	shalt  }
0x49: {  	_ =	shalt  }
0x4a: {  	_ =	shalt  }
0x4b: {  	_ =	shalt  }
0x4c: {  	_ =	shalt  }
0x4d: {  	_ =	shalt  }
0x4e: {  	_ =	shalt  }
0x4f: {  	_ =	shalt  }
0x50: {  	_ =	shalt  }
0x51: {  	_ =	shalt  }
0x52: {  	_ =	shalt  }
0x53: {  	_ =	shalt  }
0x54: {  	_ =	shalt  }
0x55: {  	_ =	shalt  }
0x56: {  	_ =	shalt  }
0x57: {  	_ =	shalt  }
0x58: {  	_ =	shalt  }
0x59: {  	_ =	shalt  }
0x5a: {  	_ =	shalt  }
0x5b: {  	_ =	shalt  }
0x5c: {  	_ =	shalt  }
0x5d: {  	_ =	shalt  }
0x5e: {  	_ =	shalt  }
0x5f: {  	_ =	shalt  }
0x60: {  	_ =	shalt  }
0x61: {  	_ =	shalt  }
0x62: {  	_ =	shalt  }
0x63: {  	_ =	shalt  }
0x64: {  	_ =	shalt  }
0x65: {  	_ =	shalt  }
0x66: {  	_ =	shalt  }
0x67: {  	_ =	shalt  }
0x68: {  	_ =	shalt  }
0x69: {  	_ =	shalt  }
0x6a: {  	_ =	shalt  }
0x6b: {  	_ =	shalt  }
0x6c: {  	_ =	shalt  }
0x6d: {  	_ =	shalt  }
0x6e: {  	_ =	shalt  }
0x6f: {  	_ =	shalt  }
0x70: {  	_ =	shalt  }
0x71: {  	_ =	shalt  }
0x72: {  	_ =	shalt  }
0x73: {  	_ =	shalt  }
0x74: {  	_ =	shalt  }
0x75: {  	_ =	shalt  }
0x76: {  	_ =	shalt  }
0x77: {  	_ =	shalt  }
0x78: {  	_ =	shalt  }
0x79: {  	_ =	shalt  }
0x7a: {  	_ =	shalt  }
0x7b: {  	_ =	shalt  }
0x7c: {  	_ =	shalt  }
0x7d: {  	_ =	shalt  }
0x7e: {  	_ =	shalt  }
0x7f: {  	_ =	shalt  }
0x80: {  	_ =	shalt  }
0x81: {  	_ =	shalt  }
0x82: {  	_ =	shalt  }
0x83: {  	_ =	shalt  }
0x84: {  	_ =	shalt  }
0x85: {  	_ =	shalt  }
0x86: {  	_ =	shalt  }
0x87: {  	_ =	shalt  }
.Lfunc_end0:
.L_simem_size_0:
called_computation_lowered:
.L_overlay_start_0:
0x88: {  	s2 =	sld [smem:$0x3FD9]  }
0x89: {  	s3 =	sld [smem:$0x3FFE];
	_ =	sdelay $0x1  }
0x8a: {  	s1 =	srdreg.scid  }
0x8b: {  	s0 =	sand.u32 $0x1, s1  }
0x8c: {  	s16 =	sshll.u32 s0, $0xA;
	s2 =	sadd.s32 s3, s2  }
0x8d: {  	s2 =	sadd.s32 s2, s16  }
0x8e: {  	[smem:$0x3FB3] =	sst s2  }
0x8f: {  	_ = 	snop  }
0x90: {  	(tm) =	ssettm $0x1  }
0x91: {  	s17 =	sld [smem:$0x3FFB];
	_ =	sdelay $0x3  }
0x92: {  	_ =	strace s17  }
0x93: {  	s2 =	sld [smem:$0x3FFC];
	_ =	sdelay $0x3  }
0x94: {  	_ =	strace s2  }
0x95: {  	s2 =	sld [smem:$0x3FFD];
	_ =	sdelay $0x3  }
0x96: {  	_ =	strace s2  }
0x97: {  	_ =	strace $0x8FFFFFFF  }
0x98: {  	s18 =	sld [smem:$0x3FDB];
	_ =	sdelay $0x1  }
0x99: {  	s19 =	simm.s32 $_scs_section_size  }
0x9a: {  	s4 =	simm.s32 $_size__tile_overlayer_lowered;
	s5 =	simm.s32 $_tile_overlayer_lowered  }
0x9b: {  	s22 =	simm.s32 $0x1BFF;
	s21 =	sshll.u32 s5, $0x1;
	s2 =	sadd.s32 s19, s18  }
0x9c: {  	s6 =	simm.s32 $0x0;
	s20 =	sshll.u32 s4, $0x1;
	s4 =	sadd.s32 s21, s2  }
0x9d: {  	[timem:s6], [sflag:s22] =	dma.local [hbm:s4], s20  }
0x9e: {  	_ =	swait.ge [sflag:s22], s20  }
0x9f: {  	s3 =	ssub.s32 $0x0, s20;
	[sflag:s22] =	ssyncset.done $0x0  }
0xa0: {  	[sflag:s22] =	ssyncadd.s32 s3;
	_ =	sdelay $0x1  }
0xa1: {  	s23 =	simm.s32 $0x1B8B  }
0xa2: {  	_ =	swait.ge [sflag:s23], $0x1  }
0xa3: {  	[sflag:s23] =	ssyncset.done $0x0  }
0xa4: {  	s25 =	simm.s32 $0x1B8E;
	s24 =	sld [smem:$0x3FFE];
	[sflag:s23] =	ssyncadd.s32 $0xFFFFFFFF  }
0xa5: {  	s26 =	simm.s32 $execute0_lowered;
	[smem:$0x3FD2] =	sst s25  }
0xa6: {  	s4 =	sshll.u32 s26, $0x1;
	_ =	strace $0x80000046;
	[dreg:$0x1] =	wrdreg $0xFFFFFFFF  }
0xa7: {  	s28 =	simm.s32 $_size_execute0_lowered;
	s2 =	sadd.s32 s2, s4;
	[dreg:$0x0] =	wrdreg $0x0  }
0xa8: {  	s4 =	sshll.u32 s28, $0x1;
	[dreg:$0x2] =	wrdreg s2  }
0xa9: {  	[dreg:$0x3] =	wrdreg s4  }
0xaa: {  	[dreg:$0x4] =	wrdreg $0xC0  }
0xab: {  	_ =	task [dreg:s6], $0x5FFFF  }
0xac: {  	[dreg:$0x1] =	wrdreg $0xFFFFFFFF  }
0xad: {  	[dreg:$0x0] =	wrdreg $0x60  }
0xae: {  	[dreg:$0x2] =	wrdreg s24  }
0xaf: {  	[dreg:$0x3] =	wrdreg $0xA  }
0xb0: {  	_ =	task.clear_ibuf [dreg:s6], $0x4FFFF;
	_ =	strace $0x90000046  }
0xb1: {  	s29 =	simm.s32 $0xA;
	_ =	strace $0x80000048  }
0xb2: {  	_ =	swait.ge [sflag:s29], $0x1  }
0xb3: {  	[sflag:s29] =	ssyncadd.s32 $0xFFFFFFFF  }
0xb4: {  	_ =	strace $0x90000048  }
0xb5: {  	_ =	sfence  }
0xb6: {  	s30 =	sld [smem:$0x0];
	_ =	sdelay $0x2  }
0xb7: {  	s31 =	sshll.u32 s1, $0xD;
	s1 =	sshrl.u32 s1, $0x2  }
0xb8: {  	s3 =	sand.u32 $0x4000, s31;
	s1 =	sadd.s32 s1, s30  }
0xb9: {  	s0 =	sor.u32 s3, s0;
	s1 =	sshll.u32 s1, $0x11  }
0xba: {  	s0 =	sor.u32 s1, s0  }
0xbb: {  	s0 =	sadd.s32 $0x8F2B, s0  }
0xbc: {  	[sflag:s0] =	ssyncadd.remote.s32 $0x1  }
0xbd: {  	_ =	sfence.sel $0xFFFF  }
0xbe: {  	[dreg:$0x0] =	wrdreg $0xFFFFFFFF;
	(pc) =	sbr.abs _section_cstart, $3  }
0xbf: {  	[dreg:$0x1] =	wrdreg $0xFFFFFFFF  }
0xc0: {  	_ =	task.clear_ibuf [dreg:s6], $0x2FFFF;
	_ =	strace $0x9FFFFFFF  }
0xc1: {  	(tm) =	ssettm $0x7FFFFFFF  }
tec
execute0_lowered:
.L_overlay_start_1:
0x0: {  	(tag) =	ssettag $0x1  }
0x1: {  	s4 =	rddreg [dreg:$0x0]  }
0x2: {  	s0 =	rddreg [dreg:$0x1];
	s1 =	simm.s32 $0x0;
	s2 =	srdreg.scid  }
0x3: {  	[smem:$0x7FF] =	sst s1;
	s6 =	sand.u32 $0x1, s2  }
0x4: {  	s2 =	stileid.u32;
	s3 =	sadd.s32 $0x60DE00, s4;
	s9 =	sadd.s32 $0x604C00, s4  }
0x5: {  	_ =	strace $0x80000047;
	s5 =	ssub.s32 $0x2, s6;
	s7 =	sshll.u32 s2, $0xD  }
0x6: {  	s29 =	sshll.u32 s2, $0x9;
	s10 =	sshll.u32 s6, $0x8;
	s30 =	sshll.u32 s6, $0xC  }
0x7: {  	s31 =	sshll.u32 s2, $0x6;
	s11 =	sshll.u32 s6, $0x5;
	s8 =	sshrl.u32 s5, $0x1  }
0x8: {  	s7 =	sadd.s32 s7, s4;
	s5 =	ssub.s32 s5, s8;
	s8 =	sor.u32 s10, s29  }
0x9: {  	s4 =	sshll.u32 s2, $0x1;
	s7 =	sadd.s32 s30, s7;
	s8 =	sor.u32 $0x80, s8  }
0xa: {  	s10 =	sadd.s32 s31, s9;
	s5 =	smax.u32 s5, $0x1;
	s8 =	sshrl.u32 s8, $0x3  }
0xb: {  	s6 =	sadd.s32 $0x4A00, s7;
	s7 =	sadd.s32 s11, s10;
	s8 =	sadd.s32 s8, s9  }
.LBB2_1:
0xc: {  	p0 =	sgt.u32 s4, $0x48B  }
0xd: {  	s10 =	simm.s32 @!p0 $0x0;
	s9 =	simm.s32 @!p0 $0x4  }
0xe: {  	[tilespmem:s10], [sflag:$0x4] =	stream.linear.gather @!p0 [hbm4b:s7+s10], $0x80, $0x38;
	[tilespmem:$0x8100] =	vst v63  }
0xf: {  	_ =	swait.ge @!p0 [sflag:s9], $0x80  }
0x10: {  	[sflag:s9] =	ssyncset.done @!p0 $0x0;
	p0 =	por p0, p0  }
0x11: {  	[sflag:s9] =	ssyncadd.s32 @!p0 $0xFFFFFF80;
	s11 =	simm.s32 @!p0 $0x80;
	s12 =	simm.s32 @!p0 $0x100  }
0x12: {  	[tilespmem:s12], [sflag:$0x1] =	stream.indirect.gather @!p0 [hbm4b:s3+s11], $0x80, s10, s11, $0xb8;
	[tilespmem:$0x8100] =	vst v63  }
0x13: {  	_ = 	snop  }
0x14: {  	[tilespmem:s11], [sflag:$0x4] =	stream.linear.gather @!p0 [hbm4b:s8+s10], $0x80, $0x38;
	[tilespmem:$0x8100] =	vst v63  }
0x15: {  	_ =	swait.ge @!p0 [sflag:s9], $0x80  }
0x16: {  	[sflag:s9] =	ssyncset.done @!p0 $0x0  }
0x17: {  	s13 =	simm.s32 @!p0 $0x4100;
	s14 =	simm.s32 @!p0 $0x1;
	[sflag:s9] =	ssyncadd.s32 @!p0 $0xFFFFFF80  }
0x18: {  	[tilespmem:s13], [sflag:$0x2] =	stream.indirect.gather @!p0 [hbm4b:s3+s11], $0x80, s11, s11, $0xb8;
	[tilespmem:$0x8100] =	vst v63  }
0x19: {  	_ =	swait.ge @!p0 [sflag:s14], $0x4000  }
0x1a: {  	[sflag:s14] =	ssyncset.done @!p0 $0x0  }
0x1b: {  	[sflag:s14] =	ssyncadd.s32 @!p0 $0xFFFFC000;
	s14 =	sadd.s32 @!p0 $0x0, s6  }
0x1c: {  	[hbm4b:s14+s10] =	stream.linear.scatter @!p0 [tilespmem:s12], [sflag:$0x4], $0x4000, $0x38;
	[tilespmem:$0x8100] =	vst v63  }
0x1d: {  	_ =	swait.ge @!p0 [sflag:s9], $0x4000  }
0x1e: {  	[sflag:s9] =	ssyncset.done @!p0 $0x0  }
0x1f: {  	s12 =	simm.s32 @!p0 $0x2;
	[sflag:s9] =	ssyncadd.s32 @!p0 $0xFFFFC000  }
0x20: {  	_ =	swait.ge @!p0 [sflag:s12], $0x4000  }
0x21: {  	s11 =	simm.s32 $0x40000;
	s15 =	sadd.s32 @!p0 $0x800, s14;
	[sflag:s12] =	ssyncset.done @!p0 $0x0  }
0x22: {  	s14 =	simm.s32 @!p0 $0x3;
	s9 =	simm.s32 $0x20000;
	[sflag:s12] =	ssyncadd.s32 @!p0 $0xFFFFC000  }
0x23: {  	[hbm4b:s15+s10] =	stream.linear.scatter @!p0 [tilespmem:s13], [sflag:$0x3], $0x4000, $0x38;
	[tilespmem:$0x8100] =	vst v63  }
0x24: {  	s12 =	sadd.s32 $0x400, s7;
	s13 =	sadd.s32 $0x20, s4;
	_ =	swait.ge @!p0 [sflag:s14], $0x4000  }
0x25: {  	s10 =	sadd.s32 $0x400, s8;
	p2 =	sgt.u32 s13, $0x48B;
	[sflag:s14] =	ssyncset.done @!p0 $0x0  }
.LBB2_2:
0x26: {  	s15 =	simm.s32 @!p2 $0x0;
	s16 =	simm.s32 @!p2 $0x4;
	[sflag:s14] =	ssyncadd.s32 @!p0 $0xFFFFC000  }
0x27: {  	[tilespmem:s15], [sflag:$0x4] =	stream.linear.gather @!p2 [hbm4b:s12+s15], $0x80, $0x38;
	[tilespmem:$0x8100] =	vst v63  }
0x28: {  	s14 =	smov.u32 s11;
	s11 =	sadd.s32 $0x20000, s11;
	_ =	swait.ge @!p2 [sflag:s16], $0x80  }
0x29: {  	p0 =	por p2, p2;
	p1 =	sne.s32 s11, $0x4A0000;
	[sflag:s16] =	ssyncset.done @!p2 $0x0  }
0x2a: {  	s17 =	simm.s32 @!p0 $0x80;
	s18 =	simm.s32 @!p0 $0x100;
	[sflag:s16] =	ssyncadd.s32 @!p0 $0xFFFFFF80  }
0x2b: {  	[tilespmem:s18], [sflag:$0x1] =	stream.indirect.gather @!p0 [hbm4b:s3+s17], $0x80, s15, s17, $0xb8;
	[tilespmem:$0x8100] =	vst v63  }
0x2c: {  	_ = 	snop  }
0x2d: {  	[tilespmem:s17], [sflag:$0x4] =	stream.linear.gather @!p0 [hbm4b:s10+s15], $0x80, $0x38;
	[tilespmem:$0x8100] =	vst v63  }
0x2e: {  	_ =	swait.ge @!p0 [sflag:s16], $0x80  }
0x2f: {  	[sflag:s16] =	ssyncset.done @!p0 $0x0  }
0x30: {  	s19 =	simm.s32 @!p0 $0x4100;
	s20 =	simm.s32 @!p0 $0x1;
	[sflag:s16] =	ssyncadd.s32 @!p0 $0xFFFFFF80  }
0x31: {  	[tilespmem:s19], [sflag:$0x2] =	stream.indirect.gather @!p0 [hbm4b:s3+s17], $0x80, s17, s17, $0xb8;
	[tilespmem:$0x8100] =	vst v63  }
0x32: {  	_ =	swait.ge @!p0 [sflag:s20], $0x4000  }
0x33: {  	[sflag:s20] =	ssyncset.done @!p0 $0x0  }
0x34: {  	s17 =	sadd.s32 @!p0 s9, s6;
	s9 =	smov.u32 s14;
	[sflag:s20] =	ssyncadd.s32 @!p0 $0xFFFFC000  }
0x35: {  	[hbm4b:s17+s15] =	stream.linear.scatter @!p0 [tilespmem:s18], [sflag:$0x4], $0x4000, $0x38;
	[tilespmem:$0x8100] =	vst v63  }
0x36: {  	s17 =	sadd.s32 @!p0 $0x800, s17;
	_ =	swait.ge @!p0 [sflag:s16], $0x4000  }
0x37: {  	[sflag:s16] =	ssyncset.done @!p0 $0x0  }
0x38: {  	s14 =	simm.s32 @!p0 $0x2;
	[sflag:s16] =	ssyncadd.s32 @!p0 $0xFFFFC000  }
0x39: {  	_ =	swait.ge @!p0 [sflag:s14], $0x4000  }
.Ltmp0:
0x3a: {  	[sflag:s14] =	ssyncset.done @!p0 $0x0;
	(pc) =	sbr.rel @p1 .LBB2_2-.Ltmp0, $4  }
0x3b: {  	[sflag:s14] =	ssyncadd.s32 @!p0 $0xFFFFC000;
	s14 =	simm.s32 @!p0 $0x3  }
0x3c: {  	[hbm4b:s17+s15] =	stream.linear.scatter @!p0 [tilespmem:s19], [sflag:$0x3], $0x4000, $0x38;
	[tilespmem:$0x8100] =	vst v63  }
0x3d: {  	s13 =	sadd.s32 $0x20, s13;
	s10 =	sadd.s32 $0x400, s10;
	_ =	swait.ge @!p0 [sflag:s14], $0x4000  }
0x3e: {  	s12 =	sadd.s32 $0x400, s12;
	p2 =	sgt.u32 s13, $0x48B;
	[sflag:s14] =	ssyncset.done @!p0 $0x0  }
0x3f: {  	s11 =	simm.s32 @!p2 $0x0;
	s13 =	simm.s32 @!p2 $0x4;
	[sflag:s14] =	ssyncadd.s32 @!p0 $0xFFFFC000  }
0x40: {  	[tilespmem:s11], [sflag:$0x4] =	stream.linear.gather @!p2 [hbm4b:s12+s11], $0x80, $0x38;
	[tilespmem:$0x8100] =	vst v63  }
0x41: {  	_ =	swait.ge @!p2 [sflag:s13], $0x80  }
0x42: {  	p0 =	por p2, p2;
	[sflag:s13] =	ssyncset.done @!p2 $0x0  }
0x43: {  	s12 =	simm.s32 @!p0 $0x80;
	s14 =	simm.s32 @!p0 $0x100;
	[sflag:s13] =	ssyncadd.s32 @!p0 $0xFFFFFF80  }
0x44: {  	[tilespmem:s14], [sflag:$0x1] =	stream.indirect.gather @!p0 [hbm4b:s3+s12], $0x80, s11, s12, $0xb8;
	[tilespmem:$0x8100] =	vst v63  }
0x45: {  	_ = 	snop  }
0x46: {  	[tilespmem:s12], [sflag:$0x4] =	stream.linear.gather @!p0 [hbm4b:s10+s11], $0x80, $0x38;
	[tilespmem:$0x8100] =	vst v63  }
0x47: {  	_ =	swait.ge @!p0 [sflag:s13], $0x80  }
0x48: {  	[sflag:s13] =	ssyncset.done @!p0 $0x0  }
0x49: {  	s15 =	simm.s32 @!p0 $0x1;
	s10 =	simm.s32 @!p0 $0x4100;
	[sflag:s13] =	ssyncadd.s32 @!p0 $0xFFFFFF80  }
0x4a: {  	[tilespmem:s10], [sflag:$0x2] =	stream.indirect.gather @!p0 [hbm4b:s3+s12], $0x80, s12, s12, $0xb8;
	[tilespmem:$0x8100] =	vst v63  }
0x4b: {  	_ =	swait.ge @!p0 [sflag:s15], $0x4000  }
0x4c: {  	[sflag:s15] =	ssyncset.done @!p0 $0x0  }
0x4d: {  	s9 =	sadd.s32 @!p0 s9, s6;
	[sflag:s15] =	ssyncadd.s32 @!p0 $0xFFFFC000  }
0x4e: {  	[hbm4b:s9+s11] =	stream.linear.scatter @!p0 [tilespmem:s14], [sflag:$0x4], $0x4000, $0x38;
	[tilespmem:$0x8100] =	vst v63  }
0x4f: {  	_ =	swait.ge @!p0 [sflag:s13], $0x4000  }
0x50: {  	[sflag:s13] =	ssyncset.done @!p0 $0x0  }
0x51: {  	s12 =	simm.s32 @!p0 $0x2;
	[sflag:s13] =	ssyncadd.s32 @!p0 $0xFFFFC000  }
0x52: {  	s1 =	sadd.s32 $0x1, s1;
	_ =	swait.ge @!p0 [sflag:s12], $0x4000  }
0x53: {  	p1 =	sne.s32 s1, s5;
	s9 =	sadd.s32 @!p0 $0x800, s9;
	[sflag:s12] =	ssyncset.done @!p0 $0x0  }
.Ltmp1:
0x54: {  	[sflag:s12] =	ssyncadd.s32 @!p0 $0xFFFFC000;
	s12 =	simm.s32 @!p0 $0x3;
	(pc) =	sbr.rel @p1 .LBB2_1-.Ltmp1, $4  }
0x55: {  	[hbm4b:s9+s11] =	stream.linear.scatter @!p0 [tilespmem:s10], [sflag:$0x3], $0x4000, $0x38;
	[tilespmem:$0x8100] =	vst v63  }
0x56: {  	_ =	swait.ge @!p0 [sflag:s12], $0x4000  }
0x57: {  	[sflag:s12] =	ssyncset.done @!p0 $0x0  }
0x58: {  	[sflag:s12] =	ssyncadd.s32 @!p0 $0xFFFFC000  }
0x59: {  	_ =	sfence.sel $0x180000  }
0x5a: {  	[bflag:$0x0] =	sbarrier.arrive $0xFFFF  }
0x5b: {  	p0 =	sne.s32 s2, $0x0;
	_ =	strace $0x90000047  }
0x5c: {  	s0 =	sadd.s32 @!p0 $0x100000, s0;
	[bflag:$0x2] =	sbarrier.arrive $0xFFFF  }
0x5d: {  	[sflag:s0] =	ssyncadd.tile.s32 @!p0 $0x1;
	_ =	shalt  }
.Lfunc_end2:
_tile_overlayer_lowered:
.L_overlay_start_2:
0x5e: {  	(tag) =	ssettag $0x2  }
0x5f: {  	s0 =	rddreg [dreg:$0x0];
	s2 =	stileid.u32  }
0x60: {  	s1 =	rddreg [dreg:$0x1];
	p0 =	sne.s32 s2, $0x0  }
0x61: {  	s3 =	rddreg [dreg:$0x2];
	[bflag:$0x3] =	sbarrier.arrive $0xFFFF;
	s2 =	simm.s32 @!p0 $0x1C03  }
0x62: {  	[timem:s3], [sflag:s2] =	dma.local @!p0 [hbm:s0], s1  }
0x63: {  	s0 =	simm.s32 @!p0 $0x3  }
0x64: {  	_ =	swait.ge @!p0 [sflag:s0], s1  }
0x65: {  	s1 =	ssub.s32 @!p0 $0x0, s1;
	[sflag:s0] =	ssyncset.done @!p0 $0x0  }
0x66: {  	[sflag:s0] =	ssyncadd.s32 @!p0 s1  }
0x67: {  	[bflag:$0x3] =	sbarrier.arrive $0xFFFF  }
0x68: {  	_ =	shalt  }

// kernel: kernel.22.cloned.1.call-start
scs
__scs_entry_jumppad:
0x0: {  	(pc) =	sbr.rel $0x88, $3  }
0x1: {  	(tag) =	ssettag $0x0;
	lr =	simm.s32 $0x1  }
0x2: {  	[smem:$0x3F8C] =	sst lr;
	_ =	strace $0xD0000000  }
0x3: {  	_ = 	snop  }
0x4: {  	_ = 	snop  }
0x5: {  	_ = 	snop  }
0x6: {  	_ = 	snop  }
0x7: {  	_ = 	snop  }
__scs_overlays_trampoline_lowered:
0x8: {  	[smem:$0x3F9B] =	sst s0  }
0x9: {  	[smem:$0x3F9C] =	sst s1  }
0xa: {  	[smem:$0x3F9D] =	sst s2  }
0xb: {  	[smem:$0x3F9E] =	sst s3  }
0xc: {  	[smem:$0x3F9F] =	sst s4  }
0xd: {  	[smem:$0x3FA0] =	sst s5  }
0xe: {  	[smem:$0x3FA1] =	sst s6  }
0xf: {  	[smem:$0x3FA2] =	sst s7  }
0x10: {  	[smem:$0x3FA3] =	sst s8  }
0x11: {  	[smem:$0x3FA4] =	sst s9;
	s0 =	simm.s32 @!p0 $0x0  }
0x12: {  	s1 =	sld [smem:$0x3F8A];
	s0 =	simm.s32 @p0 $0x1  }
0x13: {  	[smem:$0x3FA5] =	sst s0;
	s0 =	simm.s32 @!p1 $0x0  }
0x14: {  	s2 =	sld [smem:$0x3F89];
	s0 =	simm.s32 @p1 $0x1  }
0x15: {  	[smem:$0x3FA6] =	sst s0;
	s0 =	simm.s32 @!p2 $0x0  }
0x16: {  	s3 =	sld [smem:$0x3FDB];
	s0 =	simm.s32 @p2 $0x1  }
0x17: {  	s4 =	simm.s32 $0x1BF5;
	[smem:$0x3FA8] =	sst s0  }
0x18: {  	s0 =	sld [smem:$0x3F8B];
	_ =	swait.ge [sflag:s4], $0x0  }
0x19: {  	s7 =	sld [smem:$0x3F8C]  }
0x1a: {  	s8 =	sadd.s32 $0xFFFFE003, lr  }
0x1b: {  	s9 =	sadd.s32 $0xFFFFFEF7, lr;
	s5 =	simm.s32 $0xFFFFFFFF;
	p2 =	slt.u32 s8, $0xFFFFF086  }
0x1c: {  	p1 =	slt.u32 s9, $0xF7A;
	s5 =	simm.s32 @!p2 $0x0  }
0x1d: {  	s5 =	simm.s32 @p1 $0x1;
	p0 =	seq.s32 s7, s2  }
0x1e: {  	s7 =	smul.u32 @!p0 $0xF7A, s2;
	p2 =	seq.s32 @!p0 s5, $0x0  }
0x1f: {  	s9 =	smul.u32 $0xF7A, s1;
	s8 =	simm.s32 @!p0 $0x1BF5;
	p2 =	por !p2, p0  }
0x20: {  	[sflag:s8] =	ssyncset.s32 @!p0 $0xFFFFF086;
	s6 =	sadd.s32 @!p0 s3, s7;
	s7 =	simm.s32 @!p0 $0x108  }
0x21: {  	s3 =	sadd.s32 s3, s9;
	s6 =	sadd.s32 @!p0 $0x88, s6;
	s7 =	simm.s32 @p2 $0x1082  }
0x22: {  	[simem:s7], [sflag:s8] =	dma.local @!p0 [hbm:s6], $0xF7A  }
0x23: {  	s9 =	sor.u32 $0xD0000000, s2;
	s6 =	simm.s32 $0x108;
	_ =	swait.ge @!p0 [sflag:s8], $0x0  }
0x24: {  	s3 =	sadd.s32 $0x88, s3;
	s6 =	simm.s32 @!p1 $0x1082;
	[sflag:s4] =	ssyncset.s32 $0xFFFFF086  }
0x25: {  	[simem:s6], [sflag:s4] =	dma.local [hbm:s3], $0xF7A  }
0x26: {  	[smem:$0x3F8C] =	sst s1;
	(tag) =	ssettag s2;
	_ =	strace s9  }
0x27: {  	s1 =	sld [smem:$0x3F9C]  }
0x28: {  	s2 =	sld [smem:$0x3F9D]  }
0x29: {  	s4 =	sld [smem:$0x3F9F]  }
0x2a: {  	p0 =	seq.s32 s5, $0x0;
	s5 =	sld [smem:$0x3FA0]  }
0x2b: {  	s6 =	sld [smem:$0x3FA1]  }
0x2c: {  	s7 =	sld [smem:$0x3FA2]  }
0x2d: {  	s3 =	simm.s32 $0x108;
	s8 =	sld [smem:$0x3FA3]  }
0x2e: {  	s3 =	simm.s32 @!p0 $0x1082;
	s9 =	sld [smem:$0x3FA4]  }
0x2f: {  	lr =	sadd.s32 s0, s3;
	s0 =	sld [smem:$0x3F9B]  }
0x30: {  	s3 =	sld [smem:$0x3F9E]  }
0x31: {  	[smem:$0x3FA7] =	sst s10  }
0x32: {  	s10 =	sld [smem:$0x3FA5];
	_ =	sdelay $0x3  }
0x33: {  	p0 =	seq.s32 s10, $0x1;
	s10 =	sld [smem:$0x3FA7];
	_ =	sdelay $0x3  }
0x34: {  	[smem:$0x3FA7] =	sst s10  }
0x35: {  	s10 =	sld [smem:$0x3FA6];
	_ =	sdelay $0x3  }
0x36: {  	p1 =	seq.s32 s10, $0x1;
	s10 =	sld [smem:$0x3FA7];
	_ =	sdelay $0x3  }
0x37: {  	[smem:$0x3FA7] =	sst s10  }
0x38: {  	s10 =	sld [smem:$0x3FA8]  }
0x39: {  	_ = 	snop;
	(pc) =	sbr.ind lr, $3  }
0x3a: {  	_ = 	snop  }
0x3b: {  	_ = 	snop  }
0x3c: {  	p2 =	seq.s32 s10, $0x1;
	s10 =	sld [smem:$0x3FA7]  }
0x3d: {  	_ =	shalt  }
0x3e: {  	_ =	shalt  }
0x3f: {  	_ =	shalt  }
0x40: {  	_ =	shalt  }
0x41: {  	_ =	shalt  }
0x42: {  	_ =	shalt  }
0x43: {  	_ =	shalt  }
0x44: {  	_ =	shalt  }
0x45: {  	_ =	shalt  }
0x46: {  	_ =	shalt  }
0x47: {  	_ =	shalt  }
0x48: {  	_ =	shalt  }
0x49: {  	_ =	shalt  }
0x4a: {  	_ =	shalt  }
0x4b: {  	_ =	shalt  }
0x4c: {  	_ =	shalt  }
0x4d: {  	_ =	shalt  }
0x4e: {  	_ =	shalt  }
0x4f: {  	_ =	shalt  }
0x50: {  	_ =	shalt  }
0x51: {  	_ =	shalt  }
0x52: {  	_ =	shalt  }
0x53: {  	_ =	shalt  }
0x54: {  	_ =	shalt  }
0x55: {  	_ =	shalt  }
0x56: {  	_ =	shalt  }
0x57: {  	_ =	shalt  }
0x58: {  	_ =	shalt  }
0x59: {  	_ =	shalt  }
0x5a: {  	_ =	shalt  }
0x5b: {  	_ =	shalt  }
0x5c: {  	_ =	shalt  }
0x5d: {  	_ =	shalt  }
0x5e: {  	_ =	shalt  }
0x5f: {  	_ =	shalt  }
0x60: {  	_ =	shalt  }
0x61: {  	_ =	shalt  }
0x62: {  	_ =	shalt  }
0x63: {  	_ =	shalt  }
0x64: {  	_ =	shalt  }
0x65: {  	_ =	shalt  }
0x66: {  	_ =	shalt  }
0x67: {  	_ =	shalt  }
0x68: {  	_ =	shalt  }
0x69: {  	_ =	shalt  }
0x6a: {  	_ =	shalt  }
0x6b: {  	_ =	shalt  }
0x6c: {  	_ =	shalt  }
0x6d: {  	_ =	shalt  }
0x6e: {  	_ =	shalt  }
0x6f: {  	_ =	shalt  }
0x70: {  	_ =	shalt  }
0x71: {  	_ =	shalt  }
0x72: {  	_ =	shalt  }
0x73: {  	_ =	shalt  }
0x74: {  	_ =	shalt  }
0x75: {  	_ =	shalt  }
0x76: {  	_ =	shalt  }
0x77: {  	_ =	shalt  }
0x78: {  	_ =	shalt  }
0x79: {  	_ =	shalt  }
0x7a: {  	_ =	shalt  }
0x7b: {  	_ =	shalt  }
0x7c: {  	_ =	shalt  }
0x7d: {  	_ =	shalt  }
0x7e: {  	_ =	shalt  }
0x7f: {  	_ =	shalt  }
0x80: {  	_ =	shalt  }
0x81: {  	_ =	shalt  }
0x82: {  	_ =	shalt  }
0x83: {  	_ =	shalt  }
0x84: {  	_ =	shalt  }
0x85: {  	_ =	shalt  }
0x86: {  	_ =	shalt  }
0x87: {  	_ =	shalt  }
.Lfunc_end0:
.L_simem_size_0:
called_computation.1_lowered:
.L_overlay_start_0:
0x88: {  	s2 =	sld [smem:$0x3FD9]  }
0x89: {  	s3 =	sld [smem:$0x3FFE];
	_ =	sdelay $0x1  }
0x8a: {  	s1 =	srdreg.scid  }
0x8b: {  	s0 =	sand.u32 $0x1, s1  }
0x8c: {  	s17 =	sshll.u32 s0, $0xA;
	s2 =	sadd.s32 s3, s2  }
0x8d: {  	s2 =	sadd.s32 s2, s17  }
0x8e: {  	[smem:$0x3FB3] =	sst s2  }
0x8f: {  	_ = 	snop  }
0x90: {  	(tm) =	ssettm $0x1  }
0x91: {  	s18 =	sld [smem:$0x3FFB];
	_ =	sdelay $0x3  }
0x92: {  	_ =	strace s18  }
0x93: {  	s2 =	sld [smem:$0x3FFC];
	_ =	sdelay $0x3  }
0x94: {  	_ =	strace s2  }
0x95: {  	s2 =	sld [smem:$0x3FFD];
	_ =	sdelay $0x3  }
0x96: {  	_ =	strace s2  }
0x97: {  	_ =	strace $0x8FFFFFFF  }
0x98: {  	s19 =	sld [smem:$0x3FDB];
	_ =	sdelay $0x1  }
0x99: {  	s20 =	simm.s32 $_scs_section_size  }
0x9a: {  	s4 =	simm.s32 $_size__tile_overlayer_lowered;
	s5 =	simm.s32 $_tile_overlayer_lowered  }
0x9b: {  	s6 =	simm.s32 $0x1BFF;
	s21 =	sshll.u32 s5, $0x1;
	s3 =	sadd.s32 s20, s19  }
0x9c: {  	s22 =	simm.s32 $0x0;
	s4 =	sshll.u32 s4, $0x1;
	s5 =	sadd.s32 s21, s3  }
0x9d: {  	[timem:s22], [sflag:s6] =	dma.local [hbm:s5], s4  }
0x9e: {  	_ =	swait.ge [sflag:s6], s4  }
0x9f: {  	s4 =	ssub.s32 $0x0, s4;
	[sflag:s6] =	ssyncset.done $0x0  }
0xa0: {  	[sflag:s6] =	ssyncadd.s32 s4;
	_ =	sdelay $0x1  }
0xa1: {  	s23 =	simm.s32 $0x1B8B  }
0xa2: {  	_ =	swait.ge [sflag:s23], $0x1  }
0xa3: {  	[sflag:s23] =	ssyncset.done $0x0  }
0xa4: {  	[sflag:s23] =	ssyncadd.s32 $0xFFFFFFFF  }
0xa5: {  	s4 =	sld [smem:$0x0]  }
0xa6: {  	s5 =	sand.u32 $0xFFFFFFFE, s1  }
0xa7: {  	p0 =	sne.s32 s1, s5  }
0xa8: {  	s5 =	sshll.u32 @p0 s5, $0xE  }
0xa9: {  	s5 =	sadd.s32 @p0 $0x11B8D, s5;
	s6 =	sshll.u32 @p0 s4, $0x11  }
0xaa: {  	s5 =	sor.u32 @p0 s6, s5  }
0xab: {  	[sflag:s5] =	ssyncadd.remote.s32 @p0 $0x1;
	_ =	sdelay $0x1  }
0xac: {  	s5 =	simm.s32 @p0 $0x1B8D  }
0xad: {  	_ =	swait.eq @p0 [sflag:s5], $0x1  }
0xae: {  	[sflag:s5] =	ssyncadd.s32 @p0 $0xFFFFFFFF  }
0xaf: {  	s6 =	sshll.u32 @!p0 s1, $0xE  }
0xb0: {  	s6 =	sor.u32 @!p0 $0x4000, s6;
	s5 =	simm.s32 @!p0 $0x1B8D  }
0xb1: {  	s4 =	sshll.u32 @!p0 s4, $0x11;
	s6 =	sadd.s32 @!p0 $0x11B8D, s6;
	_ =	swait.eq @!p0 [sflag:s5], $0x1  }
0xb2: {  	s4 =	sor.u32 @!p0 s4, s6;
	[sflag:s5] =	ssyncadd.s32 @!p0 $0xFFFFFFFF  }
0xb3: {  	s25 =	simm.s32 $0x1B8E;
	s24 =	sld [smem:$0x3FFE];
	[sflag:s4] =	ssyncadd.remote.s32 @!p0 $0x1  }
0xb4: {  	s26 =	simm.s32 $execute0_lowered;
	[smem:$0x3FD2] =	sst s25  }
0xb5: {  	s5 =	sshll.u32 s26, $0x1;
	_ =	strace $0x8000004C;
	[dreg:$0x1] =	wrdreg $0xFFFFFFFF  }
0xb6: {  	s28 =	simm.s32 $_size_execute0_lowered;
	s3 =	sadd.s32 s3, s5;
	[dreg:$0x0] =	wrdreg $0x0  }
0xb7: {  	s5 =	sshll.u32 s28, $0x1;
	[dreg:$0x2] =	wrdreg s3  }
0xb8: {  	[dreg:$0x3] =	wrdreg s5  }
0xb9: {  	[dreg:$0x4] =	wrdreg $0xC0  }
0xba: {  	_ =	task [dreg:s22], $0x5FFFF  }
0xbb: {  	[dreg:$0x1] =	wrdreg $0xFFFFFFFF  }
0xbc: {  	[dreg:$0x0] =	wrdreg $0x60  }
0xbd: {  	[dreg:$0x2] =	wrdreg s24  }
0xbe: {  	[dreg:$0x3] =	wrdreg $0xA  }
0xbf: {  	_ =	task.clear_ibuf [dreg:s22], $0x4FFFF;
	_ =	strace $0x9000004C  }
0xc0: {  	s29 =	simm.s32 $0xA;
	_ =	strace $0x8000004E  }
0xc1: {  	_ =	swait.ge [sflag:s29], $0x1  }
0xc2: {  	[sflag:s29] =	ssyncadd.s32 $0xFFFFFFFF  }
0xc3: {  	_ =	strace $0x9000004E  }
0xc4: {  	_ =	sfence  }
0xc5: {  	s30 =	sld [smem:$0x0];
	_ =	sdelay $0x2  }
0xc6: {  	s31 =	sshll.u32 s1, $0xD;
	s1 =	sshrl.u32 s1, $0x2  }
0xc7: {  	s4 =	sand.u32 $0x4000, s31;
	s1 =	sadd.s32 s1, s30  }
0xc8: {  	s0 =	sor.u32 s4, s0;
	s1 =	sshll.u32 s1, $0x11  }
0xc9: {  	s0 =	sor.u32 s1, s0  }
0xca: {  	s0 =	sadd.s32 $0x8F2B, s0  }
0xcb: {  	[sflag:s0] =	ssyncadd.remote.s32 $0x1  }
0xcc: {  	_ =	sfence.sel $0xFFFF  }
0xcd: {  	[dreg:$0x0] =	wrdreg $0xFFFFFFFF;
	(pc) =	sbr.abs _section_cstart, $3  }
0xce: {  	[dreg:$0x1] =	wrdreg $0xFFFFFFFF  }
0xcf: {  	_ =	task.clear_ibuf [dreg:s22], $0x2FFFF;
	_ =	strace $0x9FFFFFFF  }
0xd0: {  	(tm) =	ssettm $0x7FFFFFFF  }
0xd1: {  	_ =	shalt  }
tec
execute0_lowered:
.L_overlay_start_1:
0x0: {  	(tag) =	ssettag $0x1  }
0x1: {  	s4 =	rddreg [dreg:$0x0]  }
0x2: {  	s0 =	rddreg [dreg:$0x1];
	s1 =	simm.s32 $0x0;
	s2 =	srdreg.scid  }
0x3: {  	[smem:$0x7FF] =	sst s1;
	s6 =	sand.u32 $0x1, s2  }
0x4: {  	s2 =	stileid.u32;
	s3 =	sadd.s32 $0xC10000, s4;
	s9 =	sadd.s32 $0x496C00, s4  }
0x5: {  	_ =	strace $0x8000004D;
	s5 =	ssub.s32 $0x2, s6;
	s7 =	sshll.u32 s2, $0xD  }
0x6: {  	s29 =	sshll.u32 s2, $0x9;
	s10 =	sshll.u32 s6, $0x8;
	s30 =	sshll.u32 s6, $0xC  }
0x7: {  	s31 =	sshll.u32 s2, $0x6;
	s11 =	sshll.u32 s6, $0x5;
	s8 =	sshrl.u32 s5, $0x1  }
0x8: {  	s7 =	sadd.s32 s7, s4;
	s5 =	ssub.s32 s5, s8;
	s8 =	sor.u32 s10, s29  }
0x9: {  	s4 =	sshll.u32 s2, $0x1;
	s7 =	sadd.s32 s30, s7;
	s8 =	sor.u32 $0x80, s8  }
0xa: {  	s10 =	sadd.s32 s31, s9;
	s5 =	smax.u32 s5, $0x1;
	s8 =	sshrl.u32 s8, $0x3  }
0xb: {  	s6 =	sadd.s32 $0x4A00, s7;
	s7 =	sadd.s32 s11, s10;
	s8 =	sadd.s32 s8, s9  }
.LBB2_1:
0xc: {  	p0 =	sgt.u32 s4, $0x301  }
0xd: {  	s10 =	simm.s32 @!p0 $0x0;
	s9 =	simm.s32 @!p0 $0x4  }
0xe: {  	[tilespmem:s10], [sflag:$0x4] =	stream.linear.gather @!p0 [hbm4b:s7+s10], $0x80, $0x38;
	[tilespmem:$0x8100] =	vst v63  }
0xf: {  	_ =	swait.ge @!p0 [sflag:s9], $0x80  }
0x10: {  	[sflag:s9] =	ssyncset.done @!p0 $0x0;
	p0 =	por p0, p0  }
0x11: {  	[sflag:s9] =	ssyncadd.s32 @!p0 $0xFFFFFF80;
	s11 =	simm.s32 @!p0 $0x80;
	s12 =	simm.s32 @!p0 $0x100  }
0x12: {  	[tilespmem:s12], [sflag:$0x1] =	stream.indirect.gather @!p0 [hbm4b:s3+s11], $0x80, s10, s11, $0xb8;
	[tilespmem:$0x8100] =	vst v63  }
0x13: {  	_ = 	snop  }
0x14: {  	[tilespmem:s11], [sflag:$0x4] =	stream.linear.gather @!p0 [hbm4b:s8+s10], $0x80, $0x38;
	[tilespmem:$0x8100] =	vst v63  }
0x15: {  	_ =	swait.ge @!p0 [sflag:s9], $0x80  }
0x16: {  	[sflag:s9] =	ssyncset.done @!p0 $0x0  }
0x17: {  	s13 =	simm.s32 @!p0 $0x4100;
	s14 =	simm.s32 @!p0 $0x1;
	[sflag:s9] =	ssyncadd.s32 @!p0 $0xFFFFFF80  }
0x18: {  	[tilespmem:s13], [sflag:$0x2] =	stream.indirect.gather @!p0 [hbm4b:s3+s11], $0x80, s11, s11, $0xb8;
	[tilespmem:$0x8100] =	vst v63  }
0x19: {  	_ =	swait.ge @!p0 [sflag:s14], $0x4000  }
0x1a: {  	[sflag:s14] =	ssyncset.done @!p0 $0x0  }
0x1b: {  	[sflag:s14] =	ssyncadd.s32 @!p0 $0xFFFFC000;
	s14 =	sadd.s32 @!p0 $0x0, s6  }
0x1c: {  	[hbm4b:s14+s10] =	stream.linear.scatter @!p0 [tilespmem:s12], [sflag:$0x4], $0x4000, $0x38;
	[tilespmem:$0x8100] =	vst v63  }
0x1d: {  	_ =	swait.ge @!p0 [sflag:s9], $0x4000  }
0x1e: {  	[sflag:s9] =	ssyncset.done @!p0 $0x0  }
0x1f: {  	s12 =	simm.s32 @!p0 $0x2;
	[sflag:s9] =	ssyncadd.s32 @!p0 $0xFFFFC000  }
0x20: {  	_ =	swait.ge @!p0 [sflag:s12], $0x4000  }
0x21: {  	s11 =	simm.s32 $0x40000;
	s15 =	sadd.s32 @!p0 $0x800, s14;
	[sflag:s12] =	ssyncset.done @!p0 $0x0  }
0x22: {  	s14 =	simm.s32 @!p0 $0x3;
	s9 =	simm.s32 $0x20000;
	[sflag:s12] =	ssyncadd.s32 @!p0 $0xFFFFC000  }
0x23: {  	[hbm4b:s15+s10] =	stream.linear.scatter @!p0 [tilespmem:s13], [sflag:$0x3], $0x4000, $0x38;
	[tilespmem:$0x8100] =	vst v63  }
0x24: {  	s12 =	sadd.s32 $0x400, s7;
	s13 =	sadd.s32 $0x20, s4;
	_ =	swait.ge @!p0 [sflag:s14], $0x4000  }
0x25: {  	s10 =	sadd.s32 $0x400, s8;
	p2 =	sgt.u32 s13, $0x301;
	[sflag:s14] =	ssyncset.done @!p0 $0x0  }
.LBB2_2:
0x26: {  	s15 =	simm.s32 @!p2 $0x0;
	s16 =	simm.s32 @!p2 $0x4;
	[sflag:s14] =	ssyncadd.s32 @!p0 $0xFFFFC000  }
0x27: {  	[tilespmem:s15], [sflag:$0x4] =	stream.linear.gather @!p2 [hbm4b:s12+s15], $0x80, $0x38;
	[tilespmem:$0x8100] =	vst v63  }
0x28: {  	s14 =	smov.u32 s11;
	s11 =	sadd.s32 $0x20000, s11;
	_ =	swait.ge @!p2 [sflag:s16], $0x80  }
0x29: {  	p0 =	por p2, p2;
	p1 =	sne.s32 s11, $0x320000;
	[sflag:s16] =	ssyncset.done @!p2 $0x0  }
0x2a: {  	s17 =	simm.s32 @!p0 $0x80;
	s18 =	simm.s32 @!p0 $0x100;
	[sflag:s16] =	ssyncadd.s32 @!p0 $0xFFFFFF80  }
0x2b: {  	[tilespmem:s18], [sflag:$0x1] =	stream.indirect.gather @!p0 [hbm4b:s3+s17], $0x80, s15, s17, $0xb8;
	[tilespmem:$0x8100] =	vst v63  }
0x2c: {  	_ = 	snop  }
0x2d: {  	[tilespmem:s17], [sflag:$0x4] =	stream.linear.gather @!p0 [hbm4b:s10+s15], $0x80, $0x38;
	[tilespmem:$0x8100] =	vst v63  }
0x2e: {  	_ =	swait.ge @!p0 [sflag:s16], $0x80  }
0x2f: {  	[sflag:s16] =	ssyncset.done @!p0 $0x0  }
0x30: {  	s19 =	simm.s32 @!p0 $0x4100;
	s20 =	simm.s32 @!p0 $0x1;
	[sflag:s16] =	ssyncadd.s32 @!p0 $0xFFFFFF80  }
0x31: {  	[tilespmem:s19], [sflag:$0x2] =	stream.indirect.gather @!p0 [hbm4b:s3+s17], $0x80, s17, s17, $0xb8;
	[tilespmem:$0x8100] =	vst v63  }
0x32: {  	_ =	swait.ge @!p0 [sflag:s20], $0x4000  }
0x33: {  	[sflag:s20] =	ssyncset.done @!p0 $0x0  }
0x34: {  	s17 =	sadd.s32 @!p0 s9, s6;
	s9 =	smov.u32 s14;
	[sflag:s20] =	ssyncadd.s32 @!p0 $0xFFFFC000  }
0x35: {  	[hbm4b:s17+s15] =	stream.linear.scatter @!p0 [tilespmem:s18], [sflag:$0x4], $0x4000, $0x38;
	[tilespmem:$0x8100] =	vst v63  }
0x36: {  	s17 =	sadd.s32 @!p0 $0x800, s17;
	_ =	swait.ge @!p0 [sflag:s16], $0x4000  }
0x37: {  	[sflag:s16] =	ssyncset.done @!p0 $0x0  }
0x38: {  	s14 =	simm.s32 @!p0 $0x2;
	[sflag:s16] =	ssyncadd.s32 @!p0 $0xFFFFC000  }
0x39: {  	_ =	swait.ge @!p0 [sflag:s14], $0x4000  }
.Ltmp0:
0x3a: {  	[sflag:s14] =	ssyncset.done @!p0 $0x0;
	(pc) =	sbr.rel @p1 .LBB2_2-.Ltmp0, $4  }
0x3b: {  	[sflag:s14] =	ssyncadd.s32 @!p0 $0xFFFFC000;
	s14 =	simm.s32 @!p0 $0x3  }
0x3c: {  	[hbm4b:s17+s15] =	stream.linear.scatter @!p0 [tilespmem:s19], [sflag:$0x3], $0x4000, $0x38;
	[tilespmem:$0x8100] =	vst v63  }
0x3d: {  	s13 =	sadd.s32 $0x20, s13;
	s10 =	sadd.s32 $0x400, s10;
	_ =	swait.ge @!p0 [sflag:s14], $0x4000  }
0x3e: {  	s12 =	sadd.s32 $0x400, s12;
	p2 =	sgt.u32 s13, $0x301;
	[sflag:s14] =	ssyncset.done @!p0 $0x0  }
0x3f: {  	s11 =	simm.s32 @!p2 $0x0;
	s13 =	simm.s32 @!p2 $0x4;
	[sflag:s14] =	ssyncadd.s32 @!p0 $0xFFFFC000  }
0x40: {  	[tilespmem:s11], [sflag:$0x4] =	stream.linear.gather @!p2 [hbm4b:s12+s11], $0x80, $0x38;
	[tilespmem:$0x8100] =	vst v63  }
0x41: {  	_ =	swait.ge @!p2 [sflag:s13], $0x80  }
0x42: {  	p0 =	por p2, p2;
	[sflag:s13] =	ssyncset.done @!p2 $0x0  }
0x43: {  	s12 =	simm.s32 @!p0 $0x80;
	s14 =	simm.s32 @!p0 $0x100;
	[sflag:s13] =	ssyncadd.s32 @!p0 $0xFFFFFF80  }
0x44: {  	[tilespmem:s14], [sflag:$0x1] =	stream.indirect.gather @!p0 [hbm4b:s3+s12], $0x80, s11, s12, $0xb8;
	[tilespmem:$0x8100] =	vst v63  }
0x45: {  	_ = 	snop  }
0x46: {  	[tilespmem:s12], [sflag:$0x4] =	stream.linear.gather @!p0 [hbm4b:s10+s11], $0x80, $0x38;
	[tilespmem:$0x8100] =	vst v63  }
0x47: {  	_ =	swait.ge @!p0 [sflag:s13], $0x80  }
0x48: {  	[sflag:s13] =	ssyncset.done @!p0 $0x0  }
0x49: {  	s15 =	simm.s32 @!p0 $0x1;
	s10 =	simm.s32 @!p0 $0x4100;
	[sflag:s13] =	ssyncadd.s32 @!p0 $0xFFFFFF80  }
0x4a: {  	[tilespmem:s10], [sflag:$0x2] =	stream.indirect.gather @!p0 [hbm4b:s3+s12], $0x80, s12, s12, $0xb8;
	[tilespmem:$0x8100] =	vst v63  }
0x4b: {  	_ =	swait.ge @!p0 [sflag:s15], $0x4000  }
0x4c: {  	[sflag:s15] =	ssyncset.done @!p0 $0x0  }
0x4d: {  	s9 =	sadd.s32 @!p0 s9, s6;
	[sflag:s15] =	ssyncadd.s32 @!p0 $0xFFFFC000  }
0x4e: {  	[hbm4b:s9+s11] =	stream.linear.scatter @!p0 [tilespmem:s14], [sflag:$0x4], $0x4000, $0x38;
	[tilespmem:$0x8100] =	vst v63  }
0x4f: {  	_ =	swait.ge @!p0 [sflag:s13], $0x4000  }
0x50: {  	[sflag:s13] =	ssyncset.done @!p0 $0x0  }
0x51: {  	s12 =	simm.s32 @!p0 $0x2;
	[sflag:s13] =	ssyncadd.s32 @!p0 $0xFFFFC000  }
0x52: {  	s1 =	sadd.s32 $0x1, s1;
	_ =	swait.ge @!p0 [sflag:s12], $0x4000  }
0x53: {  	p1 =	sne.s32 s1, s5;
	s9 =	sadd.s32 @!p0 $0x800, s9;
	[sflag:s12] =	ssyncset.done @!p0 $0x0  }
.Ltmp1:
0x54: {  	[sflag:s12] =	ssyncadd.s32 @!p0 $0xFFFFC000;
	s12 =	simm.s32 @!p0 $0x3;
	(pc) =	sbr.rel @p1 .LBB2_1-.Ltmp1, $4  }
0x55: {  	[hbm4b:s9+s11] =	stream.linear.scatter @!p0 [tilespmem:s10], [sflag:$0x3], $0x4000, $0x38;
	[tilespmem:$0x8100] =	vst v63  }
0x56: {  	_ =	swait.ge @!p0 [sflag:s12], $0x4000  }
0x57: {  	[sflag:s12] =	ssyncset.done @!p0 $0x0  }
0x58: {  	[sflag:s12] =	ssyncadd.s32 @!p0 $0xFFFFC000  }
0x59: {  	_ =	sfence.sel $0x180000  }
0x5a: {  	[bflag:$0x0] =	sbarrier.arrive $0xFFFF  }
0x5b: {  	p0 =	sne.s32 s2, $0x0;
	_ =	strace $0x9000004D  }
0x5c: {  	s0 =	sadd.s32 @!p0 $0x100000, s0;
	[bflag:$0x2] =	sbarrier.arrive $0xFFFF  }
0x5d: {  	[sflag:s0] =	ssyncadd.tile.s32 @!p0 $0x1;
	_ =	shalt  }
.Lfunc_end2:
_tile_overlayer_lowered:
.L_overlay_start_2:
0x5e: {  	(tag) =	ssettag $0x2  }
0x5f: {  	s0 =	rddreg [dreg:$0x0];
	s2 =	stileid.u32  }
0x60: {  	s1 =	rddreg [dreg:$0x1];
	p0 =	sne.s32 s2, $0x0  }
0x61: {  	s3 =	rddreg [dreg:$0x2];
	[bflag:$0x3] =	sbarrier.arrive $0xFFFF;
	s2 =	simm.s32 @!p0 $0x1C03  }
0x62: {  	[timem:s3], [sflag:s2] =	dma.local @!p0 [hbm:s0], s1  }
0x63: {  	s0 =	simm.s32 @!p0 $0x3  }
0x64: {  	_ =	swait.ge @!p0 [sflag:s0], s1  }
0x65: {  	s1 =	ssub.s32 @!p0 $0x0, s1;
	[sflag:s0] =	ssyncset.done @!p0 $0x0  }
0x66: {  	[sflag:s0] =	ssyncadd.s32 @!p0 s1  }
0x67: {  	[bflag:$0x3] =	sbarrier.arrive $0xFFFF  }
0x68: {  	_ =	shalt  }

// kernel: kernel.25.cloned.1.call-start
scs
__scs_entry_jumppad:
0x0: {  	(pc) =	sbr.rel $0x88, $3  }
0x1: {  	(tag) =	ssettag $0x0;
	lr =	simm.s32 $0x1  }
0x2: {  	[smem:$0x3F8C] =	sst lr;
	_ =	strace $0xD0000000  }
0x3: {  	_ = 	snop  }
0x4: {  	_ = 	snop  }
0x5: {  	_ = 	snop  }
0x6: {  	_ = 	snop  }
0x7: {  	_ = 	snop  }
__scs_overlays_trampoline_lowered:
0x8: {  	[smem:$0x3F9B] =	sst s0  }
0x9: {  	[smem:$0x3F9C] =	sst s1  }
0xa: {  	[smem:$0x3F9D] =	sst s2  }
0xb: {  	[smem:$0x3F9E] =	sst s3  }
0xc: {  	[smem:$0x3F9F] =	sst s4  }
0xd: {  	[smem:$0x3FA0] =	sst s5  }
0xe: {  	[smem:$0x3FA1] =	sst s6  }
0xf: {  	[smem:$0x3FA2] =	sst s7  }
0x10: {  	[smem:$0x3FA3] =	sst s8  }
0x11: {  	[smem:$0x3FA4] =	sst s9;
	s0 =	simm.s32 @!p0 $0x0  }
0x12: {  	s1 =	sld [smem:$0x3F8A];
	s0 =	simm.s32 @p0 $0x1  }
0x13: {  	[smem:$0x3FA5] =	sst s0;
	s0 =	simm.s32 @!p1 $0x0  }
0x14: {  	s2 =	sld [smem:$0x3F89];
	s0 =	simm.s32 @p1 $0x1  }
0x15: {  	[smem:$0x3FA6] =	sst s0;
	s0 =	simm.s32 @!p2 $0x0  }
0x16: {  	s3 =	sld [smem:$0x3FDB];
	s0 =	simm.s32 @p2 $0x1  }
0x17: {  	s4 =	simm.s32 $0x1BF5;
	[smem:$0x3FA8] =	sst s0  }
0x18: {  	s0 =	sld [smem:$0x3F8B];
	_ =	swait.ge [sflag:s4], $0x0  }
0x19: {  	s7 =	sld [smem:$0x3F8C]  }
0x1a: {  	s8 =	sadd.s32 $0xFFFFE003, lr  }
0x1b: {  	s9 =	sadd.s32 $0xFFFFFEF7, lr;
	s5 =	simm.s32 $0xFFFFFFFF;
	p2 =	slt.u32 s8, $0xFFFFF086  }
0x1c: {  	p1 =	slt.u32 s9, $0xF7A;
	s5 =	simm.s32 @!p2 $0x0  }
0x1d: {  	s5 =	simm.s32 @p1 $0x1;
	p0 =	seq.s32 s7, s2  }
0x1e: {  	s7 =	smul.u32 @!p0 $0xF7A, s2;
	p2 =	seq.s32 @!p0 s5, $0x0  }
0x1f: {  	s9 =	smul.u32 $0xF7A, s1;
	s8 =	simm.s32 @!p0 $0x1BF5;
	p2 =	por !p2, p0  }
0x20: {  	[sflag:s8] =	ssyncset.s32 @!p0 $0xFFFFF086;
	s6 =	sadd.s32 @!p0 s3, s7;
	s7 =	simm.s32 @!p0 $0x108  }
0x21: {  	s3 =	sadd.s32 s3, s9;
	s6 =	sadd.s32 @!p0 $0x88, s6;
	s7 =	simm.s32 @p2 $0x1082  }
0x22: {  	[simem:s7], [sflag:s8] =	dma.local @!p0 [hbm:s6], $0xF7A  }
0x23: {  	s9 =	sor.u32 $0xD0000000, s2;
	s6 =	simm.s32 $0x108;
	_ =	swait.ge @!p0 [sflag:s8], $0x0  }
0x24: {  	s3 =	sadd.s32 $0x88, s3;
	s6 =	simm.s32 @!p1 $0x1082;
	[sflag:s4] =	ssyncset.s32 $0xFFFFF086  }
0x25: {  	[simem:s6], [sflag:s4] =	dma.local [hbm:s3], $0xF7A  }
0x26: {  	[smem:$0x3F8C] =	sst s1;
	(tag) =	ssettag s2;
	_ =	strace s9  }
0x27: {  	s1 =	sld [smem:$0x3F9C]  }
0x28: {  	s2 =	sld [smem:$0x3F9D]  }
0x29: {  	s4 =	sld [smem:$0x3F9F]  }
0x2a: {  	p0 =	seq.s32 s5, $0x0;
	s5 =	sld [smem:$0x3FA0]  }
0x2b: {  	s6 =	sld [smem:$0x3FA1]  }
0x2c: {  	s7 =	sld [smem:$0x3FA2]  }
0x2d: {  	s3 =	simm.s32 $0x108;
	s8 =	sld [smem:$0x3FA3]  }
0x2e: {  	s3 =	simm.s32 @!p0 $0x1082;
	s9 =	sld [smem:$0x3FA4]  }
0x2f: {  	lr =	sadd.s32 s0, s3;
	s0 =	sld [smem:$0x3F9B]  }
0x30: {  	s3 =	sld [smem:$0x3F9E]  }
0x31: {  	[smem:$0x3FA7] =	sst s10  }
0x32: {  	s10 =	sld [smem:$0x3FA5];
	_ =	sdelay $0x3  }
0x33: {  	p0 =	seq.s32 s10, $0x1;
	s10 =	sld [smem:$0x3FA7];
	_ =	sdelay $0x3  }
0x34: {  	[smem:$0x3FA7] =	sst s10  }
0x35: {  	s10 =	sld [smem:$0x3FA6];
	_ =	sdelay $0x3  }
0x36: {  	p1 =	seq.s32 s10, $0x1;
	s10 =	sld [smem:$0x3FA7];
	_ =	sdelay $0x3  }
0x37: {  	[smem:$0x3FA7] =	sst s10  }
0x38: {  	s10 =	sld [smem:$0x3FA8]  }
0x39: {  	_ = 	snop;
	(pc) =	sbr.ind lr, $3  }
0x3a: {  	_ = 	snop  }
0x3b: {  	_ = 	snop  }
0x3c: {  	p2 =	seq.s32 s10, $0x1;
	s10 =	sld [smem:$0x3FA7]  }
0x3d: {  	_ =	shalt  }
0x3e: {  	_ =	shalt  }
0x3f: {  	_ =	shalt  }
0x40: {  	_ =	shalt  }
0x41: {  	_ =	shalt  }
0x42: {  	_ =	shalt  }
0x43: {  	_ =	shalt  }
0x44: {  	_ =	shalt  }
0x45: {  	_ =	shalt  }
0x46: {  	_ =	shalt  }
0x47: {  	_ =	shalt  }
0x48: {  	_ =	shalt  }
0x49: {  	_ =	shalt  }
0x4a: {  	_ =	shalt  }
0x4b: {  	_ =	shalt  }
0x4c: {  	_ =	shalt  }
0x4d: {  	_ =	shalt  }
0x4e: {  	_ =	shalt  }
0x4f: {  	_ =	shalt  }
0x50: {  	_ =	shalt  }
0x51: {  	_ =	shalt  }
0x52: {  	_ =	shalt  }
0x53: {  	_ =	shalt  }
0x54: {  	_ =	shalt  }
0x55: {  	_ =	shalt  }
0x56: {  	_ =	shalt  }
0x57: {  	_ =	shalt  }
0x58: {  	_ =	shalt  }
0x59: {  	_ =	shalt  }
0x5a: {  	_ =	shalt  }
0x5b: {  	_ =	shalt  }
0x5c: {  	_ =	shalt  }
0x5d: {  	_ =	shalt  }
0x5e: {  	_ =	shalt  }
0x5f: {  	_ =	shalt  }
0x60: {  	_ =	shalt  }
0x61: {  	_ =	shalt  }
0x62: {  	_ =	shalt  }
0x63: {  	_ =	shalt  }
0x64: {  	_ =	shalt  }
0x65: {  	_ =	shalt  }
0x66: {  	_ =	shalt  }
0x67: {  	_ =	shalt  }
0x68: {  	_ =	shalt  }
0x69: {  	_ =	shalt  }
0x6a: {  	_ =	shalt  }
0x6b: {  	_ =	shalt  }
0x6c: {  	_ =	shalt  }
0x6d: {  	_ =	shalt  }
0x6e: {  	_ =	shalt  }
0x6f: {  	_ =	shalt  }
0x70: {  	_ =	shalt  }
0x71: {  	_ =	shalt  }
0x72: {  	_ =	shalt  }
0x73: {  	_ =	shalt  }
0x74: {  	_ =	shalt  }
0x75: {  	_ =	shalt  }
0x76: {  	_ =	shalt  }
0x77: {  	_ =	shalt  }
0x78: {  	_ =	shalt  }
0x79: {  	_ =	shalt  }
0x7a: {  	_ =	shalt  }
0x7b: {  	_ =	shalt  }
0x7c: {  	_ =	shalt  }
0x7d: {  	_ =	shalt  }
0x7e: {  	_ =	shalt  }
0x7f: {  	_ =	shalt  }
0x80: {  	_ =	shalt  }
0x81: {  	_ =	shalt  }
0x82: {  	_ =	shalt  }
0x83: {  	_ =	shalt  }
0x84: {  	_ =	shalt  }
0x85: {  	_ =	shalt  }
0x86: {  	_ =	shalt  }
0x87: {  	_ =	shalt  }
.Lfunc_end0:
.L_simem_size_0:
called_computation.2_lowered:
.L_overlay_start_0:
0x88: {  	s2 =	sld [smem:$0x3FD9]  }
0x89: {  	s3 =	sld [smem:$0x3FFE];
	_ =	sdelay $0x1  }
0x8a: {  	s1 =	srdreg.scid  }
0x8b: {  	s0 =	sand.u32 $0x1, s1  }
0x8c: {  	s17 =	sshll.u32 s0, $0xA;
	s2 =	sadd.s32 s3, s2  }
0x8d: {  	s2 =	sadd.s32 s2, s17  }
0x8e: {  	[smem:$0x3FB3] =	sst s2  }
0x8f: {  	_ = 	snop  }
0x90: {  	(tm) =	ssettm $0x1  }
0x91: {  	s18 =	sld [smem:$0x3FFB];
	_ =	sdelay $0x3  }
0x92: {  	_ =	strace s18  }
0x93: {  	s2 =	sld [smem:$0x3FFC];
	_ =	sdelay $0x3  }
0x94: {  	_ =	strace s2  }
0x95: {  	s2 =	sld [smem:$0x3FFD];
	_ =	sdelay $0x3  }
0x96: {  	_ =	strace s2  }
0x97: {  	_ =	strace $0x8FFFFFFF  }
0x98: {  	s19 =	sld [smem:$0x3FDB];
	_ =	sdelay $0x1  }
0x99: {  	s20 =	simm.s32 $_scs_section_size  }
0x9a: {  	s4 =	simm.s32 $_size__tile_overlayer_lowered;
	s5 =	simm.s32 $_tile_overlayer_lowered  }
0x9b: {  	s6 =	simm.s32 $0x1BFF;
	s21 =	sshll.u32 s5, $0x1;
	s3 =	sadd.s32 s20, s19  }
0x9c: {  	s22 =	simm.s32 $0x0;
	s4 =	sshll.u32 s4, $0x1;
	s5 =	sadd.s32 s21, s3  }
0x9d: {  	[timem:s22], [sflag:s6] =	dma.local [hbm:s5], s4  }
0x9e: {  	_ =	swait.ge [sflag:s6], s4  }
0x9f: {  	s4 =	ssub.s32 $0x0, s4;
	[sflag:s6] =	ssyncset.done $0x0  }
0xa0: {  	[sflag:s6] =	ssyncadd.s32 s4;
	_ =	sdelay $0x1  }
0xa1: {  	s23 =	simm.s32 $0x1B8B  }
0xa2: {  	_ =	swait.ge [sflag:s23], $0x1  }
0xa3: {  	[sflag:s23] =	ssyncset.done $0x0  }
0xa4: {  	[sflag:s23] =	ssyncadd.s32 $0xFFFFFFFF  }
0xa5: {  	s4 =	sld [smem:$0x0]  }
0xa6: {  	s5 =	sand.u32 $0xFFFFFFFE, s1  }
0xa7: {  	p0 =	sne.s32 s1, s5  }
0xa8: {  	s5 =	sshll.u32 @p0 s5, $0xE  }
0xa9: {  	s5 =	sadd.s32 @p0 $0x11B8D, s5;
	s6 =	sshll.u32 @p0 s4, $0x11  }
0xaa: {  	s5 =	sor.u32 @p0 s6, s5  }
0xab: {  	[sflag:s5] =	ssyncadd.remote.s32 @p0 $0x1;
	_ =	sdelay $0x1  }
0xac: {  	s5 =	simm.s32 @p0 $0x1B8D  }
0xad: {  	_ =	swait.eq @p0 [sflag:s5], $0x1  }
0xae: {  	[sflag:s5] =	ssyncadd.s32 @p0 $0xFFFFFFFF  }
0xaf: {  	s6 =	sshll.u32 @!p0 s1, $0xE  }
0xb0: {  	s6 =	sor.u32 @!p0 $0x4000, s6;
	s5 =	simm.s32 @!p0 $0x1B8D  }
0xb1: {  	s4 =	sshll.u32 @!p0 s4, $0x11;
	s6 =	sadd.s32 @!p0 $0x11B8D, s6;
	_ =	swait.eq @!p0 [sflag:s5], $0x1  }
0xb2: {  	s4 =	sor.u32 @!p0 s4, s6;
	[sflag:s5] =	ssyncadd.s32 @!p0 $0xFFFFFFFF  }
0xb3: {  	s25 =	simm.s32 $0x1B8E;
	s24 =	sld [smem:$0x3FFE];
	[sflag:s4] =	ssyncadd.remote.s32 @!p0 $0x1  }
0xb4: {  	s26 =	simm.s32 $execute0_lowered;
	[smem:$0x3FD2] =	sst s25  }
0xb5: {  	s5 =	sshll.u32 s26, $0x1;
	_ =	strace $0x80000049;
	[dreg:$0x1] =	wrdreg $0xFFFFFFFF  }
0xb6: {  	s28 =	simm.s32 $_size_execute0_lowered;
	s3 =	sadd.s32 s3, s5;
	[dreg:$0x0] =	wrdreg $0x0  }
0xb7: {  	s5 =	sshll.u32 s28, $0x1;
	[dreg:$0x2] =	wrdreg s3  }
0xb8: {  	[dreg:$0x3] =	wrdreg s5  }
0xb9: {  	[dreg:$0x4] =	wrdreg $0xC0  }
0xba: {  	_ =	task [dreg:s22], $0x5FFFF  }
0xbb: {  	[dreg:$0x1] =	wrdreg $0xFFFFFFFF  }
0xbc: {  	[dreg:$0x0] =	wrdreg $0x60  }
0xbd: {  	[dreg:$0x2] =	wrdreg s24  }
0xbe: {  	[dreg:$0x3] =	wrdreg $0x9  }
0xbf: {  	_ =	task.clear_ibuf [dreg:s22], $0x4FFFF;
	_ =	strace $0x90000049  }
0xc0: {  	s29 =	simm.s32 $0x9;
	_ =	strace $0x8000004B  }
0xc1: {  	_ =	swait.ge [sflag:s29], $0x1  }
0xc2: {  	[sflag:s29] =	ssyncadd.s32 $0xFFFFFFFF  }
0xc3: {  	_ =	strace $0x9000004B  }
0xc4: {  	_ =	sfence  }
0xc5: {  	s30 =	sld [smem:$0x0];
	_ =	sdelay $0x2  }
0xc6: {  	s31 =	sshll.u32 s1, $0xD;
	s1 =	sshrl.u32 s1, $0x2  }
0xc7: {  	s4 =	sand.u32 $0x4000, s31;
	s1 =	sadd.s32 s1, s30  }
0xc8: {  	s0 =	sor.u32 s4, s0;
	s1 =	sshll.u32 s1, $0x11  }
0xc9: {  	s0 =	sor.u32 s1, s0  }
0xca: {  	s0 =	sadd.s32 $0x8F2B, s0  }
0xcb: {  	[sflag:s0] =	ssyncadd.remote.s32 $0x1  }
0xcc: {  	_ =	sfence.sel $0xFFFF  }
0xcd: {  	[dreg:$0x0] =	wrdreg $0xFFFFFFFF;
	(pc) =	sbr.abs _section_cstart, $3  }
0xce: {  	[dreg:$0x1] =	wrdreg $0xFFFFFFFF  }
0xcf: {  	_ =	task.clear_ibuf [dreg:s22], $0x2FFFF;
	_ =	strace $0x9FFFFFFF  }
0xd0: {  	(tm) =	ssettm $0x7FFFFFFF  }
0xd1: {  	_ =	shalt  }
tec
execute0_lowered:
.L_overlay_start_1:
0x0: {  	(tag) =	ssettag $0x1  }
0x1: {  	s4 =	rddreg [dreg:$0x0]  }
0x2: {  	s0 =	rddreg [dreg:$0x1];
	s1 =	simm.s32 $0x0;
	s2 =	srdreg.scid  }
0x3: {  	[smem:$0x7FF] =	sst s1;
	s6 =	sand.u32 $0x1, s2  }
0x4: {  	s2 =	stileid.u32;
	s3 =	sadd.s32 $0x60DE00, s4;
	s9 =	sadd.s32 $0x490A00, s4  }
0x5: {  	_ =	strace $0x8000004A;
	s5 =	ssub.s32 $0x2, s6;
	s7 =	sshll.u32 s2, $0xD  }
0x6: {  	s29 =	sshll.u32 s2, $0x9;
	s10 =	sshll.u32 s6, $0x8;
	s30 =	sshll.u32 s6, $0xC  }
0x7: {  	s31 =	sshll.u32 s2, $0x6;
	s11 =	sshll.u32 s6, $0x5;
	s8 =	sshrl.u32 s5, $0x1  }
0x8: {  	s7 =	sadd.s32 s7, s4;
	s5 =	ssub.s32 s5, s8;
	s8 =	sor.u32 s10, s29  }
0x9: {  	s4 =	sshll.u32 s2, $0x1;
	s7 =	sadd.s32 s30, s7;
	s8 =	sor.u32 $0x80, s8  }
0xa: {  	s10 =	sadd.s32 s31, s9;
	s5 =	smax.u32 s5, $0x1;
	s8 =	sshrl.u32 s8, $0x3  }
0xb: {  	s6 =	sadd.s32 $0x90E000, s7;
	s7 =	sadd.s32 s11, s10;
	s8 =	sadd.s32 s8, s9  }
.LBB2_1:
0xc: {  	p0 =	sgt.u32 s4, $0x301  }
0xd: {  	s10 =	simm.s32 @!p0 $0x0;
	s9 =	simm.s32 @!p0 $0x4  }
0xe: {  	[tilespmem:s10], [sflag:$0x4] =	stream.linear.gather @!p0 [hbm4b:s7+s10], $0x80, $0x38;
	[tilespmem:$0x8100] =	vst v63  }
0xf: {  	_ =	swait.ge @!p0 [sflag:s9], $0x80  }
0x10: {  	[sflag:s9] =	ssyncset.done @!p0 $0x0;
	p0 =	por p0, p0  }
0x11: {  	[sflag:s9] =	ssyncadd.s32 @!p0 $0xFFFFFF80;
	s11 =	simm.s32 @!p0 $0x80;
	s12 =	simm.s32 @!p0 $0x100  }
0x12: {  	[tilespmem:s12], [sflag:$0x1] =	stream.indirect.gather @!p0 [hbm4b:s3+s11], $0x80, s10, s11, $0xb8;
	[tilespmem:$0x8100] =	vst v63  }
0x13: {  	_ = 	snop  }
0x14: {  	[tilespmem:s11], [sflag:$0x4] =	stream.linear.gather @!p0 [hbm4b:s8+s10], $0x80, $0x38;
	[tilespmem:$0x8100] =	vst v63  }
0x15: {  	_ =	swait.ge @!p0 [sflag:s9], $0x80  }
0x16: {  	[sflag:s9] =	ssyncset.done @!p0 $0x0  }
0x17: {  	s13 =	simm.s32 @!p0 $0x4100;
	s14 =	simm.s32 @!p0 $0x1;
	[sflag:s9] =	ssyncadd.s32 @!p0 $0xFFFFFF80  }
0x18: {  	[tilespmem:s13], [sflag:$0x2] =	stream.indirect.gather @!p0 [hbm4b:s3+s11], $0x80, s11, s11, $0xb8;
	[tilespmem:$0x8100] =	vst v63  }
0x19: {  	_ =	swait.ge @!p0 [sflag:s14], $0x4000  }
0x1a: {  	[sflag:s14] =	ssyncset.done @!p0 $0x0  }
0x1b: {  	[sflag:s14] =	ssyncadd.s32 @!p0 $0xFFFFC000;
	s14 =	sadd.s32 @!p0 $0x0, s6  }
0x1c: {  	[hbm4b:s14+s10] =	stream.linear.scatter @!p0 [tilespmem:s12], [sflag:$0x4], $0x4000, $0x38;
	[tilespmem:$0x8100] =	vst v63  }
0x1d: {  	_ =	swait.ge @!p0 [sflag:s9], $0x4000  }
0x1e: {  	[sflag:s9] =	ssyncset.done @!p0 $0x0  }
0x1f: {  	s12 =	simm.s32 @!p0 $0x2;
	[sflag:s9] =	ssyncadd.s32 @!p0 $0xFFFFC000  }
0x20: {  	_ =	swait.ge @!p0 [sflag:s12], $0x4000  }
0x21: {  	s11 =	simm.s32 $0x40000;
	s15 =	sadd.s32 @!p0 $0x800, s14;
	[sflag:s12] =	ssyncset.done @!p0 $0x0  }
0x22: {  	s14 =	simm.s32 @!p0 $0x3;
	s9 =	simm.s32 $0x20000;
	[sflag:s12] =	ssyncadd.s32 @!p0 $0xFFFFC000  }
0x23: {  	[hbm4b:s15+s10] =	stream.linear.scatter @!p0 [tilespmem:s13], [sflag:$0x3], $0x4000, $0x38;
	[tilespmem:$0x8100] =	vst v63  }
0x24: {  	s12 =	sadd.s32 $0x400, s7;
	s13 =	sadd.s32 $0x20, s4;
	_ =	swait.ge @!p0 [sflag:s14], $0x4000  }
0x25: {  	s10 =	sadd.s32 $0x400, s8;
	p2 =	sgt.u32 s13, $0x301;
	[sflag:s14] =	ssyncset.done @!p0 $0x0  }
.LBB2_2:
0x26: {  	s15 =	simm.s32 @!p2 $0x0;
	s16 =	simm.s32 @!p2 $0x4;
	[sflag:s14] =	ssyncadd.s32 @!p0 $0xFFFFC000  }
0x27: {  	[tilespmem:s15], [sflag:$0x4] =	stream.linear.gather @!p2 [hbm4b:s12+s15], $0x80, $0x38;
	[tilespmem:$0x8100] =	vst v63  }
0x28: {  	s14 =	smov.u32 s11;
	s11 =	sadd.s32 $0x20000, s11;
	_ =	swait.ge @!p2 [sflag:s16], $0x80  }
0x29: {  	p0 =	por p2, p2;
	p1 =	sne.s32 s11, $0x320000;
	[sflag:s16] =	ssyncset.done @!p2 $0x0  }
0x2a: {  	s17 =	simm.s32 @!p0 $0x80;
	s18 =	simm.s32 @!p0 $0x100;
	[sflag:s16] =	ssyncadd.s32 @!p0 $0xFFFFFF80  }
0x2b: {  	[tilespmem:s18], [sflag:$0x1] =	stream.indirect.gather @!p0 [hbm4b:s3+s17], $0x80, s15, s17, $0xb8;
	[tilespmem:$0x8100] =	vst v63  }
0x2c: {  	_ = 	snop  }
0x2d: {  	[tilespmem:s17], [sflag:$0x4] =	stream.linear.gather @!p0 [hbm4b:s10+s15], $0x80, $0x38;
	[tilespmem:$0x8100] =	vst v63  }
0x2e: {  	_ =	swait.ge @!p0 [sflag:s16], $0x80  }
0x2f: {  	[sflag:s16] =	ssyncset.done @!p0 $0x0  }
0x30: {  	s19 =	simm.s32 @!p0 $0x4100;
	s20 =	simm.s32 @!p0 $0x1;
	[sflag:s16] =	ssyncadd.s32 @!p0 $0xFFFFFF80  }
0x31: {  	[tilespmem:s19], [sflag:$0x2] =	stream.indirect.gather @!p0 [hbm4b:s3+s17], $0x80, s17, s17, $0xb8;
	[tilespmem:$0x8100] =	vst v63  }
0x32: {  	_ =	swait.ge @!p0 [sflag:s20], $0x4000  }
0x33: {  	[sflag:s20] =	ssyncset.done @!p0 $0x0  }
0x34: {  	s17 =	sadd.s32 @!p0 s9, s6;
	s9 =	smov.u32 s14;
	[sflag:s20] =	ssyncadd.s32 @!p0 $0xFFFFC000  }
0x35: {  	[hbm4b:s17+s15] =	stream.linear.scatter @!p0 [tilespmem:s18], [sflag:$0x4], $0x4000, $0x38;
	[tilespmem:$0x8100] =	vst v63  }
0x36: {  	s17 =	sadd.s32 @!p0 $0x800, s17;
	_ =	swait.ge @!p0 [sflag:s16], $0x4000  }
0x37: {  	[sflag:s16] =	ssyncset.done @!p0 $0x0  }
0x38: {  	s14 =	simm.s32 @!p0 $0x2;
	[sflag:s16] =	ssyncadd.s32 @!p0 $0xFFFFC000  }
0x39: {  	_ =	swait.ge @!p0 [sflag:s14], $0x4000  }
.Ltmp0:
0x3a: {  	[sflag:s14] =	ssyncset.done @!p0 $0x0;
	(pc) =	sbr.rel @p1 .LBB2_2-.Ltmp0, $4  }
0x3b: {  	[sflag:s14] =	ssyncadd.s32 @!p0 $0xFFFFC000;
	s14 =	simm.s32 @!p0 $0x3  }
0x3c: {  	[hbm4b:s17+s15] =	stream.linear.scatter @!p0 [tilespmem:s19], [sflag:$0x3], $0x4000, $0x38;
	[tilespmem:$0x8100] =	vst v63  }
0x3d: {  	s13 =	sadd.s32 $0x20, s13;
	s10 =	sadd.s32 $0x400, s10;
	_ =	swait.ge @!p0 [sflag:s14], $0x4000  }
0x3e: {  	s12 =	sadd.s32 $0x400, s12;
	p2 =	sgt.u32 s13, $0x301;
	[sflag:s14] =	ssyncset.done @!p0 $0x0  }
0x3f: {  	s11 =	simm.s32 @!p2 $0x0;
	s13 =	simm.s32 @!p2 $0x4;
	[sflag:s14] =	ssyncadd.s32 @!p0 $0xFFFFC000  }
0x40: {  	[tilespmem:s11], [sflag:$0x4] =	stream.linear.gather @!p2 [hbm4b:s12+s11], $0x80, $0x38;
	[tilespmem:$0x8100] =	vst v63  }
0x41: {  	_ =	swait.ge @!p2 [sflag:s13], $0x80  }
0x42: {  	p0 =	por p2, p2;
	[sflag:s13] =	ssyncset.done @!p2 $0x0  }
0x43: {  	s12 =	simm.s32 @!p0 $0x80;
	s14 =	simm.s32 @!p0 $0x100;
	[sflag:s13] =	ssyncadd.s32 @!p0 $0xFFFFFF80  }
0x44: {  	[tilespmem:s14], [sflag:$0x1] =	stream.indirect.gather @!p0 [hbm4b:s3+s12], $0x80, s11, s12, $0xb8;
	[tilespmem:$0x8100] =	vst v63  }
0x45: {  	_ = 	snop  }
0x46: {  	[tilespmem:s12], [sflag:$0x4] =	stream.linear.gather @!p0 [hbm4b:s10+s11], $0x80, $0x38;
	[tilespmem:$0x8100] =	vst v63  }
0x47: {  	_ =	swait.ge @!p0 [sflag:s13], $0x80  }
0x48: {  	[sflag:s13] =	ssyncset.done @!p0 $0x0  }
0x49: {  	s15 =	simm.s32 @!p0 $0x1;
	s10 =	simm.s32 @!p0 $0x4100;
	[sflag:s13] =	ssyncadd.s32 @!p0 $0xFFFFFF80  }
0x4a: {  	[tilespmem:s10], [sflag:$0x2] =	stream.indirect.gather @!p0 [hbm4b:s3+s12], $0x80, s12, s12, $0xb8;
	[tilespmem:$0x8100] =	vst v63  }
0x4b: {  	_ =	swait.ge @!p0 [sflag:s15], $0x4000  }
0x4c: {  	[sflag:s15] =	ssyncset.done @!p0 $0x0  }
0x4d: {  	s9 =	sadd.s32 @!p0 s9, s6;
	[sflag:s15] =	ssyncadd.s32 @!p0 $0xFFFFC000  }
0x4e: {  	[hbm4b:s9+s11] =	stream.linear.scatter @!p0 [tilespmem:s14], [sflag:$0x4], $0x4000, $0x38;
	[tilespmem:$0x8100] =	vst v63  }
0x4f: {  	_ =	swait.ge @!p0 [sflag:s13], $0x4000  }
0x50: {  	[sflag:s13] =	ssyncset.done @!p0 $0x0  }
0x51: {  	s12 =	simm.s32 @!p0 $0x2;
	[sflag:s13] =	ssyncadd.s32 @!p0 $0xFFFFC000  }
0x52: {  	s1 =	sadd.s32 $0x1, s1;
	_ =	swait.ge @!p0 [sflag:s12], $0x4000  }
0x53: {  	p1 =	sne.s32 s1, s5;
	s9 =	sadd.s32 @!p0 $0x800, s9;
	[sflag:s12] =	ssyncset.done @!p0 $0x0  }
.Ltmp1:
0x54: {  	[sflag:s12] =	ssyncadd.s32 @!p0 $0xFFFFC000;
	s12 =	simm.s32 @!p0 $0x3;
	(pc) =	sbr.rel @p1 .LBB2_1-.Ltmp1, $4  }
0x55: {  	[hbm4b:s9+s11] =	stream.linear.scatter @!p0 [tilespmem:s10], [sflag:$0x3], $0x4000, $0x38;
	[tilespmem:$0x8100] =	vst v63  }
0x56: {  	_ =	swait.ge @!p0 [sflag:s12], $0x4000  }
0x57: {  	[sflag:s12] =	ssyncset.done @!p0 $0x0  }
0x58: {  	[sflag:s12] =	ssyncadd.s32 @!p0 $0xFFFFC000  }
0x59: {  	_ =	sfence.sel $0x180000  }
0x5a: {  	[bflag:$0x0] =	sbarrier.arrive $0xFFFF  }
0x5b: {  	p0 =	sne.s32 s2, $0x0;
	_ =	strace $0x9000004A  }
0x5c: {  	s0 =	sadd.s32 @!p0 $0x100000, s0;
	[bflag:$0x2] =	sbarrier.arrive $0xFFFF  }
0x5d: {  	[sflag:s0] =	ssyncadd.tile.s32 @!p0 $0x1;
	_ =	shalt  }
.Lfunc_end2:
_tile_overlayer_lowered:
.L_overlay_start_2:
0x5e: {  	(tag) =	ssettag $0x2  }
0x5f: {  	s0 =	rddreg [dreg:$0x0];
	s2 =	stileid.u32  }
0x60: {  	s1 =	rddreg [dreg:$0x1];
	p0 =	sne.s32 s2, $0x0  }
0x61: {  	s3 =	rddreg [dreg:$0x2];
	[bflag:$0x3] =	sbarrier.arrive $0xFFFF;
	s2 =	simm.s32 @!p0 $0x1C03  }
0x62: {  	[timem:s3], [sflag:s2] =	dma.local @!p0 [hbm:s0], s1  }
0x63: {  	s0 =	simm.s32 @!p0 $0x3  }
0x64: {  	_ =	swait.ge @!p0 [sflag:s0], s1  }
0x65: {  	s1 =	ssub.s32 @!p0 $0x0, s1;
	[sflag:s0] =	ssyncset.done @!p0 $0x0  }
0x66: {  	[sflag:s0] =	ssyncadd.s32 @!p0 s1  }
0x67: {  	[bflag:$0x3] =	sbarrier.arrive $0xFFFF  }
0x68: {  	_ =	shalt  }

// kernel: kernel.28.cloned.1.call-start
scs
__scs_entry_jumppad:
0x0: {  	(pc) =	sbr.rel $0x88, $3  }
0x1: {  	(tag) =	ssettag $0x0;
	lr =	simm.s32 $0x1  }
0x2: {  	[smem:$0x3F8C] =	sst lr;
	_ =	strace $0xD0000000  }
0x3: {  	_ = 	snop  }
0x4: {  	_ = 	snop  }
0x5: {  	_ = 	snop  }
0x6: {  	_ = 	snop  }
0x7: {  	_ = 	snop  }
__scs_overlays_trampoline_lowered:
0x8: {  	[smem:$0x3F9B] =	sst s0  }
0x9: {  	[smem:$0x3F9C] =	sst s1  }
0xa: {  	[smem:$0x3F9D] =	sst s2  }
0xb: {  	[smem:$0x3F9E] =	sst s3  }
0xc: {  	[smem:$0x3F9F] =	sst s4  }
0xd: {  	[smem:$0x3FA0] =	sst s5  }
0xe: {  	[smem:$0x3FA1] =	sst s6  }
0xf: {  	[smem:$0x3FA2] =	sst s7  }
0x10: {  	[smem:$0x3FA3] =	sst s8  }
0x11: {  	[smem:$0x3FA4] =	sst s9;
	s0 =	simm.s32 @!p0 $0x0  }
0x12: {  	s1 =	sld [smem:$0x3F8A];
	s0 =	simm.s32 @p0 $0x1  }
0x13: {  	[smem:$0x3FA5] =	sst s0;
	s0 =	simm.s32 @!p1 $0x0  }
0x14: {  	s2 =	sld [smem:$0x3F89];
	s0 =	simm.s32 @p1 $0x1  }
0x15: {  	[smem:$0x3FA6] =	sst s0;
	s0 =	simm.s32 @!p2 $0x0  }
0x16: {  	s3 =	sld [smem:$0x3FDB];
	s0 =	simm.s32 @p2 $0x1  }
0x17: {  	s4 =	simm.s32 $0x1BF5;
	[smem:$0x3FA8] =	sst s0  }
0x18: {  	s0 =	sld [smem:$0x3F8B];
	_ =	swait.ge [sflag:s4], $0x0  }
0x19: {  	s7 =	sld [smem:$0x3F8C]  }
0x1a: {  	s8 =	sadd.s32 $0xFFFFE003, lr  }
0x1b: {  	s9 =	sadd.s32 $0xFFFFFEF7, lr;
	s5 =	simm.s32 $0xFFFFFFFF;
	p2 =	slt.u32 s8, $0xFFFFF086  }
0x1c: {  	p1 =	slt.u32 s9, $0xF7A;
	s5 =	simm.s32 @!p2 $0x0  }
0x1d: {  	s5 =	simm.s32 @p1 $0x1;
	p0 =	seq.s32 s7, s2  }
0x1e: {  	s7 =	smul.u32 @!p0 $0xF7A, s2;
	p2 =	seq.s32 @!p0 s5, $0x0  }
0x1f: {  	s9 =	smul.u32 $0xF7A, s1;
	s8 =	simm.s32 @!p0 $0x1BF5;
	p2 =	por !p2, p0  }
0x20: {  	[sflag:s8] =	ssyncset.s32 @!p0 $0xFFFFF086;
	s6 =	sadd.s32 @!p0 s3, s7;
	s7 =	simm.s32 @!p0 $0x108  }
0x21: {  	s3 =	sadd.s32 s3, s9;
	s6 =	sadd.s32 @!p0 $0x88, s6;
	s7 =	simm.s32 @p2 $0x1082  }
0x22: {  	[simem:s7], [sflag:s8] =	dma.local @!p0 [hbm:s6], $0xF7A  }
0x23: {  	s9 =	sor.u32 $0xD0000000, s2;
	s6 =	simm.s32 $0x108;
	_ =	swait.ge @!p0 [sflag:s8], $0x0  }
0x24: {  	s3 =	sadd.s32 $0x88, s3;
	s6 =	simm.s32 @!p1 $0x1082;
	[sflag:s4] =	ssyncset.s32 $0xFFFFF086  }
0x25: {  	[simem:s6], [sflag:s4] =	dma.local [hbm:s3], $0xF7A  }
0x26: {  	[smem:$0x3F8C] =	sst s1;
	(tag) =	ssettag s2;
	_ =	strace s9  }
0x27: {  	s1 =	sld [smem:$0x3F9C]  }
0x28: {  	s2 =	sld [smem:$0x3F9D]  }
0x29: {  	s4 =	sld [smem:$0x3F9F]  }
0x2a: {  	p0 =	seq.s32 s5, $0x0;
	s5 =	sld [smem:$0x3FA0]  }
0x2b: {  	s6 =	sld [smem:$0x3FA1]  }
0x2c: {  	s7 =	sld [smem:$0x3FA2]  }
0x2d: {  	s3 =	simm.s32 $0x108;
	s8 =	sld [smem:$0x3FA3]  }
0x2e: {  	s3 =	simm.s32 @!p0 $0x1082;
	s9 =	sld [smem:$0x3FA4]  }
0x2f: {  	lr =	sadd.s32 s0, s3;
	s0 =	sld [smem:$0x3F9B]  }
0x30: {  	s3 =	sld [smem:$0x3F9E]  }
0x31: {  	[smem:$0x3FA7] =	sst s10  }
0x32: {  	s10 =	sld [smem:$0x3FA5];
	_ =	sdelay $0x3  }
0x33: {  	p0 =	seq.s32 s10, $0x1;
	s10 =	sld [smem:$0x3FA7];
	_ =	sdelay $0x3  }
0x34: {  	[smem:$0x3FA7] =	sst s10  }
0x35: {  	s10 =	sld [smem:$0x3FA6];
	_ =	sdelay $0x3  }
0x36: {  	p1 =	seq.s32 s10, $0x1;
	s10 =	sld [smem:$0x3FA7];
	_ =	sdelay $0x3  }
0x37: {  	[smem:$0x3FA7] =	sst s10  }
0x38: {  	s10 =	sld [smem:$0x3FA8]  }
0x39: {  	_ = 	snop;
	(pc) =	sbr.ind lr, $3  }
0x3a: {  	_ = 	snop  }
0x3b: {  	_ = 	snop  }
0x3c: {  	p2 =	seq.s32 s10, $0x1;
	s10 =	sld [smem:$0x3FA7]  }
0x3d: {  	_ =	shalt  }
0x3e: {  	_ =	shalt  }
0x3f: {  	_ =	shalt  }
0x40: {  	_ =	shalt  }
0x41: {  	_ =	shalt  }
0x42: {  	_ =	shalt  }
0x43: {  	_ =	shalt  }
0x44: {  	_ =	shalt  }
0x45: {  	_ =	shalt  }
0x46: {  	_ =	shalt  }
0x47: {  	_ =	shalt  }
0x48: {  	_ =	shalt  }
0x49: {  	_ =	shalt  }
0x4a: {  	_ =	shalt  }
0x4b: {  	_ =	shalt  }
0x4c: {  	_ =	shalt  }
0x4d: {  	_ =	shalt  }
0x4e: {  	_ =	shalt  }
0x4f: {  	_ =	shalt  }
0x50: {  	_ =	shalt  }
0x51: {  	_ =	shalt  }
0x52: {  	_ =	shalt  }
0x53: {  	_ =	shalt  }
0x54: {  	_ =	shalt  }
0x55: {  	_ =	shalt  }
0x56: {  	_ =	shalt  }
0x57: {  	_ =	shalt  }
0x58: {  	_ =	shalt  }
0x59: {  	_ =	shalt  }
0x5a: {  	_ =	shalt  }
0x5b: {  	_ =	shalt  }
0x5c: {  	_ =	shalt  }
0x5d: {  	_ =	shalt  }
0x5e: {  	_ =	shalt  }
0x5f: {  	_ =	shalt  }
0x60: {  	_ =	shalt  }
0x61: {  	_ =	shalt  }
0x62: {  	_ =	shalt  }
0x63: {  	_ =	shalt  }
0x64: {  	_ =	shalt  }
0x65: {  	_ =	shalt  }
0x66: {  	_ =	shalt  }
0x67: {  	_ =	shalt  }
0x68: {  	_ =	shalt  }
0x69: {  	_ =	shalt  }
0x6a: {  	_ =	shalt  }
0x6b: {  	_ =	shalt  }
0x6c: {  	_ =	shalt  }
0x6d: {  	_ =	shalt  }
0x6e: {  	_ =	shalt  }
0x6f: {  	_ =	shalt  }
0x70: {  	_ =	shalt  }
0x71: {  	_ =	shalt  }
0x72: {  	_ =	shalt  }
0x73: {  	_ =	shalt  }
0x74: {  	_ =	shalt  }
0x75: {  	_ =	shalt  }
0x76: {  	_ =	shalt  }
0x77: {  	_ =	shalt  }
0x78: {  	_ =	shalt  }
0x79: {  	_ =	shalt  }
0x7a: {  	_ =	shalt  }
0x7b: {  	_ =	shalt  }
0x7c: {  	_ =	shalt  }
0x7d: {  	_ =	shalt  }
0x7e: {  	_ =	shalt  }
0x7f: {  	_ =	shalt  }
0x80: {  	_ =	shalt  }
0x81: {  	_ =	shalt  }
0x82: {  	_ =	shalt  }
0x83: {  	_ =	shalt  }
0x84: {  	_ =	shalt  }
0x85: {  	_ =	shalt  }
0x86: {  	_ =	shalt  }
0x87: {  	_ =	shalt  }
.Lfunc_end0:
.L_simem_size_0:
called_computation.3_lowered:
.L_overlay_start_0:
0x88: {  	s2 =	sld [smem:$0x3FD9]  }
0x89: {  	s3 =	sld [smem:$0x3FFE];
	_ =	sdelay $0x1  }
0x8a: {  	s1 =	srdreg.scid  }
0x8b: {  	s0 =	sand.u32 $0x1, s1  }
0x8c: {  	s16 =	sshll.u32 s0, $0xA;
	s2 =	sadd.s32 s3, s2  }
0x8d: {  	s2 =	sadd.s32 s2, s16  }
0x8e: {  	[smem:$0x3FB3] =	sst s2  }
0x8f: {  	_ = 	snop  }
0x90: {  	(tm) =	ssettm $0x1  }
0x91: {  	s17 =	sld [smem:$0x3FFB];
	_ =	sdelay $0x3  }
0x92: {  	_ =	strace s17  }
0x93: {  	s2 =	sld [smem:$0x3FFC];
	_ =	sdelay $0x3  }
0x94: {  	_ =	strace s2  }
0x95: {  	s2 =	sld [smem:$0x3FFD];
	_ =	sdelay $0x3  }
0x96: {  	_ =	strace s2  }
0x97: {  	_ =	strace $0x8FFFFFFF  }
0x98: {  	s18 =	sld [smem:$0x3FDB];
	_ =	sdelay $0x1  }
0x99: {  	s19 =	simm.s32 $_scs_section_size  }
0x9a: {  	s4 =	simm.s32 $_size__tile_overlayer_lowered;
	s5 =	simm.s32 $_tile_overlayer_lowered  }
0x9b: {  	s22 =	simm.s32 $0x1BFF;
	s21 =	sshll.u32 s5, $0x1;
	s2 =	sadd.s32 s19, s18  }
0x9c: {  	s6 =	simm.s32 $0x0;
	s20 =	sshll.u32 s4, $0x1;
	s4 =	sadd.s32 s21, s2  }
0x9d: {  	[timem:s6], [sflag:s22] =	dma.local [hbm:s4], s20  }
0x9e: {  	_ =	swait.ge [sflag:s22], s20  }
0x9f: {  	s3 =	ssub.s32 $0x0, s20;
	[sflag:s22] =	ssyncset.done $0x0  }
0xa0: {  	[sflag:s22] =	ssyncadd.s32 s3;
	_ =	sdelay $0x1  }
0xa1: {  	s23 =	simm.s32 $0x1B8B  }
0xa2: {  	_ =	swait.ge [sflag:s23], $0x1  }
0xa3: {  	[sflag:s23] =	ssyncset.done $0x0  }
0xa4: {  	s25 =	simm.s32 $0x1B8E;
	s24 =	sld [smem:$0x3FFE];
	[sflag:s23] =	ssyncadd.s32 $0xFFFFFFFF  }
0xa5: {  	s26 =	simm.s32 $execute0_lowered;
	[smem:$0x3FD2] =	sst s25  }
0xa6: {  	s4 =	sshll.u32 s26, $0x1;
	_ =	strace $0x8000004F;
	[dreg:$0x1] =	wrdreg $0xFFFFFFFF  }
0xa7: {  	s28 =	simm.s32 $_size_execute0_lowered;
	s2 =	sadd.s32 s2, s4;
	[dreg:$0x0] =	wrdreg $0x0  }
0xa8: {  	s4 =	sshll.u32 s28, $0x1;
	[dreg:$0x2] =	wrdreg s2  }
0xa9: {  	[dreg:$0x3] =	wrdreg s4  }
0xaa: {  	[dreg:$0x4] =	wrdreg $0xC0  }
0xab: {  	_ =	task [dreg:s6], $0x5FFFF  }
0xac: {  	[dreg:$0x1] =	wrdreg $0xFFFFFFFF  }
0xad: {  	[dreg:$0x0] =	wrdreg $0x60  }
0xae: {  	[dreg:$0x2] =	wrdreg s24  }
0xaf: {  	[dreg:$0x3] =	wrdreg $0xA  }
0xb0: {  	_ =	task.clear_ibuf [dreg:s6], $0x4FFFF;
	_ =	strace $0x9000004F  }
0xb1: {  	s29 =	simm.s32 $0xA;
	_ =	strace $0x80000051  }
0xb2: {  	_ =	swait.ge [sflag:s29], $0x1  }
0xb3: {  	[sflag:s29] =	ssyncadd.s32 $0xFFFFFFFF  }
0xb4: {  	_ =	strace $0x90000051  }
0xb5: {  	_ =	sfence  }
0xb6: {  	s30 =	sld [smem:$0x0];
	_ =	sdelay $0x2  }
0xb7: {  	s31 =	sshll.u32 s1, $0xD;
	s1 =	sshrl.u32 s1, $0x2  }
0xb8: {  	s3 =	sand.u32 $0x4000, s31;
	s1 =	sadd.s32 s1, s30  }
0xb9: {  	s0 =	sor.u32 s3, s0;
	s1 =	sshll.u32 s1, $0x11  }
0xba: {  	s0 =	sor.u32 s1, s0  }
0xbb: {  	s0 =	sadd.s32 $0x8F2B, s0  }
0xbc: {  	[sflag:s0] =	ssyncadd.remote.s32 $0x1  }
0xbd: {  	_ =	sfence.sel $0xFFFF  }
0xbe: {  	[dreg:$0x0] =	wrdreg $0xFFFFFFFF;
	(pc) =	sbr.abs _section_cstart, $3  }
0xbf: {  	[dreg:$0x1] =	wrdreg $0xFFFFFFFF  }
0xc0: {  	_ =	task.clear_ibuf [dreg:s6], $0x2FFFF;
	_ =	strace $0x9FFFFFFF  }
0xc1: {  	(tm) =	ssettm $0x7FFFFFFF  }
tec
execute0_lowered:
.L_overlay_start_1:
0x0: {  	(tag) =	ssettag $0x1  }
0x1: {  	s4 =	rddreg [dreg:$0x0]  }
0x2: {  	s0 =	rddreg [dreg:$0x1];
	s1 =	simm.s32 $0x0;
	s2 =	srdreg.scid  }
0x3: {  	[smem:$0x7FF] =	sst s1;
	s6 =	sand.u32 $0x1, s2  }
0x4: {  	s2 =	stileid.u32;
	s3 =	sadd.s32 $0xCD0200, s4;
	s9 =	sadd.s32 $0x604C00, s4  }
0x5: {  	_ =	strace $0x80000050;
	s5 =	ssub.s32 $0x2, s6;
	s7 =	sshll.u32 s2, $0xD  }
0x6: {  	s29 =	sshll.u32 s2, $0x9;
	s10 =	sshll.u32 s6, $0x8;
	s30 =	sshll.u32 s6, $0xC  }
0x7: {  	s31 =	sshll.u32 s2, $0x6;
	s11 =	sshll.u32 s6, $0x5;
	s8 =	sshrl.u32 s5, $0x1  }
0x8: {  	s7 =	sadd.s32 s7, s4;
	s5 =	ssub.s32 s5, s8;
	s8 =	sor.u32 s10, s29  }
0x9: {  	s4 =	sshll.u32 s2, $0x1;
	s7 =	sadd.s32 s30, s7;
	s8 =	sor.u32 $0x80, s8  }
0xa: {  	s10 =	sadd.s32 s31, s9;
	s5 =	smax.u32 s5, $0x1;
	s8 =	sshrl.u32 s8, $0x3  }
0xb: {  	s6 =	sadd.s32 $0x4A00, s7;
	s7 =	sadd.s32 s11, s10;
	s8 =	sadd.s32 s8, s9  }
.LBB2_1:
0xc: {  	p0 =	sgt.u32 s4, $0x48B  }
0xd: {  	s10 =	simm.s32 @!p0 $0x0;
	s9 =	simm.s32 @!p0 $0x4  }
0xe: {  	[tilespmem:s10], [sflag:$0x4] =	stream.linear.gather @!p0 [hbm4b:s7+s10], $0x80, $0x38;
	[tilespmem:$0x8100] =	vst v63  }
0xf: {  	_ =	swait.ge @!p0 [sflag:s9], $0x80  }
0x10: {  	[sflag:s9] =	ssyncset.done @!p0 $0x0;
	p0 =	por p0, p0  }
0x11: {  	[sflag:s9] =	ssyncadd.s32 @!p0 $0xFFFFFF80;
	s11 =	simm.s32 @!p0 $0x80;
	s12 =	simm.s32 @!p0 $0x100  }
0x12: {  	[tilespmem:s12], [sflag:$0x1] =	stream.indirect.gather @!p0 [hbm4b:s3+s11], $0x80, s10, s11, $0xb8;
	[tilespmem:$0x8100] =	vst v63  }
0x13: {  	_ = 	snop  }
0x14: {  	[tilespmem:s11], [sflag:$0x4] =	stream.linear.gather @!p0 [hbm4b:s8+s10], $0x80, $0x38;
	[tilespmem:$0x8100] =	vst v63  }
0x15: {  	_ =	swait.ge @!p0 [sflag:s9], $0x80  }
0x16: {  	[sflag:s9] =	ssyncset.done @!p0 $0x0  }
0x17: {  	s13 =	simm.s32 @!p0 $0x4100;
	s14 =	simm.s32 @!p0 $0x1;
	[sflag:s9] =	ssyncadd.s32 @!p0 $0xFFFFFF80  }
0x18: {  	[tilespmem:s13], [sflag:$0x2] =	stream.indirect.gather @!p0 [hbm4b:s3+s11], $0x80, s11, s11, $0xb8;
	[tilespmem:$0x8100] =	vst v63  }
0x19: {  	_ =	swait.ge @!p0 [sflag:s14], $0x4000  }
0x1a: {  	[sflag:s14] =	ssyncset.done @!p0 $0x0  }
0x1b: {  	[sflag:s14] =	ssyncadd.s32 @!p0 $0xFFFFC000;
	s14 =	sadd.s32 @!p0 $0x0, s6  }
0x1c: {  	[hbm4b:s14+s10] =	stream.linear.scatter @!p0 [tilespmem:s12], [sflag:$0x4], $0x4000, $0x38;
	[tilespmem:$0x8100] =	vst v63  }
0x1d: {  	_ =	swait.ge @!p0 [sflag:s9], $0x4000  }
0x1e: {  	[sflag:s9] =	ssyncset.done @!p0 $0x0  }
0x1f: {  	s12 =	simm.s32 @!p0 $0x2;
	[sflag:s9] =	ssyncadd.s32 @!p0 $0xFFFFC000  }
0x20: {  	_ =	swait.ge @!p0 [sflag:s12], $0x4000  }
0x21: {  	s11 =	simm.s32 $0x40000;
	s15 =	sadd.s32 @!p0 $0x800, s14;
	[sflag:s12] =	ssyncset.done @!p0 $0x0  }
0x22: {  	s14 =	simm.s32 @!p0 $0x3;
	s9 =	simm.s32 $0x20000;
	[sflag:s12] =	ssyncadd.s32 @!p0 $0xFFFFC000  }
0x23: {  	[hbm4b:s15+s10] =	stream.linear.scatter @!p0 [tilespmem:s13], [sflag:$0x3], $0x4000, $0x38;
	[tilespmem:$0x8100] =	vst v63  }
0x24: {  	s12 =	sadd.s32 $0x400, s7;
	s13 =	sadd.s32 $0x20, s4;
	_ =	swait.ge @!p0 [sflag:s14], $0x4000  }
0x25: {  	s10 =	sadd.s32 $0x400, s8;
	p2 =	sgt.u32 s13, $0x48B;
	[sflag:s14] =	ssyncset.done @!p0 $0x0  }
.LBB2_2:
0x26: {  	s15 =	simm.s32 @!p2 $0x0;
	s16 =	simm.s32 @!p2 $0x4;
	[sflag:s14] =	ssyncadd.s32 @!p0 $0xFFFFC000  }
0x27: {  	[tilespmem:s15], [sflag:$0x4] =	stream.linear.gather @!p2 [hbm4b:s12+s15], $0x80, $0x38;
	[tilespmem:$0x8100] =	vst v63  }
0x28: {  	s14 =	smov.u32 s11;
	s11 =	sadd.s32 $0x20000, s11;
	_ =	swait.ge @!p2 [sflag:s16], $0x80  }
0x29: {  	p0 =	por p2, p2;
	p1 =	sne.s32 s11, $0x4A0000;
	[sflag:s16] =	ssyncset.done @!p2 $0x0  }
0x2a: {  	s17 =	simm.s32 @!p0 $0x80;
	s18 =	simm.s32 @!p0 $0x100;
	[sflag:s16] =	ssyncadd.s32 @!p0 $0xFFFFFF80  }
0x2b: {  	[tilespmem:s18], [sflag:$0x1] =	stream.indirect.gather @!p0 [hbm4b:s3+s17], $0x80, s15, s17, $0xb8;
	[tilespmem:$0x8100] =	vst v63  }
0x2c: {  	_ = 	snop  }
0x2d: {  	[tilespmem:s17], [sflag:$0x4] =	stream.linear.gather @!p0 [hbm4b:s10+s15], $0x80, $0x38;
	[tilespmem:$0x8100] =	vst v63  }
0x2e: {  	_ =	swait.ge @!p0 [sflag:s16], $0x80  }
0x2f: {  	[sflag:s16] =	ssyncset.done @!p0 $0x0  }
0x30: {  	s19 =	simm.s32 @!p0 $0x4100;
	s20 =	simm.s32 @!p0 $0x1;
	[sflag:s16] =	ssyncadd.s32 @!p0 $0xFFFFFF80  }
0x31: {  	[tilespmem:s19], [sflag:$0x2] =	stream.indirect.gather @!p0 [hbm4b:s3+s17], $0x80, s17, s17, $0xb8;
	[tilespmem:$0x8100] =	vst v63  }
0x32: {  	_ =	swait.ge @!p0 [sflag:s20], $0x4000  }
0x33: {  	[sflag:s20] =	ssyncset.done @!p0 $0x0  }
0x34: {  	s17 =	sadd.s32 @!p0 s9, s6;
	s9 =	smov.u32 s14;
	[sflag:s20] =	ssyncadd.s32 @!p0 $0xFFFFC000  }
0x35: {  	[hbm4b:s17+s15] =	stream.linear.scatter @!p0 [tilespmem:s18], [sflag:$0x4], $0x4000, $0x38;
	[tilespmem:$0x8100] =	vst v63  }
0x36: {  	s17 =	sadd.s32 @!p0 $0x800, s17;
	_ =	swait.ge @!p0 [sflag:s16], $0x4000  }
0x37: {  	[sflag:s16] =	ssyncset.done @!p0 $0x0  }
0x38: {  	s14 =	simm.s32 @!p0 $0x2;
	[sflag:s16] =	ssyncadd.s32 @!p0 $0xFFFFC000  }
0x39: {  	_ =	swait.ge @!p0 [sflag:s14], $0x4000  }
.Ltmp0:
0x3a: {  	[sflag:s14] =	ssyncset.done @!p0 $0x0;
	(pc) =	sbr.rel @p1 .LBB2_2-.Ltmp0, $4  }
0x3b: {  	[sflag:s14] =	ssyncadd.s32 @!p0 $0xFFFFC000;
	s14 =	simm.s32 @!p0 $0x3  }
0x3c: {  	[hbm4b:s17+s15] =	stream.linear.scatter @!p0 [tilespmem:s19], [sflag:$0x3], $0x4000, $0x38;
	[tilespmem:$0x8100] =	vst v63  }
0x3d: {  	s13 =	sadd.s32 $0x20, s13;
	s10 =	sadd.s32 $0x400, s10;
	_ =	swait.ge @!p0 [sflag:s14], $0x4000  }
0x3e: {  	s12 =	sadd.s32 $0x400, s12;
	p2 =	sgt.u32 s13, $0x48B;
	[sflag:s14] =	ssyncset.done @!p0 $0x0  }
0x3f: {  	s11 =	simm.s32 @!p2 $0x0;
	s13 =	simm.s32 @!p2 $0x4;
	[sflag:s14] =	ssyncadd.s32 @!p0 $0xFFFFC000  }
0x40: {  	[tilespmem:s11], [sflag:$0x4] =	stream.linear.gather @!p2 [hbm4b:s12+s11], $0x80, $0x38;
	[tilespmem:$0x8100] =	vst v63  }
0x41: {  	_ =	swait.ge @!p2 [sflag:s13], $0x80  }
0x42: {  	p0 =	por p2, p2;
	[sflag:s13] =	ssyncset.done @!p2 $0x0  }
0x43: {  	s12 =	simm.s32 @!p0 $0x80;
	s14 =	simm.s32 @!p0 $0x100;
	[sflag:s13] =	ssyncadd.s32 @!p0 $0xFFFFFF80  }
0x44: {  	[tilespmem:s14], [sflag:$0x1] =	stream.indirect.gather @!p0 [hbm4b:s3+s12], $0x80, s11, s12, $0xb8;
	[tilespmem:$0x8100] =	vst v63  }
0x45: {  	_ = 	snop  }
0x46: {  	[tilespmem:s12], [sflag:$0x4] =	stream.linear.gather @!p0 [hbm4b:s10+s11], $0x80, $0x38;
	[tilespmem:$0x8100] =	vst v63  }
0x47: {  	_ =	swait.ge @!p0 [sflag:s13], $0x80  }
0x48: {  	[sflag:s13] =	ssyncset.done @!p0 $0x0  }
0x49: {  	s15 =	simm.s32 @!p0 $0x1;
	s10 =	simm.s32 @!p0 $0x4100;
	[sflag:s13] =	ssyncadd.s32 @!p0 $0xFFFFFF80  }
0x4a: {  	[tilespmem:s10], [sflag:$0x2] =	stream.indirect.gather @!p0 [hbm4b:s3+s12], $0x80, s12, s12, $0xb8;
	[tilespmem:$0x8100] =	vst v63  }
0x4b: {  	_ =	swait.ge @!p0 [sflag:s15], $0x4000  }
0x4c: {  	[sflag:s15] =	ssyncset.done @!p0 $0x0  }
0x4d: {  	s9 =	sadd.s32 @!p0 s9, s6;
	[sflag:s15] =	ssyncadd.s32 @!p0 $0xFFFFC000  }
0x4e: {  	[hbm4b:s9+s11] =	stream.linear.scatter @!p0 [tilespmem:s14], [sflag:$0x4], $0x4000, $0x38;
	[tilespmem:$0x8100] =	vst v63  }
0x4f: {  	_ =	swait.ge @!p0 [sflag:s13], $0x4000  }
0x50: {  	[sflag:s13] =	ssyncset.done @!p0 $0x0  }
0x51: {  	s12 =	simm.s32 @!p0 $0x2;
	[sflag:s13] =	ssyncadd.s32 @!p0 $0xFFFFC000  }
0x52: {  	s1 =	sadd.s32 $0x1, s1;
	_ =	swait.ge @!p0 [sflag:s12], $0x4000  }
0x53: {  	p1 =	sne.s32 s1, s5;
	s9 =	sadd.s32 @!p0 $0x800, s9;
	[sflag:s12] =	ssyncset.done @!p0 $0x0  }
.Ltmp1:
0x54: {  	[sflag:s12] =	ssyncadd.s32 @!p0 $0xFFFFC000;
	s12 =	simm.s32 @!p0 $0x3;
	(pc) =	sbr.rel @p1 .LBB2_1-.Ltmp1, $4  }
0x55: {  	[hbm4b:s9+s11] =	stream.linear.scatter @!p0 [tilespmem:s10], [sflag:$0x3], $0x4000, $0x38;
	[tilespmem:$0x8100] =	vst v63  }
0x56: {  	_ =	swait.ge @!p0 [sflag:s12], $0x4000  }
0x57: {  	[sflag:s12] =	ssyncset.done @!p0 $0x0  }
0x58: {  	[sflag:s12] =	ssyncadd.s32 @!p0 $0xFFFFC000  }
0x59: {  	_ =	sfence.sel $0x180000  }
0x5a: {  	[bflag:$0x0] =	sbarrier.arrive $0xFFFF  }
0x5b: {  	p0 =	sne.s32 s2, $0x0;
	_ =	strace $0x90000050  }
0x5c: {  	s0 =	sadd.s32 @!p0 $0x100000, s0;
	[bflag:$0x2] =	sbarrier.arrive $0xFFFF  }
0x5d: {  	[sflag:s0] =	ssyncadd.tile.s32 @!p0 $0x1;
	_ =	shalt  }
.Lfunc_end2:
_tile_overlayer_lowered:
.L_overlay_start_2:
0x5e: {  	(tag) =	ssettag $0x2  }
0x5f: {  	s0 =	rddreg [dreg:$0x0];
	s2 =	stileid.u32  }
0x60: {  	s1 =	rddreg [dreg:$0x1];
	p0 =	sne.s32 s2, $0x0  }
0x61: {  	s3 =	rddreg [dreg:$0x2];
	[bflag:$0x3] =	sbarrier.arrive $0xFFFF;
	s2 =	simm.s32 @!p0 $0x1C03  }
0x62: {  	[timem:s3], [sflag:s2] =	dma.local @!p0 [hbm:s0], s1  }
0x63: {  	s0 =	simm.s32 @!p0 $0x3  }
0x64: {  	_ =	swait.ge @!p0 [sflag:s0], s1  }
0x65: {  	s1 =	ssub.s32 @!p0 $0x0, s1;
	[sflag:s0] =	ssyncset.done @!p0 $0x0  }
0x66: {  	[sflag:s0] =	ssyncadd.s32 @!p0 s1  }
0x67: {  	[bflag:$0x3] =	sbarrier.arrive $0xFFFF  }
0x68: {  	_ =	shalt  }

// kernel: kernel.31.cloned.1.call-start
scs
__scs_entry_jumppad:
0x0: {  	(pc) =	sbr.rel $0x88, $3  }
0x1: {  	(tag) =	ssettag $0x0;
	lr =	simm.s32 $0x1  }
0x2: {  	[smem:$0x3F8C] =	sst lr;
	_ =	strace $0xD0000000  }
0x3: {  	_ = 	snop  }
0x4: {  	_ = 	snop  }
0x5: {  	_ = 	snop  }
0x6: {  	_ = 	snop  }
0x7: {  	_ = 	snop  }
__scs_overlays_trampoline_lowered:
0x8: {  	[smem:$0x3F9B] =	sst s0  }
0x9: {  	[smem:$0x3F9C] =	sst s1  }
0xa: {  	[smem:$0x3F9D] =	sst s2  }
0xb: {  	[smem:$0x3F9E] =	sst s3  }
0xc: {  	[smem:$0x3F9F] =	sst s4  }
0xd: {  	[smem:$0x3FA0] =	sst s5  }
0xe: {  	[smem:$0x3FA1] =	sst s6  }
0xf: {  	[smem:$0x3FA2] =	sst s7  }
0x10: {  	[smem:$0x3FA3] =	sst s8  }
0x11: {  	[smem:$0x3FA4] =	sst s9;
	s0 =	simm.s32 @!p0 $0x0  }
0x12: {  	s1 =	sld [smem:$0x3F8A];
	s0 =	simm.s32 @p0 $0x1  }
0x13: {  	[smem:$0x3FA5] =	sst s0;
	s0 =	simm.s32 @!p1 $0x0  }
0x14: {  	s2 =	sld [smem:$0x3F89];
	s0 =	simm.s32 @p1 $0x1  }
0x15: {  	[smem:$0x3FA6] =	sst s0;
	s0 =	simm.s32 @!p2 $0x0  }
0x16: {  	s3 =	sld [smem:$0x3FDB];
	s0 =	simm.s32 @p2 $0x1  }
0x17: {  	s4 =	simm.s32 $0x1BF5;
	[smem:$0x3FA8] =	sst s0  }
0x18: {  	s0 =	sld [smem:$0x3F8B];
	_ =	swait.ge [sflag:s4], $0x0  }
0x19: {  	s7 =	sld [smem:$0x3F8C]  }
0x1a: {  	s8 =	sadd.s32 $0xFFFFE003, lr  }
0x1b: {  	s9 =	sadd.s32 $0xFFFFFEF7, lr;
	s5 =	simm.s32 $0xFFFFFFFF;
	p2 =	slt.u32 s8, $0xFFFFF086  }
0x1c: {  	p1 =	slt.u32 s9, $0xF7A;
	s5 =	simm.s32 @!p2 $0x0  }
0x1d: {  	s5 =	simm.s32 @p1 $0x1;
	p0 =	seq.s32 s7, s2  }
0x1e: {  	s7 =	smul.u32 @!p0 $0xF7A, s2;
	p2 =	seq.s32 @!p0 s5, $0x0  }
0x1f: {  	s9 =	smul.u32 $0xF7A, s1;
	s8 =	simm.s32 @!p0 $0x1BF5;
	p2 =	por !p2, p0  }
0x20: {  	[sflag:s8] =	ssyncset.s32 @!p0 $0xFFFFF086;
	s6 =	sadd.s32 @!p0 s3, s7;
	s7 =	simm.s32 @!p0 $0x108  }
0x21: {  	s3 =	sadd.s32 s3, s9;
	s6 =	sadd.s32 @!p0 $0x88, s6;
	s7 =	simm.s32 @p2 $0x1082  }
0x22: {  	[simem:s7], [sflag:s8] =	dma.local @!p0 [hbm:s6], $0xF7A  }
0x23: {  	s9 =	sor.u32 $0xD0000000, s2;
	s6 =	simm.s32 $0x108;
	_ =	swait.ge @!p0 [sflag:s8], $0x0  }
0x24: {  	s3 =	sadd.s32 $0x88, s3;
	s6 =	simm.s32 @!p1 $0x1082;
	[sflag:s4] =	ssyncset.s32 $0xFFFFF086  }
0x25: {  	[simem:s6], [sflag:s4] =	dma.local [hbm:s3], $0xF7A  }
0x26: {  	[smem:$0x3F8C] =	sst s1;
	(tag) =	ssettag s2;
	_ =	strace s9  }
0x27: {  	s1 =	sld [smem:$0x3F9C]  }
0x28: {  	s2 =	sld [smem:$0x3F9D]  }
0x29: {  	s4 =	sld [smem:$0x3F9F]  }
0x2a: {  	p0 =	seq.s32 s5, $0x0;
	s5 =	sld [smem:$0x3FA0]  }
0x2b: {  	s6 =	sld [smem:$0x3FA1]  }
0x2c: {  	s7 =	sld [smem:$0x3FA2]  }
0x2d: {  	s3 =	simm.s32 $0x108;
	s8 =	sld [smem:$0x3FA3]  }
0x2e: {  	s3 =	simm.s32 @!p0 $0x1082;
	s9 =	sld [smem:$0x3FA4]  }
0x2f: {  	lr =	sadd.s32 s0, s3;
	s0 =	sld [smem:$0x3F9B]  }
0x30: {  	s3 =	sld [smem:$0x3F9E]  }
0x31: {  	[smem:$0x3FA7] =	sst s10  }
0x32: {  	s10 =	sld [smem:$0x3FA5];
	_ =	sdelay $0x3  }
0x33: {  	p0 =	seq.s32 s10, $0x1;
	s10 =	sld [smem:$0x3FA7];
	_ =	sdelay $0x3  }
0x34: {  	[smem:$0x3FA7] =	sst s10  }
0x35: {  	s10 =	sld [smem:$0x3FA6];
	_ =	sdelay $0x3  }
0x36: {  	p1 =	seq.s32 s10, $0x1;
	s10 =	sld [smem:$0x3FA7];
	_ =	sdelay $0x3  }
0x37: {  	[smem:$0x3FA7] =	sst s10  }
0x38: {  	s10 =	sld [smem:$0x3FA8]  }
0x39: {  	_ = 	snop;
	(pc) =	sbr.ind lr, $3  }
0x3a: {  	_ = 	snop  }
0x3b: {  	_ = 	snop  }
0x3c: {  	p2 =	seq.s32 s10, $0x1;
	s10 =	sld [smem:$0x3FA7]  }
0x3d: {  	_ =	shalt  }
0x3e: {  	_ =	shalt  }
0x3f: {  	_ =	shalt  }
0x40: {  	_ =	shalt  }
0x41: {  	_ =	shalt  }
0x42: {  	_ =	shalt  }
0x43: {  	_ =	shalt  }
0x44: {  	_ =	shalt  }
0x45: {  	_ =	shalt  }
0x46: {  	_ =	shalt  }
0x47: {  	_ =	shalt  }
0x48: {  	_ =	shalt  }
0x49: {  	_ =	shalt  }
0x4a: {  	_ =	shalt  }
0x4b: {  	_ =	shalt  }
0x4c: {  	_ =	shalt  }
0x4d: {  	_ =	shalt  }
0x4e: {  	_ =	shalt  }
0x4f: {  	_ =	shalt  }
0x50: {  	_ =	shalt  }
0x51: {  	_ =	shalt  }
0x52: {  	_ =	shalt  }
0x53: {  	_ =	shalt  }
0x54: {  	_ =	shalt  }
0x55: {  	_ =	shalt  }
0x56: {  	_ =	shalt  }
0x57: {  	_ =	shalt  }
0x58: {  	_ =	shalt  }
0x59: {  	_ =	shalt  }
0x5a: {  	_ =	shalt  }
0x5b: {  	_ =	shalt  }
0x5c: {  	_ =	shalt  }
0x5d: {  	_ =	shalt  }
0x5e: {  	_ =	shalt  }
0x5f: {  	_ =	shalt  }
0x60: {  	_ =	shalt  }
0x61: {  	_ =	shalt  }
0x62: {  	_ =	shalt  }
0x63: {  	_ =	shalt  }
0x64: {  	_ =	shalt  }
0x65: {  	_ =	shalt  }
0x66: {  	_ =	shalt  }
0x67: {  	_ =	shalt  }
0x68: {  	_ =	shalt  }
0x69: {  	_ =	shalt  }
0x6a: {  	_ =	shalt  }
0x6b: {  	_ =	shalt  }
0x6c: {  	_ =	shalt  }
0x6d: {  	_ =	shalt  }
0x6e: {  	_ =	shalt  }
0x6f: {  	_ =	shalt  }
0x70: {  	_ =	shalt  }
0x71: {  	_ =	shalt  }
0x72: {  	_ =	shalt  }
0x73: {  	_ =	shalt  }
0x74: {  	_ =	shalt  }
0x75: {  	_ =	shalt  }
0x76: {  	_ =	shalt  }
0x77: {  	_ =	shalt  }
0x78: {  	_ =	shalt  }
0x79: {  	_ =	shalt  }
0x7a: {  	_ =	shalt  }
0x7b: {  	_ =	shalt  }
0x7c: {  	_ =	shalt  }
0x7d: {  	_ =	shalt  }
0x7e: {  	_ =	shalt  }
0x7f: {  	_ =	shalt  }
0x80: {  	_ =	shalt  }
0x81: {  	_ =	shalt  }
0x82: {  	_ =	shalt  }
0x83: {  	_ =	shalt  }
0x84: {  	_ =	shalt  }
0x85: {  	_ =	shalt  }
0x86: {  	_ =	shalt  }
0x87: {  	_ =	shalt  }
.Lfunc_end0:
.L_simem_size_0:
called_computation.4_lowered:
.L_overlay_start_0:
0x88: {  	s2 =	sld [smem:$0x3FD9]  }
0x89: {  	s3 =	sld [smem:$0x3FFE];
	_ =	sdelay $0x1  }
0x8a: {  	s1 =	srdreg.scid  }
0x8b: {  	s0 =	sand.u32 $0x1, s1  }
0x8c: {  	s17 =	sshll.u32 s0, $0xA;
	s2 =	sadd.s32 s3, s2  }
0x8d: {  	s2 =	sadd.s32 s2, s17  }
0x8e: {  	[smem:$0x3FB3] =	sst s2  }
0x8f: {  	_ = 	snop  }
0x90: {  	(tm) =	ssettm $0x1  }
0x91: {  	s18 =	sld [smem:$0x3FFB];
	_ =	sdelay $0x3  }
0x92: {  	_ =	strace s18  }
0x93: {  	s2 =	sld [smem:$0x3FFC];
	_ =	sdelay $0x3  }
0x94: {  	_ =	strace s2  }
0x95: {  	s2 =	sld [smem:$0x3FFD];
	_ =	sdelay $0x3  }
0x96: {  	_ =	strace s2  }
0x97: {  	_ =	strace $0x8FFFFFFF  }
0x98: {  	s19 =	sld [smem:$0x3FDB];
	_ =	sdelay $0x1  }
0x99: {  	s20 =	simm.s32 $_scs_section_size  }
0x9a: {  	s4 =	simm.s32 $_size__tile_overlayer_lowered;
	s5 =	simm.s32 $_tile_overlayer_lowered  }
0x9b: {  	s6 =	simm.s32 $0x1BFF;
	s21 =	sshll.u32 s5, $0x1;
	s3 =	sadd.s32 s20, s19  }
0x9c: {  	s22 =	simm.s32 $0x0;
	s4 =	sshll.u32 s4, $0x1;
	s5 =	sadd.s32 s21, s3  }
0x9d: {  	[timem:s22], [sflag:s6] =	dma.local [hbm:s5], s4  }
0x9e: {  	_ =	swait.ge [sflag:s6], s4  }
0x9f: {  	s4 =	ssub.s32 $0x0, s4;
	[sflag:s6] =	ssyncset.done $0x0  }
0xa0: {  	[sflag:s6] =	ssyncadd.s32 s4;
	_ =	sdelay $0x1  }
0xa1: {  	s23 =	simm.s32 $0x1B8B  }
0xa2: {  	_ =	swait.ge [sflag:s23], $0x1  }
0xa3: {  	[sflag:s23] =	ssyncset.done $0x0  }
0xa4: {  	[sflag:s23] =	ssyncadd.s32 $0xFFFFFFFF  }
0xa5: {  	s4 =	sld [smem:$0x0]  }
0xa6: {  	s5 =	sand.u32 $0xFFFFFFFE, s1  }
0xa7: {  	p0 =	sne.s32 s1, s5  }
0xa8: {  	s5 =	sshll.u32 @p0 s5, $0xE  }
0xa9: {  	s5 =	sadd.s32 @p0 $0x11B8D, s5;
	s6 =	sshll.u32 @p0 s4, $0x11  }
0xaa: {  	s5 =	sor.u32 @p0 s6, s5  }
0xab: {  	[sflag:s5] =	ssyncadd.remote.s32 @p0 $0x1;
	_ =	sdelay $0x1  }
0xac: {  	s5 =	simm.s32 @p0 $0x1B8D  }
0xad: {  	_ =	swait.eq @p0 [sflag:s5], $0x1  }
0xae: {  	[sflag:s5] =	ssyncadd.s32 @p0 $0xFFFFFFFF  }
0xaf: {  	s6 =	sshll.u32 @!p0 s1, $0xE  }
0xb0: {  	s6 =	sor.u32 @!p0 $0x4000, s6;
	s5 =	simm.s32 @!p0 $0x1B8D  }
0xb1: {  	s4 =	sshll.u32 @!p0 s4, $0x11;
	s6 =	sadd.s32 @!p0 $0x11B8D, s6;
	_ =	swait.eq @!p0 [sflag:s5], $0x1  }
0xb2: {  	s4 =	sor.u32 @!p0 s4, s6;
	[sflag:s5] =	ssyncadd.s32 @!p0 $0xFFFFFFFF  }
0xb3: {  	s25 =	simm.s32 $0x1B8E;
	s24 =	sld [smem:$0x3FFE];
	[sflag:s4] =	ssyncadd.remote.s32 @!p0 $0x1  }
0xb4: {  	s26 =	simm.s32 $execute0_lowered;
	[smem:$0x3FD2] =	sst s25  }
0xb5: {  	s5 =	sshll.u32 s26, $0x1;
	_ =	strace $0x80000055;
	[dreg:$0x1] =	wrdreg $0xFFFFFFFF  }
0xb6: {  	s28 =	simm.s32 $_size_execute0_lowered;
	s3 =	sadd.s32 s3, s5;
	[dreg:$0x0] =	wrdreg $0x0  }
0xb7: {  	s5 =	sshll.u32 s28, $0x1;
	[dreg:$0x2] =	wrdreg s3  }
0xb8: {  	[dreg:$0x3] =	wrdreg s5  }
0xb9: {  	[dreg:$0x4] =	wrdreg $0xC0  }
0xba: {  	_ =	task [dreg:s22], $0x5FFFF  }
0xbb: {  	[dreg:$0x1] =	wrdreg $0xFFFFFFFF  }
0xbc: {  	[dreg:$0x0] =	wrdreg $0x60  }
0xbd: {  	[dreg:$0x2] =	wrdreg s24  }
0xbe: {  	[dreg:$0x3] =	wrdreg $0xA  }
0xbf: {  	_ =	task.clear_ibuf [dreg:s22], $0x4FFFF;
	_ =	strace $0x90000055  }
0xc0: {  	s29 =	simm.s32 $0xA;
	_ =	strace $0x80000057  }
0xc1: {  	_ =	swait.ge [sflag:s29], $0x1  }
0xc2: {  	[sflag:s29] =	ssyncadd.s32 $0xFFFFFFFF  }
0xc3: {  	_ =	strace $0x90000057  }
0xc4: {  	_ =	sfence  }
0xc5: {  	s30 =	sld [smem:$0x0];
	_ =	sdelay $0x2  }
0xc6: {  	s31 =	sshll.u32 s1, $0xD;
	s1 =	sshrl.u32 s1, $0x2  }
0xc7: {  	s4 =	sand.u32 $0x4000, s31;
	s1 =	sadd.s32 s1, s30  }
0xc8: {  	s0 =	sor.u32 s4, s0;
	s1 =	sshll.u32 s1, $0x11  }
0xc9: {  	s0 =	sor.u32 s1, s0  }
0xca: {  	s0 =	sadd.s32 $0x8F2B, s0  }
0xcb: {  	[sflag:s0] =	ssyncadd.remote.s32 $0x1  }
0xcc: {  	_ =	sfence.sel $0xFFFF  }
0xcd: {  	[dreg:$0x0] =	wrdreg $0xFFFFFFFF;
	(pc) =	sbr.abs _section_cstart, $3  }
0xce: {  	[dreg:$0x1] =	wrdreg $0xFFFFFFFF  }
0xcf: {  	_ =	task.clear_ibuf [dreg:s22], $0x2FFFF;
	_ =	strace $0x9FFFFFFF  }
0xd0: {  	(tm) =	ssettm $0x7FFFFFFF  }
0xd1: {  	_ =	shalt  }
tec
execute0_lowered:
.L_overlay_start_1:
0x0: {  	(tag) =	ssettag $0x1  }
0x1: {  	s4 =	rddreg [dreg:$0x0]  }
0x2: {  	s0 =	rddreg [dreg:$0x1];
	s1 =	simm.s32 $0x0;
	s2 =	srdreg.scid  }
0x3: {  	[smem:$0x7FF] =	sst s1;
	s6 =	sand.u32 $0x1, s2  }
0x4: {  	s2 =	stileid.u32;
	s3 =	sadd.s32 $0xFD0400, s4;
	s9 =	sadd.s32 $0x496C00, s4  }
0x5: {  	_ =	strace $0x80000056;
	s5 =	ssub.s32 $0x2, s6;
	s7 =	sshll.u32 s2, $0xD  }
0x6: {  	s29 =	sshll.u32 s2, $0x9;
	s10 =	sshll.u32 s6, $0x8;
	s30 =	sshll.u32 s6, $0xC  }
0x7: {  	s31 =	sshll.u32 s2, $0x6;
	s11 =	sshll.u32 s6, $0x5;
	s8 =	sshrl.u32 s5, $0x1  }
0x8: {  	s7 =	sadd.s32 s7, s4;
	s5 =	ssub.s32 s5, s8;
	s8 =	sor.u32 s10, s29  }
0x9: {  	s4 =	sshll.u32 s2, $0x1;
	s7 =	sadd.s32 s30, s7;
	s8 =	sor.u32 $0x80, s8  }
0xa: {  	s10 =	sadd.s32 s31, s9;
	s5 =	smax.u32 s5, $0x1;
	s8 =	sshrl.u32 s8, $0x3  }
0xb: {  	s6 =	sadd.s32 $0x4A00, s7;
	s7 =	sadd.s32 s11, s10;
	s8 =	sadd.s32 s8, s9  }
.LBB2_1:
0xc: {  	p0 =	sgt.u32 s4, $0x301  }
0xd: {  	s10 =	simm.s32 @!p0 $0x0;
	s9 =	simm.s32 @!p0 $0x4  }
0xe: {  	[tilespmem:s10], [sflag:$0x4] =	stream.linear.gather @!p0 [hbm4b:s7+s10], $0x80, $0x38;
	[tilespmem:$0x8100] =	vst v63  }
0xf: {  	_ =	swait.ge @!p0 [sflag:s9], $0x80  }
0x10: {  	[sflag:s9] =	ssyncset.done @!p0 $0x0;
	p0 =	por p0, p0  }
0x11: {  	[sflag:s9] =	ssyncadd.s32 @!p0 $0xFFFFFF80;
	s11 =	simm.s32 @!p0 $0x80;
	s12 =	simm.s32 @!p0 $0x100  }
0x12: {  	[tilespmem:s12], [sflag:$0x1] =	stream.indirect.gather @!p0 [hbm4b:s3+s11], $0x80, s10, s11, $0xb8;
	[tilespmem:$0x8100] =	vst v63  }
0x13: {  	_ = 	snop  }
0x14: {  	[tilespmem:s11], [sflag:$0x4] =	stream.linear.gather @!p0 [hbm4b:s8+s10], $0x80, $0x38;
	[tilespmem:$0x8100] =	vst v63  }
0x15: {  	_ =	swait.ge @!p0 [sflag:s9], $0x80  }
0x16: {  	[sflag:s9] =	ssyncset.done @!p0 $0x0  }
0x17: {  	s13 =	simm.s32 @!p0 $0x4100;
	s14 =	simm.s32 @!p0 $0x1;
	[sflag:s9] =	ssyncadd.s32 @!p0 $0xFFFFFF80  }
0x18: {  	[tilespmem:s13], [sflag:$0x2] =	stream.indirect.gather @!p0 [hbm4b:s3+s11], $0x80, s11, s11, $0xb8;
	[tilespmem:$0x8100] =	vst v63  }
0x19: {  	_ =	swait.ge @!p0 [sflag:s14], $0x4000  }
0x1a: {  	[sflag:s14] =	ssyncset.done @!p0 $0x0  }
0x1b: {  	[sflag:s14] =	ssyncadd.s32 @!p0 $0xFFFFC000;
	s14 =	sadd.s32 @!p0 $0x0, s6  }
0x1c: {  	[hbm4b:s14+s10] =	stream.linear.scatter @!p0 [tilespmem:s12], [sflag:$0x4], $0x4000, $0x38;
	[tilespmem:$0x8100] =	vst v63  }
0x1d: {  	_ =	swait.ge @!p0 [sflag:s9], $0x4000  }
0x1e: {  	[sflag:s9] =	ssyncset.done @!p0 $0x0  }
0x1f: {  	s12 =	simm.s32 @!p0 $0x2;
	[sflag:s9] =	ssyncadd.s32 @!p0 $0xFFFFC000  }
0x20: {  	_ =	swait.ge @!p0 [sflag:s12], $0x4000  }
0x21: {  	s11 =	simm.s32 $0x40000;
	s15 =	sadd.s32 @!p0 $0x800, s14;
	[sflag:s12] =	ssyncset.done @!p0 $0x0  }
0x22: {  	s14 =	simm.s32 @!p0 $0x3;
	s9 =	simm.s32 $0x20000;
	[sflag:s12] =	ssyncadd.s32 @!p0 $0xFFFFC000  }
0x23: {  	[hbm4b:s15+s10] =	stream.linear.scatter @!p0 [tilespmem:s13], [sflag:$0x3], $0x4000, $0x38;
	[tilespmem:$0x8100] =	vst v63  }
0x24: {  	s12 =	sadd.s32 $0x400, s7;
	s13 =	sadd.s32 $0x20, s4;
	_ =	swait.ge @!p0 [sflag:s14], $0x4000  }
0x25: {  	s10 =	sadd.s32 $0x400, s8;
	p2 =	sgt.u32 s13, $0x301;
	[sflag:s14] =	ssyncset.done @!p0 $0x0  }
.LBB2_2:
0x26: {  	s15 =	simm.s32 @!p2 $0x0;
	s16 =	simm.s32 @!p2 $0x4;
	[sflag:s14] =	ssyncadd.s32 @!p0 $0xFFFFC000  }
0x27: {  	[tilespmem:s15], [sflag:$0x4] =	stream.linear.gather @!p2 [hbm4b:s12+s15], $0x80, $0x38;
	[tilespmem:$0x8100] =	vst v63  }
0x28: {  	s14 =	smov.u32 s11;
	s11 =	sadd.s32 $0x20000, s11;
	_ =	swait.ge @!p2 [sflag:s16], $0x80  }
0x29: {  	p0 =	por p2, p2;
	p1 =	sne.s32 s11, $0x320000;
	[sflag:s16] =	ssyncset.done @!p2 $0x0  }
0x2a: {  	s17 =	simm.s32 @!p0 $0x80;
	s18 =	simm.s32 @!p0 $0x100;
	[sflag:s16] =	ssyncadd.s32 @!p0 $0xFFFFFF80  }
0x2b: {  	[tilespmem:s18], [sflag:$0x1] =	stream.indirect.gather @!p0 [hbm4b:s3+s17], $0x80, s15, s17, $0xb8;
	[tilespmem:$0x8100] =	vst v63  }
0x2c: {  	_ = 	snop  }
0x2d: {  	[tilespmem:s17], [sflag:$0x4] =	stream.linear.gather @!p0 [hbm4b:s10+s15], $0x80, $0x38;
	[tilespmem:$0x8100] =	vst v63  }
0x2e: {  	_ =	swait.ge @!p0 [sflag:s16], $0x80  }
0x2f: {  	[sflag:s16] =	ssyncset.done @!p0 $0x0  }
0x30: {  	s19 =	simm.s32 @!p0 $0x4100;
	s20 =	simm.s32 @!p0 $0x1;
	[sflag:s16] =	ssyncadd.s32 @!p0 $0xFFFFFF80  }
0x31: {  	[tilespmem:s19], [sflag:$0x2] =	stream.indirect.gather @!p0 [hbm4b:s3+s17], $0x80, s17, s17, $0xb8;
	[tilespmem:$0x8100] =	vst v63  }
0x32: {  	_ =	swait.ge @!p0 [sflag:s20], $0x4000  }
0x33: {  	[sflag:s20] =	ssyncset.done @!p0 $0x0  }
0x34: {  	s17 =	sadd.s32 @!p0 s9, s6;
	s9 =	smov.u32 s14;
	[sflag:s20] =	ssyncadd.s32 @!p0 $0xFFFFC000  }
0x35: {  	[hbm4b:s17+s15] =	stream.linear.scatter @!p0 [tilespmem:s18], [sflag:$0x4], $0x4000, $0x38;
	[tilespmem:$0x8100] =	vst v63  }
0x36: {  	s17 =	sadd.s32 @!p0 $0x800, s17;
	_ =	swait.ge @!p0 [sflag:s16], $0x4000  }
0x37: {  	[sflag:s16] =	ssyncset.done @!p0 $0x0  }
0x38: {  	s14 =	simm.s32 @!p0 $0x2;
	[sflag:s16] =	ssyncadd.s32 @!p0 $0xFFFFC000  }
0x39: {  	_ =	swait.ge @!p0 [sflag:s14], $0x4000  }
.Ltmp0:
0x3a: {  	[sflag:s14] =	ssyncset.done @!p0 $0x0;
	(pc) =	sbr.rel @p1 .LBB2_2-.Ltmp0, $4  }
0x3b: {  	[sflag:s14] =	ssyncadd.s32 @!p0 $0xFFFFC000;
	s14 =	simm.s32 @!p0 $0x3  }
0x3c: {  	[hbm4b:s17+s15] =	stream.linear.scatter @!p0 [tilespmem:s19], [sflag:$0x3], $0x4000, $0x38;
	[tilespmem:$0x8100] =	vst v63  }
0x3d: {  	s13 =	sadd.s32 $0x20, s13;
	s10 =	sadd.s32 $0x400, s10;
	_ =	swait.ge @!p0 [sflag:s14], $0x4000  }
0x3e: {  	s12 =	sadd.s32 $0x400, s12;
	p2 =	sgt.u32 s13, $0x301;
	[sflag:s14] =	ssyncset.done @!p0 $0x0  }
0x3f: {  	s11 =	simm.s32 @!p2 $0x0;
	s13 =	simm.s32 @!p2 $0x4;
	[sflag:s14] =	ssyncadd.s32 @!p0 $0xFFFFC000  }
0x40: {  	[tilespmem:s11], [sflag:$0x4] =	stream.linear.gather @!p2 [hbm4b:s12+s11], $0x80, $0x38;
	[tilespmem:$0x8100] =	vst v63  }
0x41: {  	_ =	swait.ge @!p2 [sflag:s13], $0x80  }
0x42: {  	p0 =	por p2, p2;
	[sflag:s13] =	ssyncset.done @!p2 $0x0  }
0x43: {  	s12 =	simm.s32 @!p0 $0x80;
	s14 =	simm.s32 @!p0 $0x100;
	[sflag:s13] =	ssyncadd.s32 @!p0 $0xFFFFFF80  }
0x44: {  	[tilespmem:s14], [sflag:$0x1] =	stream.indirect.gather @!p0 [hbm4b:s3+s12], $0x80, s11, s12, $0xb8;
	[tilespmem:$0x8100] =	vst v63  }
0x45: {  	_ = 	snop  }
0x46: {  	[tilespmem:s12], [sflag:$0x4] =	stream.linear.gather @!p0 [hbm4b:s10+s11], $0x80, $0x38;
	[tilespmem:$0x8100] =	vst v63  }
0x47: {  	_ =	swait.ge @!p0 [sflag:s13], $0x80  }
0x48: {  	[sflag:s13] =	ssyncset.done @!p0 $0x0  }
0x49: {  	s15 =	simm.s32 @!p0 $0x1;
	s10 =	simm.s32 @!p0 $0x4100;
	[sflag:s13] =	ssyncadd.s32 @!p0 $0xFFFFFF80  }
0x4a: {  	[tilespmem:s10], [sflag:$0x2] =	stream.indirect.gather @!p0 [hbm4b:s3+s12], $0x80, s12, s12, $0xb8;
	[tilespmem:$0x8100] =	vst v63  }
0x4b: {  	_ =	swait.ge @!p0 [sflag:s15], $0x4000  }
0x4c: {  	[sflag:s15] =	ssyncset.done @!p0 $0x0  }
0x4d: {  	s9 =	sadd.s32 @!p0 s9, s6;
	[sflag:s15] =	ssyncadd.s32 @!p0 $0xFFFFC000  }
0x4e: {  	[hbm4b:s9+s11] =	stream.linear.scatter @!p0 [tilespmem:s14], [sflag:$0x4], $0x4000, $0x38;
	[tilespmem:$0x8100] =	vst v63  }
0x4f: {  	_ =	swait.ge @!p0 [sflag:s13], $0x4000  }
0x50: {  	[sflag:s13] =	ssyncset.done @!p0 $0x0  }
0x51: {  	s12 =	simm.s32 @!p0 $0x2;
	[sflag:s13] =	ssyncadd.s32 @!p0 $0xFFFFC000  }
0x52: {  	s1 =	sadd.s32 $0x1, s1;
	_ =	swait.ge @!p0 [sflag:s12], $0x4000  }
0x53: {  	p1 =	sne.s32 s1, s5;
	s9 =	sadd.s32 @!p0 $0x800, s9;
	[sflag:s12] =	ssyncset.done @!p0 $0x0  }
.Ltmp1:
0x54: {  	[sflag:s12] =	ssyncadd.s32 @!p0 $0xFFFFC000;
	s12 =	simm.s32 @!p0 $0x3;
	(pc) =	sbr.rel @p1 .LBB2_1-.Ltmp1, $4  }
0x55: {  	[hbm4b:s9+s11] =	stream.linear.scatter @!p0 [tilespmem:s10], [sflag:$0x3], $0x4000, $0x38;
	[tilespmem:$0x8100] =	vst v63  }
0x56: {  	_ =	swait.ge @!p0 [sflag:s12], $0x4000  }
0x57: {  	[sflag:s12] =	ssyncset.done @!p0 $0x0  }
0x58: {  	[sflag:s12] =	ssyncadd.s32 @!p0 $0xFFFFC000  }
0x59: {  	_ =	sfence.sel $0x180000  }
0x5a: {  	[bflag:$0x0] =	sbarrier.arrive $0xFFFF  }
0x5b: {  	p0 =	sne.s32 s2, $0x0;
	_ =	strace $0x90000056  }
0x5c: {  	s0 =	sadd.s32 @!p0 $0x100000, s0;
	[bflag:$0x2] =	sbarrier.arrive $0xFFFF  }
0x5d: {  	[sflag:s0] =	ssyncadd.tile.s32 @!p0 $0x1;
	_ =	shalt  }
.Lfunc_end2:
_tile_overlayer_lowered:
.L_overlay_start_2:
0x5e: {  	(tag) =	ssettag $0x2  }
0x5f: {  	s0 =	rddreg [dreg:$0x0];
	s2 =	stileid.u32  }
0x60: {  	s1 =	rddreg [dreg:$0x1];
	p0 =	sne.s32 s2, $0x0  }
0x61: {  	s3 =	rddreg [dreg:$0x2];
	[bflag:$0x3] =	sbarrier.arrive $0xFFFF;
	s2 =	simm.s32 @!p0 $0x1C03  }
0x62: {  	[timem:s3], [sflag:s2] =	dma.local @!p0 [hbm:s0], s1  }
0x63: {  	s0 =	simm.s32 @!p0 $0x3  }
0x64: {  	_ =	swait.ge @!p0 [sflag:s0], s1  }
0x65: {  	s1 =	ssub.s32 @!p0 $0x0, s1;
	[sflag:s0] =	ssyncset.done @!p0 $0x0  }
0x66: {  	[sflag:s0] =	ssyncadd.s32 @!p0 s1  }
0x67: {  	[bflag:$0x3] =	sbarrier.arrive $0xFFFF  }
0x68: {  	_ =	shalt  }

// kernel: kernel.34.cloned.1.call-start
scs
__scs_entry_jumppad:
0x0: {  	(pc) =	sbr.rel $0x88, $3  }
0x1: {  	(tag) =	ssettag $0x0;
	lr =	simm.s32 $0x1  }
0x2: {  	[smem:$0x3F8C] =	sst lr;
	_ =	strace $0xD0000000  }
0x3: {  	_ = 	snop  }
0x4: {  	_ = 	snop  }
0x5: {  	_ = 	snop  }
0x6: {  	_ = 	snop  }
0x7: {  	_ = 	snop  }
__scs_overlays_trampoline_lowered:
0x8: {  	[smem:$0x3F9B] =	sst s0  }
0x9: {  	[smem:$0x3F9C] =	sst s1  }
0xa: {  	[smem:$0x3F9D] =	sst s2  }
0xb: {  	[smem:$0x3F9E] =	sst s3  }
0xc: {  	[smem:$0x3F9F] =	sst s4  }
0xd: {  	[smem:$0x3FA0] =	sst s5  }
0xe: {  	[smem:$0x3FA1] =	sst s6  }
0xf: {  	[smem:$0x3FA2] =	sst s7  }
0x10: {  	[smem:$0x3FA3] =	sst s8  }
0x11: {  	[smem:$0x3FA4] =	sst s9;
	s0 =	simm.s32 @!p0 $0x0  }
0x12: {  	s1 =	sld [smem:$0x3F8A];
	s0 =	simm.s32 @p0 $0x1  }
0x13: {  	[smem:$0x3FA5] =	sst s0;
	s0 =	simm.s32 @!p1 $0x0  }
0x14: {  	s2 =	sld [smem:$0x3F89];
	s0 =	simm.s32 @p1 $0x1  }
0x15: {  	[smem:$0x3FA6] =	sst s0;
	s0 =	simm.s32 @!p2 $0x0  }
0x16: {  	s3 =	sld [smem:$0x3FDB];
	s0 =	simm.s32 @p2 $0x1  }
0x17: {  	s4 =	simm.s32 $0x1BF5;
	[smem:$0x3FA8] =	sst s0  }
0x18: {  	s0 =	sld [smem:$0x3F8B];
	_ =	swait.ge [sflag:s4], $0x0  }
0x19: {  	s7 =	sld [smem:$0x3F8C]  }
0x1a: {  	s8 =	sadd.s32 $0xFFFFE003, lr  }
0x1b: {  	s9 =	sadd.s32 $0xFFFFFEF7, lr;
	s5 =	simm.s32 $0xFFFFFFFF;
	p2 =	slt.u32 s8, $0xFFFFF086  }
0x1c: {  	p1 =	slt.u32 s9, $0xF7A;
	s5 =	simm.s32 @!p2 $0x0  }
0x1d: {  	s5 =	simm.s32 @p1 $0x1;
	p0 =	seq.s32 s7, s2  }
0x1e: {  	s7 =	smul.u32 @!p0 $0xF7A, s2;
	p2 =	seq.s32 @!p0 s5, $0x0  }
0x1f: {  	s9 =	smul.u32 $0xF7A, s1;
	s8 =	simm.s32 @!p0 $0x1BF5;
	p2 =	por !p2, p0  }
0x20: {  	[sflag:s8] =	ssyncset.s32 @!p0 $0xFFFFF086;
	s6 =	sadd.s32 @!p0 s3, s7;
	s7 =	simm.s32 @!p0 $0x108  }
0x21: {  	s3 =	sadd.s32 s3, s9;
	s6 =	sadd.s32 @!p0 $0x88, s6;
	s7 =	simm.s32 @p2 $0x1082  }
0x22: {  	[simem:s7], [sflag:s8] =	dma.local @!p0 [hbm:s6], $0xF7A  }
0x23: {  	s9 =	sor.u32 $0xD0000000, s2;
	s6 =	simm.s32 $0x108;
	_ =	swait.ge @!p0 [sflag:s8], $0x0  }
0x24: {  	s3 =	sadd.s32 $0x88, s3;
	s6 =	simm.s32 @!p1 $0x1082;
	[sflag:s4] =	ssyncset.s32 $0xFFFFF086  }
0x25: {  	[simem:s6], [sflag:s4] =	dma.local [hbm:s3], $0xF7A  }
0x26: {  	[smem:$0x3F8C] =	sst s1;
	(tag) =	ssettag s2;
	_ =	strace s9  }
0x27: {  	s1 =	sld [smem:$0x3F9C]  }
0x28: {  	s2 =	sld [smem:$0x3F9D]  }
0x29: {  	s4 =	sld [smem:$0x3F9F]  }
0x2a: {  	p0 =	seq.s32 s5, $0x0;
	s5 =	sld [smem:$0x3FA0]  }
0x2b: {  	s6 =	sld [smem:$0x3FA1]  }
0x2c: {  	s7 =	sld [smem:$0x3FA2]  }
0x2d: {  	s3 =	simm.s32 $0x108;
	s8 =	sld [smem:$0x3FA3]  }
0x2e: {  	s3 =	simm.s32 @!p0 $0x1082;
	s9 =	sld [smem:$0x3FA4]  }
0x2f: {  	lr =	sadd.s32 s0, s3;
	s0 =	sld [smem:$0x3F9B]  }
0x30: {  	s3 =	sld [smem:$0x3F9E]  }
0x31: {  	[smem:$0x3FA7] =	sst s10  }
0x32: {  	s10 =	sld [smem:$0x3FA5];
	_ =	sdelay $0x3  }
0x33: {  	p0 =	seq.s32 s10, $0x1;
	s10 =	sld [smem:$0x3FA7];
	_ =	sdelay $0x3  }
0x34: {  	[smem:$0x3FA7] =	sst s10  }
0x35: {  	s10 =	sld [smem:$0x3FA6];
	_ =	sdelay $0x3  }
0x36: {  	p1 =	seq.s32 s10, $0x1;
	s10 =	sld [smem:$0x3FA7];
	_ =	sdelay $0x3  }
0x37: {  	[smem:$0x3FA7] =	sst s10  }
0x38: {  	s10 =	sld [smem:$0x3FA8]  }
0x39: {  	_ = 	snop;
	(pc) =	sbr.ind lr, $3  }
0x3a: {  	_ = 	snop  }
0x3b: {  	_ = 	snop  }
0x3c: {  	p2 =	seq.s32 s10, $0x1;
	s10 =	sld [smem:$0x3FA7]  }
0x3d: {  	_ =	shalt  }
0x3e: {  	_ =	shalt  }
0x3f: {  	_ =	shalt  }
0x40: {  	_ =	shalt  }
0x41: {  	_ =	shalt  }
0x42: {  	_ =	shalt  }
0x43: {  	_ =	shalt  }
0x44: {  	_ =	shalt  }
0x45: {  	_ =	shalt  }
0x46: {  	_ =	shalt  }
0x47: {  	_ =	shalt  }
0x48: {  	_ =	shalt  }
0x49: {  	_ =	shalt  }
0x4a: {  	_ =	shalt  }
0x4b: {  	_ =	shalt  }
0x4c: {  	_ =	shalt  }
0x4d: {  	_ =	shalt  }
0x4e: {  	_ =	shalt  }
0x4f: {  	_ =	shalt  }
0x50: {  	_ =	shalt  }
0x51: {  	_ =	shalt  }
0x52: {  	_ =	shalt  }
0x53: {  	_ =	shalt  }
0x54: {  	_ =	shalt  }
0x55: {  	_ =	shalt  }
0x56: {  	_ =	shalt  }
0x57: {  	_ =	shalt  }
0x58: {  	_ =	shalt  }
0x59: {  	_ =	shalt  }
0x5a: {  	_ =	shalt  }
0x5b: {  	_ =	shalt  }
0x5c: {  	_ =	shalt  }
0x5d: {  	_ =	shalt  }
0x5e: {  	_ =	shalt  }
0x5f: {  	_ =	shalt  }
0x60: {  	_ =	shalt  }
0x61: {  	_ =	shalt  }
0x62: {  	_ =	shalt  }
0x63: {  	_ =	shalt  }
0x64: {  	_ =	shalt  }
0x65: {  	_ =	shalt  }
0x66: {  	_ =	shalt  }
0x67: {  	_ =	shalt  }
0x68: {  	_ =	shalt  }
0x69: {  	_ =	shalt  }
0x6a: {  	_ =	shalt  }
0x6b: {  	_ =	shalt  }
0x6c: {  	_ =	shalt  }
0x6d: {  	_ =	shalt  }
0x6e: {  	_ =	shalt  }
0x6f: {  	_ =	shalt  }
0x70: {  	_ =	shalt  }
0x71: {  	_ =	shalt  }
0x72: {  	_ =	shalt  }
0x73: {  	_ =	shalt  }
0x74: {  	_ =	shalt  }
0x75: {  	_ =	shalt  }
0x76: {  	_ =	shalt  }
0x77: {  	_ =	shalt  }
0x78: {  	_ =	shalt  }
0x79: {  	_ =	shalt  }
0x7a: {  	_ =	shalt  }
0x7b: {  	_ =	shalt  }
0x7c: {  	_ =	shalt  }
0x7d: {  	_ =	shalt  }
0x7e: {  	_ =	shalt  }
0x7f: {  	_ =	shalt  }
0x80: {  	_ =	shalt  }
0x81: {  	_ =	shalt  }
0x82: {  	_ =	shalt  }
0x83: {  	_ =	shalt  }
0x84: {  	_ =	shalt  }
0x85: {  	_ =	shalt  }
0x86: {  	_ =	shalt  }
0x87: {  	_ =	shalt  }
.Lfunc_end0:
.L_simem_size_0:
called_computation.5_lowered:
.L_overlay_start_0:
0x88: {  	s2 =	sld [smem:$0x3FD9]  }
0x89: {  	s3 =	sld [smem:$0x3FFE];
	_ =	sdelay $0x1  }
0x8a: {  	s1 =	srdreg.scid  }
0x8b: {  	s0 =	sand.u32 $0x1, s1  }
0x8c: {  	s17 =	sshll.u32 s0, $0xA;
	s2 =	sadd.s32 s3, s2  }
0x8d: {  	s2 =	sadd.s32 s2, s17  }
0x8e: {  	[smem:$0x3FB3] =	sst s2  }
0x8f: {  	_ = 	snop  }
0x90: {  	(tm) =	ssettm $0x1  }
0x91: {  	s18 =	sld [smem:$0x3FFB];
	_ =	sdelay $0x3  }
0x92: {  	_ =	strace s18  }
0x93: {  	s2 =	sld [smem:$0x3FFC];
	_ =	sdelay $0x3  }
0x94: {  	_ =	strace s2  }
0x95: {  	s2 =	sld [smem:$0x3FFD];
	_ =	sdelay $0x3  }
0x96: {  	_ =	strace s2  }
0x97: {  	_ =	strace $0x8FFFFFFF  }
0x98: {  	s19 =	sld [smem:$0x3FDB];
	_ =	sdelay $0x1  }
0x99: {  	s20 =	simm.s32 $_scs_section_size  }
0x9a: {  	s4 =	simm.s32 $_size__tile_overlayer_lowered;
	s5 =	simm.s32 $_tile_overlayer_lowered  }
0x9b: {  	s6 =	simm.s32 $0x1BFF;
	s21 =	sshll.u32 s5, $0x1;
	s3 =	sadd.s32 s20, s19  }
0x9c: {  	s22 =	simm.s32 $0x0;
	s4 =	sshll.u32 s4, $0x1;
	s5 =	sadd.s32 s21, s3  }
0x9d: {  	[timem:s22], [sflag:s6] =	dma.local [hbm:s5], s4  }
0x9e: {  	_ =	swait.ge [sflag:s6], s4  }
0x9f: {  	s4 =	ssub.s32 $0x0, s4;
	[sflag:s6] =	ssyncset.done $0x0  }
0xa0: {  	[sflag:s6] =	ssyncadd.s32 s4;
	_ =	sdelay $0x1  }
0xa1: {  	s23 =	simm.s32 $0x1B8B  }
0xa2: {  	_ =	swait.ge [sflag:s23], $0x1  }
0xa3: {  	[sflag:s23] =	ssyncset.done $0x0  }
0xa4: {  	[sflag:s23] =	ssyncadd.s32 $0xFFFFFFFF  }
0xa5: {  	s4 =	sld [smem:$0x0]  }
0xa6: {  	s5 =	sand.u32 $0xFFFFFFFE, s1  }
0xa7: {  	p0 =	sne.s32 s1, s5  }
0xa8: {  	s5 =	sshll.u32 @p0 s5, $0xE  }
0xa9: {  	s5 =	sadd.s32 @p0 $0x11B8D, s5;
	s6 =	sshll.u32 @p0 s4, $0x11  }
0xaa: {  	s5 =	sor.u32 @p0 s6, s5  }
0xab: {  	[sflag:s5] =	ssyncadd.remote.s32 @p0 $0x1;
	_ =	sdelay $0x1  }
0xac: {  	s5 =	simm.s32 @p0 $0x1B8D  }
0xad: {  	_ =	swait.eq @p0 [sflag:s5], $0x1  }
0xae: {  	[sflag:s5] =	ssyncadd.s32 @p0 $0xFFFFFFFF  }
0xaf: {  	s6 =	sshll.u32 @!p0 s1, $0xE  }
0xb0: {  	s6 =	sor.u32 @!p0 $0x4000, s6;
	s5 =	simm.s32 @!p0 $0x1B8D  }
0xb1: {  	s4 =	sshll.u32 @!p0 s4, $0x11;
	s6 =	sadd.s32 @!p0 $0x11B8D, s6;
	_ =	swait.eq @!p0 [sflag:s5], $0x1  }
0xb2: {  	s4 =	sor.u32 @!p0 s4, s6;
	[sflag:s5] =	ssyncadd.s32 @!p0 $0xFFFFFFFF  }
0xb3: {  	s25 =	simm.s32 $0x1B8E;
	s24 =	sld [smem:$0x3FFE];
	[sflag:s4] =	ssyncadd.remote.s32 @!p0 $0x1  }
0xb4: {  	s26 =	simm.s32 $execute0_lowered;
	[smem:$0x3FD2] =	sst s25  }
0xb5: {  	s5 =	sshll.u32 s26, $0x1;
	_ =	strace $0x80000052;
	[dreg:$0x1] =	wrdreg $0xFFFFFFFF  }
0xb6: {  	s28 =	simm.s32 $_size_execute0_lowered;
	s3 =	sadd.s32 s3, s5;
	[dreg:$0x0] =	wrdreg $0x0  }
0xb7: {  	s5 =	sshll.u32 s28, $0x1;
	[dreg:$0x2] =	wrdreg s3  }
0xb8: {  	[dreg:$0x3] =	wrdreg s5  }
0xb9: {  	[dreg:$0x4] =	wrdreg $0xC0  }
0xba: {  	_ =	task [dreg:s22], $0x5FFFF  }
0xbb: {  	[dreg:$0x1] =	wrdreg $0xFFFFFFFF  }
0xbc: {  	[dreg:$0x0] =	wrdreg $0x60  }
0xbd: {  	[dreg:$0x2] =	wrdreg s24  }
0xbe: {  	[dreg:$0x3] =	wrdreg $0x9  }
0xbf: {  	_ =	task.clear_ibuf [dreg:s22], $0x4FFFF;
	_ =	strace $0x90000052  }
0xc0: {  	s29 =	simm.s32 $0x9;
	_ =	strace $0x80000054  }
0xc1: {  	_ =	swait.ge [sflag:s29], $0x1  }
0xc2: {  	[sflag:s29] =	ssyncadd.s32 $0xFFFFFFFF  }
0xc3: {  	_ =	strace $0x90000054  }
0xc4: {  	_ =	sfence  }
0xc5: {  	s30 =	sld [smem:$0x0];
	_ =	sdelay $0x2  }
0xc6: {  	s31 =	sshll.u32 s1, $0xD;
	s1 =	sshrl.u32 s1, $0x2  }
0xc7: {  	s4 =	sand.u32 $0x4000, s31;
	s1 =	sadd.s32 s1, s30  }
0xc8: {  	s0 =	sor.u32 s4, s0;
	s1 =	sshll.u32 s1, $0x11  }
0xc9: {  	s0 =	sor.u32 s1, s0  }
0xca: {  	s0 =	sadd.s32 $0x8F2B, s0  }
0xcb: {  	[sflag:s0] =	ssyncadd.remote.s32 $0x1  }
0xcc: {  	_ =	sfence.sel $0xFFFF  }
0xcd: {  	[dreg:$0x0] =	wrdreg $0xFFFFFFFF;
	(pc) =	sbr.abs _section_cstart, $3  }
0xce: {  	[dreg:$0x1] =	wrdreg $0xFFFFFFFF  }
0xcf: {  	_ =	task.clear_ibuf [dreg:s22], $0x2FFFF;
	_ =	strace $0x9FFFFFFF  }
0xd0: {  	(tm) =	ssettm $0x7FFFFFFF  }
0xd1: {  	_ =	shalt  }
tec
execute0_lowered:
.L_overlay_start_1:
0x0: {  	(tag) =	ssettag $0x1  }
0x1: {  	s4 =	rddreg [dreg:$0x0]  }
0x2: {  	s0 =	rddreg [dreg:$0x1];
	s1 =	simm.s32 $0x0;
	s2 =	srdreg.scid  }
0x3: {  	[smem:$0x7FF] =	sst s1;
	s6 =	sand.u32 $0x1, s2  }
0x4: {  	s2 =	stileid.u32;
	s3 =	sadd.s32 $0xCD0200, s4;
	s9 =	sadd.s32 $0x490A00, s4  }
0x5: {  	_ =	strace $0x80000053;
	s5 =	ssub.s32 $0x2, s6;
	s7 =	sshll.u32 s2, $0xD  }
0x6: {  	s29 =	sshll.u32 s2, $0x9;
	s10 =	sshll.u32 s6, $0x8;
	s30 =	sshll.u32 s6, $0xC  }
0x7: {  	s31 =	sshll.u32 s2, $0x6;
	s11 =	sshll.u32 s6, $0x5;
	s8 =	sshrl.u32 s5, $0x1  }
0x8: {  	s7 =	sadd.s32 s7, s4;
	s5 =	ssub.s32 s5, s8;
	s8 =	sor.u32 s10, s29  }
0x9: {  	s4 =	sshll.u32 s2, $0x1;
	s7 =	sadd.s32 s30, s7;
	s8 =	sor.u32 $0x80, s8  }
0xa: {  	s10 =	sadd.s32 s31, s9;
	s5 =	smax.u32 s5, $0x1;
	s8 =	sshrl.u32 s8, $0x3  }
0xb: {  	s6 =	sadd.s32 $0x90E000, s7;
	s7 =	sadd.s32 s11, s10;
	s8 =	sadd.s32 s8, s9  }
.LBB2_1:
0xc: {  	p0 =	sgt.u32 s4, $0x301  }
0xd: {  	s10 =	simm.s32 @!p0 $0x0;
	s9 =	simm.s32 @!p0 $0x4  }
0xe: {  	[tilespmem:s10], [sflag:$0x4] =	stream.linear.gather @!p0 [hbm4b:s7+s10], $0x80, $0x38;
	[tilespmem:$0x8100] =	vst v63  }
0xf: {  	_ =	swait.ge @!p0 [sflag:s9], $0x80  }
0x10: {  	[sflag:s9] =	ssyncset.done @!p0 $0x0;
	p0 =	por p0, p0  }
0x11: {  	[sflag:s9] =	ssyncadd.s32 @!p0 $0xFFFFFF80;
	s11 =	simm.s32 @!p0 $0x80;
	s12 =	simm.s32 @!p0 $0x100  }
0x12: {  	[tilespmem:s12], [sflag:$0x1] =	stream.indirect.gather @!p0 [hbm4b:s3+s11], $0x80, s10, s11, $0xb8;
	[tilespmem:$0x8100] =	vst v63  }
0x13: {  	_ = 	snop  }
0x14: {  	[tilespmem:s11], [sflag:$0x4] =	stream.linear.gather @!p0 [hbm4b:s8+s10], $0x80, $0x38;
	[tilespmem:$0x8100] =	vst v63  }
0x15: {  	_ =	swait.ge @!p0 [sflag:s9], $0x80  }
0x16: {  	[sflag:s9] =	ssyncset.done @!p0 $0x0  }
0x17: {  	s13 =	simm.s32 @!p0 $0x4100;
	s14 =	simm.s32 @!p0 $0x1;
	[sflag:s9] =	ssyncadd.s32 @!p0 $0xFFFFFF80  }
0x18: {  	[tilespmem:s13], [sflag:$0x2] =	stream.indirect.gather @!p0 [hbm4b:s3+s11], $0x80, s11, s11, $0xb8;
	[tilespmem:$0x8100] =	vst v63  }
0x19: {  	_ =	swait.ge @!p0 [sflag:s14], $0x4000  }
0x1a: {  	[sflag:s14] =	ssyncset.done @!p0 $0x0  }
0x1b: {  	[sflag:s14] =	ssyncadd.s32 @!p0 $0xFFFFC000;
	s14 =	sadd.s32 @!p0 $0x0, s6  }
0x1c: {  	[hbm4b:s14+s10] =	stream.linear.scatter @!p0 [tilespmem:s12], [sflag:$0x4], $0x4000, $0x38;
	[tilespmem:$0x8100] =	vst v63  }
0x1d: {  	_ =	swait.ge @!p0 [sflag:s9], $0x4000  }
0x1e: {  	[sflag:s9] =	ssyncset.done @!p0 $0x0  }
0x1f: {  	s12 =	simm.s32 @!p0 $0x2;
	[sflag:s9] =	ssyncadd.s32 @!p0 $0xFFFFC000  }
0x20: {  	_ =	swait.ge @!p0 [sflag:s12], $0x4000  }
0x21: {  	s11 =	simm.s32 $0x40000;
	s15 =	sadd.s32 @!p0 $0x800, s14;
	[sflag:s12] =	ssyncset.done @!p0 $0x0  }
0x22: {  	s14 =	simm.s32 @!p0 $0x3;
	s9 =	simm.s32 $0x20000;
	[sflag:s12] =	ssyncadd.s32 @!p0 $0xFFFFC000  }
0x23: {  	[hbm4b:s15+s10] =	stream.linear.scatter @!p0 [tilespmem:s13], [sflag:$0x3], $0x4000, $0x38;
	[tilespmem:$0x8100] =	vst v63  }
0x24: {  	s12 =	sadd.s32 $0x400, s7;
	s13 =	sadd.s32 $0x20, s4;
	_ =	swait.ge @!p0 [sflag:s14], $0x4000  }
0x25: {  	s10 =	sadd.s32 $0x400, s8;
	p2 =	sgt.u32 s13, $0x301;
	[sflag:s14] =	ssyncset.done @!p0 $0x0  }
.LBB2_2:
0x26: {  	s15 =	simm.s32 @!p2 $0x0;
	s16 =	simm.s32 @!p2 $0x4;
	[sflag:s14] =	ssyncadd.s32 @!p0 $0xFFFFC000  }
0x27: {  	[tilespmem:s15], [sflag:$0x4] =	stream.linear.gather @!p2 [hbm4b:s12+s15], $0x80, $0x38;
	[tilespmem:$0x8100] =	vst v63  }
0x28: {  	s14 =	smov.u32 s11;
	s11 =	sadd.s32 $0x20000, s11;
	_ =	swait.ge @!p2 [sflag:s16], $0x80  }
0x29: {  	p0 =	por p2, p2;
	p1 =	sne.s32 s11, $0x320000;
	[sflag:s16] =	ssyncset.done @!p2 $0x0  }
0x2a: {  	s17 =	simm.s32 @!p0 $0x80;
	s18 =	simm.s32 @!p0 $0x100;
	[sflag:s16] =	ssyncadd.s32 @!p0 $0xFFFFFF80  }
0x2b: {  	[tilespmem:s18], [sflag:$0x1] =	stream.indirect.gather @!p0 [hbm4b:s3+s17], $0x80, s15, s17, $0xb8;
	[tilespmem:$0x8100] =	vst v63  }
0x2c: {  	_ = 	snop  }
0x2d: {  	[tilespmem:s17], [sflag:$0x4] =	stream.linear.gather @!p0 [hbm4b:s10+s15], $0x80, $0x38;
	[tilespmem:$0x8100] =	vst v63  }
0x2e: {  	_ =	swait.ge @!p0 [sflag:s16], $0x80  }
0x2f: {  	[sflag:s16] =	ssyncset.done @!p0 $0x0  }
0x30: {  	s19 =	simm.s32 @!p0 $0x4100;
	s20 =	simm.s32 @!p0 $0x1;
	[sflag:s16] =	ssyncadd.s32 @!p0 $0xFFFFFF80  }
0x31: {  	[tilespmem:s19], [sflag:$0x2] =	stream.indirect.gather @!p0 [hbm4b:s3+s17], $0x80, s17, s17, $0xb8;
	[tilespmem:$0x8100] =	vst v63  }
0x32: {  	_ =	swait.ge @!p0 [sflag:s20], $0x4000  }
0x33: {  	[sflag:s20] =	ssyncset.done @!p0 $0x0  }
0x34: {  	s17 =	sadd.s32 @!p0 s9, s6;
	s9 =	smov.u32 s14;
	[sflag:s20] =	ssyncadd.s32 @!p0 $0xFFFFC000  }
0x35: {  	[hbm4b:s17+s15] =	stream.linear.scatter @!p0 [tilespmem:s18], [sflag:$0x4], $0x4000, $0x38;
	[tilespmem:$0x8100] =	vst v63  }
0x36: {  	s17 =	sadd.s32 @!p0 $0x800, s17;
	_ =	swait.ge @!p0 [sflag:s16], $0x4000  }
0x37: {  	[sflag:s16] =	ssyncset.done @!p0 $0x0  }
0x38: {  	s14 =	simm.s32 @!p0 $0x2;
	[sflag:s16] =	ssyncadd.s32 @!p0 $0xFFFFC000  }
0x39: {  	_ =	swait.ge @!p0 [sflag:s14], $0x4000  }
.Ltmp0:
0x3a: {  	[sflag:s14] =	ssyncset.done @!p0 $0x0;
	(pc) =	sbr.rel @p1 .LBB2_2-.Ltmp0, $4  }
0x3b: {  	[sflag:s14] =	ssyncadd.s32 @!p0 $0xFFFFC000;
	s14 =	simm.s32 @!p0 $0x3  }
0x3c: {  	[hbm4b:s17+s15] =	stream.linear.scatter @!p0 [tilespmem:s19], [sflag:$0x3], $0x4000, $0x38;
	[tilespmem:$0x8100] =	vst v63  }
0x3d: {  	s13 =	sadd.s32 $0x20, s13;
	s10 =	sadd.s32 $0x400, s10;
	_ =	swait.ge @!p0 [sflag:s14], $0x4000  }
0x3e: {  	s12 =	sadd.s32 $0x400, s12;
	p2 =	sgt.u32 s13, $0x301;
	[sflag:s14] =	ssyncset.done @!p0 $0x0  }
0x3f: {  	s11 =	simm.s32 @!p2 $0x0;
	s13 =	simm.s32 @!p2 $0x4;
	[sflag:s14] =	ssyncadd.s32 @!p0 $0xFFFFC000  }
0x40: {  	[tilespmem:s11], [sflag:$0x4] =	stream.linear.gather @!p2 [hbm4b:s12+s11], $0x80, $0x38;
	[tilespmem:$0x8100] =	vst v63  }
0x41: {  	_ =	swait.ge @!p2 [sflag:s13], $0x80  }
0x42: {  	p0 =	por p2, p2;
	[sflag:s13] =	ssyncset.done @!p2 $0x0  }
0x43: {  	s12 =	simm.s32 @!p0 $0x80;
	s14 =	simm.s32 @!p0 $0x100;
	[sflag:s13] =	ssyncadd.s32 @!p0 $0xFFFFFF80  }
0x44: {  	[tilespmem:s14], [sflag:$0x1] =	stream.indirect.gather @!p0 [hbm4b:s3+s12], $0x80, s11, s12, $0xb8;
	[tilespmem:$0x8100] =	vst v63  }
0x45: {  	_ = 	snop  }
0x46: {  	[tilespmem:s12], [sflag:$0x4] =	stream.linear.gather @!p0 [hbm4b:s10+s11], $0x80, $0x38;
	[tilespmem:$0x8100] =	vst v63  }
0x47: {  	_ =	swait.ge @!p0 [sflag:s13], $0x80  }
0x48: {  	[sflag:s13] =	ssyncset.done @!p0 $0x0  }
0x49: {  	s15 =	simm.s32 @!p0 $0x1;
	s10 =	simm.s32 @!p0 $0x4100;
	[sflag:s13] =	ssyncadd.s32 @!p0 $0xFFFFFF80  }
0x4a: {  	[tilespmem:s10], [sflag:$0x2] =	stream.indirect.gather @!p0 [hbm4b:s3+s12], $0x80, s12, s12, $0xb8;
	[tilespmem:$0x8100] =	vst v63  }
0x4b: {  	_ =	swait.ge @!p0 [sflag:s15], $0x4000  }
0x4c: {  	[sflag:s15] =	ssyncset.done @!p0 $0x0  }
0x4d: {  	s9 =	sadd.s32 @!p0 s9, s6;
	[sflag:s15] =	ssyncadd.s32 @!p0 $0xFFFFC000  }
0x4e: {  	[hbm4b:s9+s11] =	stream.linear.scatter @!p0 [tilespmem:s14], [sflag:$0x4], $0x4000, $0x38;
	[tilespmem:$0x8100] =	vst v63  }
0x4f: {  	_ =	swait.ge @!p0 [sflag:s13], $0x4000  }
0x50: {  	[sflag:s13] =	ssyncset.done @!p0 $0x0  }
0x51: {  	s12 =	simm.s32 @!p0 $0x2;
	[sflag:s13] =	ssyncadd.s32 @!p0 $0xFFFFC000  }
0x52: {  	s1 =	sadd.s32 $0x1, s1;
	_ =	swait.ge @!p0 [sflag:s12], $0x4000  }
0x53: {  	p1 =	sne.s32 s1, s5;
	s9 =	sadd.s32 @!p0 $0x800, s9;
	[sflag:s12] =	ssyncset.done @!p0 $0x0  }
.Ltmp1:
0x54: {  	[sflag:s12] =	ssyncadd.s32 @!p0 $0xFFFFC000;
	s12 =	simm.s32 @!p0 $0x3;
	(pc) =	sbr.rel @p1 .LBB2_1-.Ltmp1, $4  }
0x55: {  	[hbm4b:s9+s11] =	stream.linear.scatter @!p0 [tilespmem:s10], [sflag:$0x3], $0x4000, $0x38;
	[tilespmem:$0x8100] =	vst v63  }
0x56: {  	_ =	swait.ge @!p0 [sflag:s12], $0x4000  }
0x57: {  	[sflag:s12] =	ssyncset.done @!p0 $0x0  }
0x58: {  	[sflag:s12] =	ssyncadd.s32 @!p0 $0xFFFFC000  }
0x59: {  	_ =	sfence.sel $0x180000  }
0x5a: {  	[bflag:$0x0] =	sbarrier.arrive $0xFFFF  }
0x5b: {  	p0 =	sne.s32 s2, $0x0;
	_ =	strace $0x90000053  }
0x5c: {  	s0 =	sadd.s32 @!p0 $0x100000, s0;
	[bflag:$0x2] =	sbarrier.arrive $0xFFFF  }
0x5d: {  	[sflag:s0] =	ssyncadd.tile.s32 @!p0 $0x1;
	_ =	shalt  }
.Lfunc_end2:
_tile_overlayer_lowered:
.L_overlay_start_2:
0x5e: {  	(tag) =	ssettag $0x2  }
0x5f: {  	s0 =	rddreg [dreg:$0x0];
	s2 =	stileid.u32  }
0x60: {  	s1 =	rddreg [dreg:$0x1];
	p0 =	sne.s32 s2, $0x0  }
0x61: {  	s3 =	rddreg [dreg:$0x2];
	[bflag:$0x3] =	sbarrier.arrive $0xFFFF;
	s2 =	simm.s32 @!p0 $0x1C03  }
0x62: {  	[timem:s3], [sflag:s2] =	dma.local @!p0 [hbm:s0], s1  }
0x63: {  	s0 =	simm.s32 @!p0 $0x3  }
0x64: {  	_ =	swait.ge @!p0 [sflag:s0], s1  }
0x65: {  	s1 =	ssub.s32 @!p0 $0x0, s1;
	[sflag:s0] =	ssyncset.done @!p0 $0x0  }
0x66: {  	[sflag:s0] =	ssyncadd.s32 @!p0 s1  }
0x67: {  	[bflag:$0x3] =	sbarrier.arrive $0xFFFF  }
0x68: {  	_ =	shalt  }

// kernel: kernel.37.cloned.1.call-start
scs
__scs_entry_jumppad:
0x0: {  	(pc) =	sbr.rel $0x88, $3  }
0x1: {  	(tag) =	ssettag $0x0;
	lr =	simm.s32 $0x1  }
0x2: {  	[smem:$0x3F8C] =	sst lr;
	_ =	strace $0xD0000000  }
0x3: {  	_ = 	snop  }
0x4: {  	_ = 	snop  }
0x5: {  	_ = 	snop  }
0x6: {  	_ = 	snop  }
0x7: {  	_ = 	snop  }
__scs_overlays_trampoline_lowered:
0x8: {  	[smem:$0x3F9B] =	sst s0  }
0x9: {  	[smem:$0x3F9C] =	sst s1  }
0xa: {  	[smem:$0x3F9D] =	sst s2  }
0xb: {  	[smem:$0x3F9E] =	sst s3  }
0xc: {  	[smem:$0x3F9F] =	sst s4  }
0xd: {  	[smem:$0x3FA0] =	sst s5  }
0xe: {  	[smem:$0x3FA1] =	sst s6  }
0xf: {  	[smem:$0x3FA2] =	sst s7  }
0x10: {  	[smem:$0x3FA3] =	sst s8  }
0x11: {  	[smem:$0x3FA4] =	sst s9;
	s0 =	simm.s32 @!p0 $0x0  }
0x12: {  	s1 =	sld [smem:$0x3F8A];
	s0 =	simm.s32 @p0 $0x1  }
0x13: {  	[smem:$0x3FA5] =	sst s0;
	s0 =	simm.s32 @!p1 $0x0  }
0x14: {  	s2 =	sld [smem:$0x3F89];
	s0 =	simm.s32 @p1 $0x1  }
0x15: {  	[smem:$0x3FA6] =	sst s0;
	s0 =	simm.s32 @!p2 $0x0  }
0x16: {  	s3 =	sld [smem:$0x3FDB];
	s0 =	simm.s32 @p2 $0x1  }
0x17: {  	s4 =	simm.s32 $0x1BF5;
	[smem:$0x3FA8] =	sst s0  }
0x18: {  	s0 =	sld [smem:$0x3F8B];
	_ =	swait.ge [sflag:s4], $0x0  }
0x19: {  	s7 =	sld [smem:$0x3F8C]  }
0x1a: {  	s8 =	sadd.s32 $0xFFFFE003, lr  }
0x1b: {  	s9 =	sadd.s32 $0xFFFFFEF7, lr;
	s5 =	simm.s32 $0xFFFFFFFF;
	p2 =	slt.u32 s8, $0xFFFFF086  }
0x1c: {  	p1 =	slt.u32 s9, $0xF7A;
	s5 =	simm.s32 @!p2 $0x0  }
0x1d: {  	s5 =	simm.s32 @p1 $0x1;
	p0 =	seq.s32 s7, s2  }
0x1e: {  	s7 =	smul.u32 @!p0 $0xF7A, s2;
	p2 =	seq.s32 @!p0 s5, $0x0  }
0x1f: {  	s9 =	smul.u32 $0xF7A, s1;
	s8 =	simm.s32 @!p0 $0x1BF5;
	p2 =	por !p2, p0  }
0x20: {  	[sflag:s8] =	ssyncset.s32 @!p0 $0xFFFFF086;
	s6 =	sadd.s32 @!p0 s3, s7;
	s7 =	simm.s32 @!p0 $0x108  }
0x21: {  	s3 =	sadd.s32 s3, s9;
	s6 =	sadd.s32 @!p0 $0x88, s6;
	s7 =	simm.s32 @p2 $0x1082  }
0x22: {  	[simem:s7], [sflag:s8] =	dma.local @!p0 [hbm:s6], $0xF7A  }
0x23: {  	s9 =	sor.u32 $0xD0000000, s2;
	s6 =	simm.s32 $0x108;
	_ =	swait.ge @!p0 [sflag:s8], $0x0  }
0x24: {  	s3 =	sadd.s32 $0x88, s3;
	s6 =	simm.s32 @!p1 $0x1082;
	[sflag:s4] =	ssyncset.s32 $0xFFFFF086  }
0x25: {  	[simem:s6], [sflag:s4] =	dma.local [hbm:s3], $0xF7A  }
0x26: {  	[smem:$0x3F8C] =	sst s1;
	(tag) =	ssettag s2;
	_ =	strace s9  }
0x27: {  	s1 =	sld [smem:$0x3F9C]  }
0x28: {  	s2 =	sld [smem:$0x3F9D]  }
0x29: {  	s4 =	sld [smem:$0x3F9F]  }
0x2a: {  	p0 =	seq.s32 s5, $0x0;
	s5 =	sld [smem:$0x3FA0]  }
0x2b: {  	s6 =	sld [smem:$0x3FA1]  }
0x2c: {  	s7 =	sld [smem:$0x3FA2]  }
0x2d: {  	s3 =	simm.s32 $0x108;
	s8 =	sld [smem:$0x3FA3]  }
0x2e: {  	s3 =	simm.s32 @!p0 $0x1082;
	s9 =	sld [smem:$0x3FA4]  }
0x2f: {  	lr =	sadd.s32 s0, s3;
	s0 =	sld [smem:$0x3F9B]  }
0x30: {  	s3 =	sld [smem:$0x3F9E]  }
0x31: {  	[smem:$0x3FA7] =	sst s10  }
0x32: {  	s10 =	sld [smem:$0x3FA5];
	_ =	sdelay $0x3  }
0x33: {  	p0 =	seq.s32 s10, $0x1;
	s10 =	sld [smem:$0x3FA7];
	_ =	sdelay $0x3  }
0x34: {  	[smem:$0x3FA7] =	sst s10  }
0x35: {  	s10 =	sld [smem:$0x3FA6];
	_ =	sdelay $0x3  }
0x36: {  	p1 =	seq.s32 s10, $0x1;
	s10 =	sld [smem:$0x3FA7];
	_ =	sdelay $0x3  }
0x37: {  	[smem:$0x3FA7] =	sst s10  }
0x38: {  	s10 =	sld [smem:$0x3FA8]  }
0x39: {  	_ = 	snop;
	(pc) =	sbr.ind lr, $3  }
0x3a: {  	_ = 	snop  }
0x3b: {  	_ = 	snop  }
0x3c: {  	p2 =	seq.s32 s10, $0x1;
	s10 =	sld [smem:$0x3FA7]  }
0x3d: {  	_ =	shalt  }
0x3e: {  	_ =	shalt  }
0x3f: {  	_ =	shalt  }
0x40: {  	_ =	shalt  }
0x41: {  	_ =	shalt  }
0x42: {  	_ =	shalt  }
0x43: {  	_ =	shalt  }
0x44: {  	_ =	shalt  }
0x45: {  	_ =	shalt  }
0x46: {  	_ =	shalt  }
0x47: {  	_ =	shalt  }
0x48: {  	_ =	shalt  }
0x49: {  	_ =	shalt  }
0x4a: {  	_ =	shalt  }
0x4b: {  	_ =	shalt  }
0x4c: {  	_ =	shalt  }
0x4d: {  	_ =	shalt  }
0x4e: {  	_ =	shalt  }
0x4f: {  	_ =	shalt  }
0x50: {  	_ =	shalt  }
0x51: {  	_ =	shalt  }
0x52: {  	_ =	shalt  }
0x53: {  	_ =	shalt  }
0x54: {  	_ =	shalt  }
0x55: {  	_ =	shalt  }
0x56: {  	_ =	shalt  }
0x57: {  	_ =	shalt  }
0x58: {  	_ =	shalt  }
0x59: {  	_ =	shalt  }
0x5a: {  	_ =	shalt  }
0x5b: {  	_ =	shalt  }
0x5c: {  	_ =	shalt  }
0x5d: {  	_ =	shalt  }
0x5e: {  	_ =	shalt  }
0x5f: {  	_ =	shalt  }
0x60: {  	_ =	shalt  }
0x61: {  	_ =	shalt  }
0x62: {  	_ =	shalt  }
0x63: {  	_ =	shalt  }
0x64: {  	_ =	shalt  }
0x65: {  	_ =	shalt  }
0x66: {  	_ =	shalt  }
0x67: {  	_ =	shalt  }
0x68: {  	_ =	shalt  }
0x69: {  	_ =	shalt  }
0x6a: {  	_ =	shalt  }
0x6b: {  	_ =	shalt  }
0x6c: {  	_ =	shalt  }
0x6d: {  	_ =	shalt  }
0x6e: {  	_ =	shalt  }
0x6f: {  	_ =	shalt  }
0x70: {  	_ =	shalt  }
0x71: {  	_ =	shalt  }
0x72: {  	_ =	shalt  }
0x73: {  	_ =	shalt  }
0x74: {  	_ =	shalt  }
0x75: {  	_ =	shalt  }
0x76: {  	_ =	shalt  }
0x77: {  	_ =	shalt  }
0x78: {  	_ =	shalt  }
0x79: {  	_ =	shalt  }
0x7a: {  	_ =	shalt  }
0x7b: {  	_ =	shalt  }
0x7c: {  	_ =	shalt  }
0x7d: {  	_ =	shalt  }
0x7e: {  	_ =	shalt  }
0x7f: {  	_ =	shalt  }
0x80: {  	_ =	shalt  }
0x81: {  	_ =	shalt  }
0x82: {  	_ =	shalt  }
0x83: {  	_ =	shalt  }
0x84: {  	_ =	shalt  }
0x85: {  	_ =	shalt  }
0x86: {  	_ =	shalt  }
0x87: {  	_ =	shalt  }
.Lfunc_end0:
.L_simem_size_0:
called_computation.6_lowered:
.L_overlay_start_0:
0x88: {  	s2 =	sld [smem:$0x3FD9]  }
0x89: {  	s3 =	sld [smem:$0x3FFE];
	_ =	sdelay $0x1  }
0x8a: {  	s1 =	srdreg.scid  }
0x8b: {  	s0 =	sand.u32 $0x1, s1  }
0x8c: {  	s16 =	sshll.u32 s0, $0xA;
	s2 =	sadd.s32 s3, s2  }
0x8d: {  	s2 =	sadd.s32 s2, s16  }
0x8e: {  	[smem:$0x3FB3] =	sst s2  }
0x8f: {  	_ = 	snop  }
0x90: {  	(tm) =	ssettm $0x1  }
0x91: {  	s17 =	sld [smem:$0x3FFB];
	_ =	sdelay $0x3  }
0x92: {  	_ =	strace s17  }
0x93: {  	s2 =	sld [smem:$0x3FFC];
	_ =	sdelay $0x3  }
0x94: {  	_ =	strace s2  }
0x95: {  	s2 =	sld [smem:$0x3FFD];
	_ =	sdelay $0x3  }
0x96: {  	_ =	strace s2  }
0x97: {  	_ =	strace $0x8FFFFFFF  }
0x98: {  	s18 =	sld [smem:$0x3FDB];
	_ =	sdelay $0x1  }
0x99: {  	s19 =	simm.s32 $_scs_section_size  }
0x9a: {  	s4 =	simm.s32 $_size__tile_overlayer_lowered;
	s5 =	simm.s32 $_tile_overlayer_lowered  }
0x9b: {  	s22 =	simm.s32 $0x1BFF;
	s21 =	sshll.u32 s5, $0x1;
	s2 =	sadd.s32 s19, s18  }
0x9c: {  	s6 =	simm.s32 $0x0;
	s20 =	sshll.u32 s4, $0x1;
	s4 =	sadd.s32 s21, s2  }
0x9d: {  	[timem:s6], [sflag:s22] =	dma.local [hbm:s4], s20  }
0x9e: {  	_ =	swait.ge [sflag:s22], s20  }
0x9f: {  	s3 =	ssub.s32 $0x0, s20;
	[sflag:s22] =	ssyncset.done $0x0  }
0xa0: {  	[sflag:s22] =	ssyncadd.s32 s3;
	_ =	sdelay $0x1  }
0xa1: {  	s23 =	simm.s32 $0x1B8B  }
0xa2: {  	_ =	swait.ge [sflag:s23], $0x1  }
0xa3: {  	[sflag:s23] =	ssyncset.done $0x0  }
0xa4: {  	s25 =	simm.s32 $0x1B8E;
	s24 =	sld [smem:$0x3FFE];
	[sflag:s23] =	ssyncadd.s32 $0xFFFFFFFF  }
0xa5: {  	s26 =	simm.s32 $execute0_lowered;
	[smem:$0x3FD2] =	sst s25  }
0xa6: {  	s4 =	sshll.u32 s26, $0x1;
	_ =	strace $0x80000058;
	[dreg:$0x1] =	wrdreg $0xFFFFFFFF  }
0xa7: {  	s28 =	simm.s32 $_size_execute0_lowered;
	s2 =	sadd.s32 s2, s4;
	[dreg:$0x0] =	wrdreg $0x0  }
0xa8: {  	s4 =	sshll.u32 s28, $0x1;
	[dreg:$0x2] =	wrdreg s2  }
0xa9: {  	[dreg:$0x3] =	wrdreg s4  }
0xaa: {  	[dreg:$0x4] =	wrdreg $0xC0  }
0xab: {  	_ =	task [dreg:s6], $0x5FFFF  }
0xac: {  	[dreg:$0x1] =	wrdreg $0xFFFFFFFF  }
0xad: {  	[dreg:$0x0] =	wrdreg $0x60  }
0xae: {  	[dreg:$0x2] =	wrdreg s24  }
0xaf: {  	[dreg:$0x3] =	wrdreg $0x9  }
0xb0: {  	_ =	task.clear_ibuf [dreg:s6], $0x4FFFF;
	_ =	strace $0x90000058  }
0xb1: {  	s29 =	simm.s32 $0x9;
	_ =	strace $0x8000005A  }
0xb2: {  	_ =	swait.ge [sflag:s29], $0x1  }
0xb3: {  	[sflag:s29] =	ssyncadd.s32 $0xFFFFFFFF  }
0xb4: {  	_ =	strace $0x9000005A  }
0xb5: {  	_ =	sfence  }
0xb6: {  	s30 =	sld [smem:$0x0];
	_ =	sdelay $0x2  }
0xb7: {  	s31 =	sshll.u32 s1, $0xD;
	s1 =	sshrl.u32 s1, $0x2  }
0xb8: {  	s3 =	sand.u32 $0x4000, s31;
	s1 =	sadd.s32 s1, s30  }
0xb9: {  	s0 =	sor.u32 s3, s0;
	s1 =	sshll.u32 s1, $0x11  }
0xba: {  	s0 =	sor.u32 s1, s0  }
0xbb: {  	s0 =	sadd.s32 $0x8F2B, s0  }
0xbc: {  	[sflag:s0] =	ssyncadd.remote.s32 $0x1  }
0xbd: {  	_ =	sfence.sel $0xFFFF  }
0xbe: {  	[dreg:$0x0] =	wrdreg $0xFFFFFFFF;
	(pc) =	sbr.abs _section_cstart, $3  }
0xbf: {  	[dreg:$0x1] =	wrdreg $0xFFFFFFFF  }
0xc0: {  	_ =	task.clear_ibuf [dreg:s6], $0x2FFFF;
	_ =	strace $0x9FFFFFFF  }
0xc1: {  	(tm) =	ssettm $0x7FFFFFFF  }
tec
execute0_lowered:
.L_overlay_start_1:
0x0: {  	(tag) =	ssettag $0x1  }
0x1: {  	s4 =	rddreg [dreg:$0x0]  }
0x2: {  	s0 =	rddreg [dreg:$0x1];
	s1 =	simm.s32 $0x0;
	s2 =	srdreg.scid  }
0x3: {  	[smem:$0x7FF] =	sst s1;
	s6 =	sand.u32 $0x1, s2  }
0x4: {  	s2 =	stileid.u32;
	s3 =	sadd.s32 $0xC10000, s4;
	s9 =	sadd.s32 $0x604C00, s4  }
0x5: {  	_ =	strace $0x80000059;
	s5 =	ssub.s32 $0x2, s6;
	s7 =	sshll.u32 s2, $0xD  }
0x6: {  	s29 =	sshll.u32 s2, $0x9;
	s10 =	sshll.u32 s6, $0x8;
	s30 =	sshll.u32 s6, $0xC  }
0x7: {  	s31 =	sshll.u32 s2, $0x6;
	s11 =	sshll.u32 s6, $0x5;
	s8 =	sshrl.u32 s5, $0x1  }
0x8: {  	s7 =	sadd.s32 s7, s4;
	s5 =	ssub.s32 s5, s8;
	s8 =	sor.u32 s10, s29  }
0x9: {  	s4 =	sshll.u32 s2, $0x1;
	s7 =	sadd.s32 s30, s7;
	s8 =	sor.u32 $0x80, s8  }
0xa: {  	s10 =	sadd.s32 s31, s9;
	s5 =	smax.u32 s5, $0x1;
	s8 =	sshrl.u32 s8, $0x3  }
0xb: {  	s6 =	sadd.s32 $0x4A00, s7;
	s7 =	sadd.s32 s11, s10;
	s8 =	sadd.s32 s8, s9  }
.LBB2_1:
0xc: {  	p0 =	sgt.u32 s4, $0x48B  }
0xd: {  	s10 =	simm.s32 @!p0 $0x0;
	s9 =	simm.s32 @!p0 $0x4  }
0xe: {  	[tilespmem:s10], [sflag:$0x4] =	stream.linear.gather @!p0 [hbm4b:s7+s10], $0x80, $0x38;
	[tilespmem:$0x8100] =	vst v63  }
0xf: {  	_ =	swait.ge @!p0 [sflag:s9], $0x80  }
0x10: {  	[sflag:s9] =	ssyncset.done @!p0 $0x0;
	p0 =	por p0, p0  }
0x11: {  	[sflag:s9] =	ssyncadd.s32 @!p0 $0xFFFFFF80;
	s11 =	simm.s32 @!p0 $0x80;
	s12 =	simm.s32 @!p0 $0x100  }
0x12: {  	[tilespmem:s12], [sflag:$0x1] =	stream.indirect.gather @!p0 [hbm4b:s3+s11], $0x80, s10, s11, $0xb8;
	[tilespmem:$0x8100] =	vst v63  }
0x13: {  	_ = 	snop  }
0x14: {  	[tilespmem:s11], [sflag:$0x4] =	stream.linear.gather @!p0 [hbm4b:s8+s10], $0x80, $0x38;
	[tilespmem:$0x8100] =	vst v63  }
0x15: {  	_ =	swait.ge @!p0 [sflag:s9], $0x80  }
0x16: {  	[sflag:s9] =	ssyncset.done @!p0 $0x0  }
0x17: {  	s13 =	simm.s32 @!p0 $0x4100;
	s14 =	simm.s32 @!p0 $0x1;
	[sflag:s9] =	ssyncadd.s32 @!p0 $0xFFFFFF80  }
0x18: {  	[tilespmem:s13], [sflag:$0x2] =	stream.indirect.gather @!p0 [hbm4b:s3+s11], $0x80, s11, s11, $0xb8;
	[tilespmem:$0x8100] =	vst v63  }
0x19: {  	_ =	swait.ge @!p0 [sflag:s14], $0x4000  }
0x1a: {  	[sflag:s14] =	ssyncset.done @!p0 $0x0  }
0x1b: {  	[sflag:s14] =	ssyncadd.s32 @!p0 $0xFFFFC000;
	s14 =	sadd.s32 @!p0 $0x0, s6  }
0x1c: {  	[hbm4b:s14+s10] =	stream.linear.scatter @!p0 [tilespmem:s12], [sflag:$0x4], $0x4000, $0x38;
	[tilespmem:$0x8100] =	vst v63  }
0x1d: {  	_ =	swait.ge @!p0 [sflag:s9], $0x4000  }
0x1e: {  	[sflag:s9] =	ssyncset.done @!p0 $0x0  }
0x1f: {  	s12 =	simm.s32 @!p0 $0x2;
	[sflag:s9] =	ssyncadd.s32 @!p0 $0xFFFFC000  }
0x20: {  	_ =	swait.ge @!p0 [sflag:s12], $0x4000  }
0x21: {  	s11 =	simm.s32 $0x40000;
	s15 =	sadd.s32 @!p0 $0x800, s14;
	[sflag:s12] =	ssyncset.done @!p0 $0x0  }
0x22: {  	s14 =	simm.s32 @!p0 $0x3;
	s9 =	simm.s32 $0x20000;
	[sflag:s12] =	ssyncadd.s32 @!p0 $0xFFFFC000  }
0x23: {  	[hbm4b:s15+s10] =	stream.linear.scatter @!p0 [tilespmem:s13], [sflag:$0x3], $0x4000, $0x38;
	[tilespmem:$0x8100] =	vst v63  }
0x24: {  	s12 =	sadd.s32 $0x400, s7;
	s13 =	sadd.s32 $0x20, s4;
	_ =	swait.ge @!p0 [sflag:s14], $0x4000  }
0x25: {  	s10 =	sadd.s32 $0x400, s8;
	p2 =	sgt.u32 s13, $0x48B;
	[sflag:s14] =	ssyncset.done @!p0 $0x0  }
.LBB2_2:
0x26: {  	s15 =	simm.s32 @!p2 $0x0;
	s16 =	simm.s32 @!p2 $0x4;
	[sflag:s14] =	ssyncadd.s32 @!p0 $0xFFFFC000  }
0x27: {  	[tilespmem:s15], [sflag:$0x4] =	stream.linear.gather @!p2 [hbm4b:s12+s15], $0x80, $0x38;
	[tilespmem:$0x8100] =	vst v63  }
0x28: {  	s14 =	smov.u32 s11;
	s11 =	sadd.s32 $0x20000, s11;
	_ =	swait.ge @!p2 [sflag:s16], $0x80  }
0x29: {  	p0 =	por p2, p2;
	p1 =	sne.s32 s11, $0x4A0000;
	[sflag:s16] =	ssyncset.done @!p2 $0x0  }
0x2a: {  	s17 =	simm.s32 @!p0 $0x80;
	s18 =	simm.s32 @!p0 $0x100;
	[sflag:s16] =	ssyncadd.s32 @!p0 $0xFFFFFF80  }
0x2b: {  	[tilespmem:s18], [sflag:$0x1] =	stream.indirect.gather @!p0 [hbm4b:s3+s17], $0x80, s15, s17, $0xb8;
	[tilespmem:$0x8100] =	vst v63  }
0x2c: {  	_ = 	snop  }
0x2d: {  	[tilespmem:s17], [sflag:$0x4] =	stream.linear.gather @!p0 [hbm4b:s10+s15], $0x80, $0x38;
	[tilespmem:$0x8100] =	vst v63  }
0x2e: {  	_ =	swait.ge @!p0 [sflag:s16], $0x80  }
0x2f: {  	[sflag:s16] =	ssyncset.done @!p0 $0x0  }
0x30: {  	s19 =	simm.s32 @!p0 $0x4100;
	s20 =	simm.s32 @!p0 $0x1;
	[sflag:s16] =	ssyncadd.s32 @!p0 $0xFFFFFF80  }
0x31: {  	[tilespmem:s19], [sflag:$0x2] =	stream.indirect.gather @!p0 [hbm4b:s3+s17], $0x80, s17, s17, $0xb8;
	[tilespmem:$0x8100] =	vst v63  }
0x32: {  	_ =	swait.ge @!p0 [sflag:s20], $0x4000  }
0x33: {  	[sflag:s20] =	ssyncset.done @!p0 $0x0  }
0x34: {  	s17 =	sadd.s32 @!p0 s9, s6;
	s9 =	smov.u32 s14;
	[sflag:s20] =	ssyncadd.s32 @!p0 $0xFFFFC000  }
0x35: {  	[hbm4b:s17+s15] =	stream.linear.scatter @!p0 [tilespmem:s18], [sflag:$0x4], $0x4000, $0x38;
	[tilespmem:$0x8100] =	vst v63  }
0x36: {  	s17 =	sadd.s32 @!p0 $0x800, s17;
	_ =	swait.ge @!p0 [sflag:s16], $0x4000  }
0x37: {  	[sflag:s16] =	ssyncset.done @!p0 $0x0  }
0x38: {  	s14 =	simm.s32 @!p0 $0x2;
	[sflag:s16] =	ssyncadd.s32 @!p0 $0xFFFFC000  }
0x39: {  	_ =	swait.ge @!p0 [sflag:s14], $0x4000  }
.Ltmp0:
0x3a: {  	[sflag:s14] =	ssyncset.done @!p0 $0x0;
	(pc) =	sbr.rel @p1 .LBB2_2-.Ltmp0, $4  }
0x3b: {  	[sflag:s14] =	ssyncadd.s32 @!p0 $0xFFFFC000;
	s14 =	simm.s32 @!p0 $0x3  }
0x3c: {  	[hbm4b:s17+s15] =	stream.linear.scatter @!p0 [tilespmem:s19], [sflag:$0x3], $0x4000, $0x38;
	[tilespmem:$0x8100] =	vst v63  }
0x3d: {  	s13 =	sadd.s32 $0x20, s13;
	s10 =	sadd.s32 $0x400, s10;
	_ =	swait.ge @!p0 [sflag:s14], $0x4000  }
0x3e: {  	s12 =	sadd.s32 $0x400, s12;
	p2 =	sgt.u32 s13, $0x48B;
	[sflag:s14] =	ssyncset.done @!p0 $0x0  }
0x3f: {  	s11 =	simm.s32 @!p2 $0x0;
	s13 =	simm.s32 @!p2 $0x4;
	[sflag:s14] =	ssyncadd.s32 @!p0 $0xFFFFC000  }
0x40: {  	[tilespmem:s11], [sflag:$0x4] =	stream.linear.gather @!p2 [hbm4b:s12+s11], $0x80, $0x38;
	[tilespmem:$0x8100] =	vst v63  }
0x41: {  	_ =	swait.ge @!p2 [sflag:s13], $0x80  }
0x42: {  	p0 =	por p2, p2;
	[sflag:s13] =	ssyncset.done @!p2 $0x0  }
0x43: {  	s12 =	simm.s32 @!p0 $0x80;
	s14 =	simm.s32 @!p0 $0x100;
	[sflag:s13] =	ssyncadd.s32 @!p0 $0xFFFFFF80  }
0x44: {  	[tilespmem:s14], [sflag:$0x1] =	stream.indirect.gather @!p0 [hbm4b:s3+s12], $0x80, s11, s12, $0xb8;
	[tilespmem:$0x8100] =	vst v63  }
0x45: {  	_ = 	snop  }
0x46: {  	[tilespmem:s12], [sflag:$0x4] =	stream.linear.gather @!p0 [hbm4b:s10+s11], $0x80, $0x38;
	[tilespmem:$0x8100] =	vst v63  }
0x47: {  	_ =	swait.ge @!p0 [sflag:s13], $0x80  }
0x48: {  	[sflag:s13] =	ssyncset.done @!p0 $0x0  }
0x49: {  	s15 =	simm.s32 @!p0 $0x1;
	s10 =	simm.s32 @!p0 $0x4100;
	[sflag:s13] =	ssyncadd.s32 @!p0 $0xFFFFFF80  }
0x4a: {  	[tilespmem:s10], [sflag:$0x2] =	stream.indirect.gather @!p0 [hbm4b:s3+s12], $0x80, s12, s12, $0xb8;
	[tilespmem:$0x8100] =	vst v63  }
0x4b: {  	_ =	swait.ge @!p0 [sflag:s15], $0x4000  }
0x4c: {  	[sflag:s15] =	ssyncset.done @!p0 $0x0  }
0x4d: {  	s9 =	sadd.s32 @!p0 s9, s6;
	[sflag:s15] =	ssyncadd.s32 @!p0 $0xFFFFC000  }
0x4e: {  	[hbm4b:s9+s11] =	stream.linear.scatter @!p0 [tilespmem:s14], [sflag:$0x4], $0x4000, $0x38;
	[tilespmem:$0x8100] =	vst v63  }
0x4f: {  	_ =	swait.ge @!p0 [sflag:s13], $0x4000  }
0x50: {  	[sflag:s13] =	ssyncset.done @!p0 $0x0  }
0x51: {  	s12 =	simm.s32 @!p0 $0x2;
	[sflag:s13] =	ssyncadd.s32 @!p0 $0xFFFFC000  }
0x52: {  	s1 =	sadd.s32 $0x1, s1;
	_ =	swait.ge @!p0 [sflag:s12], $0x4000  }
0x53: {  	p1 =	sne.s32 s1, s5;
	s9 =	sadd.s32 @!p0 $0x800, s9;
	[sflag:s12] =	ssyncset.done @!p0 $0x0  }
.Ltmp1:
0x54: {  	[sflag:s12] =	ssyncadd.s32 @!p0 $0xFFFFC000;
	s12 =	simm.s32 @!p0 $0x3;
	(pc) =	sbr.rel @p1 .LBB2_1-.Ltmp1, $4  }
0x55: {  	[hbm4b:s9+s11] =	stream.linear.scatter @!p0 [tilespmem:s10], [sflag:$0x3], $0x4000, $0x38;
	[tilespmem:$0x8100] =	vst v63  }
0x56: {  	_ =	swait.ge @!p0 [sflag:s12], $0x4000  }
0x57: {  	[sflag:s12] =	ssyncset.done @!p0 $0x0  }
0x58: {  	[sflag:s12] =	ssyncadd.s32 @!p0 $0xFFFFC000  }
0x59: {  	_ =	sfence.sel $0x180000  }
0x5a: {  	[bflag:$0x0] =	sbarrier.arrive $0xFFFF  }
0x5b: {  	p0 =	sne.s32 s2, $0x0;
	_ =	strace $0x90000059  }
0x5c: {  	s0 =	sadd.s32 @!p0 $0x100000, s0;
	[bflag:$0x2] =	sbarrier.arrive $0xFFFF  }
0x5d: {  	[sflag:s0] =	ssyncadd.tile.s32 @!p0 $0x1;
	_ =	shalt  }
.Lfunc_end2:
_tile_overlayer_lowered:
.L_overlay_start_2:
0x5e: {  	(tag) =	ssettag $0x2  }
0x5f: {  	s0 =	rddreg [dreg:$0x0];
	s2 =	stileid.u32  }
0x60: {  	s1 =	rddreg [dreg:$0x1];
	p0 =	sne.s32 s2, $0x0  }
0x61: {  	s3 =	rddreg [dreg:$0x2];
	[bflag:$0x3] =	sbarrier.arrive $0xFFFF;
	s2 =	simm.s32 @!p0 $0x1C03  }
0x62: {  	[timem:s3], [sflag:s2] =	dma.local @!p0 [hbm:s0], s1  }
0x63: {  	s0 =	simm.s32 @!p0 $0x3  }
0x64: {  	_ =	swait.ge @!p0 [sflag:s0], s1  }
0x65: {  	s1 =	ssub.s32 @!p0 $0x0, s1;
	[sflag:s0] =	ssyncset.done @!p0 $0x0  }
0x66: {  	[sflag:s0] =	ssyncadd.s32 @!p0 s1  }
0x67: {  	[bflag:$0x3] =	sbarrier.arrive $0xFFFF  }
0x68: {  	_ =	shalt  }

</sc_bundles>
